<compile_context>
chip_gen: v7x
topology: tpu7x:2x2x1
jax: 0.10.2.dev20260603
libtpu: 0.0.44.dev20260713+nightly
codegen_flags: <defaults>
</compile_context>

<pallas_src>
import functools

import jax
import jax.numpy as jnp
from jax import lax
from jax.experimental import pallas as pl
from jax.experimental.pallas import tpu as pltpu
from jax.experimental.pallas import tpu_sc as plsc

NC = 2
NS = 16
NW = NC * NS

V = 512
D = 256
B = 16384

V_TC = 192
V_SC = V - V_TC

_CHUNK = 128
_LANES = 16
_A_BLK = 8
_A_SC_ROWS = V_SC // NW
_B_ROWS = B // NW
_B_CHUNKS = _B_ROWS // _CHUNK


def _mesh():
    return plsc.VectorSubcoreMesh(core_axis_name="c", subcore_axis_name="s")


def _diag_tc_body(blk_ref, out_ref):
    i = pl.program_id(0)
    c0 = (i % (128 // _A_BLK)) * _A_BLK
    row = lax.broadcasted_iota(jnp.int32, (_A_BLK, 1, 128), 0)
    lane = lax.broadcasted_iota(jnp.int32, (_A_BLK, 1, 128), 2)
    onehot = (lane == c0 + row).astype(jnp.float32)
    out_ref[...] = jnp.sum(blk_ref[...] * onehot, axis=2)


_diag_tc_kernel = pl.pallas_call(
    _diag_tc_body,
    grid=(V_TC // _A_BLK,),
    in_specs=[pl.BlockSpec((_A_BLK, D, 128),
                           lambda i: (i, 0, i // (128 // _A_BLK)))],
    out_specs=pl.BlockSpec((_A_BLK, D), lambda i: (i, 0)),
    out_shape=jax.ShapeDtypeStruct((V_TC, D), jnp.float32),
)


def _diag_sc_body(t_hbm, diag_hbm, win0_v, win1_v, dblk_v, sem0, sem1, dsem):
    wid = lax.axis_index("s") * NC + lax.axis_index("c")
    v0 = V_TC + wid * _A_SC_ROWS
    bufs = (win0_v, win1_v)
    sems = (sem0, sem1)

    def win_copy(j):
        w0 = pl.multiple_of(((v0 + j) // 128) * 128, 128)
        return pltpu.async_copy(
            t_hbm.at[v0 + j, :, pl.ds(w0, 128)], bufs[j % 2], sems[j % 2])

    lane = lax.iota(jnp.int32, _LANES)
    h = win_copy(0)
    for j in range(_A_SC_ROWS):
        h.wait()
        if j + 1 < _A_SC_ROWS:
            h = win_copy(j + 1)
        col = jnp.full((_LANES,), (v0 + j) % 128, dtype=jnp.int32)
        for k in range(D // _LANES):
            rows = k * _LANES + lane
            vals = plsc.load_gather(bufs[j % 2], [rows, col])
            dblk_v[pl.ds(j * D + k * _LANES, _LANES)] = vals
    handles = []
    for j in range(_A_SC_ROWS):
        handles.append(pltpu.async_copy(
            dblk_v.at[pl.ds(j * D, D)], diag_hbm.at[wid * _A_SC_ROWS + j],
            dsem))
    for h in handles:
        h.wait()


@functools.partial(
    pl.kernel,
    out_type=jax.ShapeDtypeStruct((V_SC, D), jnp.float32),
    mesh=_mesh(),
    scratch_types=[
        pltpu.VMEM((D, 128), jnp.float32),
        pltpu.VMEM((D, 128), jnp.float32),
        pltpu.VMEM((_A_SC_ROWS * D,), jnp.float32),
        pltpu.SemaphoreType.DMA,
        pltpu.SemaphoreType.DMA,
        pltpu.SemaphoreType.DMA,
    ],
    compiler_params=pltpu.CompilerParams(needs_layout_passes=False),
)
def _diag_sc_kernel(t_hbm, diag_hbm, win0_v, win1_v, dblk_v, sem0, sem1,
                    dsem):
    _diag_sc_body(t_hbm, diag_hbm, win0_v, win1_v, dblk_v, sem0, sem1, dsem)


def _merge_body(tc_ref, sc_ref, out_ref):
    out_ref[0:V_TC, :] = tc_ref[...]
    out_ref[V_TC:V, :] = sc_ref[...]


_merge_kernel = pl.pallas_call(
    _merge_body,
    out_shape=jax.ShapeDtypeStruct((V, D), jnp.float32),
)


def _gather_body(diag_hbm, idx_hbm, out_hbm, bidx_v, rows_v, gsem0, gsem1):
    wid = lax.axis_index("s") * NC + lax.axis_index("c")
    base = wid * _B_ROWS
    pltpu.sync_copy(idx_hbm.at[pl.ds(wid * _B_CHUNKS, _B_CHUNKS)], bidx_v)
    sems = (gsem0, gsem1)
    h = pltpu.async_copy(diag_hbm.at[bidx_v.at[0]], rows_v.at[0], sems[0])
    for j in range(_B_CHUNKS):
        h.wait()
        if j + 1 < _B_CHUNKS:
            nb = (j + 1) % 2
            h = pltpu.async_copy(
                diag_hbm.at[bidx_v.at[j + 1]], rows_v.at[nb], sems[nb])
        pltpu.sync_copy(rows_v.at[j % 2],
                        out_hbm.at[pl.ds(base + j * _CHUNK, _CHUNK)])


@functools.partial(
    pl.kernel,
    out_type=jax.ShapeDtypeStruct((B, D), jnp.float32),
    mesh=_mesh(),
    scratch_types=[
        pltpu.VMEM((_B_CHUNKS, _CHUNK), jnp.int32),
        pltpu.VMEM((2, _CHUNK, D), jnp.float32),
        pltpu.SemaphoreType.DMA,
        pltpu.SemaphoreType.DMA,
    ],
)
def _gather_kernel(diag_hbm, idx_hbm, out_hbm, bidx_v, rows_v, gsem0, gsem1):
    _gather_body(diag_hbm, idx_hbm, out_hbm, bidx_v, rows_v, gsem0, gsem1)


def kernel(t, idx):
    idx2 = idx.astype(jnp.int32).reshape(B // _CHUNK, _CHUNK)
    diag_tc = _diag_tc_kernel(t)
    diag_sc = _diag_sc_kernel(t)
    diag = _merge_kernel(diag_tc, diag_sc)
    return _gather_kernel(diag, idx2)

# --- scband reference (transcript-rebuilt; emitter-appended) ---
"""Pipeline reference for scband-index-model4-34153579938279 (READ-ONLY COPY).

The authoritative reference and input builder live on the scoring server;
editing this copy changes nothing except your own understanding.
"""

import jax, jax.numpy as jnp
import numpy as np

def setup_inputs(seed: int = 0) -> dict:
    key = jax.random.key(seed)
    k1, k2 = jax.random.split(key)
    t = jax.random.normal(k1, (512, 256, 512), dtype=jnp.float32)
    idx = jax.random.randint(k2, (16384,), 0, 512, dtype=jnp.int64 if jax.config.jax_enable_x64 else jnp.int32)
    return {"t": t, "idx": idx}

def reference(t, idx):
    # torch: t[idx, :, idx] -> advanced indexing on axes 0 and 2 with the same index vector
    # result shape [B, D]
    return t[idx, :, idx]

if __name__ == "__main__":
    import jax
    _d = setup_inputs()
    print(jax.jit(kernel)(*tuple(_d.values())))

</pallas_src>

<mosaic_0001>
#map = affine_map<(d0, d1) -> (0, 0, 0)>
#map1 = affine_map<(d0, d1) -> (0, 0)>
module attributes {stable_mosaic.version = 14 : i64} {
  func.func @_diag_sc_kernel(%arg0: i32, %arg1: i32, %arg2: memref<512x256x512xf32, #tpu.memory_space<hbm>>, %arg3: memref<320x256xf32, #tpu.memory_space<hbm>>, %arg4: memref<256x128xf32, #tpu.memory_space<vmem>>, %arg5: memref<256x128xf32, #tpu.memory_space<vmem>>, %arg6: memref<2560xf32, #tpu.memory_space<vmem>>, %arg7: memref<!tpu.dma_semaphore, #tpu.memory_space<semaphore_mem>>, %arg8: memref<!tpu.dma_semaphore, #tpu.memory_space<semaphore_mem>>, %arg9: memref<!tpu.dma_semaphore, #tpu.memory_space<semaphore_mem>>) attributes {dimension_semantics = [#tpu.dimension_semantics<core_parallel>, #tpu.dimension_semantics<subcore_parallel>], iteration_bounds = array<i64: 2, 16>, scalar_prefetch = 0 : i64, scratch_operands = 6 : i64, tpu.core_type = #tpu.core_type<sc_vector_subcore>, window_params = [{transform_indices = #map}, {transform_indices = #map1}]} {
    %mul3A = arith.constant 2 : i32
    %mul3A_0 = arith.muli %arg1, %mul3A : i32
    %add3A = arith.addi %mul3A_0, %arg0 : i32
    %mul3A_1 = arith.constant 10 : i32
    %mul3A_2 = arith.muli %add3A, %mul3A_1 : i32
    %add3A_3 = arith.constant 192 : i32
    %add3A_4 = arith.addi %add3A_3, %mul3A_2 : i32
    %iota3A = tpu.iota {dimensions = array<i32: 0>} : vector<16xi32>
    %add3A_5 = arith.constant 0 : i32
    %add3A_6 = arith.addi %add3A_4, %add3A_5 : i32
    %jit3A = arith.constant 128 : i32
    %div3A = arith.divsi %add3A_6, %jit3A : i32
    %sign3A = arith.constant 0 : i32
    %sign3A_7 = arith.cmpi sgt, %add3A_6, %sign3A : i32
    %sign3A_8 = arith.extui %sign3A_7 : i1 to i32
    %sign3A_9 = arith.constant 0 : i32
    %sign3A_10 = arith.cmpi slt, %add3A_6, %sign3A_9 : i32
    %sign3A_11 = arith.extui %sign3A_10 : i1 to i32
    %sign3A_12 = arith.subi %sign3A_8, %sign3A_11 : i32
    %sign3A_13 = arith.constant 0 : i32
    %sign3A_14 = arith.cmpi sgt, %jit3A, %sign3A_13 : i32
    %sign3A_15 = arith.extui %sign3A_14 : i1 to i32
    %sign3A_16 = arith.constant 0 : i32
    %sign3A_17 = arith.cmpi slt, %jit3A, %sign3A_16 : i32
    %sign3A_18 = arith.extui %sign3A_17 : i1 to i32
    %sign3A_19 = arith.subi %sign3A_15, %sign3A_18 : i32
    %ne3A = arith.cmpi ne, %sign3A_12, %sign3A_19 : i32
    %rem3A = arith.remsi %add3A_6, %jit3A : i32
    %ne3A_20 = arith.constant 0 : i32
    %ne3A_21 = arith.cmpi ne, %rem3A, %ne3A_20 : i32
    %and3A = arith.andi %ne3A, %ne3A_21 : i1
    %sub3A = arith.constant 1 : i32
    %sub3A_22 = arith.subi %div3A, %sub3A : i32
    %select_n3A = arith.select %and3A, %sub3A_22, %div3A : i32
    %mul3A_23 = arith.constant 128 : i32
    %mul3A_24 = arith.muli %select_n3A, %mul3A_23 : i32
    %multiple_of3A = tpu.assume_multiple %mul3A_24, 128 : i32
    %add3A_25 = arith.constant 0 : i32
    %add3A_26 = arith.addi %add3A_4, %add3A_25 : i32
    %dma_start3A = arith.constant 0 : i32
    %dma_start3A_27 = tpu.memref_slice %arg2[%add3A_26, %dma_start3A, %multiple_of3A] : memref<512x256x512xf32, #tpu.memory_space<hbm>> -> memref<1x256x128xf32, #tpu.memory_space<hbm>>
    %dma_start3A_28 = tpu.memref_squeeze %dma_start3A_27 : memref<1x256x128xf32, #tpu.memory_space<hbm>> -> memref<256x128xf32, #tpu.memory_space<hbm>>
    %dma_start3A_29 = arith.constant 0 : i32
    %dma_start3A_30 = tpu.memref_slice %arg2[%add3A_26, %dma_start3A_29, %multiple_of3A] : memref<512x256x512xf32, #tpu.memory_space<hbm>> -> memref<1x256x128xf32, #tpu.memory_space<hbm>>
    %dma_start3A_31 = tpu.memref_squeeze %dma_start3A_30 : memref<1x256x128xf32, #tpu.memory_space<hbm>> -> memref<256x128xf32, #tpu.memory_space<hbm>>
    tpu.enqueue_dma source(%dma_start3A_31 : memref<256x128xf32, #tpu.memory_space<hbm>>) target(%arg4 : memref<256x128xf32, #tpu.memory_space<vmem>>) target_semaphore(%arg7 : memref<!tpu.dma_semaphore, #tpu.memory_space<semaphore_mem>>)
    %dma_wait3A = arith.constant 0 : i32
    %dma_wait3A_32 = tpu.memref_slice %arg2[%add3A_26, %dma_wait3A, %multiple_of3A] : memref<512x256x512xf32, #tpu.memory_space<hbm>> -> memref<1x256x128xf32, #tpu.memory_space<hbm>>
    %dma_wait3A_33 = tpu.memref_squeeze %dma_wait3A_32 : memref<1x256x128xf32, #tpu.memory_space<hbm>> -> memref<256x128xf32, #tpu.memory_space<hbm>>
    %dma_wait3A_34 = arith.constant 0 : i32
    %dma_wait3A_35 = tpu.memref_slice %arg2[%add3A_26, %dma_wait3A_34, %multiple_of3A] : memref<512x256x512xf32, #tpu.memory_space<hbm>> -> memref<1x256x128xf32, #tpu.memory_space<hbm>>
    %dma_wait3A_36 = tpu.memref_squeeze %dma_wait3A_35 : memref<1x256x128xf32, #tpu.memory_space<hbm>> -> memref<256x128xf32, #tpu.memory_space<hbm>>
    tpu.wait_dma2 semaphore(%arg7 : memref<!tpu.dma_semaphore, #tpu.memory_space<semaphore_mem>>) src(%dma_wait3A_36 : memref<256x128xf32, #tpu.memory_space<hbm>>) dst(%arg4 : memref<256x128xf32, #tpu.memory_space<vmem>>)
    %add3A_37 = arith.constant 1 : i32
    %add3A_38 = arith.addi %add3A_4, %add3A_37 : i32
    %jit3A_39 = arith.constant 128 : i32
    %div3A_40 = arith.divsi %add3A_38, %jit3A_39 : i32
    %sign3A_41 = arith.constant 0 : i32
    %sign3A_42 = arith.cmpi sgt, %add3A_38, %sign3A_41 : i32
    %sign3A_43 = arith.extui %sign3A_42 : i1 to i32
    %sign3A_44 = arith.constant 0 : i32
    %sign3A_45 = arith.cmpi slt, %add3A_38, %sign3A_44 : i32
    %sign3A_46 = arith.extui %sign3A_45 : i1 to i32
    %sign3A_47 = arith.subi %sign3A_43, %sign3A_46 : i32
    %sign3A_48 = arith.constant 0 : i32
    %sign3A_49 = arith.cmpi sgt, %jit3A_39, %sign3A_48 : i32
    %sign3A_50 = arith.extui %sign3A_49 : i1 to i32
    %sign3A_51 = arith.constant 0 : i32
    %sign3A_52 = arith.cmpi slt, %jit3A_39, %sign3A_51 : i32
    %sign3A_53 = arith.extui %sign3A_52 : i1 to i32
    %sign3A_54 = arith.subi %sign3A_50, %sign3A_53 : i32
    %ne3A_55 = arith.cmpi ne, %sign3A_47, %sign3A_54 : i32
    %rem3A_56 = arith.remsi %add3A_38, %jit3A_39 : i32
    %ne3A_57 = arith.constant 0 : i32
    %ne3A_58 = arith.cmpi ne, %rem3A_56, %ne3A_57 : i32
    %and3A_59 = arith.andi %ne3A_55, %ne3A_58 : i1
    %sub3A_60 = arith.constant 1 : i32
    %sub3A_61 = arith.subi %div3A_40, %sub3A_60 : i32
    %select_n3A_62 = arith.select %and3A_59, %sub3A_61, %div3A_40 : i32
    %mul3A_63 = arith.constant 128 : i32
    %mul3A_64 = arith.muli %select_n3A_62, %mul3A_63 : i32
    %multiple_of3A_65 = tpu.assume_multiple %mul3A_64, 128 : i32
    %add3A_66 = arith.constant 1 : i32
    %add3A_67 = arith.addi %add3A_4, %add3A_66 : i32
    %dma_start3A_68 = arith.constant 0 : i32
    %dma_start3A_69 = tpu.memref_slice %arg2[%add3A_67, %dma_start3A_68, %multiple_of3A_65] : memref<512x256x512xf32, #tpu.memory_space<hbm>> -> memref<1x256x128xf32, #tpu.memory_space<hbm>>
    %dma_start3A_70 = tpu.memref_squeeze %dma_start3A_69 : memref<1x256x128xf32, #tpu.memory_space<hbm>> -> memref<256x128xf32, #tpu.memory_space<hbm>>
    %dma_start3A_71 = arith.constant 0 : i32
    %dma_start3A_72 = tpu.memref_slice %arg2[%add3A_67, %dma_start3A_71, %multiple_of3A_65] : memref<512x256x512xf32, #tpu.memory_space<hbm>> -> memref<1x256x128xf32, #tpu.memory_space<hbm>>
    %dma_start3A_73 = tpu.memref_squeeze %dma_start3A_72 : memref<1x256x128xf32, #tpu.memory_space<hbm>> -> memref<256x128xf32, #tpu.memory_space<hbm>>
    tpu.enqueue_dma source(%dma_start3A_73 : memref<256x128xf32, #tpu.memory_space<hbm>>) target(%arg5 : memref<256x128xf32, #tpu.memory_space<vmem>>) target_semaphore(%arg8 : memref<!tpu.dma_semaphore, #tpu.memory_space<semaphore_mem>>)
    %add3A_74 = arith.constant 0 : i32
    %add3A_75 = arith.addi %add3A_4, %add3A_74 : i32
    %jit3A_76 = arith.constant 128 : i32
    %eq3A = arith.constant 0 : i32
    %eq3A_77 = arith.cmpi eq, %jit3A_76, %eq3A : i32
    %jit3A_78 = arith.constant 1 : i32
    %select_n3A_79 = arith.select %eq3A_77, %jit3A_78, %jit3A_76 : i32
    %rem3A_80 = arith.remsi %add3A_75, %select_n3A_79 : i32
    %ne3A_81 = arith.constant 0 : i32
    %ne3A_82 = arith.cmpi ne, %rem3A_80, %ne3A_81 : i32
    %lt3A = arith.constant 0 : i32
    %lt3A_83 = arith.cmpi slt, %rem3A_80, %lt3A : i32
    %lt3A_84 = arith.constant 0 : i32
    %lt3A_85 = arith.cmpi slt, %select_n3A_79, %lt3A_84 : i32
    %ne3A_86 = arith.xori %lt3A_83, %lt3A_85 : i1
    %and3A_87 = arith.andi %ne3A_86, %ne3A_82 : i1
    %add3A_88 = arith.addi %rem3A_80, %select_n3A_79 : i32
    %select_n3A_89 = arith.select %and3A_87, %add3A_88, %rem3A_80 : i32
    %broadcast_in_dim3A = vector.broadcast %select_n3A_89 : i32 to vector<16xi32>
    %add3A_90 = arith.constant 0 : i32
    %add3A_91 = vector.broadcast %add3A_90 : i32 to vector<16xi32>
    %add3A_92 = arith.addi %add3A_91, %iota3A : vector<16xi32>
    %gather3A = tpu.vector_load_idx %arg4[%add3A_92, %broadcast_in_dim3A] : memref<256x128xf32, #tpu.memory_space<vmem>>[vector<16xi32>, vector<16xi32>], vector<16xf32>,
    %swap3A = arith.constant 0 : index
    %swap3A_93 = tpu.vector_load %arg6[%swap3A] {strides = array<i32>} : memref<2560xf32, #tpu.memory_space<vmem>>, vector<16xf32>,
    tpu.vector_store %arg6[%swap3A], %gather3A {strides = array<i32>} : memref<2560xf32, #tpu.memory_space<vmem>>, vector<16xf32>,
    %add3A_94 = arith.constant 16 : i32
    %add3A_95 = vector.broadcast %add3A_94 : i32 to vector<16xi32>
    %add3A_96 = arith.addi %add3A_95, %iota3A : vector<16xi32>
    %gather3A_97 = tpu.vector_load_idx %arg4[%add3A_96, %broadcast_in_dim3A] : memref<256x128xf32, #tpu.memory_space<vmem>>[vector<16xi32>, vector<16xi32>], vector<16xf32>,
    %swap3A_98 = arith.constant 16 : index
    %swap3A_99 = tpu.vector_load %arg6[%swap3A_98] {strides = array<i32>} : memref<2560xf32, #tpu.memory_space<vmem>>, vector<16xf32>,
    tpu.vector_store %arg6[%swap3A_98], %gather3A_97 {strides = array<i32>} : memref<2560xf32, #tpu.memory_space<vmem>>, vector<16xf32>,
    %add3A_100 = arith.constant 32 : i32
    %add3A_101 = vector.broadcast %add3A_100 : i32 to vector<16xi32>
    %add3A_102 = arith.addi %add3A_101, %iota3A : vector<16xi32>
    %gather3A_103 = tpu.vector_load_idx %arg4[%add3A_102, %broadcast_in_dim3A] : memref<256x128xf32, #tpu.memory_space<vmem>>[vector<16xi32>, vector<16xi32>], vector<16xf32>,
    %swap3A_104 = arith.constant 32 : index
    %swap3A_105 = tpu.vector_load %arg6[%swap3A_104] {strides = array<i32>} : memref<2560xf32, #tpu.memory_space<vmem>>, vector<16xf32>,
    tpu.vector_store %arg6[%swap3A_104], %gather3A_103 {strides = array<i32>} : memref<2560xf32, #tpu.memory_space<vmem>>, vector<16xf32>,
    %add3A_106 = arith.constant 48 : i32
    %add3A_107 = vector.broadcast %add3A_106 : i32 to vector<16xi32>
    %add3A_108 = arith.addi %add3A_107, %iota3A : vector<16xi32>
    %gather3A_109 = tpu.vector_load_idx %arg4[%add3A_108, %broadcast_in_dim3A] : memref<256x128xf32, #tpu.memory_space<vmem>>[vector<16xi32>, vector<16xi32>], vector<16xf32>,
    %swap3A_110 = arith.constant 48 : index
    %swap3A_111 = tpu.vector_load %arg6[%swap3A_110] {strides = array<i32>} : memref<2560xf32, #tpu.memory_space<vmem>>, vector<16xf32>,
    tpu.vector_store %arg6[%swap3A_110], %gather3A_109 {strides = array<i32>} : memref<2560xf32, #tpu.memory_space<vmem>>, vector<16xf32>,
    %add3A_112 = arith.constant 64 : i32
    %add3A_113 = vector.broadcast %add3A_112 : i32 to vector<16xi32>
    %add3A_114 = arith.addi %add3A_113, %iota3A : vector<16xi32>
    %gather3A_115 = tpu.vector_load_idx %arg4[%add3A_114, %broadcast_in_dim3A] : memref<256x128xf32, #tpu.memory_space<vmem>>[vector<16xi32>, vector<16xi32>], vector<16xf32>,
    %swap3A_116 = arith.constant 64 : index
    %swap3A_117 = tpu.vector_load %arg6[%swap3A_116] {strides = array<i32>} : memref<2560xf32, #tpu.memory_space<vmem>>, vector<16xf32>,
    tpu.vector_store %arg6[%swap3A_116], %gather3A_115 {strides = array<i32>} : memref<2560xf32, #tpu.memory_space<vmem>>, vector<16xf32>,
    %add3A_118 = arith.constant 80 : i32
    %add3A_119 = vector.broadcast %add3A_118 : i32 to vector<16xi32>
    %add3A_120 = arith.addi %add3A_119, %iota3A : vector<16xi32>
    %gather3A_121 = tpu.vector_load_idx %arg4[%add3A_120, %broadcast_in_dim3A] : memref<256x128xf32, #tpu.memory_space<vmem>>[vector<16xi32>, vector<16xi32>], vector<16xf32>,
    %swap3A_122 = arith.constant 80 : index
    %swap3A_123 = tpu.vector_load %arg6[%swap3A_122] {strides = array<i32>} : memref<2560xf32, #tpu.memory_space<vmem>>, vector<16xf32>,
    tpu.vector_store %arg6[%swap3A_122], %gather3A_121 {strides = array<i32>} : memref<2560xf32, #tpu.memory_space<vmem>>, vector<16xf32>,
    %add3A_124 = arith.constant 96 : i32
    %add3A_125 = vector.broadcast %add3A_124 : i32 to vector<16xi32>
    %add3A_126 = arith.addi %add3A_125, %iota3A : vector<16xi32>
    %gather3A_127 = tpu.vector_load_idx %arg4[%add3A_126, %broadcast_in_dim3A] : memref<256x128xf32, #tpu.memory_space<vmem>>[vector<16xi32>, vector<16xi32>], vector<16xf32>,
    %swap3A_128 = arith.constant 96 : index
    %swap3A_129 = tpu.vector_load %arg6[%swap3A_128] {strides = array<i32>} : memref<2560xf32, #tpu.memory_space<vmem>>, vector<16xf32>,
    tpu.vector_store %arg6[%swap3A_128], %gather3A_127 {strides = array<i32>} : memref<2560xf32, #tpu.memory_space<vmem>>, vector<16xf32>,
    %add3A_130 = arith.constant 112 : i32
    %add3A_131 = vector.broadcast %add3A_130 : i32 to vector<16xi32>
    %add3A_132 = arith.addi %add3A_131, %iota3A : vector<16xi32>
    %gather3A_133 = tpu.vector_load_idx %arg4[%add3A_132, %broadcast_in_dim3A] : memref<256x128xf32, #tpu.memory_space<vmem>>[vector<16xi32>, vector<16xi32>], vector<16xf32>,
    %swap3A_134 = arith.constant 112 : index
    %swap3A_135 = tpu.vector_load %arg6[%swap3A_134] {strides = array<i32>} : memref<2560xf32, #tpu.memory_space<vmem>>, vector<16xf32>,
    tpu.vector_store %arg6[%swap3A_134], %gather3A_133 {strides = array<i32>} : memref<2560xf32, #tpu.memory_space<vmem>>, vector<16xf32>,
    %add3A_136 = arith.constant 128 : i32
    %add3A_137 = vector.broadcast %add3A_136 : i32 to vector<16xi32>
    %add3A_138 = arith.addi %add3A_137, %iota3A : vector<16xi32>
    %gather3A_139 = tpu.vector_load_idx %arg4[%add3A_138, %broadcast_in_dim3A] : memref<256x128xf32, #tpu.memory_space<vmem>>[vector<16xi32>, vector<16xi32>], vector<16xf32>,
    %swap3A_140 = arith.constant 128 : index
    %swap3A_141 = tpu.vector_load %arg6[%swap3A_140] {strides = array<i32>} : memref<2560xf32, #tpu.memory_space<vmem>>, vector<16xf32>,
    tpu.vector_store %arg6[%swap3A_140], %gather3A_139 {strides = array<i32>} : memref<2560xf32, #tpu.memory_space<vmem>>, vector<16xf32>,
    %add3A_142 = arith.constant 144 : i32
    %add3A_143 = vector.broadcast %add3A_142 : i32 to vector<16xi32>
    %add3A_144 = arith.addi %add3A_143, %iota3A : vector<16xi32>
    %gather3A_145 = tpu.vector_load_idx %arg4[%add3A_144, %broadcast_in_dim3A] : memref<256x128xf32, #tpu.memory_space<vmem>>[vector<16xi32>, vector<16xi32>], vector<16xf32>,
    %swap3A_146 = arith.constant 144 : index
    %swap3A_147 = tpu.vector_load %arg6[%swap3A_146] {strides = array<i32>} : memref<2560xf32, #tpu.memory_space<vmem>>, vector<16xf32>,
    tpu.vector_store %arg6[%swap3A_146], %gather3A_145 {strides = array<i32>} : memref<2560xf32, #tpu.memory_space<vmem>>, vector<16xf32>,
    %add3A_148 = arith.constant 160 : i32
    %add3A_149 = vector.broadcast %add3A_148 : i32 to vector<16xi32>
    %add3A_150 = arith.addi %add3A_149, %iota3A : vector<16xi32>
    %gather3A_151 = tpu.vector_load_idx %arg4[%add3A_150, %broadcast_in_dim3A] : memref<256x128xf32, #tpu.memory_space<vmem>>[vector<16xi32>, vector<16xi32>], vector<16xf32>,
    %swap3A_152 = arith.constant 160 : index
    %swap3A_153 = tpu.vector_load %arg6[%swap3A_152] {strides = array<i32>} : memref<2560xf32, #tpu.memory_space<vmem>>, vector<16xf32>,
    tpu.vector_store %arg6[%swap3A_152], %gather3A_151 {strides = array<i32>} : memref<2560xf32, #tpu.memory_space<vmem>>, vector<16xf32>,
    %add3A_154 = arith.constant 176 : i32
    %add3A_155 = vector.broadcast %add3A_154 : i32 to vector<16xi32>
    %add3A_156 = arith.addi %add3A_155, %iota3A : vector<16xi32>
    %gather3A_157 = tpu.vector_load_idx %arg4[%add3A_156, %broadcast_in_dim3A] : memref<256x128xf32, #tpu.memory_space<vmem>>[vector<16xi32>, vector<16xi32>], vector<16xf32>,
    %swap3A_158 = arith.constant 176 : index
    %swap3A_159 = tpu.vector_load %arg6[%swap3A_158] {strides = array<i32>} : memref<2560xf32, #tpu.memory_space<vmem>>, vector<16xf32>,
    tpu.vector_store %arg6[%swap3A_158], %gather3A_157 {strides = array<i32>} : memref<2560xf32, #tpu.memory_space<vmem>>, vector<16xf32>,
    %add3A_160 = arith.constant 192 : i32
    %add3A_161 = vector.broadcast %add3A_160 : i32 to vector<16xi32>
    %add3A_162 = arith.addi %add3A_161, %iota3A : vector<16xi32>
    %gather3A_163 = tpu.vector_load_idx %arg4[%add3A_162, %broadcast_in_dim3A] : memref<256x128xf32, #tpu.memory_space<vmem>>[vector<16xi32>, vector<16xi32>], vector<16xf32>,
    %swap3A_164 = arith.constant 192 : index
    %swap3A_165 = tpu.vector_load %arg6[%swap3A_164] {strides = array<i32>} : memref<2560xf32, #tpu.memory_space<vmem>>, vector<16xf32>,
    tpu.vector_store %arg6[%swap3A_164], %gather3A_163 {strides = array<i32>} : memref<2560xf32, #tpu.memory_space<vmem>>, vector<16xf32>,
    %add3A_166 = arith.constant 208 : i32
    %add3A_167 = vector.broadcast %add3A_166 : i32 to vector<16xi32>
    %add3A_168 = arith.addi %add3A_167, %iota3A : vector<16xi32>
    %gather3A_169 = tpu.vector_load_idx %arg4[%add3A_168, %broadcast_in_dim3A] : memref<256x128xf32, #tpu.memory_space<vmem>>[vector<16xi32>, vector<16xi32>], vector<16xf32>,
    %swap3A_170 = arith.constant 208 : index
    %swap3A_171 = tpu.vector_load %arg6[%swap3A_170] {strides = array<i32>} : memref<2560xf32, #tpu.memory_space<vmem>>, vector<16xf32>,
    tpu.vector_store %arg6[%swap3A_170], %gather3A_169 {strides = array<i32>} : memref<2560xf32, #tpu.memory_space<vmem>>, vector<16xf32>,
    %add3A_172 = arith.constant 224 : i32
    %add3A_173 = vector.broadcast %add3A_172 : i32 to vector<16xi32>
    %add3A_174 = arith.addi %add3A_173, %iota3A : vector<16xi32>
    %gather3A_175 = tpu.vector_load_idx %arg4[%add3A_174, %broadcast_in_dim3A] : memref<256x128xf32, #tpu.memory_space<vmem>>[vector<16xi32>, vector<16xi32>], vector<16xf32>,
    %swap3A_176 = arith.constant 224 : index
    %swap3A_177 = tpu.vector_load %arg6[%swap3A_176] {strides = array<i32>} : memref<2560xf32, #tpu.memory_space<vmem>>, vector<16xf32>,
    tpu.vector_store %arg6[%swap3A_176], %gather3A_175 {strides = array<i32>} : memref<2560xf32, #tpu.memory_space<vmem>>, vector<16xf32>,
    %add3A_178 = arith.constant 240 : i32
    %add3A_179 = vector.broadcast %add3A_178 : i32 to vector<16xi32>
    %add3A_180 = arith.addi %add3A_179, %iota3A : vector<16xi32>
    %gather3A_181 = tpu.vector_load_idx %arg4[%add3A_180, %broadcast_in_dim3A] : memref<256x128xf32, #tpu.memory_space<vmem>>[vector<16xi32>, vector<16xi32>], vector<16xf32>,
    %swap3A_182 = arith.constant 240 : index
    %swap3A_183 = tpu.vector_load %arg6[%swap3A_182] {strides = array<i32>} : memref<2560xf32, #tpu.memory_space<vmem>>, vector<16xf32>,
    tpu.vector_store %arg6[%swap3A_182], %gather3A_181 {strides = array<i32>} : memref<2560xf32, #tpu.memory_space<vmem>>, vector<16xf32>,
    %dma_wait3A_184 = arith.constant 0 : i32
    %dma_wait3A_185 = tpu.memref_slice %arg2[%add3A_67, %dma_wait3A_184, %multiple_of3A_65] : memref<512x256x512xf32, #tpu.memory_space<hbm>> -> memref<1x256x128xf32, #tpu.memory_space<hbm>>
    %dma_wait3A_186 = tpu.memref_squeeze %dma_wait3A_185 : memref<1x256x128xf32, #tpu.memory_space<hbm>> -> memref<256x128xf32, #tpu.memory_space<hbm>>
    %dma_wait3A_187 = arith.constant 0 : i32
    %dma_wait3A_188 = tpu.memref_slice %arg2[%add3A_67, %dma_wait3A_187, %multiple_of3A_65] : memref<512x256x512xf32, #tpu.memory_space<hbm>> -> memref<1x256x128xf32, #tpu.memory_space<hbm>>
    %dma_wait3A_189 = tpu.memref_squeeze %dma_wait3A_188 : memref<1x256x128xf32, #tpu.memory_space<hbm>> -> memref<256x128xf32, #tpu.memory_space<hbm>>
    tpu.wait_dma2 semaphore(%arg8 : memref<!tpu.dma_semaphore, #tpu.memory_space<semaphore_mem>>) src(%dma_wait3A_189 : memref<256x128xf32, #tpu.memory_space<hbm>>) dst(%arg5 : memref<256x128xf32, #tpu.memory_space<vmem>>)
    %add3A_190 = arith.constant 2 : i32
    %add3A_191 = arith.addi %add3A_4, %add3A_190 : i32
    %jit3A_192 = arith.constant 128 : i32
    %div3A_193 = arith.divsi %add3A_191, %jit3A_192 : i32
    %sign3A_194 = arith.constant 0 : i32
    %sign3A_195 = arith.cmpi sgt, %add3A_191, %sign3A_194 : i32
    %sign3A_196 = arith.extui %sign3A_195 : i1 to i32
    %sign3A_197 = arith.constant 0 : i32
    %sign3A_198 = arith.cmpi slt, %add3A_191, %sign3A_197 : i32
    %sign3A_199 = arith.extui %sign3A_198 : i1 to i32
    %sign3A_200 = arith.subi %sign3A_196, %sign3A_199 : i32
    %sign3A_201 = arith.constant 0 : i32
    %sign3A_202 = arith.cmpi sgt, %jit3A_192, %sign3A_201 : i32
    %sign3A_203 = arith.extui %sign3A_202 : i1 to i32
    %sign3A_204 = arith.constant 0 : i32
    %sign3A_205 = arith.cmpi slt, %jit3A_192, %sign3A_204 : i32
    %sign3A_206 = arith.extui %sign3A_205 : i1 to i32
    %sign3A_207 = arith.subi %sign3A_203, %sign3A_206 : i32
    %ne3A_208 = arith.cmpi ne, %sign3A_200, %sign3A_207 : i32
    %rem3A_209 = arith.remsi %add3A_191, %jit3A_192 : i32
    %ne3A_210 = arith.constant 0 : i32
    %ne3A_211 = arith.cmpi ne, %rem3A_209, %ne3A_210 : i32
    %and3A_212 = arith.andi %ne3A_208, %ne3A_211 : i1
    %sub3A_213 = arith.constant 1 : i32
    %sub3A_214 = arith.subi %div3A_193, %sub3A_213 : i32
    %select_n3A_215 = arith.select %and3A_212, %sub3A_214, %div3A_193 : i32
    %mul3A_216 = arith.constant 128 : i32
    %mul3A_217 = arith.muli %select_n3A_215, %mul3A_216 : i32
    %multiple_of3A_218 = tpu.assume_multiple %mul3A_217, 128 : i32
    %add3A_219 = arith.constant 2 : i32
    %add3A_220 = arith.addi %add3A_4, %add3A_219 : i32
    %dma_start3A_221 = arith.constant 0 : i32
    %dma_start3A_222 = tpu.memref_slice %arg2[%add3A_220, %dma_start3A_221, %multiple_of3A_218] : memref<512x256x512xf32, #tpu.memory_space<hbm>> -> memref<1x256x128xf32, #tpu.memory_space<hbm>>
    %dma_start3A_223 = tpu.memref_squeeze %dma_start3A_222 : memref<1x256x128xf32, #tpu.memory_space<hbm>> -> memref<256x128xf32, #tpu.memory_space<hbm>>
    %dma_start3A_224 = arith.constant 0 : i32
    %dma_start3A_225 = tpu.memref_slice %arg2[%add3A_220, %dma_start3A_224, %multiple_of3A_218] : memref<512x256x512xf32, #tpu.memory_space<hbm>> -> memref<1x256x128xf32, #tpu.memory_space<hbm>>
    %dma_start3A_226 = tpu.memref_squeeze %dma_start3A_225 : memref<1x256x128xf32, #tpu.memory_space<hbm>> -> memref<256x128xf32, #tpu.memory_space<hbm>>
    tpu.enqueue_dma source(%dma_start3A_226 : memref<256x128xf32, #tpu.memory_space<hbm>>) target(%arg4 : memref<256x128xf32, #tpu.memory_space<vmem>>) target_semaphore(%arg7 : memref<!tpu.dma_semaphore, #tpu.memory_space<semaphore_mem>>)
    %add3A_227 = arith.constant 1 : i32
    %add3A_228 = arith.addi %add3A_4, %add3A_227 : i32
    %jit3A_229 = arith.constant 128 : i32
    %eq3A_230 = arith.constant 0 : i32
    %eq3A_231 = arith.cmpi eq, %jit3A_229, %eq3A_230 : i32
    %jit3A_232 = arith.constant 1 : i32
    %select_n3A_233 = arith.select %eq3A_231, %jit3A_232, %jit3A_229 : i32
    %rem3A_234 = arith.remsi %add3A_228, %select_n3A_233 : i32
    %ne3A_235 = arith.constant 0 : i32
    %ne3A_236 = arith.cmpi ne, %rem3A_234, %ne3A_235 : i32
    %lt3A_237 = arith.constant 0 : i32
    %lt3A_238 = arith.cmpi slt, %rem3A_234, %lt3A_237 : i32
    %lt3A_239 = arith.constant 0 : i32
    %lt3A_240 = arith.cmpi slt, %select_n3A_233, %lt3A_239 : i32
    %ne3A_241 = arith.xori %lt3A_238, %lt3A_240 : i1
    %and3A_242 = arith.andi %ne3A_241, %ne3A_236 : i1
    %add3A_243 = arith.addi %rem3A_234, %select_n3A_233 : i32
    %select_n3A_244 = arith.select %and3A_242, %add3A_243, %rem3A_234 : i32
    %broadcast_in_dim3A_245 = vector.broadcast %select_n3A_244 : i32 to vector<16xi32>
    %add3A_246 = arith.constant 0 : i32
    %add3A_247 = vector.broadcast %add3A_246 : i32 to vector<16xi32>
    %add3A_248 = arith.addi %add3A_247, %iota3A : vector<16xi32>
    %gather3A_249 = tpu.vector_load_idx %arg5[%add3A_248, %broadcast_in_dim3A_245] : memref<256x128xf32, #tpu.memory_space<vmem>>[vector<16xi32>, vector<16xi32>], vector<16xf32>,
    %swap3A_250 = arith.constant 256 : index
    %swap3A_251 = tpu.vector_load %arg6[%swap3A_250] {strides = array<i32>} : memref<2560xf32, #tpu.memory_space<vmem>>, vector<16xf32>,
    tpu.vector_store %arg6[%swap3A_250], %gather3A_249 {strides = array<i32>} : memref<2560xf32, #tpu.memory_space<vmem>>, vector<16xf32>,
    %add3A_252 = arith.constant 16 : i32
    %add3A_253 = vector.broadcast %add3A_252 : i32 to vector<16xi32>
    %add3A_254 = arith.addi %add3A_253, %iota3A : vector<16xi32>
    %gather3A_255 = tpu.vector_load_idx %arg5[%add3A_254, %broadcast_in_dim3A_245] : memref<256x128xf32, #tpu.memory_space<vmem>>[vector<16xi32>, vector<16xi32>], vector<16xf32>,
    %swap3A_256 = arith.constant 272 : index
    %swap3A_257 = tpu.vector_load %arg6[%swap3A_256] {strides = array<i32>} : memref<2560xf32, #tpu.memory_space<vmem>>, vector<16xf32>,
    tpu.vector_store %arg6[%swap3A_256], %gather3A_255 {strides = array<i32>} : memref<2560xf32, #tpu.memory_space<vmem>>, vector<16xf32>,
    %add3A_258 = arith.constant 32 : i32
    %add3A_259 = vector.broadcast %add3A_258 : i32 to vector<16xi32>
    %add3A_260 = arith.addi %add3A_259, %iota3A : vector<16xi32>
    %gather3A_261 = tpu.vector_load_idx %arg5[%add3A_260, %broadcast_in_dim3A_245] : memref<256x128xf32, #tpu.memory_space<vmem>>[vector<16xi32>, vector<16xi32>], vector<16xf32>,
    %swap3A_262 = arith.constant 288 : index
    %swap3A_263 = tpu.vector_load %arg6[%swap3A_262] {strides = array<i32>} : memref<2560xf32, #tpu.memory_space<vmem>>, vector<16xf32>,
    tpu.vector_store %arg6[%swap3A_262], %gather3A_261 {strides = array<i32>} : memref<2560xf32, #tpu.memory_space<vmem>>, vector<16xf32>,
    %add3A_264 = arith.constant 48 : i32
    %add3A_265 = vector.broadcast %add3A_264 : i32 to vector<16xi32>
    %add3A_266 = arith.addi %add3A_265, %iota3A : vector<16xi32>
    %gather3A_267 = tpu.vector_load_idx %arg5[%add3A_266, %broadcast_in_dim3A_245] : memref<256x128xf32, #tpu.memory_space<vmem>>[vector<16xi32>, vector<16xi32>], vector<16xf32>,
    %swap3A_268 = arith.constant 304 : index
    %swap3A_269 = tpu.vector_load %arg6[%swap3A_268] {strides = array<i32>} : memref<2560xf32, #tpu.memory_space<vmem>>, vector<16xf32>,
    tpu.vector_store %arg6[%swap3A_268], %gather3A_267 {strides = array<i32>} : memref<2560xf32, #tpu.memory_space<vmem>>, vector<16xf32>,
    %add3A_270 = arith.constant 64 : i32
    %add3A_271 = vector.broadcast %add3A_270 : i32 to vector<16xi32>
    %add3A_272 = arith.addi %add3A_271, %iota3A : vector<16xi32>
    %gather3A_273 = tpu.vector_load_idx %arg5[%add3A_272, %broadcast_in_dim3A_245] : memref<256x128xf32, #tpu.memory_space<vmem>>[vector<16xi32>, vector<16xi32>], vector<16xf32>,
    %swap3A_274 = arith.constant 320 : index
    %swap3A_275 = tpu.vector_load %arg6[%swap3A_274] {strides = array<i32>} : memref<2560xf32, #tpu.memory_space<vmem>>, vector<16xf32>,
    tpu.vector_store %arg6[%swap3A_274], %gather3A_273 {strides = array<i32>} : memref<2560xf32, #tpu.memory_space<vmem>>, vector<16xf32>,
    %add3A_276 = arith.constant 80 : i32
    %add3A_277 = vector.broadcast %add3A_276 : i32 to vector<16xi32>
    %add3A_278 = arith.addi %add3A_277, %iota3A : vector<16xi32>
    %gather3A_279 = tpu.vector_load_idx %arg5[%add3A_278, %broadcast_in_dim3A_245] : memref<256x128xf32, #tpu.memory_space<vmem>>[vector<16xi32>, vector<16xi32>], vector<16xf32>,
    %swap3A_280 = arith.constant 336 : index
    %swap3A_281 = tpu.vector_load %arg6[%swap3A_280] {strides = array<i32>} : memref<2560xf32, #tpu.memory_space<vmem>>, vector<16xf32>,
    tpu.vector_store %arg6[%swap3A_280], %gather3A_279 {strides = array<i32>} : memref<2560xf32, #tpu.memory_space<vmem>>, vector<16xf32>,
    %add3A_282 = arith.constant 96 : i32
    %add3A_283 = vector.broadcast %add3A_282 : i32 to vector<16xi32>
    %add3A_284 = arith.addi %add3A_283, %iota3A : vector<16xi32>
    %gather3A_285 = tpu.vector_load_idx %arg5[%add3A_284, %broadcast_in_dim3A_245] : memref<256x128xf32, #tpu.memory_space<vmem>>[vector<16xi32>, vector<16xi32>], vector<16xf32>,
    %swap3A_286 = arith.constant 352 : index
    %swap3A_287 = tpu.vector_load %arg6[%swap3A_286] {strides = array<i32>} : memref<2560xf32, #tpu.memory_space<vmem>>, vector<16xf32>,
    tpu.vector_store %arg6[%swap3A_286], %gather3A_285 {strides = array<i32>} : memref<2560xf32, #tpu.memory_space<vmem>>, vector<16xf32>,
    %add3A_288 = arith.constant 112 : i32
    %add3A_289 = vector.broadcast %add3A_288 : i32 to vector<16xi32>
    %add3A_290 = arith.addi %add3A_289, %iota3A : vector<16xi32>
    %gather3A_291 = tpu.vector_load_idx %arg5[%add3A_290, %broadcast_in_dim3A_245] : memref<256x128xf32, #tpu.memory_space<vmem>>[vector<16xi32>, vector<16xi32>], vector<16xf32>,
    %swap3A_292 = arith.constant 368 : index
    %swap3A_293 = tpu.vector_load %arg6[%swap3A_292] {strides = array<i32>} : memref<2560xf32, #tpu.memory_space<vmem>>, vector<16xf32>,
    tpu.vector_store %arg6[%swap3A_292], %gather3A_291 {strides = array<i32>} : memref<2560xf32, #tpu.memory_space<vmem>>, vector<16xf32>,
    %add3A_294 = arith.constant 128 : i32
    %add3A_295 = vector.broadcast %add3A_294 : i32 to vector<16xi32>
    %add3A_296 = arith.addi %add3A_295, %iota3A : vector<16xi32>
    %gather3A_297 = tpu.vector_load_idx %arg5[%add3A_296, %broadcast_in_dim3A_245] : memref<256x128xf32, #tpu.memory_space<vmem>>[vector<16xi32>, vector<16xi32>], vector<16xf32>,
    %swap3A_298 = arith.constant 384 : index
    %swap3A_299 = tpu.vector_load %arg6[%swap3A_298] {strides = array<i32>} : memref<2560xf32, #tpu.memory_space<vmem>>, vector<16xf32>,
    tpu.vector_store %arg6[%swap3A_298], %gather3A_297 {strides = array<i32>} : memref<2560xf32, #tpu.memory_space<vmem>>, vector<16xf32>,
    %add3A_300 = arith.constant 144 : i32
    %add3A_301 = vector.broadcast %add3A_300 : i32 to vector<16xi32>
    %add3A_302 = arith.addi %add3A_301, %iota3A : vector<16xi32>
    %gather3A_303 = tpu.vector_load_idx %arg5[%add3A_302, %broadcast_in_dim3A_245] : memref<256x128xf32, #tpu.memory_space<vmem>>[vector<16xi32>, vector<16xi32>], vector<16xf32>,
    %swap3A_304 = arith.constant 400 : index
    %swap3A_305 = tpu.vector_load %arg6[%swap3A_304] {strides = array<i32>} : memref<2560xf32, #tpu.memory_space<vmem>>, vector<16xf32>,
    tpu.vector_store %arg6[%swap3A_304], %gather3A_303 {strides = array<i32>} : memref<2560xf32, #tpu.memory_space<vmem>>, vector<16xf32>,
    %add3A_306 = arith.constant 160 : i32
    %add3A_307 = vector.broadcast %add3A_306 : i32 to vector<16xi32>
    %add3A_308 = arith.addi %add3A_307, %iota3A : vector<16xi32>
    %gather3A_309 = tpu.vector_load_idx %arg5[%add3A_308, %broadcast_in_dim3A_245] : memref<256x128xf32, #tpu.memory_space<vmem>>[vector<16xi32>, vector<16xi32>], vector<16xf32>,
    %swap3A_310 = arith.constant 416 : index
    %swap3A_311 = tpu.vector_load %arg6[%swap3A_310] {strides = array<i32>} : memref<2560xf32, #tpu.memory_space<vmem>>, vector<16xf32>,
    tpu.vector_store %arg6[%swap3A_310], %gather3A_309 {strides = array<i32>} : memref<2560xf32, #tpu.memory_space<vmem>>, vector<16xf32>,
    %add3A_312 = arith.constant 176 : i32
    %add3A_313 = vector.broadcast %add3A_312 : i32 to vector<16xi32>
    %add3A_314 = arith.addi %add3A_313, %iota3A : vector<16xi32>
    %gather3A_315 = tpu.vector_load_idx %arg5[%add3A_314, %broadcast_in_dim3A_245] : memref<256x128xf32, #tpu.memory_space<vmem>>[vector<16xi32>, vector<16xi32>], vector<16xf32>,
    %swap3A_316 = arith.constant 432 : index
    %swap3A_317 = tpu.vector_load %arg6[%swap3A_316] {strides = array<i32>} : memref<2560xf32, #tpu.memory_space<vmem>>, vector<16xf32>,
    tpu.vector_store %arg6[%swap3A_316], %gather3A_315 {strides = array<i32>} : memref<2560xf32, #tpu.memory_space<vmem>>, vector<16xf32>,
    %add3A_318 = arith.constant 192 : i32
    %add3A_319 = vector.broadcast %add3A_318 : i32 to vector<16xi32>
    %add3A_320 = arith.addi %add3A_319, %iota3A : vector<16xi32>
    %gather3A_321 = tpu.vector_load_idx %arg5[%add3A_320, %broadcast_in_dim3A_245] : memref<256x128xf32, #tpu.memory_space<vmem>>[vector<16xi32>, vector<16xi32>], vector<16xf32>,
    %swap3A_322 = arith.constant 448 : index
    %swap3A_323 = tpu.vector_load %arg6[%swap3A_322] {strides = array<i32>} : memref<2560xf32, #tpu.memory_space<vmem>>, vector<16xf32>,
    tpu.vector_store %arg6[%swap3A_322], %gather3A_321 {strides = array<i32>} : memref<2560xf32, #tpu.memory_space<vmem>>, vector<16xf32>,
    %add3A_324 = arith.constant 208 : i32
    %add3A_325 = vector.broadcast %add3A_324 : i32 to vector<16xi32>
    %add3A_326 = arith.addi %add3A_325, %iota3A : vector<16xi32>
    %gather3A_327 = tpu.vector_load_idx %arg5[%add3A_326, %broadcast_in_dim3A_245] : memref<256x128xf32, #tpu.memory_space<vmem>>[vector<16xi32>, vector<16xi32>], vector<16xf32>,
    %swap3A_328 = arith.constant 464 : index
    %swap3A_329 = tpu.vector_load %arg6[%swap3A_328] {strides = array<i32>} : memref<2560xf32, #tpu.memory_space<vmem>>, vector<16xf32>,
    tpu.vector_store %arg6[%swap3A_328], %gather3A_327 {strides = array<i32>} : memref<2560xf32, #tpu.memory_space<vmem>>, vector<16xf32>,
    %add3A_330 = arith.constant 224 : i32
    %add3A_331 = vector.broadcast %add3A_330 : i32 to vector<16xi32>
    %add3A_332 = arith.addi %add3A_331, %iota3A : vector<16xi32>
    %gather3A_333 = tpu.vector_load_idx %arg5[%add3A_332, %broadcast_in_dim3A_245] : memref<256x128xf32, #tpu.memory_space<vmem>>[vector<16xi32>, vector<16xi32>], vector<16xf32>,
    %swap3A_334 = arith.constant 480 : index
    %swap3A_335 = tpu.vector_load %arg6[%swap3A_334] {strides = array<i32>} : memref<2560xf32, #tpu.memory_space<vmem>>, vector<16xf32>,
    tpu.vector_store %arg6[%swap3A_334], %gather3A_333 {strides = array<i32>} : memref<2560xf32, #tpu.memory_space<vmem>>, vector<16xf32>,
    %add3A_336 = arith.constant 240 : i32
    %add3A_337 = vector.broadcast %add3A_336 : i32 to vector<16xi32>
    %add3A_338 = arith.addi %add3A_337, %iota3A : vector<16xi32>
    %gather3A_339 = tpu.vector_load_idx %arg5[%add3A_338, %broadcast_in_dim3A_245] : memref<256x128xf32, #tpu.memory_space<vmem>>[vector<16xi32>, vector<16xi32>], vector<16xf32>,
    %swap3A_340 = arith.constant 496 : index
    %swap3A_341 = tpu.vector_load %arg6[%swap3A_340] {strides = array<i32>} : memref<2560xf32, #tpu.memory_space<vmem>>, vector<16xf32>,
    tpu.vector_store %arg6[%swap3A_340], %gather3A_339 {strides = array<i32>} : memref<2560xf32, #tpu.memory_space<vmem>>, vector<16xf32>,
    %dma_wait3A_342 = arith.constant 0 : i32
    %dma_wait3A_343 = tpu.memref_slice %arg2[%add3A_220, %dma_wait3A_342, %multiple_of3A_218] : memref<512x256x512xf32, #tpu.memory_space<hbm>> -> memref<1x256x128xf32, #tpu.memory_space<hbm>>
    %dma_wait3A_344 = tpu.memref_squeeze %dma_wait3A_343 : memref<1x256x128xf32, #tpu.memory_space<hbm>> -> memref<256x128xf32, #tpu.memory_space<hbm>>
    %dma_wait3A_345 = arith.constant 0 : i32
    %dma_wait3A_346 = tpu.memref_slice %arg2[%add3A_220, %dma_wait3A_345, %multiple_of3A_218] : memref<512x256x512xf32, #tpu.memory_space<hbm>> -> memref<1x256x128xf32, #tpu.memory_space<hbm>>
    %dma_wait3A_347 = tpu.memref_squeeze %dma_wait3A_346 : memref<1x256x128xf32, #tpu.memory_space<hbm>> -> memref<256x128xf32, #tpu.memory_space<hbm>>
    tpu.wait_dma2 semaphore(%arg7 : memref<!tpu.dma_semaphore, #tpu.memory_space<semaphore_mem>>) src(%dma_wait3A_347 : memref<256x128xf32, #tpu.memory_space<hbm>>) dst(%arg4 : memref<256x128xf32, #tpu.memory_space<vmem>>)
    %add3A_348 = arith.constant 3 : i32
    %add3A_349 = arith.addi %add3A_4, %add3A_348 : i32
    %jit3A_350 = arith.constant 128 : i32
    %div3A_351 = arith.divsi %add3A_349, %jit3A_350 : i32
    %sign3A_352 = arith.constant 0 : i32
    %sign3A_353 = arith.cmpi sgt, %add3A_349, %sign3A_352 : i32
    %sign3A_354 = arith.extui %sign3A_353 : i1 to i32
    %sign3A_355 = arith.constant 0 : i32
    %sign3A_356 = arith.cmpi slt, %add3A_349, %sign3A_355 : i32
    %sign3A_357 = arith.extui %sign3A_356 : i1 to i32
    %sign3A_358 = arith.subi %sign3A_354, %sign3A_357 : i32
    %sign3A_359 = arith.constant 0 : i32
    %sign3A_360 = arith.cmpi sgt, %jit3A_350, %sign3A_359 : i32
    %sign3A_361 = arith.extui %sign3A_360 : i1 to i32
    %sign3A_362 = arith.constant 0 : i32
    %sign3A_363 = arith.cmpi slt, %jit3A_350, %sign3A_362 : i32
    %sign3A_364 = arith.extui %sign3A_363 : i1 to i32
    %sign3A_365 = arith.subi %sign3A_361, %sign3A_364 : i32
    %ne3A_366 = arith.cmpi ne, %sign3A_358, %sign3A_365 : i32
    %rem3A_367 = arith.remsi %add3A_349, %jit3A_350 : i32
    %ne3A_368 = arith.constant 0 : i32
    %ne3A_369 = arith.cmpi ne, %rem3A_367, %ne3A_368 : i32
    %and3A_370 = arith.andi %ne3A_366, %ne3A_369 : i1
    %sub3A_371 = arith.constant 1 : i32
    %sub3A_372 = arith.subi %div3A_351, %sub3A_371 : i32
    %select_n3A_373 = arith.select %and3A_370, %sub3A_372, %div3A_351 : i32
    %mul3A_374 = arith.constant 128 : i32
    %mul3A_375 = arith.muli %select_n3A_373, %mul3A_374 : i32
    %multiple_of3A_376 = tpu.assume_multiple %mul3A_375, 128 : i32
    %add3A_377 = arith.constant 3 : i32
    %add3A_378 = arith.addi %add3A_4, %add3A_377 : i32
    %dma_start3A_379 = arith.constant 0 : i32
    %dma_start3A_380 = tpu.memref_slice %arg2[%add3A_378, %dma_start3A_379, %multiple_of3A_376] : memref<512x256x512xf32, #tpu.memory_space<hbm>> -> memref<1x256x128xf32, #tpu.memory_space<hbm>>
    %dma_start3A_381 = tpu.memref_squeeze %dma_start3A_380 : memref<1x256x128xf32, #tpu.memory_space<hbm>> -> memref<256x128xf32, #tpu.memory_space<hbm>>
    %dma_start3A_382 = arith.constant 0 : i32
    %dma_start3A_383 = tpu.memref_slice %arg2[%add3A_378, %dma_start3A_382, %multiple_of3A_376] : memref<512x256x512xf32, #tpu.memory_space<hbm>> -> memref<1x256x128xf32, #tpu.memory_space<hbm>>
    %dma_start3A_384 = tpu.memref_squeeze %dma_start3A_383 : memref<1x256x128xf32, #tpu.memory_space<hbm>> -> memref<256x128xf32, #tpu.memory_space<hbm>>
    tpu.enqueue_dma source(%dma_start3A_384 : memref<256x128xf32, #tpu.memory_space<hbm>>) target(%arg5 : memref<256x128xf32, #tpu.memory_space<vmem>>) target_semaphore(%arg8 : memref<!tpu.dma_semaphore, #tpu.memory_space<semaphore_mem>>)
    %add3A_385 = arith.constant 2 : i32
    %add3A_386 = arith.addi %add3A_4, %add3A_385 : i32
    %jit3A_387 = arith.constant 128 : i32
    %eq3A_388 = arith.constant 0 : i32
    %eq3A_389 = arith.cmpi eq, %jit3A_387, %eq3A_388 : i32
    %jit3A_390 = arith.constant 1 : i32
    %select_n3A_391 = arith.select %eq3A_389, %jit3A_390, %jit3A_387 : i32
    %rem3A_392 = arith.remsi %add3A_386, %select_n3A_391 : i32
    %ne3A_393 = arith.constant 0 : i32
    %ne3A_394 = arith.cmpi ne, %rem3A_392, %ne3A_393 : i32
    %lt3A_395 = arith.constant 0 : i32
    %lt3A_396 = arith.cmpi slt, %rem3A_392, %lt3A_395 : i32
    %lt3A_397 = arith.constant 0 : i32
    %lt3A_398 = arith.cmpi slt, %select_n3A_391, %lt3A_397 : i32
    %ne3A_399 = arith.xori %lt3A_396, %lt3A_398 : i1
    %and3A_400 = arith.andi %ne3A_399, %ne3A_394 : i1
    %add3A_401 = arith.addi %rem3A_392, %select_n3A_391 : i32
    %select_n3A_402 = arith.select %and3A_400, %add3A_401, %rem3A_392 : i32
    %broadcast_in_dim3A_403 = vector.broadcast %select_n3A_402 : i32 to vector<16xi32>
    %add3A_404 = arith.constant 0 : i32
    %add3A_405 = vector.broadcast %add3A_404 : i32 to vector<16xi32>
    %add3A_406 = arith.addi %add3A_405, %iota3A : vector<16xi32>
    %gather3A_407 = tpu.vector_load_idx %arg4[%add3A_406, %broadcast_in_dim3A_403] : memref<256x128xf32, #tpu.memory_space<vmem>>[vector<16xi32>, vector<16xi32>], vector<16xf32>,
    %swap3A_408 = arith.constant 512 : index
    %swap3A_409 = tpu.vector_load %arg6[%swap3A_408] {strides = array<i32>} : memref<2560xf32, #tpu.memory_space<vmem>>, vector<16xf32>,
    tpu.vector_store %arg6[%swap3A_408], %gather3A_407 {strides = array<i32>} : memref<2560xf32, #tpu.memory_space<vmem>>, vector<16xf32>,
    %add3A_410 = arith.constant 16 : i32
    %add3A_411 = vector.broadcast %add3A_410 : i32 to vector<16xi32>
    %add3A_412 = arith.addi %add3A_411, %iota3A : vector<16xi32>
    %gather3A_413 = tpu.vector_load_idx %arg4[%add3A_412, %broadcast_in_dim3A_403] : memref<256x128xf32, #tpu.memory_space<vmem>>[vector<16xi32>, vector<16xi32>], vector<16xf32>,
    %swap3A_414 = arith.constant 528 : index
    %swap3A_415 = tpu.vector_load %arg6[%swap3A_414] {strides = array<i32>} : memref<2560xf32, #tpu.memory_space<vmem>>, vector<16xf32>,
    tpu.vector_store %arg6[%swap3A_414], %gather3A_413 {strides = array<i32>} : memref<2560xf32, #tpu.memory_space<vmem>>, vector<16xf32>,
    %add3A_416 = arith.constant 32 : i32
    %add3A_417 = vector.broadcast %add3A_416 : i32 to vector<16xi32>
    %add3A_418 = arith.addi %add3A_417, %iota3A : vector<16xi32>
    %gather3A_419 = tpu.vector_load_idx %arg4[%add3A_418, %broadcast_in_dim3A_403] : memref<256x128xf32, #tpu.memory_space<vmem>>[vector<16xi32>, vector<16xi32>], vector<16xf32>,
    %swap3A_420 = arith.constant 544 : index
    %swap3A_421 = tpu.vector_load %arg6[%swap3A_420] {strides = array<i32>} : memref<2560xf32, #tpu.memory_space<vmem>>, vector<16xf32>,
    tpu.vector_store %arg6[%swap3A_420], %gather3A_419 {strides = array<i32>} : memref<2560xf32, #tpu.memory_space<vmem>>, vector<16xf32>,
    %add3A_422 = arith.constant 48 : i32
    %add3A_423 = vector.broadcast %add3A_422 : i32 to vector<16xi32>
    %add3A_424 = arith.addi %add3A_423, %iota3A : vector<16xi32>
    %gather3A_425 = tpu.vector_load_idx %arg4[%add3A_424, %broadcast_in_dim3A_403] : memref<256x128xf32, #tpu.memory_space<vmem>>[vector<16xi32>, vector<16xi32>], vector<16xf32>,
    %swap3A_426 = arith.constant 560 : index
    %swap3A_427 = tpu.vector_load %arg6[%swap3A_426] {strides = array<i32>} : memref<2560xf32, #tpu.memory_space<vmem>>, vector<16xf32>,
    tpu.vector_store %arg6[%swap3A_426], %gather3A_425 {strides = array<i32>} : memref<2560xf32, #tpu.memory_space<vmem>>, vector<16xf32>,
    %add3A_428 = arith.constant 64 : i32
    %add3A_429 = vector.broadcast %add3A_428 : i32 to vector<16xi32>
    %add3A_430 = arith.addi %add3A_429, %iota3A : vector<16xi32>
    %gather3A_431 = tpu.vector_load_idx %arg4[%add3A_430, %broadcast_in_dim3A_403] : memref<256x128xf32, #tpu.memory_space<vmem>>[vector<16xi32>, vector<16xi32>], vector<16xf32>,
    %swap3A_432 = arith.constant 576 : index
    %swap3A_433 = tpu.vector_load %arg6[%swap3A_432] {strides = array<i32>} : memref<2560xf32, #tpu.memory_space<vmem>>, vector<16xf32>,
    tpu.vector_store %arg6[%swap3A_432], %gather3A_431 {strides = array<i32>} : memref<2560xf32, #tpu.memory_space<vmem>>, vector<16xf32>,
    %add3A_434 = arith.constant 80 : i32
    %add3A_435 = vector.broadcast %add3A_434 : i32 to vector<16xi32>
    %add3A_436 = arith.addi %add3A_435, %iota3A : vector<16xi32>
    %gather3A_437 = tpu.vector_load_idx %arg4[%add3A_436, %broadcast_in_dim3A_403] : memref<256x128xf32, #tpu.memory_space<vmem>>[vector<16xi32>, vector<16xi32>], vector<16xf32>,
    %swap3A_438 = arith.constant 592 : index
    %swap3A_439 = tpu.vector_load %arg6[%swap3A_438] {strides = array<i32>} : memref<2560xf32, #tpu.memory_space<vmem>>, vector<16xf32>,
    tpu.vector_store %arg6[%swap3A_438], %gather3A_437 {strides = array<i32>} : memref<2560xf32, #tpu.memory_space<vmem>>, vector<16xf32>,
    %add3A_440 = arith.constant 96 : i32
    %add3A_441 = vector.broadcast %add3A_440 : i32 to vector<16xi32>
    %add3A_442 = arith.addi %add3A_441, %iota3A : vector<16xi32>
    %gather3A_443 = tpu.vector_load_idx %arg4[%add3A_442, %broadcast_in_dim3A_403] : memref<256x128xf32, #tpu.memory_space<vmem>>[vector<16xi32>, vector<16xi32>], vector<16xf32>,
    %swap3A_444 = arith.constant 608 : index
    %swap3A_445 = tpu.vector_load %arg6[%swap3A_444] {strides = array<i32>} : memref<2560xf32, #tpu.memory_space<vmem>>, vector<16xf32>,
    tpu.vector_store %arg6[%swap3A_444], %gather3A_443 {strides = array<i32>} : memref<2560xf32, #tpu.memory_space<vmem>>, vector<16xf32>,
    %add3A_446 = arith.constant 112 : i32
    %add3A_447 = vector.broadcast %add3A_446 : i32 to vector<16xi32>
    %add3A_448 = arith.addi %add3A_447, %iota3A : vector<16xi32>
    %gather3A_449 = tpu.vector_load_idx %arg4[%add3A_448, %broadcast_in_dim3A_403] : memref<256x128xf32, #tpu.memory_space<vmem>>[vector<16xi32>, vector<16xi32>], vector<16xf32>,
    %swap3A_450 = arith.constant 624 : index
    %swap3A_451 = tpu.vector_load %arg6[%swap3A_450] {strides = array<i32>} : memref<2560xf32, #tpu.memory_space<vmem>>, vector<16xf32>,
    tpu.vector_store %arg6[%swap3A_450], %gather3A_449 {strides = array<i32>} : memref<2560xf32, #tpu.memory_space<vmem>>, vector<16xf32>,
    %add3A_452 = arith.constant 128 : i32
    %add3A_453 = vector.broadcast %add3A_452 : i32 to vector<16xi32>
    %add3A_454 = arith.addi %add3A_453, %iota3A : vector<16xi32>
    %gather3A_455 = tpu.vector_load_idx %arg4[%add3A_454, %broadcast_in_dim3A_403] : memref<256x128xf32, #tpu.memory_space<vmem>>[vector<16xi32>, vector<16xi32>], vector<16xf32>,
    %swap3A_456 = arith.constant 640 : index
    %swap3A_457 = tpu.vector_load %arg6[%swap3A_456] {strides = array<i32>} : memref<2560xf32, #tpu.memory_space<vmem>>, vector<16xf32>,
    tpu.vector_store %arg6[%swap3A_456], %gather3A_455 {strides = array<i32>} : memref<2560xf32, #tpu.memory_space<vmem>>, vector<16xf32>,
    %add3A_458 = arith.constant 144 : i32
    %add3A_459 = vector.broadcast %add3A_458 : i32 to vector<16xi32>
    %add3A_460 = arith.addi %add3A_459, %iota3A : vector<16xi32>
    %gather3A_461 = tpu.vector_load_idx %arg4[%add3A_460, %broadcast_in_dim3A_403] : memref<256x128xf32, #tpu.memory_space<vmem>>[vector<16xi32>, vector<16xi32>], vector<16xf32>,
    %swap3A_462 = arith.constant 656 : index
    %swap3A_463 = tpu.vector_load %arg6[%swap3A_462] {strides = array<i32>} : memref<2560xf32, #tpu.memory_space<vmem>>, vector<16xf32>,
    tpu.vector_store %arg6[%swap3A_462], %gather3A_461 {strides = array<i32>} : memref<2560xf32, #tpu.memory_space<vmem>>, vector<16xf32>,
    %add3A_464 = arith.constant 160 : i32
    %add3A_465 = vector.broadcast %add3A_464 : i32 to vector<16xi32>
    %add3A_466 = arith.addi %add3A_465, %iota3A : vector<16xi32>
    %gather3A_467 = tpu.vector_load_idx %arg4[%add3A_466, %broadcast_in_dim3A_403] : memref<256x128xf32, #tpu.memory_space<vmem>>[vector<16xi32>, vector<16xi32>], vector<16xf32>,
    %swap3A_468 = arith.constant 672 : index
    %swap3A_469 = tpu.vector_load %arg6[%swap3A_468] {strides = array<i32>} : memref<2560xf32, #tpu.memory_space<vmem>>, vector<16xf32>,
    tpu.vector_store %arg6[%swap3A_468], %gather3A_467 {strides = array<i32>} : memref<2560xf32, #tpu.memory_space<vmem>>, vector<16xf32>,
    %add3A_470 = arith.constant 176 : i32
    %add3A_471 = vector.broadcast %add3A_470 : i32 to vector<16xi32>
    %add3A_472 = arith.addi %add3A_471, %iota3A : vector<16xi32>
    %gather3A_473 = tpu.vector_load_idx %arg4[%add3A_472, %broadcast_in_dim3A_403] : memref<256x128xf32, #tpu.memory_space<vmem>>[vector<16xi32>, vector<16xi32>], vector<16xf32>,
    %swap3A_474 = arith.constant 688 : index
    %swap3A_475 = tpu.vector_load %arg6[%swap3A_474] {strides = array<i32>} : memref<2560xf32, #tpu.memory_space<vmem>>, vector<16xf32>,
    tpu.vector_store %arg6[%swap3A_474], %gather3A_473 {strides = array<i32>} : memref<2560xf32, #tpu.memory_space<vmem>>, vector<16xf32>,
    %add3A_476 = arith.constant 192 : i32
    %add3A_477 = vector.broadcast %add3A_476 : i32 to vector<16xi32>
    %add3A_478 = arith.addi %add3A_477, %iota3A : vector<16xi32>
    %gather3A_479 = tpu.vector_load_idx %arg4[%add3A_478, %broadcast_in_dim3A_403] : memref<256x128xf32, #tpu.memory_space<vmem>>[vector<16xi32>, vector<16xi32>], vector<16xf32>,
    %swap3A_480 = arith.constant 704 : index
    %swap3A_481 = tpu.vector_load %arg6[%swap3A_480] {strides = array<i32>} : memref<2560xf32, #tpu.memory_space<vmem>>, vector<16xf32>,
    tpu.vector_store %arg6[%swap3A_480], %gather3A_479 {strides = array<i32>} : memref<2560xf32, #tpu.memory_space<vmem>>, vector<16xf32>,
    %add3A_482 = arith.constant 208 : i32
    %add3A_483 = vector.broadcast %add3A_482 : i32 to vector<16xi32>
    %add3A_484 = arith.addi %add3A_483, %iota3A : vector<16xi32>
    %gather3A_485 = tpu.vector_load_idx %arg4[%add3A_484, %broadcast_in_dim3A_403] : memref<256x128xf32, #tpu.memory_space<vmem>>[vector<16xi32>, vector<16xi32>], vector<16xf32>,
    %swap3A_486 = arith.constant 720 : index
    %swap3A_487 = tpu.vector_load %arg6[%swap3A_486] {strides = array<i32>} : memref<2560xf32, #tpu.memory_space<vmem>>, vector<16xf32>,
    tpu.vector_store %arg6[%swap3A_486], %gather3A_485 {strides = array<i32>} : memref<2560xf32, #tpu.memory_space<vmem>>, vector<16xf32>,
    %add3A_488 = arith.constant 224 : i32
    %add3A_489 = vector.broadcast %add3A_488 : i32 to vector<16xi32>
    %add3A_490 = arith.addi %add3A_489, %iota3A : vector<16xi32>
    %gather3A_491 = tpu.vector_load_idx %arg4[%add3A_490, %broadcast_in_dim3A_403] : memref<256x128xf32, #tpu.memory_space<vmem>>[vector<16xi32>, vector<16xi32>], vector<16xf32>,
    %swap3A_492 = arith.constant 736 : index
    %swap3A_493 = tpu.vector_load %arg6[%swap3A_492] {strides = array<i32>} : memref<2560xf32, #tpu.memory_space<vmem>>, vector<16xf32>,
    tpu.vector_store %arg6[%swap3A_492], %gather3A_491 {strides = array<i32>} : memref<2560xf32, #tpu.memory_space<vmem>>, vector<16xf32>,
    %add3A_494 = arith.constant 240 : i32
    %add3A_495 = vector.broadcast %add3A_494 : i32 to vector<16xi32>
    %add3A_496 = arith.addi %add3A_495, %iota3A : vector<16xi32>
    %gather3A_497 = tpu.vector_load_idx %arg4[%add3A_496, %broadcast_in_dim3A_403] : memref<256x128xf32, #tpu.memory_space<vmem>>[vector<16xi32>, vector<16xi32>], vector<16xf32>,
    %swap3A_498 = arith.constant 752 : index
    %swap3A_499 = tpu.vector_load %arg6[%swap3A_498] {strides = array<i32>} : memref<2560xf32, #tpu.memory_space<vmem>>, vector<16xf32>,
    tpu.vector_store %arg6[%swap3A_498], %gather3A_497 {strides = array<i32>} : memref<2560xf32, #tpu.memory_space<vmem>>, vector<16xf32>,
    %dma_wait3A_500 = arith.constant 0 : i32
    %dma_wait3A_501 = tpu.memref_slice %arg2[%add3A_378, %dma_wait3A_500, %multiple_of3A_376] : memref<512x256x512xf32, #tpu.memory_space<hbm>> -> memref<1x256x128xf32, #tpu.memory_space<hbm>>
    %dma_wait3A_502 = tpu.memref_squeeze %dma_wait3A_501 : memref<1x256x128xf32, #tpu.memory_space<hbm>> -> memref<256x128xf32, #tpu.memory_space<hbm>>
    %dma_wait3A_503 = arith.constant 0 : i32
    %dma_wait3A_504 = tpu.memref_slice %arg2[%add3A_378, %dma_wait3A_503, %multiple_of3A_376] : memref<512x256x512xf32, #tpu.memory_space<hbm>> -> memref<1x256x128xf32, #tpu.memory_space<hbm>>
    %dma_wait3A_505 = tpu.memref_squeeze %dma_wait3A_504 : memref<1x256x128xf32, #tpu.memory_space<hbm>> -> memref<256x128xf32, #tpu.memory_space<hbm>>
    tpu.wait_dma2 semaphore(%arg8 : memref<!tpu.dma_semaphore, #tpu.memory_space<semaphore_mem>>) src(%dma_wait3A_505 : memref<256x128xf32, #tpu.memory_space<hbm>>) dst(%arg5 : memref<256x128xf32, #tpu.memory_space<vmem>>)
    %add3A_506 = arith.constant 4 : i32
    %add3A_507 = arith.addi %add3A_4, %add3A_506 : i32
    %jit3A_508 = arith.constant 128 : i32
    %div3A_509 = arith.divsi %add3A_507, %jit3A_508 : i32
    %sign3A_510 = arith.constant 0 : i32
    %sign3A_511 = arith.cmpi sgt, %add3A_507, %sign3A_510 : i32
    %sign3A_512 = arith.extui %sign3A_511 : i1 to i32
    %sign3A_513 = arith.constant 0 : i32
    %sign3A_514 = arith.cmpi slt, %add3A_507, %sign3A_513 : i32
    %sign3A_515 = arith.extui %sign3A_514 : i1 to i32
    %sign3A_516 = arith.subi %sign3A_512, %sign3A_515 : i32
    %sign3A_517 = arith.constant 0 : i32
    %sign3A_518 = arith.cmpi sgt, %jit3A_508, %sign3A_517 : i32
    %sign3A_519 = arith.extui %sign3A_518 : i1 to i32
    %sign3A_520 = arith.constant 0 : i32
    %sign3A_521 = arith.cmpi slt, %jit3A_508, %sign3A_520 : i32
    %sign3A_522 = arith.extui %sign3A_521 : i1 to i32
    %sign3A_523 = arith.subi %sign3A_519, %sign3A_522 : i32
    %ne3A_524 = arith.cmpi ne, %sign3A_516, %sign3A_523 : i32
    %rem3A_525 = arith.remsi %add3A_507, %jit3A_508 : i32
    %ne3A_526 = arith.constant 0 : i32
    %ne3A_527 = arith.cmpi ne, %rem3A_525, %ne3A_526 : i32
    %and3A_528 = arith.andi %ne3A_524, %ne3A_527 : i1
    %sub3A_529 = arith.constant 1 : i32
    %sub3A_530 = arith.subi %div3A_509, %sub3A_529 : i32
    %select_n3A_531 = arith.select %and3A_528, %sub3A_530, %div3A_509 : i32
    %mul3A_532 = arith.constant 128 : i32
    %mul3A_533 = arith.muli %select_n3A_531, %mul3A_532 : i32
    %multiple_of3A_534 = tpu.assume_multiple %mul3A_533, 128 : i32
    %add3A_535 = arith.constant 4 : i32
    %add3A_536 = arith.addi %add3A_4, %add3A_535 : i32
    %dma_start3A_537 = arith.constant 0 : i32
    %dma_start3A_538 = tpu.memref_slice %arg2[%add3A_536, %dma_start3A_537, %multiple_of3A_534] : memref<512x256x512xf32, #tpu.memory_space<hbm>> -> memref<1x256x128xf32, #tpu.memory_space<hbm>>
    %dma_start3A_539 = tpu.memref_squeeze %dma_start3A_538 : memref<1x256x128xf32, #tpu.memory_space<hbm>> -> memref<256x128xf32, #tpu.memory_space<hbm>>
    %dma_start3A_540 = arith.constant 0 : i32
    %dma_start3A_541 = tpu.memref_slice %arg2[%add3A_536, %dma_start3A_540, %multiple_of3A_534] : memref<512x256x512xf32, #tpu.memory_space<hbm>> -> memref<1x256x128xf32, #tpu.memory_space<hbm>>
    %dma_start3A_542 = tpu.memref_squeeze %dma_start3A_541 : memref<1x256x128xf32, #tpu.memory_space<hbm>> -> memref<256x128xf32, #tpu.memory_space<hbm>>
    tpu.enqueue_dma source(%dma_start3A_542 : memref<256x128xf32, #tpu.memory_space<hbm>>) target(%arg4 : memref<256x128xf32, #tpu.memory_space<vmem>>) target_semaphore(%arg7 : memref<!tpu.dma_semaphore, #tpu.memory_space<semaphore_mem>>)
    %add3A_543 = arith.constant 3 : i32
    %add3A_544 = arith.addi %add3A_4, %add3A_543 : i32
    %jit3A_545 = arith.constant 128 : i32
    %eq3A_546 = arith.constant 0 : i32
    %eq3A_547 = arith.cmpi eq, %jit3A_545, %eq3A_546 : i32
    %jit3A_548 = arith.constant 1 : i32
    %select_n3A_549 = arith.select %eq3A_547, %jit3A_548, %jit3A_545 : i32
    %rem3A_550 = arith.remsi %add3A_544, %select_n3A_549 : i32
    %ne3A_551 = arith.constant 0 : i32
    %ne3A_552 = arith.cmpi ne, %rem3A_550, %ne3A_551 : i32
    %lt3A_553 = arith.constant 0 : i32
    %lt3A_554 = arith.cmpi slt, %rem3A_550, %lt3A_553 : i32
    %lt3A_555 = arith.constant 0 : i32
    %lt3A_556 = arith.cmpi slt, %select_n3A_549, %lt3A_555 : i32
    %ne3A_557 = arith.xori %lt3A_554, %lt3A_556 : i1
    %and3A_558 = arith.andi %ne3A_557, %ne3A_552 : i1
    %add3A_559 = arith.addi %rem3A_550, %select_n3A_549 : i32
    %select_n3A_560 = arith.select %and3A_558, %add3A_559, %rem3A_550 : i32
    %broadcast_in_dim3A_561 = vector.broadcast %select_n3A_560 : i32 to vector<16xi32>
    %add3A_562 = arith.constant 0 : i32
    %add3A_563 = vector.broadcast %add3A_562 : i32 to vector<16xi32>
    %add3A_564 = arith.addi %add3A_563, %iota3A : vector<16xi32>
    %gather3A_565 = tpu.vector_load_idx %arg5[%add3A_564, %broadcast_in_dim3A_561] : memref<256x128xf32, #tpu.memory_space<vmem>>[vector<16xi32>, vector<16xi32>], vector<16xf32>,
    %swap3A_566 = arith.constant 768 : index
    %swap3A_567 = tpu.vector_load %arg6[%swap3A_566] {strides = array<i32>} : memref<2560xf32, #tpu.memory_space<vmem>>, vector<16xf32>,
    tpu.vector_store %arg6[%swap3A_566], %gather3A_565 {strides = array<i32>} : memref<2560xf32, #tpu.memory_space<vmem>>, vector<16xf32>,
    %add3A_568 = arith.constant 16 : i32
    %add3A_569 = vector.broadcast %add3A_568 : i32 to vector<16xi32>
    %add3A_570 = arith.addi %add3A_569, %iota3A : vector<16xi32>
    %gather3A_571 = tpu.vector_load_idx %arg5[%add3A_570, %broadcast_in_dim3A_561] : memref<256x128xf32, #tpu.memory_space<vmem>>[vector<16xi32>, vector<16xi32>], vector<16xf32>,
    %swap3A_572 = arith.constant 784 : index
    %swap3A_573 = tpu.vector_load %arg6[%swap3A_572] {strides = array<i32>} : memref<2560xf32, #tpu.memory_space<vmem>>, vector<16xf32>,
    tpu.vector_store %arg6[%swap3A_572], %gather3A_571 {strides = array<i32>} : memref<2560xf32, #tpu.memory_space<vmem>>, vector<16xf32>,
    %add3A_574 = arith.constant 32 : i32
    %add3A_575 = vector.broadcast %add3A_574 : i32 to vector<16xi32>
    %add3A_576 = arith.addi %add3A_575, %iota3A : vector<16xi32>
    %gather3A_577 = tpu.vector_load_idx %arg5[%add3A_576, %broadcast_in_dim3A_561] : memref<256x128xf32, #tpu.memory_space<vmem>>[vector<16xi32>, vector<16xi32>], vector<16xf32>,
    %swap3A_578 = arith.constant 800 : index
    %swap3A_579 = tpu.vector_load %arg6[%swap3A_578] {strides = array<i32>} : memref<2560xf32, #tpu.memory_space<vmem>>, vector<16xf32>,
    tpu.vector_store %arg6[%swap3A_578], %gather3A_577 {strides = array<i32>} : memref<2560xf32, #tpu.memory_space<vmem>>, vector<16xf32>,
    %add3A_580 = arith.constant 48 : i32
    %add3A_581 = vector.broadcast %add3A_580 : i32 to vector<16xi32>
    %add3A_582 = arith.addi %add3A_581, %iota3A : vector<16xi32>
    %gather3A_583 = tpu.vector_load_idx %arg5[%add3A_582, %broadcast_in_dim3A_561] : memref<256x128xf32, #tpu.memory_space<vmem>>[vector<16xi32>, vector<16xi32>], vector<16xf32>,
    %swap3A_584 = arith.constant 816 : index
    %swap3A_585 = tpu.vector_load %arg6[%swap3A_584] {strides = array<i32>} : memref<2560xf32, #tpu.memory_space<vmem>>, vector<16xf32>,
    tpu.vector_store %arg6[%swap3A_584], %gather3A_583 {strides = array<i32>} : memref<2560xf32, #tpu.memory_space<vmem>>, vector<16xf32>,
    %add3A_586 = arith.constant 64 : i32
    %add3A_587 = vector.broadcast %add3A_586 : i32 to vector<16xi32>
    %add3A_588 = arith.addi %add3A_587, %iota3A : vector<16xi32>
    %gather3A_589 = tpu.vector_load_idx %arg5[%add3A_588, %broadcast_in_dim3A_561] : memref<256x128xf32, #tpu.memory_space<vmem>>[vector<16xi32>, vector<16xi32>], vector<16xf32>,
    %swap3A_590 = arith.constant 832 : index
    %swap3A_591 = tpu.vector_load %arg6[%swap3A_590] {strides = array<i32>} : memref<2560xf32, #tpu.memory_space<vmem>>, vector<16xf32>,
    tpu.vector_store %arg6[%swap3A_590], %gather3A_589 {strides = array<i32>} : memref<2560xf32, #tpu.memory_space<vmem>>, vector<16xf32>,
    %add3A_592 = arith.constant 80 : i32
    %add3A_593 = vector.broadcast %add3A_592 : i32 to vector<16xi32>
    %add3A_594 = arith.addi %add3A_593, %iota3A : vector<16xi32>
    %gather3A_595 = tpu.vector_load_idx %arg5[%add3A_594, %broadcast_in_dim3A_561] : memref<256x128xf32, #tpu.memory_space<vmem>>[vector<16xi32>, vector<16xi32>], vector<16xf32>,
    %swap3A_596 = arith.constant 848 : index
    %swap3A_597 = tpu.vector_load %arg6[%swap3A_596] {strides = array<i32>} : memref<2560xf32, #tpu.memory_space<vmem>>, vector<16xf32>,
    tpu.vector_store %arg6[%swap3A_596], %gather3A_595 {strides = array<i32>} : memref<2560xf32, #tpu.memory_space<vmem>>, vector<16xf32>,
    %add3A_598 = arith.constant 96 : i32
    %add3A_599 = vector.broadcast %add3A_598 : i32 to vector<16xi32>
    %add3A_600 = arith.addi %add3A_599, %iota3A : vector<16xi32>
    %gather3A_601 = tpu.vector_load_idx %arg5[%add3A_600, %broadcast_in_dim3A_561] : memref<256x128xf32, #tpu.memory_space<vmem>>[vector<16xi32>, vector<16xi32>], vector<16xf32>,
    %swap3A_602 = arith.constant 864 : index
    %swap3A_603 = tpu.vector_load %arg6[%swap3A_602] {strides = array<i32>} : memref<2560xf32, #tpu.memory_space<vmem>>, vector<16xf32>,
    tpu.vector_store %arg6[%swap3A_602], %gather3A_601 {strides = array<i32>} : memref<2560xf32, #tpu.memory_space<vmem>>, vector<16xf32>,
    %add3A_604 = arith.constant 112 : i32
    %add3A_605 = vector.broadcast %add3A_604 : i32 to vector<16xi32>
    %add3A_606 = arith.addi %add3A_605, %iota3A : vector<16xi32>
    %gather3A_607 = tpu.vector_load_idx %arg5[%add3A_606, %broadcast_in_dim3A_561] : memref<256x128xf32, #tpu.memory_space<vmem>>[vector<16xi32>, vector<16xi32>], vector<16xf32>,
    %swap3A_608 = arith.constant 880 : index
    %swap3A_609 = tpu.vector_load %arg6[%swap3A_608] {strides = array<i32>} : memref<2560xf32, #tpu.memory_space<vmem>>, vector<16xf32>,
    tpu.vector_store %arg6[%swap3A_608], %gather3A_607 {strides = array<i32>} : memref<2560xf32, #tpu.memory_space<vmem>>, vector<16xf32>,
    %add3A_610 = arith.constant 128 : i32
    %add3A_611 = vector.broadcast %add3A_610 : i32 to vector<16xi32>
    %add3A_612 = arith.addi %add3A_611, %iota3A : vector<16xi32>
    %gather3A_613 = tpu.vector_load_idx %arg5[%add3A_612, %broadcast_in_dim3A_561] : memref<256x128xf32, #tpu.memory_space<vmem>>[vector<16xi32>, vector<16xi32>], vector<16xf32>,
    %swap3A_614 = arith.constant 896 : index
    %swap3A_615 = tpu.vector_load %arg6[%swap3A_614] {strides = array<i32>} : memref<2560xf32, #tpu.memory_space<vmem>>, vector<16xf32>,
    tpu.vector_store %arg6[%swap3A_614], %gather3A_613 {strides = array<i32>} : memref<2560xf32, #tpu.memory_space<vmem>>, vector<16xf32>,
    %add3A_616 = arith.constant 144 : i32
    %add3A_617 = vector.broadcast %add3A_616 : i32 to vector<16xi32>
    %add3A_618 = arith.addi %add3A_617, %iota3A : vector<16xi32>
    %gather3A_619 = tpu.vector_load_idx %arg5[%add3A_618, %broadcast_in_dim3A_561] : memref<256x128xf32, #tpu.memory_space<vmem>>[vector<16xi32>, vector<16xi32>], vector<16xf32>,
    %swap3A_620 = arith.constant 912 : index
    %swap3A_621 = tpu.vector_load %arg6[%swap3A_620] {strides = array<i32>} : memref<2560xf32, #tpu.memory_space<vmem>>, vector<16xf32>,
    tpu.vector_store %arg6[%swap3A_620], %gather3A_619 {strides = array<i32>} : memref<2560xf32, #tpu.memory_space<vmem>>, vector<16xf32>,
    %add3A_622 = arith.constant 160 : i32
    %add3A_623 = vector.broadcast %add3A_622 : i32 to vector<16xi32>
    %add3A_624 = arith.addi %add3A_623, %iota3A : vector<16xi32>
    %gather3A_625 = tpu.vector_load_idx %arg5[%add3A_624, %broadcast_in_dim3A_561] : memref<256x128xf32, #tpu.memory_space<vmem>>[vector<16xi32>, vector<16xi32>], vector<16xf32>,
    %swap3A_626 = arith.constant 928 : index
    %swap3A_627 = tpu.vector_load %arg6[%swap3A_626] {strides = array<i32>} : memref<2560xf32, #tpu.memory_space<vmem>>, vector<16xf32>,
    tpu.vector_store %arg6[%swap3A_626], %gather3A_625 {strides = array<i32>} : memref<2560xf32, #tpu.memory_space<vmem>>, vector<16xf32>,
    %add3A_628 = arith.constant 176 : i32
    %add3A_629 = vector.broadcast %add3A_628 : i32 to vector<16xi32>
    %add3A_630 = arith.addi %add3A_629, %iota3A : vector<16xi32>
    %gather3A_631 = tpu.vector_load_idx %arg5[%add3A_630, %broadcast_in_dim3A_561] : memref<256x128xf32, #tpu.memory_space<vmem>>[vector<16xi32>, vector<16xi32>], vector<16xf32>,
    %swap3A_632 = arith.constant 944 : index
    %swap3A_633 = tpu.vector_load %arg6[%swap3A_632] {strides = array<i32>} : memref<2560xf32, #tpu.memory_space<vmem>>, vector<16xf32>,
    tpu.vector_store %arg6[%swap3A_632], %gather3A_631 {strides = array<i32>} : memref<2560xf32, #tpu.memory_space<vmem>>, vector<16xf32>,
    %add3A_634 = arith.constant 192 : i32
    %add3A_635 = vector.broadcast %add3A_634 : i32 to vector<16xi32>
    %add3A_636 = arith.addi %add3A_635, %iota3A : vector<16xi32>
    %gather3A_637 = tpu.vector_load_idx %arg5[%add3A_636, %broadcast_in_dim3A_561] : memref<256x128xf32, #tpu.memory_space<vmem>>[vector<16xi32>, vector<16xi32>], vector<16xf32>,
    %swap3A_638 = arith.constant 960 : index
    %swap3A_639 = tpu.vector_load %arg6[%swap3A_638] {strides = array<i32>} : memref<2560xf32, #tpu.memory_space<vmem>>, vector<16xf32>,
    tpu.vector_store %arg6[%swap3A_638], %gather3A_637 {strides = array<i32>} : memref<2560xf32, #tpu.memory_space<vmem>>, vector<16xf32>,
    %add3A_640 = arith.constant 208 : i32
    %add3A_641 = vector.broadcast %add3A_640 : i32 to vector<16xi32>
    %add3A_642 = arith.addi %add3A_641, %iota3A : vector<16xi32>
    %gather3A_643 = tpu.vector_load_idx %arg5[%add3A_642, %broadcast_in_dim3A_561] : memref<256x128xf32, #tpu.memory_space<vmem>>[vector<16xi32>, vector<16xi32>], vector<16xf32>,
    %swap3A_644 = arith.constant 976 : index
    %swap3A_645 = tpu.vector_load %arg6[%swap3A_644] {strides = array<i32>} : memref<2560xf32, #tpu.memory_space<vmem>>, vector<16xf32>,
    tpu.vector_store %arg6[%swap3A_644], %gather3A_643 {strides = array<i32>} : memref<2560xf32, #tpu.memory_space<vmem>>, vector<16xf32>,
    %add3A_646 = arith.constant 224 : i32
    %add3A_647 = vector.broadcast %add3A_646 : i32 to vector<16xi32>
    %add3A_648 = arith.addi %add3A_647, %iota3A : vector<16xi32>
    %gather3A_649 = tpu.vector_load_idx %arg5[%add3A_648, %broadcast_in_dim3A_561] : memref<256x128xf32, #tpu.memory_space<vmem>>[vector<16xi32>, vector<16xi32>], vector<16xf32>,
    %swap3A_650 = arith.constant 992 : index
    %swap3A_651 = tpu.vector_load %arg6[%swap3A_650] {strides = array<i32>} : memref<2560xf32, #tpu.memory_space<vmem>>, vector<16xf32>,
    tpu.vector_store %arg6[%swap3A_650], %gather3A_649 {strides = array<i32>} : memref<2560xf32, #tpu.memory_space<vmem>>, vector<16xf32>,
    %add3A_652 = arith.constant 240 : i32
    %add3A_653 = vector.broadcast %add3A_652 : i32 to vector<16xi32>
    %add3A_654 = arith.addi %add3A_653, %iota3A : vector<16xi32>
    %gather3A_655 = tpu.vector_load_idx %arg5[%add3A_654, %broadcast_in_dim3A_561] : memref<256x128xf32, #tpu.memory_space<vmem>>[vector<16xi32>, vector<16xi32>], vector<16xf32>,
    %swap3A_656 = arith.constant 1008 : index
    %swap3A_657 = tpu.vector_load %arg6[%swap3A_656] {strides = array<i32>} : memref<2560xf32, #tpu.memory_space<vmem>>, vector<16xf32>,
    tpu.vector_store %arg6[%swap3A_656], %gather3A_655 {strides = array<i32>} : memref<2560xf32, #tpu.memory_space<vmem>>, vector<16xf32>,
    %dma_wait3A_658 = arith.constant 0 : i32
    %dma_wait3A_659 = tpu.memref_slice %arg2[%add3A_536, %dma_wait3A_658, %multiple_of3A_534] : memref<512x256x512xf32, #tpu.memory_space<hbm>> -> memref<1x256x128xf32, #tpu.memory_space<hbm>>
    %dma_wait3A_660 = tpu.memref_squeeze %dma_wait3A_659 : memref<1x256x128xf32, #tpu.memory_space<hbm>> -> memref<256x128xf32, #tpu.memory_space<hbm>>
    %dma_wait3A_661 = arith.constant 0 : i32
    %dma_wait3A_662 = tpu.memref_slice %arg2[%add3A_536, %dma_wait3A_661, %multiple_of3A_534] : memref<512x256x512xf32, #tpu.memory_space<hbm>> -> memref<1x256x128xf32, #tpu.memory_space<hbm>>
    %dma_wait3A_663 = tpu.memref_squeeze %dma_wait3A_662 : memref<1x256x128xf32, #tpu.memory_space<hbm>> -> memref<256x128xf32, #tpu.memory_space<hbm>>
    tpu.wait_dma2 semaphore(%arg7 : memref<!tpu.dma_semaphore, #tpu.memory_space<semaphore_mem>>) src(%dma_wait3A_663 : memref<256x128xf32, #tpu.memory_space<hbm>>) dst(%arg4 : memref<256x128xf32, #tpu.memory_space<vmem>>)
    %add3A_664 = arith.constant 5 : i32
    %add3A_665 = arith.addi %add3A_4, %add3A_664 : i32
    %jit3A_666 = arith.constant 128 : i32
    %div3A_667 = arith.divsi %add3A_665, %jit3A_666 : i32
    %sign3A_668 = arith.constant 0 : i32
    %sign3A_669 = arith.cmpi sgt, %add3A_665, %sign3A_668 : i32
    %sign3A_670 = arith.extui %sign3A_669 : i1 to i32
    %sign3A_671 = arith.constant 0 : i32
    %sign3A_672 = arith.cmpi slt, %add3A_665, %sign3A_671 : i32
    %sign3A_673 = arith.extui %sign3A_672 : i1 to i32
    %sign3A_674 = arith.subi %sign3A_670, %sign3A_673 : i32
    %sign3A_675 = arith.constant 0 : i32
    %sign3A_676 = arith.cmpi sgt, %jit3A_666, %sign3A_675 : i32
    %sign3A_677 = arith.extui %sign3A_676 : i1 to i32
    %sign3A_678 = arith.constant 0 : i32
    %sign3A_679 = arith.cmpi slt, %jit3A_666, %sign3A_678 : i32
    %sign3A_680 = arith.extui %sign3A_679 : i1 to i32
    %sign3A_681 = arith.subi %sign3A_677, %sign3A_680 : i32
    %ne3A_682 = arith.cmpi ne, %sign3A_674, %sign3A_681 : i32
    %rem3A_683 = arith.remsi %add3A_665, %jit3A_666 : i32
    %ne3A_684 = arith.constant 0 : i32
    %ne3A_685 = arith.cmpi ne, %rem3A_683, %ne3A_684 : i32
    %and3A_686 = arith.andi %ne3A_682, %ne3A_685 : i1
    %sub3A_687 = arith.constant 1 : i32
    %sub3A_688 = arith.subi %div3A_667, %sub3A_687 : i32
    %select_n3A_689 = arith.select %and3A_686, %sub3A_688, %div3A_667 : i32
    %mul3A_690 = arith.constant 128 : i32
    %mul3A_691 = arith.muli %select_n3A_689, %mul3A_690 : i32
    %multiple_of3A_692 = tpu.assume_multiple %mul3A_691, 128 : i32
    %add3A_693 = arith.constant 5 : i32
    %add3A_694 = arith.addi %add3A_4, %add3A_693 : i32
    %dma_start3A_695 = arith.constant 0 : i32
    %dma_start3A_696 = tpu.memref_slice %arg2[%add3A_694, %dma_start3A_695, %multiple_of3A_692] : memref<512x256x512xf32, #tpu.memory_space<hbm>> -> memref<1x256x128xf32, #tpu.memory_space<hbm>>
    %dma_start3A_697 = tpu.memref_squeeze %dma_start3A_696 : memref<1x256x128xf32, #tpu.memory_space<hbm>> -> memref<256x128xf32, #tpu.memory_space<hbm>>
    %dma_start3A_698 = arith.constant 0 : i32
    %dma_start3A_699 = tpu.memref_slice %arg2[%add3A_694, %dma_start3A_698, %multiple_of3A_692] : memref<512x256x512xf32, #tpu.memory_space<hbm>> -> memref<1x256x128xf32, #tpu.memory_space<hbm>>
    %dma_start3A_700 = tpu.memref_squeeze %dma_start3A_699 : memref<1x256x128xf32, #tpu.memory_space<hbm>> -> memref<256x128xf32, #tpu.memory_space<hbm>>
    tpu.enqueue_dma source(%dma_start3A_700 : memref<256x128xf32, #tpu.memory_space<hbm>>) target(%arg5 : memref<256x128xf32, #tpu.memory_space<vmem>>) target_semaphore(%arg8 : memref<!tpu.dma_semaphore, #tpu.memory_space<semaphore_mem>>)
    %add3A_701 = arith.constant 4 : i32
    %add3A_702 = arith.addi %add3A_4, %add3A_701 : i32
    %jit3A_703 = arith.constant 128 : i32
    %eq3A_704 = arith.constant 0 : i32
    %eq3A_705 = arith.cmpi eq, %jit3A_703, %eq3A_704 : i32
    %jit3A_706 = arith.constant 1 : i32
    %select_n3A_707 = arith.select %eq3A_705, %jit3A_706, %jit3A_703 : i32
    %rem3A_708 = arith.remsi %add3A_702, %select_n3A_707 : i32
    %ne3A_709 = arith.constant 0 : i32
    %ne3A_710 = arith.cmpi ne, %rem3A_708, %ne3A_709 : i32
    %lt3A_711 = arith.constant 0 : i32
    %lt3A_712 = arith.cmpi slt, %rem3A_708, %lt3A_711 : i32
    %lt3A_713 = arith.constant 0 : i32
    %lt3A_714 = arith.cmpi slt, %select_n3A_707, %lt3A_713 : i32
    %ne3A_715 = arith.xori %lt3A_712, %lt3A_714 : i1
    %and3A_716 = arith.andi %ne3A_715, %ne3A_710 : i1
    %add3A_717 = arith.addi %rem3A_708, %select_n3A_707 : i32
    %select_n3A_718 = arith.select %and3A_716, %add3A_717, %rem3A_708 : i32
    %broadcast_in_dim3A_719 = vector.broadcast %select_n3A_718 : i32 to vector<16xi32>
    %add3A_720 = arith.constant 0 : i32
    %add3A_721 = vector.broadcast %add3A_720 : i32 to vector<16xi32>
    %add3A_722 = arith.addi %add3A_721, %iota3A : vector<16xi32>
    %gather3A_723 = tpu.vector_load_idx %arg4[%add3A_722, %broadcast_in_dim3A_719] : memref<256x128xf32, #tpu.memory_space<vmem>>[vector<16xi32>, vector<16xi32>], vector<16xf32>,
    %swap3A_724 = arith.constant 1024 : index
    %swap3A_725 = tpu.vector_load %arg6[%swap3A_724] {strides = array<i32>} : memref<2560xf32, #tpu.memory_space<vmem>>, vector<16xf32>,
    tpu.vector_store %arg6[%swap3A_724], %gather3A_723 {strides = array<i32>} : memref<2560xf32, #tpu.memory_space<vmem>>, vector<16xf32>,
    %add3A_726 = arith.constant 16 : i32
    %add3A_727 = vector.broadcast %add3A_726 : i32 to vector<16xi32>
    %add3A_728 = arith.addi %add3A_727, %iota3A : vector<16xi32>
    %gather3A_729 = tpu.vector_load_idx %arg4[%add3A_728, %broadcast_in_dim3A_719] : memref<256x128xf32, #tpu.memory_space<vmem>>[vector<16xi32>, vector<16xi32>], vector<16xf32>,
    %swap3A_730 = arith.constant 1040 : index
    %swap3A_731 = tpu.vector_load %arg6[%swap3A_730] {strides = array<i32>} : memref<2560xf32, #tpu.memory_space<vmem>>, vector<16xf32>,
    tpu.vector_store %arg6[%swap3A_730], %gather3A_729 {strides = array<i32>} : memref<2560xf32, #tpu.memory_space<vmem>>, vector<16xf32>,
    %add3A_732 = arith.constant 32 : i32
    %add3A_733 = vector.broadcast %add3A_732 : i32 to vector<16xi32>
    %add3A_734 = arith.addi %add3A_733, %iota3A : vector<16xi32>
    %gather3A_735 = tpu.vector_load_idx %arg4[%add3A_734, %broadcast_in_dim3A_719] : memref<256x128xf32, #tpu.memory_space<vmem>>[vector<16xi32>, vector<16xi32>], vector<16xf32>,
    %swap3A_736 = arith.constant 1056 : index
    %swap3A_737 = tpu.vector_load %arg6[%swap3A_736] {strides = array<i32>} : memref<2560xf32, #tpu.memory_space<vmem>>, vector<16xf32>,
    tpu.vector_store %arg6[%swap3A_736], %gather3A_735 {strides = array<i32>} : memref<2560xf32, #tpu.memory_space<vmem>>, vector<16xf32>,
    %add3A_738 = arith.constant 48 : i32
    %add3A_739 = vector.broadcast %add3A_738 : i32 to vector<16xi32>
    %add3A_740 = arith.addi %add3A_739, %iota3A : vector<16xi32>
    %gather3A_741 = tpu.vector_load_idx %arg4[%add3A_740, %broadcast_in_dim3A_719] : memref<256x128xf32, #tpu.memory_space<vmem>>[vector<16xi32>, vector<16xi32>], vector<16xf32>,
    %swap3A_742 = arith.constant 1072 : index
    %swap3A_743 = tpu.vector_load %arg6[%swap3A_742] {strides = array<i32>} : memref<2560xf32, #tpu.memory_space<vmem>>, vector<16xf32>,
    tpu.vector_store %arg6[%swap3A_742], %gather3A_741 {strides = array<i32>} : memref<2560xf32, #tpu.memory_space<vmem>>, vector<16xf32>,
    %add3A_744 = arith.constant 64 : i32
    %add3A_745 = vector.broadcast %add3A_744 : i32 to vector<16xi32>
    %add3A_746 = arith.addi %add3A_745, %iota3A : vector<16xi32>
    %gather3A_747 = tpu.vector_load_idx %arg4[%add3A_746, %broadcast_in_dim3A_719] : memref<256x128xf32, #tpu.memory_space<vmem>>[vector<16xi32>, vector<16xi32>], vector<16xf32>,
    %swap3A_748 = arith.constant 1088 : index
    %swap3A_749 = tpu.vector_load %arg6[%swap3A_748] {strides = array<i32>} : memref<2560xf32, #tpu.memory_space<vmem>>, vector<16xf32>,
    tpu.vector_store %arg6[%swap3A_748], %gather3A_747 {strides = array<i32>} : memref<2560xf32, #tpu.memory_space<vmem>>, vector<16xf32>,
    %add3A_750 = arith.constant 80 : i32
    %add3A_751 = vector.broadcast %add3A_750 : i32 to vector<16xi32>
    %add3A_752 = arith.addi %add3A_751, %iota3A : vector<16xi32>
    %gather3A_753 = tpu.vector_load_idx %arg4[%add3A_752, %broadcast_in_dim3A_719] : memref<256x128xf32, #tpu.memory_space<vmem>>[vector<16xi32>, vector<16xi32>], vector<16xf32>,
    %swap3A_754 = arith.constant 1104 : index
    %swap3A_755 = tpu.vector_load %arg6[%swap3A_754] {strides = array<i32>} : memref<2560xf32, #tpu.memory_space<vmem>>, vector<16xf32>,
    tpu.vector_store %arg6[%swap3A_754], %gather3A_753 {strides = array<i32>} : memref<2560xf32, #tpu.memory_space<vmem>>, vector<16xf32>,
    %add3A_756 = arith.constant 96 : i32
    %add3A_757 = vector.broadcast %add3A_756 : i32 to vector<16xi32>
    %add3A_758 = arith.addi %add3A_757, %iota3A : vector<16xi32>
    %gather3A_759 = tpu.vector_load_idx %arg4[%add3A_758, %broadcast_in_dim3A_719] : memref<256x128xf32, #tpu.memory_space<vmem>>[vector<16xi32>, vector<16xi32>], vector<16xf32>,
    %swap3A_760 = arith.constant 1120 : index
    %swap3A_761 = tpu.vector_load %arg6[%swap3A_760] {strides = array<i32>} : memref<2560xf32, #tpu.memory_space<vmem>>, vector<16xf32>,
    tpu.vector_store %arg6[%swap3A_760], %gather3A_759 {strides = array<i32>} : memref<2560xf32, #tpu.memory_space<vmem>>, vector<16xf32>,
    %add3A_762 = arith.constant 112 : i32
    %add3A_763 = vector.broadcast %add3A_762 : i32 to vector<16xi32>
    %add3A_764 = arith.addi %add3A_763, %iota3A : vector<16xi32>
    %gather3A_765 = tpu.vector_load_idx %arg4[%add3A_764, %broadcast_in_dim3A_719] : memref<256x128xf32, #tpu.memory_space<vmem>>[vector<16xi32>, vector<16xi32>], vector<16xf32>,
    %swap3A_766 = arith.constant 1136 : index
    %swap3A_767 = tpu.vector_load %arg6[%swap3A_766] {strides = array<i32>} : memref<2560xf32, #tpu.memory_space<vmem>>, vector<16xf32>,
    tpu.vector_store %arg6[%swap3A_766], %gather3A_765 {strides = array<i32>} : memref<2560xf32, #tpu.memory_space<vmem>>, vector<16xf32>,
    %add3A_768 = arith.constant 128 : i32
    %add3A_769 = vector.broadcast %add3A_768 : i32 to vector<16xi32>
    %add3A_770 = arith.addi %add3A_769, %iota3A : vector<16xi32>
    %gather3A_771 = tpu.vector_load_idx %arg4[%add3A_770, %broadcast_in_dim3A_719] : memref<256x128xf32, #tpu.memory_space<vmem>>[vector<16xi32>, vector<16xi32>], vector<16xf32>,
    %swap3A_772 = arith.constant 1152 : index
    %swap3A_773 = tpu.vector_load %arg6[%swap3A_772] {strides = array<i32>} : memref<2560xf32, #tpu.memory_space<vmem>>, vector<16xf32>,
    tpu.vector_store %arg6[%swap3A_772], %gather3A_771 {strides = array<i32>} : memref<2560xf32, #tpu.memory_space<vmem>>, vector<16xf32>,
    %add3A_774 = arith.constant 144 : i32
    %add3A_775 = vector.broadcast %add3A_774 : i32 to vector<16xi32>
    %add3A_776 = arith.addi %add3A_775, %iota3A : vector<16xi32>
    %gather3A_777 = tpu.vector_load_idx %arg4[%add3A_776, %broadcast_in_dim3A_719] : memref<256x128xf32, #tpu.memory_space<vmem>>[vector<16xi32>, vector<16xi32>], vector<16xf32>,
    %swap3A_778 = arith.constant 1168 : index
    %swap3A_779 = tpu.vector_load %arg6[%swap3A_778] {strides = array<i32>} : memref<2560xf32, #tpu.memory_space<vmem>>, vector<16xf32>,
    tpu.vector_store %arg6[%swap3A_778], %gather3A_777 {strides = array<i32>} : memref<2560xf32, #tpu.memory_space<vmem>>, vector<16xf32>,
    %add3A_780 = arith.constant 160 : i32
    %add3A_781 = vector.broadcast %add3A_780 : i32 to vector<16xi32>
    %add3A_782 = arith.addi %add3A_781, %iota3A : vector<16xi32>
    %gather3A_783 = tpu.vector_load_idx %arg4[%add3A_782, %broadcast_in_dim3A_719] : memref<256x128xf32, #tpu.memory_space<vmem>>[vector<16xi32>, vector<16xi32>], vector<16xf32>,
    %swap3A_784 = arith.constant 1184 : index
    %swap3A_785 = tpu.vector_load %arg6[%swap3A_784] {strides = array<i32>} : memref<2560xf32, #tpu.memory_space<vmem>>, vector<16xf32>,
    tpu.vector_store %arg6[%swap3A_784], %gather3A_783 {strides = array<i32>} : memref<2560xf32, #tpu.memory_space<vmem>>, vector<16xf32>,
    %add3A_786 = arith.constant 176 : i32
    %add3A_787 = vector.broadcast %add3A_786 : i32 to vector<16xi32>
    %add3A_788 = arith.addi %add3A_787, %iota3A : vector<16xi32>
    %gather3A_789 = tpu.vector_load_idx %arg4[%add3A_788, %broadcast_in_dim3A_719] : memref<256x128xf32, #tpu.memory_space<vmem>>[vector<16xi32>, vector<16xi32>], vector<16xf32>,
    %swap3A_790 = arith.constant 1200 : index
    %swap3A_791 = tpu.vector_load %arg6[%swap3A_790] {strides = array<i32>} : memref<2560xf32, #tpu.memory_space<vmem>>, vector<16xf32>,
    tpu.vector_store %arg6[%swap3A_790], %gather3A_789 {strides = array<i32>} : memref<2560xf32, #tpu.memory_space<vmem>>, vector<16xf32>,
    %add3A_792 = arith.constant 192 : i32
    %add3A_793 = vector.broadcast %add3A_792 : i32 to vector<16xi32>
    %add3A_794 = arith.addi %add3A_793, %iota3A : vector<16xi32>
    %gather3A_795 = tpu.vector_load_idx %arg4[%add3A_794, %broadcast_in_dim3A_719] : memref<256x128xf32, #tpu.memory_space<vmem>>[vector<16xi32>, vector<16xi32>], vector<16xf32>,
    %swap3A_796 = arith.constant 1216 : index
    %swap3A_797 = tpu.vector_load %arg6[%swap3A_796] {strides = array<i32>} : memref<2560xf32, #tpu.memory_space<vmem>>, vector<16xf32>,
    tpu.vector_store %arg6[%swap3A_796], %gather3A_795 {strides = array<i32>} : memref<2560xf32, #tpu.memory_space<vmem>>, vector<16xf32>,
    %add3A_798 = arith.constant 208 : i32
    %add3A_799 = vector.broadcast %add3A_798 : i32 to vector<16xi32>
    %add3A_800 = arith.addi %add3A_799, %iota3A : vector<16xi32>
    %gather3A_801 = tpu.vector_load_idx %arg4[%add3A_800, %broadcast_in_dim3A_719] : memref<256x128xf32, #tpu.memory_space<vmem>>[vector<16xi32>, vector<16xi32>], vector<16xf32>,
    %swap3A_802 = arith.constant 1232 : index
    %swap3A_803 = tpu.vector_load %arg6[%swap3A_802] {strides = array<i32>} : memref<2560xf32, #tpu.memory_space<vmem>>, vector<16xf32>,
    tpu.vector_store %arg6[%swap3A_802], %gather3A_801 {strides = array<i32>} : memref<2560xf32, #tpu.memory_space<vmem>>, vector<16xf32>,
    %add3A_804 = arith.constant 224 : i32
    %add3A_805 = vector.broadcast %add3A_804 : i32 to vector<16xi32>
    %add3A_806 = arith.addi %add3A_805, %iota3A : vector<16xi32>
    %gather3A_807 = tpu.vector_load_idx %arg4[%add3A_806, %broadcast_in_dim3A_719] : memref<256x128xf32, #tpu.memory_space<vmem>>[vector<16xi32>, vector<16xi32>], vector<16xf32>,
    %swap3A_808 = arith.constant 1248 : index
    %swap3A_809 = tpu.vector_load %arg6[%swap3A_808] {strides = array<i32>} : memref<2560xf32, #tpu.memory_space<vmem>>, vector<16xf32>,
    tpu.vector_store %arg6[%swap3A_808], %gather3A_807 {strides = array<i32>} : memref<2560xf32, #tpu.memory_space<vmem>>, vector<16xf32>,
    %add3A_810 = arith.constant 240 : i32
    %add3A_811 = vector.broadcast %add3A_810 : i32 to vector<16xi32>
    %add3A_812 = arith.addi %add3A_811, %iota3A : vector<16xi32>
    %gather3A_813 = tpu.vector_load_idx %arg4[%add3A_812, %broadcast_in_dim3A_719] : memref<256x128xf32, #tpu.memory_space<vmem>>[vector<16xi32>, vector<16xi32>], vector<16xf32>,
    %swap3A_814 = arith.constant 1264 : index
    %swap3A_815 = tpu.vector_load %arg6[%swap3A_814] {strides = array<i32>} : memref<2560xf32, #tpu.memory_space<vmem>>, vector<16xf32>,
    tpu.vector_store %arg6[%swap3A_814], %gather3A_813 {strides = array<i32>} : memref<2560xf32, #tpu.memory_space<vmem>>, vector<16xf32>,
    %dma_wait3A_816 = arith.constant 0 : i32
    %dma_wait3A_817 = tpu.memref_slice %arg2[%add3A_694, %dma_wait3A_816, %multiple_of3A_692] : memref<512x256x512xf32, #tpu.memory_space<hbm>> -> memref<1x256x128xf32, #tpu.memory_space<hbm>>
    %dma_wait3A_818 = tpu.memref_squeeze %dma_wait3A_817 : memref<1x256x128xf32, #tpu.memory_space<hbm>> -> memref<256x128xf32, #tpu.memory_space<hbm>>
    %dma_wait3A_819 = arith.constant 0 : i32
    %dma_wait3A_820 = tpu.memref_slice %arg2[%add3A_694, %dma_wait3A_819, %multiple_of3A_692] : memref<512x256x512xf32, #tpu.memory_space<hbm>> -> memref<1x256x128xf32, #tpu.memory_space<hbm>>
    %dma_wait3A_821 = tpu.memref_squeeze %dma_wait3A_820 : memref<1x256x128xf32, #tpu.memory_space<hbm>> -> memref<256x128xf32, #tpu.memory_space<hbm>>
    tpu.wait_dma2 semaphore(%arg8 : memref<!tpu.dma_semaphore, #tpu.memory_space<semaphore_mem>>) src(%dma_wait3A_821 : memref<256x128xf32, #tpu.memory_space<hbm>>) dst(%arg5 : memref<256x128xf32, #tpu.memory_space<vmem>>)
    %add3A_822 = arith.constant 6 : i32
    %add3A_823 = arith.addi %add3A_4, %add3A_822 : i32
    %jit3A_824 = arith.constant 128 : i32
    %div3A_825 = arith.divsi %add3A_823, %jit3A_824 : i32
    %sign3A_826 = arith.constant 0 : i32
    %sign3A_827 = arith.cmpi sgt, %add3A_823, %sign3A_826 : i32
    %sign3A_828 = arith.extui %sign3A_827 : i1 to i32
    %sign3A_829 = arith.constant 0 : i32
    %sign3A_830 = arith.cmpi slt, %add3A_823, %sign3A_829 : i32
    %sign3A_831 = arith.extui %sign3A_830 : i1 to i32
    %sign3A_832 = arith.subi %sign3A_828, %sign3A_831 : i32
    %sign3A_833 = arith.constant 0 : i32
    %sign3A_834 = arith.cmpi sgt, %jit3A_824, %sign3A_833 : i32
    %sign3A_835 = arith.extui %sign3A_834 : i1 to i32
    %sign3A_836 = arith.constant 0 : i32
    %sign3A_837 = arith.cmpi slt, %jit3A_824, %sign3A_836 : i32
    %sign3A_838 = arith.extui %sign3A_837 : i1 to i32
    %sign3A_839 = arith.subi %sign3A_835, %sign3A_838 : i32
    %ne3A_840 = arith.cmpi ne, %sign3A_832, %sign3A_839 : i32
    %rem3A_841 = arith.remsi %add3A_823, %jit3A_824 : i32
    %ne3A_842 = arith.constant 0 : i32
    %ne3A_843 = arith.cmpi ne, %rem3A_841, %ne3A_842 : i32
    %and3A_844 = arith.andi %ne3A_840, %ne3A_843 : i1
    %sub3A_845 = arith.constant 1 : i32
    %sub3A_846 = arith.subi %div3A_825, %sub3A_845 : i32
    %select_n3A_847 = arith.select %and3A_844, %sub3A_846, %div3A_825 : i32
    %mul3A_848 = arith.constant 128 : i32
    %mul3A_849 = arith.muli %select_n3A_847, %mul3A_848 : i32
    %multiple_of3A_850 = tpu.assume_multiple %mul3A_849, 128 : i32
    %add3A_851 = arith.constant 6 : i32
    %add3A_852 = arith.addi %add3A_4, %add3A_851 : i32
    %dma_start3A_853 = arith.constant 0 : i32
    %dma_start3A_854 = tpu.memref_slice %arg2[%add3A_852, %dma_start3A_853, %multiple_of3A_850] : memref<512x256x512xf32, #tpu.memory_space<hbm>> -> memref<1x256x128xf32, #tpu.memory_space<hbm>>
    %dma_start3A_855 = tpu.memref_squeeze %dma_start3A_854 : memref<1x256x128xf32, #tpu.memory_space<hbm>> -> memref<256x128xf32, #tpu.memory_space<hbm>>
    %dma_start3A_856 = arith.constant 0 : i32
    %dma_start3A_857 = tpu.memref_slice %arg2[%add3A_852, %dma_start3A_856, %multiple_of3A_850] : memref<512x256x512xf32, #tpu.memory_space<hbm>> -> memref<1x256x128xf32, #tpu.memory_space<hbm>>
    %dma_start3A_858 = tpu.memref_squeeze %dma_start3A_857 : memref<1x256x128xf32, #tpu.memory_space<hbm>> -> memref<256x128xf32, #tpu.memory_space<hbm>>
    tpu.enqueue_dma source(%dma_start3A_858 : memref<256x128xf32, #tpu.memory_space<hbm>>) target(%arg4 : memref<256x128xf32, #tpu.memory_space<vmem>>) target_semaphore(%arg7 : memref<!tpu.dma_semaphore, #tpu.memory_space<semaphore_mem>>)
    %add3A_859 = arith.constant 5 : i32
    %add3A_860 = arith.addi %add3A_4, %add3A_859 : i32
    %jit3A_861 = arith.constant 128 : i32
    %eq3A_862 = arith.constant 0 : i32
    %eq3A_863 = arith.cmpi eq, %jit3A_861, %eq3A_862 : i32
    %jit3A_864 = arith.constant 1 : i32
    %select_n3A_865 = arith.select %eq3A_863, %jit3A_864, %jit3A_861 : i32
    %rem3A_866 = arith.remsi %add3A_860, %select_n3A_865 : i32
    %ne3A_867 = arith.constant 0 : i32
    %ne3A_868 = arith.cmpi ne, %rem3A_866, %ne3A_867 : i32
    %lt3A_869 = arith.constant 0 : i32
    %lt3A_870 = arith.cmpi slt, %rem3A_866, %lt3A_869 : i32
    %lt3A_871 = arith.constant 0 : i32
    %lt3A_872 = arith.cmpi slt, %select_n3A_865, %lt3A_871 : i32
    %ne3A_873 = arith.xori %lt3A_870, %lt3A_872 : i1
    %and3A_874 = arith.andi %ne3A_873, %ne3A_868 : i1
    %add3A_875 = arith.addi %rem3A_866, %select_n3A_865 : i32
    %select_n3A_876 = arith.select %and3A_874, %add3A_875, %rem3A_866 : i32
    %broadcast_in_dim3A_877 = vector.broadcast %select_n3A_876 : i32 to vector<16xi32>
    %add3A_878 = arith.constant 0 : i32
    %add3A_879 = vector.broadcast %add3A_878 : i32 to vector<16xi32>
    %add3A_880 = arith.addi %add3A_879, %iota3A : vector<16xi32>
    %gather3A_881 = tpu.vector_load_idx %arg5[%add3A_880, %broadcast_in_dim3A_877] : memref<256x128xf32, #tpu.memory_space<vmem>>[vector<16xi32>, vector<16xi32>], vector<16xf32>,
    %swap3A_882 = arith.constant 1280 : index
    %swap3A_883 = tpu.vector_load %arg6[%swap3A_882] {strides = array<i32>} : memref<2560xf32, #tpu.memory_space<vmem>>, vector<16xf32>,
    tpu.vector_store %arg6[%swap3A_882], %gather3A_881 {strides = array<i32>} : memref<2560xf32, #tpu.memory_space<vmem>>, vector<16xf32>,
    %add3A_884 = arith.constant 16 : i32
    %add3A_885 = vector.broadcast %add3A_884 : i32 to vector<16xi32>
    %add3A_886 = arith.addi %add3A_885, %iota3A : vector<16xi32>
    %gather3A_887 = tpu.vector_load_idx %arg5[%add3A_886, %broadcast_in_dim3A_877] : memref<256x128xf32, #tpu.memory_space<vmem>>[vector<16xi32>, vector<16xi32>], vector<16xf32>,
    %swap3A_888 = arith.constant 1296 : index
    %swap3A_889 = tpu.vector_load %arg6[%swap3A_888] {strides = array<i32>} : memref<2560xf32, #tpu.memory_space<vmem>>, vector<16xf32>,
    tpu.vector_store %arg6[%swap3A_888], %gather3A_887 {strides = array<i32>} : memref<2560xf32, #tpu.memory_space<vmem>>, vector<16xf32>,
    %add3A_890 = arith.constant 32 : i32
    %add3A_891 = vector.broadcast %add3A_890 : i32 to vector<16xi32>
    %add3A_892 = arith.addi %add3A_891, %iota3A : vector<16xi32>
    %gather3A_893 = tpu.vector_load_idx %arg5[%add3A_892, %broadcast_in_dim3A_877] : memref<256x128xf32, #tpu.memory_space<vmem>>[vector<16xi32>, vector<16xi32>], vector<16xf32>,
    %swap3A_894 = arith.constant 1312 : index
    %swap3A_895 = tpu.vector_load %arg6[%swap3A_894] {strides = array<i32>} : memref<2560xf32, #tpu.memory_space<vmem>>, vector<16xf32>,
    tpu.vector_store %arg6[%swap3A_894], %gather3A_893 {strides = array<i32>} : memref<2560xf32, #tpu.memory_space<vmem>>, vector<16xf32>,
    %add3A_896 = arith.constant 48 : i32
    %add3A_897 = vector.broadcast %add3A_896 : i32 to vector<16xi32>
    %add3A_898 = arith.addi %add3A_897, %iota3A : vector<16xi32>
    %gather3A_899 = tpu.vector_load_idx %arg5[%add3A_898, %broadcast_in_dim3A_877] : memref<256x128xf32, #tpu.memory_space<vmem>>[vector<16xi32>, vector<16xi32>], vector<16xf32>,
    %swap3A_900 = arith.constant 1328 : index
    %swap3A_901 = tpu.vector_load %arg6[%swap3A_900] {strides = array<i32>} : memref<2560xf32, #tpu.memory_space<vmem>>, vector<16xf32>,
    tpu.vector_store %arg6[%swap3A_900], %gather3A_899 {strides = array<i32>} : memref<2560xf32, #tpu.memory_space<vmem>>, vector<16xf32>,
    %add3A_902 = arith.constant 64 : i32
    %add3A_903 = vector.broadcast %add3A_902 : i32 to vector<16xi32>
    %add3A_904 = arith.addi %add3A_903, %iota3A : vector<16xi32>
    %gather3A_905 = tpu.vector_load_idx %arg5[%add3A_904, %broadcast_in_dim3A_877] : memref<256x128xf32, #tpu.memory_space<vmem>>[vector<16xi32>, vector<16xi32>], vector<16xf32>,
    %swap3A_906 = arith.constant 1344 : index
    %swap3A_907 = tpu.vector_load %arg6[%swap3A_906] {strides = array<i32>} : memref<2560xf32, #tpu.memory_space<vmem>>, vector<16xf32>,
    tpu.vector_store %arg6[%swap3A_906], %gather3A_905 {strides = array<i32>} : memref<2560xf32, #tpu.memory_space<vmem>>, vector<16xf32>,
    %add3A_908 = arith.constant 80 : i32
    %add3A_909 = vector.broadcast %add3A_908 : i32 to vector<16xi32>
    %add3A_910 = arith.addi %add3A_909, %iota3A : vector<16xi32>
    %gather3A_911 = tpu.vector_load_idx %arg5[%add3A_910, %broadcast_in_dim3A_877] : memref<256x128xf32, #tpu.memory_space<vmem>>[vector<16xi32>, vector<16xi32>], vector<16xf32>,
    %swap3A_912 = arith.constant 1360 : index
    %swap3A_913 = tpu.vector_load %arg6[%swap3A_912] {strides = array<i32>} : memref<2560xf32, #tpu.memory_space<vmem>>, vector<16xf32>,
    tpu.vector_store %arg6[%swap3A_912], %gather3A_911 {strides = array<i32>} : memref<2560xf32, #tpu.memory_space<vmem>>, vector<16xf32>,
    %add3A_914 = arith.constant 96 : i32
    %add3A_915 = vector.broadcast %add3A_914 : i32 to vector<16xi32>
    %add3A_916 = arith.addi %add3A_915, %iota3A : vector<16xi32>
    %gather3A_917 = tpu.vector_load_idx %arg5[%add3A_916, %broadcast_in_dim3A_877] : memref<256x128xf32, #tpu.memory_space<vmem>>[vector<16xi32>, vector<16xi32>], vector<16xf32>,
    %swap3A_918 = arith.constant 1376 : index
    %swap3A_919 = tpu.vector_load %arg6[%swap3A_918] {strides = array<i32>} : memref<2560xf32, #tpu.memory_space<vmem>>, vector<16xf32>,
    tpu.vector_store %arg6[%swap3A_918], %gather3A_917 {strides = array<i32>} : memref<2560xf32, #tpu.memory_space<vmem>>, vector<16xf32>,
    %add3A_920 = arith.constant 112 : i32
    %add3A_921 = vector.broadcast %add3A_920 : i32 to vector<16xi32>
    %add3A_922 = arith.addi %add3A_921, %iota3A : vector<16xi32>
    %gather3A_923 = tpu.vector_load_idx %arg5[%add3A_922, %broadcast_in_dim3A_877] : memref<256x128xf32, #tpu.memory_space<vmem>>[vector<16xi32>, vector<16xi32>], vector<16xf32>,
    %swap3A_924 = arith.constant 1392 : index
    %swap3A_925 = tpu.vector_load %arg6[%swap3A_924] {strides = array<i32>} : memref<2560xf32, #tpu.memory_space<vmem>>, vector<16xf32>,
    tpu.vector_store %arg6[%swap3A_924], %gather3A_923 {strides = array<i32>} : memref<2560xf32, #tpu.memory_space<vmem>>, vector<16xf32>,
    %add3A_926 = arith.constant 128 : i32
    %add3A_927 = vector.broadcast %add3A_926 : i32 to vector<16xi32>
    %add3A_928 = arith.addi %add3A_927, %iota3A : vector<16xi32>
    %gather3A_929 = tpu.vector_load_idx %arg5[%add3A_928, %broadcast_in_dim3A_877] : memref<256x128xf32, #tpu.memory_space<vmem>>[vector<16xi32>, vector<16xi32>], vector<16xf32>,
    %swap3A_930 = arith.constant 1408 : index
    %swap3A_931 = tpu.vector_load %arg6[%swap3A_930] {strides = array<i32>} : memref<2560xf32, #tpu.memory_space<vmem>>, vector<16xf32>,
    tpu.vector_store %arg6[%swap3A_930], %gather3A_929 {strides = array<i32>} : memref<2560xf32, #tpu.memory_space<vmem>>, vector<16xf32>,
    %add3A_932 = arith.constant 144 : i32
    %add3A_933 = vector.broadcast %add3A_932 : i32 to vector<16xi32>
    %add3A_934 = arith.addi %add3A_933, %iota3A : vector<16xi32>
    %gather3A_935 = tpu.vector_load_idx %arg5[%add3A_934, %broadcast_in_dim3A_877] : memref<256x128xf32, #tpu.memory_space<vmem>>[vector<16xi32>, vector<16xi32>], vector<16xf32>,
    %swap3A_936 = arith.constant 1424 : index
    %swap3A_937 = tpu.vector_load %arg6[%swap3A_936] {strides = array<i32>} : memref<2560xf32, #tpu.memory_space<vmem>>, vector<16xf32>,
    tpu.vector_store %arg6[%swap3A_936], %gather3A_935 {strides = array<i32>} : memref<2560xf32, #tpu.memory_space<vmem>>, vector<16xf32>,
    %add3A_938 = arith.constant 160 : i32
    %add3A_939 = vector.broadcast %add3A_938 : i32 to vector<16xi32>
    %add3A_940 = arith.addi %add3A_939, %iota3A : vector<16xi32>
    %gather3A_941 = tpu.vector_load_idx %arg5[%add3A_940, %broadcast_in_dim3A_877] : memref<256x128xf32, #tpu.memory_space<vmem>>[vector<16xi32>, vector<16xi32>], vector<16xf32>,
    %swap3A_942 = arith.constant 1440 : index
    %swap3A_943 = tpu.vector_load %arg6[%swap3A_942] {strides = array<i32>} : memref<2560xf32, #tpu.memory_space<vmem>>, vector<16xf32>,
    tpu.vector_store %arg6[%swap3A_942], %gather3A_941 {strides = array<i32>} : memref<2560xf32, #tpu.memory_space<vmem>>, vector<16xf32>,
    %add3A_944 = arith.constant 176 : i32
    %add3A_945 = vector.broadcast %add3A_944 : i32 to vector<16xi32>
    %add3A_946 = arith.addi %add3A_945, %iota3A : vector<16xi32>
    %gather3A_947 = tpu.vector_load_idx %arg5[%add3A_946, %broadcast_in_dim3A_877] : memref<256x128xf32, #tpu.memory_space<vmem>>[vector<16xi32>, vector<16xi32>], vector<16xf32>,
    %swap3A_948 = arith.constant 1456 : index
    %swap3A_949 = tpu.vector_load %arg6[%swap3A_948] {strides = array<i32>} : memref<2560xf32, #tpu.memory_space<vmem>>, vector<16xf32>,
    tpu.vector_store %arg6[%swap3A_948], %gather3A_947 {strides = array<i32>} : memref<2560xf32, #tpu.memory_space<vmem>>, vector<16xf32>,
    %add3A_950 = arith.constant 192 : i32
    %add3A_951 = vector.broadcast %add3A_950 : i32 to vector<16xi32>
    %add3A_952 = arith.addi %add3A_951, %iota3A : vector<16xi32>
    %gather3A_953 = tpu.vector_load_idx %arg5[%add3A_952, %broadcast_in_dim3A_877] : memref<256x128xf32, #tpu.memory_space<vmem>>[vector<16xi32>, vector<16xi32>], vector<16xf32>,
    %swap3A_954 = arith.constant 1472 : index
    %swap3A_955 = tpu.vector_load %arg6[%swap3A_954] {strides = array<i32>} : memref<2560xf32, #tpu.memory_space<vmem>>, vector<16xf32>,
    tpu.vector_store %arg6[%swap3A_954], %gather3A_953 {strides = array<i32>} : memref<2560xf32, #tpu.memory_space<vmem>>, vector<16xf32>,
    %add3A_956 = arith.constant 208 : i32
    %add3A_957 = vector.broadcast %add3A_956 : i32 to vector<16xi32>
    %add3A_958 = arith.addi %add3A_957, %iota3A : vector<16xi32>
    %gather3A_959 = tpu.vector_load_idx %arg5[%add3A_958, %broadcast_in_dim3A_877] : memref<256x128xf32, #tpu.memory_space<vmem>>[vector<16xi32>, vector<16xi32>], vector<16xf32>,
    %swap3A_960 = arith.constant 1488 : index
    %swap3A_961 = tpu.vector_load %arg6[%swap3A_960] {strides = array<i32>} : memref<2560xf32, #tpu.memory_space<vmem>>, vector<16xf32>,
    tpu.vector_store %arg6[%swap3A_960], %gather3A_959 {strides = array<i32>} : memref<2560xf32, #tpu.memory_space<vmem>>, vector<16xf32>,
    %add3A_962 = arith.constant 224 : i32
    %add3A_963 = vector.broadcast %add3A_962 : i32 to vector<16xi32>
    %add3A_964 = arith.addi %add3A_963, %iota3A : vector<16xi32>
    %gather3A_965 = tpu.vector_load_idx %arg5[%add3A_964, %broadcast_in_dim3A_877] : memref<256x128xf32, #tpu.memory_space<vmem>>[vector<16xi32>, vector<16xi32>], vector<16xf32>,
    %swap3A_966 = arith.constant 1504 : index
    %swap3A_967 = tpu.vector_load %arg6[%swap3A_966] {strides = array<i32>} : memref<2560xf32, #tpu.memory_space<vmem>>, vector<16xf32>,
    tpu.vector_store %arg6[%swap3A_966], %gather3A_965 {strides = array<i32>} : memref<2560xf32, #tpu.memory_space<vmem>>, vector<16xf32>,
    %add3A_968 = arith.constant 240 : i32
    %add3A_969 = vector.broadcast %add3A_968 : i32 to vector<16xi32>
    %add3A_970 = arith.addi %add3A_969, %iota3A : vector<16xi32>
    %gather3A_971 = tpu.vector_load_idx %arg5[%add3A_970, %broadcast_in_dim3A_877] : memref<256x128xf32, #tpu.memory_space<vmem>>[vector<16xi32>, vector<16xi32>], vector<16xf32>,
    %swap3A_972 = arith.constant 1520 : index
    %swap3A_973 = tpu.vector_load %arg6[%swap3A_972] {strides = array<i32>} : memref<2560xf32, #tpu.memory_space<vmem>>, vector<16xf32>,
    tpu.vector_store %arg6[%swap3A_972], %gather3A_971 {strides = array<i32>} : memref<2560xf32, #tpu.memory_space<vmem>>, vector<16xf32>,
    %dma_wait3A_974 = arith.constant 0 : i32
    %dma_wait3A_975 = tpu.memref_slice %arg2[%add3A_852, %dma_wait3A_974, %multiple_of3A_850] : memref<512x256x512xf32, #tpu.memory_space<hbm>> -> memref<1x256x128xf32, #tpu.memory_space<hbm>>
    %dma_wait3A_976 = tpu.memref_squeeze %dma_wait3A_975 : memref<1x256x128xf32, #tpu.memory_space<hbm>> -> memref<256x128xf32, #tpu.memory_space<hbm>>
    %dma_wait3A_977 = arith.constant 0 : i32
    %dma_wait3A_978 = tpu.memref_slice %arg2[%add3A_852, %dma_wait3A_977, %multiple_of3A_850] : memref<512x256x512xf32, #tpu.memory_space<hbm>> -> memref<1x256x128xf32, #tpu.memory_space<hbm>>
    %dma_wait3A_979 = tpu.memref_squeeze %dma_wait3A_978 : memref<1x256x128xf32, #tpu.memory_space<hbm>> -> memref<256x128xf32, #tpu.memory_space<hbm>>
    tpu.wait_dma2 semaphore(%arg7 : memref<!tpu.dma_semaphore, #tpu.memory_space<semaphore_mem>>) src(%dma_wait3A_979 : memref<256x128xf32, #tpu.memory_space<hbm>>) dst(%arg4 : memref<256x128xf32, #tpu.memory_space<vmem>>)
    %add3A_980 = arith.constant 7 : i32
    %add3A_981 = arith.addi %add3A_4, %add3A_980 : i32
    %jit3A_982 = arith.constant 128 : i32
    %div3A_983 = arith.divsi %add3A_981, %jit3A_982 : i32
    %sign3A_984 = arith.constant 0 : i32
    %sign3A_985 = arith.cmpi sgt, %add3A_981, %sign3A_984 : i32
    %sign3A_986 = arith.extui %sign3A_985 : i1 to i32
    %sign3A_987 = arith.constant 0 : i32
    %sign3A_988 = arith.cmpi slt, %add3A_981, %sign3A_987 : i32
    %sign3A_989 = arith.extui %sign3A_988 : i1 to i32
    %sign3A_990 = arith.subi %sign3A_986, %sign3A_989 : i32
    %sign3A_991 = arith.constant 0 : i32
    %sign3A_992 = arith.cmpi sgt, %jit3A_982, %sign3A_991 : i32
    %sign3A_993 = arith.extui %sign3A_992 : i1 to i32
    %sign3A_994 = arith.constant 0 : i32
    %sign3A_995 = arith.cmpi slt, %jit3A_982, %sign3A_994 : i32
    %sign3A_996 = arith.extui %sign3A_995 : i1 to i32
    %sign3A_997 = arith.subi %sign3A_993, %sign3A_996 : i32
    %ne3A_998 = arith.cmpi ne, %sign3A_990, %sign3A_997 : i32
    %rem3A_999 = arith.remsi %add3A_981, %jit3A_982 : i32
    %ne3A_1000 = arith.constant 0 : i32
    %ne3A_1001 = arith.cmpi ne, %rem3A_999, %ne3A_1000 : i32
    %and3A_1002 = arith.andi %ne3A_998, %ne3A_1001 : i1
    %sub3A_1003 = arith.constant 1 : i32
    %sub3A_1004 = arith.subi %div3A_983, %sub3A_1003 : i32
    %select_n3A_1005 = arith.select %and3A_1002, %sub3A_1004, %div3A_983 : i32
    %mul3A_1006 = arith.constant 128 : i32
    %mul3A_1007 = arith.muli %select_n3A_1005, %mul3A_1006 : i32
    %multiple_of3A_1008 = tpu.assume_multiple %mul3A_1007, 128 : i32
    %add3A_1009 = arith.constant 7 : i32
    %add3A_1010 = arith.addi %add3A_4, %add3A_1009 : i32
    %dma_start3A_1011 = arith.constant 0 : i32
    %dma_start3A_1012 = tpu.memref_slice %arg2[%add3A_1010, %dma_start3A_1011, %multiple_of3A_1008] : memref<512x256x512xf32, #tpu.memory_space<hbm>> -> memref<1x256x128xf32, #tpu.memory_space<hbm>>
    %dma_start3A_1013 = tpu.memref_squeeze %dma_start3A_1012 : memref<1x256x128xf32, #tpu.memory_space<hbm>> -> memref<256x128xf32, #tpu.memory_space<hbm>>
    %dma_start3A_1014 = arith.constant 0 : i32
    %dma_start3A_1015 = tpu.memref_slice %arg2[%add3A_1010, %dma_start3A_1014, %multiple_of3A_1008] : memref<512x256x512xf32, #tpu.memory_space<hbm>> -> memref<1x256x128xf32, #tpu.memory_space<hbm>>
    %dma_start3A_1016 = tpu.memref_squeeze %dma_start3A_1015 : memref<1x256x128xf32, #tpu.memory_space<hbm>> -> memref<256x128xf32, #tpu.memory_space<hbm>>
    tpu.enqueue_dma source(%dma_start3A_1016 : memref<256x128xf32, #tpu.memory_space<hbm>>) target(%arg5 : memref<256x128xf32, #tpu.memory_space<vmem>>) target_semaphore(%arg8 : memref<!tpu.dma_semaphore, #tpu.memory_space<semaphore_mem>>)
    %add3A_1017 = arith.constant 6 : i32
    %add3A_1018 = arith.addi %add3A_4, %add3A_1017 : i32
    %jit3A_1019 = arith.constant 128 : i32
    %eq3A_1020 = arith.constant 0 : i32
    %eq3A_1021 = arith.cmpi eq, %jit3A_1019, %eq3A_1020 : i32
    %jit3A_1022 = arith.constant 1 : i32
    %select_n3A_1023 = arith.select %eq3A_1021, %jit3A_1022, %jit3A_1019 : i32
    %rem3A_1024 = arith.remsi %add3A_1018, %select_n3A_1023 : i32
    %ne3A_1025 = arith.constant 0 : i32
    %ne3A_1026 = arith.cmpi ne, %rem3A_1024, %ne3A_1025 : i32
    %lt3A_1027 = arith.constant 0 : i32
    %lt3A_1028 = arith.cmpi slt, %rem3A_1024, %lt3A_1027 : i32
    %lt3A_1029 = arith.constant 0 : i32
    %lt3A_1030 = arith.cmpi slt, %select_n3A_1023, %lt3A_1029 : i32
    %ne3A_1031 = arith.xori %lt3A_1028, %lt3A_1030 : i1
    %and3A_1032 = arith.andi %ne3A_1031, %ne3A_1026 : i1
    %add3A_1033 = arith.addi %rem3A_1024, %select_n3A_1023 : i32
    %select_n3A_1034 = arith.select %and3A_1032, %add3A_1033, %rem3A_1024 : i32
    %broadcast_in_dim3A_1035 = vector.broadcast %select_n3A_1034 : i32 to vector<16xi32>
    %add3A_1036 = arith.constant 0 : i32
    %add3A_1037 = vector.broadcast %add3A_1036 : i32 to vector<16xi32>
    %add3A_1038 = arith.addi %add3A_1037, %iota3A : vector<16xi32>
    %gather3A_1039 = tpu.vector_load_idx %arg4[%add3A_1038, %broadcast_in_dim3A_1035] : memref<256x128xf32, #tpu.memory_space<vmem>>[vector<16xi32>, vector<16xi32>], vector<16xf32>,
    %swap3A_1040 = arith.constant 1536 : index
    %swap3A_1041 = tpu.vector_load %arg6[%swap3A_1040] {strides = array<i32>} : memref<2560xf32, #tpu.memory_space<vmem>>, vector<16xf32>,
    tpu.vector_store %arg6[%swap3A_1040], %gather3A_1039 {strides = array<i32>} : memref<2560xf32, #tpu.memory_space<vmem>>, vector<16xf32>,
    %add3A_1042 = arith.constant 16 : i32
    %add3A_1043 = vector.broadcast %add3A_1042 : i32 to vector<16xi32>
    %add3A_1044 = arith.addi %add3A_1043, %iota3A : vector<16xi32>
    %gather3A_1045 = tpu.vector_load_idx %arg4[%add3A_1044, %broadcast_in_dim3A_1035] : memref<256x128xf32, #tpu.memory_space<vmem>>[vector<16xi32>, vector<16xi32>], vector<16xf32>,
    %swap3A_1046 = arith.constant 1552 : index
    %swap3A_1047 = tpu.vector_load %arg6[%swap3A_1046] {strides = array<i32>} : memref<2560xf32, #tpu.memory_space<vmem>>, vector<16xf32>,
    tpu.vector_store %arg6[%swap3A_1046], %gather3A_1045 {strides = array<i32>} : memref<2560xf32, #tpu.memory_space<vmem>>, vector<16xf32>,
    %add3A_1048 = arith.constant 32 : i32
    %add3A_1049 = vector.broadcast %add3A_1048 : i32 to vector<16xi32>
    %add3A_1050 = arith.addi %add3A_1049, %iota3A : vector<16xi32>
    %gather3A_1051 = tpu.vector_load_idx %arg4[%add3A_1050, %broadcast_in_dim3A_1035] : memref<256x128xf32, #tpu.memory_space<vmem>>[vector<16xi32>, vector<16xi32>], vector<16xf32>,
    %swap3A_1052 = arith.constant 1568 : index
    %swap3A_1053 = tpu.vector_load %arg6[%swap3A_1052] {strides = array<i32>} : memref<2560xf32, #tpu.memory_space<vmem>>, vector<16xf32>,
    tpu.vector_store %arg6[%swap3A_1052], %gather3A_1051 {strides = array<i32>} : memref<2560xf32, #tpu.memory_space<vmem>>, vector<16xf32>,
    %add3A_1054 = arith.constant 48 : i32
    %add3A_1055 = vector.broadcast %add3A_1054 : i32 to vector<16xi32>
    %add3A_1056 = arith.addi %add3A_1055, %iota3A : vector<16xi32>
    %gather3A_1057 = tpu.vector_load_idx %arg4[%add3A_1056, %broadcast_in_dim3A_1035] : memref<256x128xf32, #tpu.memory_space<vmem>>[vector<16xi32>, vector<16xi32>], vector<16xf32>,
    %swap3A_1058 = arith.constant 1584 : index
    %swap3A_1059 = tpu.vector_load %arg6[%swap3A_1058] {strides = array<i32>} : memref<2560xf32, #tpu.memory_space<vmem>>, vector<16xf32>,
    tpu.vector_store %arg6[%swap3A_1058], %gather3A_1057 {strides = array<i32>} : memref<2560xf32, #tpu.memory_space<vmem>>, vector<16xf32>,
    %add3A_1060 = arith.constant 64 : i32
    %add3A_1061 = vector.broadcast %add3A_1060 : i32 to vector<16xi32>
    %add3A_1062 = arith.addi %add3A_1061, %iota3A : vector<16xi32>
    %gather3A_1063 = tpu.vector_load_idx %arg4[%add3A_1062, %broadcast_in_dim3A_1035] : memref<256x128xf32, #tpu.memory_space<vmem>>[vector<16xi32>, vector<16xi32>], vector<16xf32>,
    %swap3A_1064 = arith.constant 1600 : index
    %swap3A_1065 = tpu.vector_load %arg6[%swap3A_1064] {strides = array<i32>} : memref<2560xf32, #tpu.memory_space<vmem>>, vector<16xf32>,
    tpu.vector_store %arg6[%swap3A_1064], %gather3A_1063 {strides = array<i32>} : memref<2560xf32, #tpu.memory_space<vmem>>, vector<16xf32>,
    %add3A_1066 = arith.constant 80 : i32
    %add3A_1067 = vector.broadcast %add3A_1066 : i32 to vector<16xi32>
    %add3A_1068 = arith.addi %add3A_1067, %iota3A : vector<16xi32>
    %gather3A_1069 = tpu.vector_load_idx %arg4[%add3A_1068, %broadcast_in_dim3A_1035] : memref<256x128xf32, #tpu.memory_space<vmem>>[vector<16xi32>, vector<16xi32>], vector<16xf32>,
    %swap3A_1070 = arith.constant 1616 : index
    %swap3A_1071 = tpu.vector_load %arg6[%swap3A_1070] {strides = array<i32>} : memref<2560xf32, #tpu.memory_space<vmem>>, vector<16xf32>,
    tpu.vector_store %arg6[%swap3A_1070], %gather3A_1069 {strides = array<i32>} : memref<2560xf32, #tpu.memory_space<vmem>>, vector<16xf32>,
    %add3A_1072 = arith.constant 96 : i32
    %add3A_1073 = vector.broadcast %add3A_1072 : i32 to vector<16xi32>
    %add3A_1074 = arith.addi %add3A_1073, %iota3A : vector<16xi32>
    %gather3A_1075 = tpu.vector_load_idx %arg4[%add3A_1074, %broadcast_in_dim3A_1035] : memref<256x128xf32, #tpu.memory_space<vmem>>[vector<16xi32>, vector<16xi32>], vector<16xf32>,
    %swap3A_1076 = arith.constant 1632 : index
    %swap3A_1077 = tpu.vector_load %arg6[%swap3A_1076] {strides = array<i32>} : memref<2560xf32, #tpu.memory_space<vmem>>, vector<16xf32>,
    tpu.vector_store %arg6[%swap3A_1076], %gather3A_1075 {strides = array<i32>} : memref<2560xf32, #tpu.memory_space<vmem>>, vector<16xf32>,
    %add3A_1078 = arith.constant 112 : i32
    %add3A_1079 = vector.broadcast %add3A_1078 : i32 to vector<16xi32>
    %add3A_1080 = arith.addi %add3A_1079, %iota3A : vector<16xi32>
    %gather3A_1081 = tpu.vector_load_idx %arg4[%add3A_1080, %broadcast_in_dim3A_1035] : memref<256x128xf32, #tpu.memory_space<vmem>>[vector<16xi32>, vector<16xi32>], vector<16xf32>,
    %swap3A_1082 = arith.constant 1648 : index
    %swap3A_1083 = tpu.vector_load %arg6[%swap3A_1082] {strides = array<i32>} : memref<2560xf32, #tpu.memory_space<vmem>>, vector<16xf32>,
    tpu.vector_store %arg6[%swap3A_1082], %gather3A_1081 {strides = array<i32>} : memref<2560xf32, #tpu.memory_space<vmem>>, vector<16xf32>,
    %add3A_1084 = arith.constant 128 : i32
    %add3A_1085 = vector.broadcast %add3A_1084 : i32 to vector<16xi32>
    %add3A_1086 = arith.addi %add3A_1085, %iota3A : vector<16xi32>
    %gather3A_1087 = tpu.vector_load_idx %arg4[%add3A_1086, %broadcast_in_dim3A_1035] : memref<256x128xf32, #tpu.memory_space<vmem>>[vector<16xi32>, vector<16xi32>], vector<16xf32>,
    %swap3A_1088 = arith.constant 1664 : index
    %swap3A_1089 = tpu.vector_load %arg6[%swap3A_1088] {strides = array<i32>} : memref<2560xf32, #tpu.memory_space<vmem>>, vector<16xf32>,
    tpu.vector_store %arg6[%swap3A_1088], %gather3A_1087 {strides = array<i32>} : memref<2560xf32, #tpu.memory_space<vmem>>, vector<16xf32>,
    %add3A_1090 = arith.constant 144 : i32
    %add3A_1091 = vector.broadcast %add3A_1090 : i32 to vector<16xi32>
    %add3A_1092 = arith.addi %add3A_1091, %iota3A : vector<16xi32>
    %gather3A_1093 = tpu.vector_load_idx %arg4[%add3A_1092, %broadcast_in_dim3A_1035] : memref<256x128xf32, #tpu.memory_space<vmem>>[vector<16xi32>, vector<16xi32>], vector<16xf32>,
    %swap3A_1094 = arith.constant 1680 : index
    %swap3A_1095 = tpu.vector_load %arg6[%swap3A_1094] {strides = array<i32>} : memref<2560xf32, #tpu.memory_space<vmem>>, vector<16xf32>,
    tpu.vector_store %arg6[%swap3A_1094], %gather3A_1093 {strides = array<i32>} : memref<2560xf32, #tpu.memory_space<vmem>>, vector<16xf32>,
    %add3A_1096 = arith.constant 160 : i32
    %add3A_1097 = vector.broadcast %add3A_1096 : i32 to vector<16xi32>
    %add3A_1098 = arith.addi %add3A_1097, %iota3A : vector<16xi32>
    %gather3A_1099 = tpu.vector_load_idx %arg4[%add3A_1098, %broadcast_in_dim3A_1035] : memref<256x128xf32, #tpu.memory_space<vmem>>[vector<16xi32>, vector<16xi32>], vector<16xf32>,
    %swap3A_1100 = arith.constant 1696 : index
    %swap3A_1101 = tpu.vector_load %arg6[%swap3A_1100] {strides = array<i32>} : memref<2560xf32, #tpu.memory_space<vmem>>, vector<16xf32>,
    tpu.vector_store %arg6[%swap3A_1100], %gather3A_1099 {strides = array<i32>} : memref<2560xf32, #tpu.memory_space<vmem>>, vector<16xf32>,
    %add3A_1102 = arith.constant 176 : i32
    %add3A_1103 = vector.broadcast %add3A_1102 : i32 to vector<16xi32>
    %add3A_1104 = arith.addi %add3A_1103, %iota3A : vector<16xi32>
    %gather3A_1105 = tpu.vector_load_idx %arg4[%add3A_1104, %broadcast_in_dim3A_1035] : memref<256x128xf32, #tpu.memory_space<vmem>>[vector<16xi32>, vector<16xi32>], vector<16xf32>,
    %swap3A_1106 = arith.constant 1712 : index
    %swap3A_1107 = tpu.vector_load %arg6[%swap3A_1106] {strides = array<i32>} : memref<2560xf32, #tpu.memory_space<vmem>>, vector<16xf32>,
    tpu.vector_store %arg6[%swap3A_1106], %gather3A_1105 {strides = array<i32>} : memref<2560xf32, #tpu.memory_space<vmem>>, vector<16xf32>,
    %add3A_1108 = arith.constant 192 : i32
    %add3A_1109 = vector.broadcast %add3A_1108 : i32 to vector<16xi32>
    %add3A_1110 = arith.addi %add3A_1109, %iota3A : vector<16xi32>
    %gather3A_1111 = tpu.vector_load_idx %arg4[%add3A_1110, %broadcast_in_dim3A_1035] : memref<256x128xf32, #tpu.memory_space<vmem>>[vector<16xi32>, vector<16xi32>], vector<16xf32>,
    %swap3A_1112 = arith.constant 1728 : index
    %swap3A_1113 = tpu.vector_load %arg6[%swap3A_1112] {strides = array<i32>} : memref<2560xf32, #tpu.memory_space<vmem>>, vector<16xf32>,
    tpu.vector_store %arg6[%swap3A_1112], %gather3A_1111 {strides = array<i32>} : memref<2560xf32, #tpu.memory_space<vmem>>, vector<16xf32>,
    %add3A_1114 = arith.constant 208 : i32
    %add3A_1115 = vector.broadcast %add3A_1114 : i32 to vector<16xi32>
    %add3A_1116 = arith.addi %add3A_1115, %iota3A : vector<16xi32>
    %gather3A_1117 = tpu.vector_load_idx %arg4[%add3A_1116, %broadcast_in_dim3A_1035] : memref<256x128xf32, #tpu.memory_space<vmem>>[vector<16xi32>, vector<16xi32>], vector<16xf32>,
    %swap3A_1118 = arith.constant 1744 : index
    %swap3A_1119 = tpu.vector_load %arg6[%swap3A_1118] {strides = array<i32>} : memref<2560xf32, #tpu.memory_space<vmem>>, vector<16xf32>,
    tpu.vector_store %arg6[%swap3A_1118], %gather3A_1117 {strides = array<i32>} : memref<2560xf32, #tpu.memory_space<vmem>>, vector<16xf32>,
    %add3A_1120 = arith.constant 224 : i32
    %add3A_1121 = vector.broadcast %add3A_1120 : i32 to vector<16xi32>
    %add3A_1122 = arith.addi %add3A_1121, %iota3A : vector<16xi32>
    %gather3A_1123 = tpu.vector_load_idx %arg4[%add3A_1122, %broadcast_in_dim3A_1035] : memref<256x128xf32, #tpu.memory_space<vmem>>[vector<16xi32>, vector<16xi32>], vector<16xf32>,
    %swap3A_1124 = arith.constant 1760 : index
    %swap3A_1125 = tpu.vector_load %arg6[%swap3A_1124] {strides = array<i32>} : memref<2560xf32, #tpu.memory_space<vmem>>, vector<16xf32>,
    tpu.vector_store %arg6[%swap3A_1124], %gather3A_1123 {strides = array<i32>} : memref<2560xf32, #tpu.memory_space<vmem>>, vector<16xf32>,
    %add3A_1126 = arith.constant 240 : i32
    %add3A_1127 = vector.broadcast %add3A_1126 : i32 to vector<16xi32>
    %add3A_1128 = arith.addi %add3A_1127, %iota3A : vector<16xi32>
    %gather3A_1129 = tpu.vector_load_idx %arg4[%add3A_1128, %broadcast_in_dim3A_1035] : memref<256x128xf32, #tpu.memory_space<vmem>>[vector<16xi32>, vector<16xi32>], vector<16xf32>,
    %swap3A_1130 = arith.constant 1776 : index
    %swap3A_1131 = tpu.vector_load %arg6[%swap3A_1130] {strides = array<i32>} : memref<2560xf32, #tpu.memory_space<vmem>>, vector<16xf32>,
    tpu.vector_store %arg6[%swap3A_1130], %gather3A_1129 {strides = array<i32>} : memref<2560xf32, #tpu.memory_space<vmem>>, vector<16xf32>,
    %dma_wait3A_1132 = arith.constant 0 : i32
    %dma_wait3A_1133 = tpu.memref_slice %arg2[%add3A_1010, %dma_wait3A_1132, %multiple_of3A_1008] : memref<512x256x512xf32, #tpu.memory_space<hbm>> -> memref<1x256x128xf32, #tpu.memory_space<hbm>>
    %dma_wait3A_1134 = tpu.memref_squeeze %dma_wait3A_1133 : memref<1x256x128xf32, #tpu.memory_space<hbm>> -> memref<256x128xf32, #tpu.memory_space<hbm>>
    %dma_wait3A_1135 = arith.constant 0 : i32
    %dma_wait3A_1136 = tpu.memref_slice %arg2[%add3A_1010, %dma_wait3A_1135, %multiple_of3A_1008] : memref<512x256x512xf32, #tpu.memory_space<hbm>> -> memref<1x256x128xf32, #tpu.memory_space<hbm>>
    %dma_wait3A_1137 = tpu.memref_squeeze %dma_wait3A_1136 : memref<1x256x128xf32, #tpu.memory_space<hbm>> -> memref<256x128xf32, #tpu.memory_space<hbm>>
    tpu.wait_dma2 semaphore(%arg8 : memref<!tpu.dma_semaphore, #tpu.memory_space<semaphore_mem>>) src(%dma_wait3A_1137 : memref<256x128xf32, #tpu.memory_space<hbm>>) dst(%arg5 : memref<256x128xf32, #tpu.memory_space<vmem>>)
    %add3A_1138 = arith.constant 8 : i32
    %add3A_1139 = arith.addi %add3A_4, %add3A_1138 : i32
    %jit3A_1140 = arith.constant 128 : i32
    %div3A_1141 = arith.divsi %add3A_1139, %jit3A_1140 : i32
    %sign3A_1142 = arith.constant 0 : i32
    %sign3A_1143 = arith.cmpi sgt, %add3A_1139, %sign3A_1142 : i32
    %sign3A_1144 = arith.extui %sign3A_1143 : i1 to i32
    %sign3A_1145 = arith.constant 0 : i32
    %sign3A_1146 = arith.cmpi slt, %add3A_1139, %sign3A_1145 : i32
    %sign3A_1147 = arith.extui %sign3A_1146 : i1 to i32
    %sign3A_1148 = arith.subi %sign3A_1144, %sign3A_1147 : i32
    %sign3A_1149 = arith.constant 0 : i32
    %sign3A_1150 = arith.cmpi sgt, %jit3A_1140, %sign3A_1149 : i32
    %sign3A_1151 = arith.extui %sign3A_1150 : i1 to i32
    %sign3A_1152 = arith.constant 0 : i32
    %sign3A_1153 = arith.cmpi slt, %jit3A_1140, %sign3A_1152 : i32
    %sign3A_1154 = arith.extui %sign3A_1153 : i1 to i32
    %sign3A_1155 = arith.subi %sign3A_1151, %sign3A_1154 : i32
    %ne3A_1156 = arith.cmpi ne, %sign3A_1148, %sign3A_1155 : i32
    %rem3A_1157 = arith.remsi %add3A_1139, %jit3A_1140 : i32
    %ne3A_1158 = arith.constant 0 : i32
    %ne3A_1159 = arith.cmpi ne, %rem3A_1157, %ne3A_1158 : i32
    %and3A_1160 = arith.andi %ne3A_1156, %ne3A_1159 : i1
    %sub3A_1161 = arith.constant 1 : i32
    %sub3A_1162 = arith.subi %div3A_1141, %sub3A_1161 : i32
    %select_n3A_1163 = arith.select %and3A_1160, %sub3A_1162, %div3A_1141 : i32
    %mul3A_1164 = arith.constant 128 : i32
    %mul3A_1165 = arith.muli %select_n3A_1163, %mul3A_1164 : i32
    %multiple_of3A_1166 = tpu.assume_multiple %mul3A_1165, 128 : i32
    %add3A_1167 = arith.constant 8 : i32
    %add3A_1168 = arith.addi %add3A_4, %add3A_1167 : i32
    %dma_start3A_1169 = arith.constant 0 : i32
    %dma_start3A_1170 = tpu.memref_slice %arg2[%add3A_1168, %dma_start3A_1169, %multiple_of3A_1166] : memref<512x256x512xf32, #tpu.memory_space<hbm>> -> memref<1x256x128xf32, #tpu.memory_space<hbm>>
    %dma_start3A_1171 = tpu.memref_squeeze %dma_start3A_1170 : memref<1x256x128xf32, #tpu.memory_space<hbm>> -> memref<256x128xf32, #tpu.memory_space<hbm>>
    %dma_start3A_1172 = arith.constant 0 : i32
    %dma_start3A_1173 = tpu.memref_slice %arg2[%add3A_1168, %dma_start3A_1172, %multiple_of3A_1166] : memref<512x256x512xf32, #tpu.memory_space<hbm>> -> memref<1x256x128xf32, #tpu.memory_space<hbm>>
    %dma_start3A_1174 = tpu.memref_squeeze %dma_start3A_1173 : memref<1x256x128xf32, #tpu.memory_space<hbm>> -> memref<256x128xf32, #tpu.memory_space<hbm>>
    tpu.enqueue_dma source(%dma_start3A_1174 : memref<256x128xf32, #tpu.memory_space<hbm>>) target(%arg4 : memref<256x128xf32, #tpu.memory_space<vmem>>) target_semaphore(%arg7 : memref<!tpu.dma_semaphore, #tpu.memory_space<semaphore_mem>>)
    %add3A_1175 = arith.constant 7 : i32
    %add3A_1176 = arith.addi %add3A_4, %add3A_1175 : i32
    %jit3A_1177 = arith.constant 128 : i32
    %eq3A_1178 = arith.constant 0 : i32
    %eq3A_1179 = arith.cmpi eq, %jit3A_1177, %eq3A_1178 : i32
    %jit3A_1180 = arith.constant 1 : i32
    %select_n3A_1181 = arith.select %eq3A_1179, %jit3A_1180, %jit3A_1177 : i32
    %rem3A_1182 = arith.remsi %add3A_1176, %select_n3A_1181 : i32
    %ne3A_1183 = arith.constant 0 : i32
    %ne3A_1184 = arith.cmpi ne, %rem3A_1182, %ne3A_1183 : i32
    %lt3A_1185 = arith.constant 0 : i32
    %lt3A_1186 = arith.cmpi slt, %rem3A_1182, %lt3A_1185 : i32
    %lt3A_1187 = arith.constant 0 : i32
    %lt3A_1188 = arith.cmpi slt, %select_n3A_1181, %lt3A_1187 : i32
    %ne3A_1189 = arith.xori %lt3A_1186, %lt3A_1188 : i1
    %and3A_1190 = arith.andi %ne3A_1189, %ne3A_1184 : i1
    %add3A_1191 = arith.addi %rem3A_1182, %select_n3A_1181 : i32
    %select_n3A_1192 = arith.select %and3A_1190, %add3A_1191, %rem3A_1182 : i32
    %broadcast_in_dim3A_1193 = vector.broadcast %select_n3A_1192 : i32 to vector<16xi32>
    %add3A_1194 = arith.constant 0 : i32
    %add3A_1195 = vector.broadcast %add3A_1194 : i32 to vector<16xi32>
    %add3A_1196 = arith.addi %add3A_1195, %iota3A : vector<16xi32>
    %gather3A_1197 = tpu.vector_load_idx %arg5[%add3A_1196, %broadcast_in_dim3A_1193] : memref<256x128xf32, #tpu.memory_space<vmem>>[vector<16xi32>, vector<16xi32>], vector<16xf32>,
    %swap3A_1198 = arith.constant 1792 : index
    %swap3A_1199 = tpu.vector_load %arg6[%swap3A_1198] {strides = array<i32>} : memref<2560xf32, #tpu.memory_space<vmem>>, vector<16xf32>,
    tpu.vector_store %arg6[%swap3A_1198], %gather3A_1197 {strides = array<i32>} : memref<2560xf32, #tpu.memory_space<vmem>>, vector<16xf32>,
    %add3A_1200 = arith.constant 16 : i32
    %add3A_1201 = vector.broadcast %add3A_1200 : i32 to vector<16xi32>
    %add3A_1202 = arith.addi %add3A_1201, %iota3A : vector<16xi32>
    %gather3A_1203 = tpu.vector_load_idx %arg5[%add3A_1202, %broadcast_in_dim3A_1193] : memref<256x128xf32, #tpu.memory_space<vmem>>[vector<16xi32>, vector<16xi32>], vector<16xf32>,
    %swap3A_1204 = arith.constant 1808 : index
    %swap3A_1205 = tpu.vector_load %arg6[%swap3A_1204] {strides = array<i32>} : memref<2560xf32, #tpu.memory_space<vmem>>, vector<16xf32>,
    tpu.vector_store %arg6[%swap3A_1204], %gather3A_1203 {strides = array<i32>} : memref<2560xf32, #tpu.memory_space<vmem>>, vector<16xf32>,
    %add3A_1206 = arith.constant 32 : i32
    %add3A_1207 = vector.broadcast %add3A_1206 : i32 to vector<16xi32>
    %add3A_1208 = arith.addi %add3A_1207, %iota3A : vector<16xi32>
    %gather3A_1209 = tpu.vector_load_idx %arg5[%add3A_1208, %broadcast_in_dim3A_1193] : memref<256x128xf32, #tpu.memory_space<vmem>>[vector<16xi32>, vector<16xi32>], vector<16xf32>,
    %swap3A_1210 = arith.constant 1824 : index
    %swap3A_1211 = tpu.vector_load %arg6[%swap3A_1210] {strides = array<i32>} : memref<2560xf32, #tpu.memory_space<vmem>>, vector<16xf32>,
    tpu.vector_store %arg6[%swap3A_1210], %gather3A_1209 {strides = array<i32>} : memref<2560xf32, #tpu.memory_space<vmem>>, vector<16xf32>,
    %add3A_1212 = arith.constant 48 : i32
    %add3A_1213 = vector.broadcast %add3A_1212 : i32 to vector<16xi32>
    %add3A_1214 = arith.addi %add3A_1213, %iota3A : vector<16xi32>
    %gather3A_1215 = tpu.vector_load_idx %arg5[%add3A_1214, %broadcast_in_dim3A_1193] : memref<256x128xf32, #tpu.memory_space<vmem>>[vector<16xi32>, vector<16xi32>], vector<16xf32>,
    %swap3A_1216 = arith.constant 1840 : index
    %swap3A_1217 = tpu.vector_load %arg6[%swap3A_1216] {strides = array<i32>} : memref<2560xf32, #tpu.memory_space<vmem>>, vector<16xf32>,
    tpu.vector_store %arg6[%swap3A_1216], %gather3A_1215 {strides = array<i32>} : memref<2560xf32, #tpu.memory_space<vmem>>, vector<16xf32>,
    %add3A_1218 = arith.constant 64 : i32
    %add3A_1219 = vector.broadcast %add3A_1218 : i32 to vector<16xi32>
    %add3A_1220 = arith.addi %add3A_1219, %iota3A : vector<16xi32>
    %gather3A_1221 = tpu.vector_load_idx %arg5[%add3A_1220, %broadcast_in_dim3A_1193] : memref<256x128xf32, #tpu.memory_space<vmem>>[vector<16xi32>, vector<16xi32>], vector<16xf32>,
    %swap3A_1222 = arith.constant 1856 : index
    %swap3A_1223 = tpu.vector_load %arg6[%swap3A_1222] {strides = array<i32>} : memref<2560xf32, #tpu.memory_space<vmem>>, vector<16xf32>,
    tpu.vector_store %arg6[%swap3A_1222], %gather3A_1221 {strides = array<i32>} : memref<2560xf32, #tpu.memory_space<vmem>>, vector<16xf32>,
    %add3A_1224 = arith.constant 80 : i32
    %add3A_1225 = vector.broadcast %add3A_1224 : i32 to vector<16xi32>
    %add3A_1226 = arith.addi %add3A_1225, %iota3A : vector<16xi32>
    %gather3A_1227 = tpu.vector_load_idx %arg5[%add3A_1226, %broadcast_in_dim3A_1193] : memref<256x128xf32, #tpu.memory_space<vmem>>[vector<16xi32>, vector<16xi32>], vector<16xf32>,
    %swap3A_1228 = arith.constant 1872 : index
    %swap3A_1229 = tpu.vector_load %arg6[%swap3A_1228] {strides = array<i32>} : memref<2560xf32, #tpu.memory_space<vmem>>, vector<16xf32>,
    tpu.vector_store %arg6[%swap3A_1228], %gather3A_1227 {strides = array<i32>} : memref<2560xf32, #tpu.memory_space<vmem>>, vector<16xf32>,
    %add3A_1230 = arith.constant 96 : i32
    %add3A_1231 = vector.broadcast %add3A_1230 : i32 to vector<16xi32>
    %add3A_1232 = arith.addi %add3A_1231, %iota3A : vector<16xi32>
    %gather3A_1233 = tpu.vector_load_idx %arg5[%add3A_1232, %broadcast_in_dim3A_1193] : memref<256x128xf32, #tpu.memory_space<vmem>>[vector<16xi32>, vector<16xi32>], vector<16xf32>,
    %swap3A_1234 = arith.constant 1888 : index
    %swap3A_1235 = tpu.vector_load %arg6[%swap3A_1234] {strides = array<i32>} : memref<2560xf32, #tpu.memory_space<vmem>>, vector<16xf32>,
    tpu.vector_store %arg6[%swap3A_1234], %gather3A_1233 {strides = array<i32>} : memref<2560xf32, #tpu.memory_space<vmem>>, vector<16xf32>,
    %add3A_1236 = arith.constant 112 : i32
    %add3A_1237 = vector.broadcast %add3A_1236 : i32 to vector<16xi32>
    %add3A_1238 = arith.addi %add3A_1237, %iota3A : vector<16xi32>
    %gather3A_1239 = tpu.vector_load_idx %arg5[%add3A_1238, %broadcast_in_dim3A_1193] : memref<256x128xf32, #tpu.memory_space<vmem>>[vector<16xi32>, vector<16xi32>], vector<16xf32>,
    %swap3A_1240 = arith.constant 1904 : index
    %swap3A_1241 = tpu.vector_load %arg6[%swap3A_1240] {strides = array<i32>} : memref<2560xf32, #tpu.memory_space<vmem>>, vector<16xf32>,
    tpu.vector_store %arg6[%swap3A_1240], %gather3A_1239 {strides = array<i32>} : memref<2560xf32, #tpu.memory_space<vmem>>, vector<16xf32>,
    %add3A_1242 = arith.constant 128 : i32
    %add3A_1243 = vector.broadcast %add3A_1242 : i32 to vector<16xi32>
    %add3A_1244 = arith.addi %add3A_1243, %iota3A : vector<16xi32>
    %gather3A_1245 = tpu.vector_load_idx %arg5[%add3A_1244, %broadcast_in_dim3A_1193] : memref<256x128xf32, #tpu.memory_space<vmem>>[vector<16xi32>, vector<16xi32>], vector<16xf32>,
    %swap3A_1246 = arith.constant 1920 : index
    %swap3A_1247 = tpu.vector_load %arg6[%swap3A_1246] {strides = array<i32>} : memref<2560xf32, #tpu.memory_space<vmem>>, vector<16xf32>,
    tpu.vector_store %arg6[%swap3A_1246], %gather3A_1245 {strides = array<i32>} : memref<2560xf32, #tpu.memory_space<vmem>>, vector<16xf32>,
    %add3A_1248 = arith.constant 144 : i32
    %add3A_1249 = vector.broadcast %add3A_1248 : i32 to vector<16xi32>
    %add3A_1250 = arith.addi %add3A_1249, %iota3A : vector<16xi32>
    %gather3A_1251 = tpu.vector_load_idx %arg5[%add3A_1250, %broadcast_in_dim3A_1193] : memref<256x128xf32, #tpu.memory_space<vmem>>[vector<16xi32>, vector<16xi32>], vector<16xf32>,
    %swap3A_1252 = arith.constant 1936 : index
    %swap3A_1253 = tpu.vector_load %arg6[%swap3A_1252] {strides = array<i32>} : memref<2560xf32, #tpu.memory_space<vmem>>, vector<16xf32>,
    tpu.vector_store %arg6[%swap3A_1252], %gather3A_1251 {strides = array<i32>} : memref<2560xf32, #tpu.memory_space<vmem>>, vector<16xf32>,
    %add3A_1254 = arith.constant 160 : i32
    %add3A_1255 = vector.broadcast %add3A_1254 : i32 to vector<16xi32>
    %add3A_1256 = arith.addi %add3A_1255, %iota3A : vector<16xi32>
    %gather3A_1257 = tpu.vector_load_idx %arg5[%add3A_1256, %broadcast_in_dim3A_1193] : memref<256x128xf32, #tpu.memory_space<vmem>>[vector<16xi32>, vector<16xi32>], vector<16xf32>,
    %swap3A_1258 = arith.constant 1952 : index
    %swap3A_1259 = tpu.vector_load %arg6[%swap3A_1258] {strides = array<i32>} : memref<2560xf32, #tpu.memory_space<vmem>>, vector<16xf32>,
    tpu.vector_store %arg6[%swap3A_1258], %gather3A_1257 {strides = array<i32>} : memref<2560xf32, #tpu.memory_space<vmem>>, vector<16xf32>,
    %add3A_1260 = arith.constant 176 : i32
    %add3A_1261 = vector.broadcast %add3A_1260 : i32 to vector<16xi32>
    %add3A_1262 = arith.addi %add3A_1261, %iota3A : vector<16xi32>
    %gather3A_1263 = tpu.vector_load_idx %arg5[%add3A_1262, %broadcast_in_dim3A_1193] : memref<256x128xf32, #tpu.memory_space<vmem>>[vector<16xi32>, vector<16xi32>], vector<16xf32>,
    %swap3A_1264 = arith.constant 1968 : index
    %swap3A_1265 = tpu.vector_load %arg6[%swap3A_1264] {strides = array<i32>} : memref<2560xf32, #tpu.memory_space<vmem>>, vector<16xf32>,
    tpu.vector_store %arg6[%swap3A_1264], %gather3A_1263 {strides = array<i32>} : memref<2560xf32, #tpu.memory_space<vmem>>, vector<16xf32>,
    %add3A_1266 = arith.constant 192 : i32
    %add3A_1267 = vector.broadcast %add3A_1266 : i32 to vector<16xi32>
    %add3A_1268 = arith.addi %add3A_1267, %iota3A : vector<16xi32>
    %gather3A_1269 = tpu.vector_load_idx %arg5[%add3A_1268, %broadcast_in_dim3A_1193] : memref<256x128xf32, #tpu.memory_space<vmem>>[vector<16xi32>, vector<16xi32>], vector<16xf32>,
    %swap3A_1270 = arith.constant 1984 : index
    %swap3A_1271 = tpu.vector_load %arg6[%swap3A_1270] {strides = array<i32>} : memref<2560xf32, #tpu.memory_space<vmem>>, vector<16xf32>,
    tpu.vector_store %arg6[%swap3A_1270], %gather3A_1269 {strides = array<i32>} : memref<2560xf32, #tpu.memory_space<vmem>>, vector<16xf32>,
    %add3A_1272 = arith.constant 208 : i32
    %add3A_1273 = vector.broadcast %add3A_1272 : i32 to vector<16xi32>
    %add3A_1274 = arith.addi %add3A_1273, %iota3A : vector<16xi32>
    %gather3A_1275 = tpu.vector_load_idx %arg5[%add3A_1274, %broadcast_in_dim3A_1193] : memref<256x128xf32, #tpu.memory_space<vmem>>[vector<16xi32>, vector<16xi32>], vector<16xf32>,
    %swap3A_1276 = arith.constant 2000 : index
    %swap3A_1277 = tpu.vector_load %arg6[%swap3A_1276] {strides = array<i32>} : memref<2560xf32, #tpu.memory_space<vmem>>, vector<16xf32>,
    tpu.vector_store %arg6[%swap3A_1276], %gather3A_1275 {strides = array<i32>} : memref<2560xf32, #tpu.memory_space<vmem>>, vector<16xf32>,
    %add3A_1278 = arith.constant 224 : i32
    %add3A_1279 = vector.broadcast %add3A_1278 : i32 to vector<16xi32>
    %add3A_1280 = arith.addi %add3A_1279, %iota3A : vector<16xi32>
    %gather3A_1281 = tpu.vector_load_idx %arg5[%add3A_1280, %broadcast_in_dim3A_1193] : memref<256x128xf32, #tpu.memory_space<vmem>>[vector<16xi32>, vector<16xi32>], vector<16xf32>,
    %swap3A_1282 = arith.constant 2016 : index
    %swap3A_1283 = tpu.vector_load %arg6[%swap3A_1282] {strides = array<i32>} : memref<2560xf32, #tpu.memory_space<vmem>>, vector<16xf32>,
    tpu.vector_store %arg6[%swap3A_1282], %gather3A_1281 {strides = array<i32>} : memref<2560xf32, #tpu.memory_space<vmem>>, vector<16xf32>,
    %add3A_1284 = arith.constant 240 : i32
    %add3A_1285 = vector.broadcast %add3A_1284 : i32 to vector<16xi32>
    %add3A_1286 = arith.addi %add3A_1285, %iota3A : vector<16xi32>
    %gather3A_1287 = tpu.vector_load_idx %arg5[%add3A_1286, %broadcast_in_dim3A_1193] : memref<256x128xf32, #tpu.memory_space<vmem>>[vector<16xi32>, vector<16xi32>], vector<16xf32>,
    %swap3A_1288 = arith.constant 2032 : index
    %swap3A_1289 = tpu.vector_load %arg6[%swap3A_1288] {strides = array<i32>} : memref<2560xf32, #tpu.memory_space<vmem>>, vector<16xf32>,
    tpu.vector_store %arg6[%swap3A_1288], %gather3A_1287 {strides = array<i32>} : memref<2560xf32, #tpu.memory_space<vmem>>, vector<16xf32>,
    %dma_wait3A_1290 = arith.constant 0 : i32
    %dma_wait3A_1291 = tpu.memref_slice %arg2[%add3A_1168, %dma_wait3A_1290, %multiple_of3A_1166] : memref<512x256x512xf32, #tpu.memory_space<hbm>> -> memref<1x256x128xf32, #tpu.memory_space<hbm>>
    %dma_wait3A_1292 = tpu.memref_squeeze %dma_wait3A_1291 : memref<1x256x128xf32, #tpu.memory_space<hbm>> -> memref<256x128xf32, #tpu.memory_space<hbm>>
    %dma_wait3A_1293 = arith.constant 0 : i32
    %dma_wait3A_1294 = tpu.memref_slice %arg2[%add3A_1168, %dma_wait3A_1293, %multiple_of3A_1166] : memref<512x256x512xf32, #tpu.memory_space<hbm>> -> memref<1x256x128xf32, #tpu.memory_space<hbm>>
    %dma_wait3A_1295 = tpu.memref_squeeze %dma_wait3A_1294 : memref<1x256x128xf32, #tpu.memory_space<hbm>> -> memref<256x128xf32, #tpu.memory_space<hbm>>
    tpu.wait_dma2 semaphore(%arg7 : memref<!tpu.dma_semaphore, #tpu.memory_space<semaphore_mem>>) src(%dma_wait3A_1295 : memref<256x128xf32, #tpu.memory_space<hbm>>) dst(%arg4 : memref<256x128xf32, #tpu.memory_space<vmem>>)
    %add3A_1296 = arith.constant 9 : i32
    %add3A_1297 = arith.addi %add3A_4, %add3A_1296 : i32
    %jit3A_1298 = arith.constant 128 : i32
    %div3A_1299 = arith.divsi %add3A_1297, %jit3A_1298 : i32
    %sign3A_1300 = arith.constant 0 : i32
    %sign3A_1301 = arith.cmpi sgt, %add3A_1297, %sign3A_1300 : i32
    %sign3A_1302 = arith.extui %sign3A_1301 : i1 to i32
    %sign3A_1303 = arith.constant 0 : i32
    %sign3A_1304 = arith.cmpi slt, %add3A_1297, %sign3A_1303 : i32
    %sign3A_1305 = arith.extui %sign3A_1304 : i1 to i32
    %sign3A_1306 = arith.subi %sign3A_1302, %sign3A_1305 : i32
    %sign3A_1307 = arith.constant 0 : i32
    %sign3A_1308 = arith.cmpi sgt, %jit3A_1298, %sign3A_1307 : i32
    %sign3A_1309 = arith.extui %sign3A_1308 : i1 to i32
    %sign3A_1310 = arith.constant 0 : i32
    %sign3A_1311 = arith.cmpi slt, %jit3A_1298, %sign3A_1310 : i32
    %sign3A_1312 = arith.extui %sign3A_1311 : i1 to i32
    %sign3A_1313 = arith.subi %sign3A_1309, %sign3A_1312 : i32
    %ne3A_1314 = arith.cmpi ne, %sign3A_1306, %sign3A_1313 : i32
    %rem3A_1315 = arith.remsi %add3A_1297, %jit3A_1298 : i32
    %ne3A_1316 = arith.constant 0 : i32
    %ne3A_1317 = arith.cmpi ne, %rem3A_1315, %ne3A_1316 : i32
    %and3A_1318 = arith.andi %ne3A_1314, %ne3A_1317 : i1
    %sub3A_1319 = arith.constant 1 : i32
    %sub3A_1320 = arith.subi %div3A_1299, %sub3A_1319 : i32
    %select_n3A_1321 = arith.select %and3A_1318, %sub3A_1320, %div3A_1299 : i32
    %mul3A_1322 = arith.constant 128 : i32
    %mul3A_1323 = arith.muli %select_n3A_1321, %mul3A_1322 : i32
    %multiple_of3A_1324 = tpu.assume_multiple %mul3A_1323, 128 : i32
    %add3A_1325 = arith.constant 9 : i32
    %add3A_1326 = arith.addi %add3A_4, %add3A_1325 : i32
    %dma_start3A_1327 = arith.constant 0 : i32
    %dma_start3A_1328 = tpu.memref_slice %arg2[%add3A_1326, %dma_start3A_1327, %multiple_of3A_1324] : memref<512x256x512xf32, #tpu.memory_space<hbm>> -> memref<1x256x128xf32, #tpu.memory_space<hbm>>
    %dma_start3A_1329 = tpu.memref_squeeze %dma_start3A_1328 : memref<1x256x128xf32, #tpu.memory_space<hbm>> -> memref<256x128xf32, #tpu.memory_space<hbm>>
    %dma_start3A_1330 = arith.constant 0 : i32
    %dma_start3A_1331 = tpu.memref_slice %arg2[%add3A_1326, %dma_start3A_1330, %multiple_of3A_1324] : memref<512x256x512xf32, #tpu.memory_space<hbm>> -> memref<1x256x128xf32, #tpu.memory_space<hbm>>
    %dma_start3A_1332 = tpu.memref_squeeze %dma_start3A_1331 : memref<1x256x128xf32, #tpu.memory_space<hbm>> -> memref<256x128xf32, #tpu.memory_space<hbm>>
    tpu.enqueue_dma source(%dma_start3A_1332 : memref<256x128xf32, #tpu.memory_space<hbm>>) target(%arg5 : memref<256x128xf32, #tpu.memory_space<vmem>>) target_semaphore(%arg8 : memref<!tpu.dma_semaphore, #tpu.memory_space<semaphore_mem>>)
    %add3A_1333 = arith.constant 8 : i32
    %add3A_1334 = arith.addi %add3A_4, %add3A_1333 : i32
    %jit3A_1335 = arith.constant 128 : i32
    %eq3A_1336 = arith.constant 0 : i32
    %eq3A_1337 = arith.cmpi eq, %jit3A_1335, %eq3A_1336 : i32
    %jit3A_1338 = arith.constant 1 : i32
    %select_n3A_1339 = arith.select %eq3A_1337, %jit3A_1338, %jit3A_1335 : i32
    %rem3A_1340 = arith.remsi %add3A_1334, %select_n3A_1339 : i32
    %ne3A_1341 = arith.constant 0 : i32
    %ne3A_1342 = arith.cmpi ne, %rem3A_1340, %ne3A_1341 : i32
    %lt3A_1343 = arith.constant 0 : i32
    %lt3A_1344 = arith.cmpi slt, %rem3A_1340, %lt3A_1343 : i32
    %lt3A_1345 = arith.constant 0 : i32
    %lt3A_1346 = arith.cmpi slt, %select_n3A_1339, %lt3A_1345 : i32
    %ne3A_1347 = arith.xori %lt3A_1344, %lt3A_1346 : i1
    %and3A_1348 = arith.andi %ne3A_1347, %ne3A_1342 : i1
    %add3A_1349 = arith.addi %rem3A_1340, %select_n3A_1339 : i32
    %select_n3A_1350 = arith.select %and3A_1348, %add3A_1349, %rem3A_1340 : i32
    %broadcast_in_dim3A_1351 = vector.broadcast %select_n3A_1350 : i32 to vector<16xi32>
    %add3A_1352 = arith.constant 0 : i32
    %add3A_1353 = vector.broadcast %add3A_1352 : i32 to vector<16xi32>
    %add3A_1354 = arith.addi %add3A_1353, %iota3A : vector<16xi32>
    %gather3A_1355 = tpu.vector_load_idx %arg4[%add3A_1354, %broadcast_in_dim3A_1351] : memref<256x128xf32, #tpu.memory_space<vmem>>[vector<16xi32>, vector<16xi32>], vector<16xf32>,
    %swap3A_1356 = arith.constant 2048 : index
    %swap3A_1357 = tpu.vector_load %arg6[%swap3A_1356] {strides = array<i32>} : memref<2560xf32, #tpu.memory_space<vmem>>, vector<16xf32>,
    tpu.vector_store %arg6[%swap3A_1356], %gather3A_1355 {strides = array<i32>} : memref<2560xf32, #tpu.memory_space<vmem>>, vector<16xf32>,
    %add3A_1358 = arith.constant 16 : i32
    %add3A_1359 = vector.broadcast %add3A_1358 : i32 to vector<16xi32>
    %add3A_1360 = arith.addi %add3A_1359, %iota3A : vector<16xi32>
    %gather3A_1361 = tpu.vector_load_idx %arg4[%add3A_1360, %broadcast_in_dim3A_1351] : memref<256x128xf32, #tpu.memory_space<vmem>>[vector<16xi32>, vector<16xi32>], vector<16xf32>,
    %swap3A_1362 = arith.constant 2064 : index
    %swap3A_1363 = tpu.vector_load %arg6[%swap3A_1362] {strides = array<i32>} : memref<2560xf32, #tpu.memory_space<vmem>>, vector<16xf32>,
    tpu.vector_store %arg6[%swap3A_1362], %gather3A_1361 {strides = array<i32>} : memref<2560xf32, #tpu.memory_space<vmem>>, vector<16xf32>,
    %add3A_1364 = arith.constant 32 : i32
    %add3A_1365 = vector.broadcast %add3A_1364 : i32 to vector<16xi32>
    %add3A_1366 = arith.addi %add3A_1365, %iota3A : vector<16xi32>
    %gather3A_1367 = tpu.vector_load_idx %arg4[%add3A_1366, %broadcast_in_dim3A_1351] : memref<256x128xf32, #tpu.memory_space<vmem>>[vector<16xi32>, vector<16xi32>], vector<16xf32>,
    %swap3A_1368 = arith.constant 2080 : index
    %swap3A_1369 = tpu.vector_load %arg6[%swap3A_1368] {strides = array<i32>} : memref<2560xf32, #tpu.memory_space<vmem>>, vector<16xf32>,
    tpu.vector_store %arg6[%swap3A_1368], %gather3A_1367 {strides = array<i32>} : memref<2560xf32, #tpu.memory_space<vmem>>, vector<16xf32>,
    %add3A_1370 = arith.constant 48 : i32
    %add3A_1371 = vector.broadcast %add3A_1370 : i32 to vector<16xi32>
    %add3A_1372 = arith.addi %add3A_1371, %iota3A : vector<16xi32>
    %gather3A_1373 = tpu.vector_load_idx %arg4[%add3A_1372, %broadcast_in_dim3A_1351] : memref<256x128xf32, #tpu.memory_space<vmem>>[vector<16xi32>, vector<16xi32>], vector<16xf32>,
    %swap3A_1374 = arith.constant 2096 : index
    %swap3A_1375 = tpu.vector_load %arg6[%swap3A_1374] {strides = array<i32>} : memref<2560xf32, #tpu.memory_space<vmem>>, vector<16xf32>,
    tpu.vector_store %arg6[%swap3A_1374], %gather3A_1373 {strides = array<i32>} : memref<2560xf32, #tpu.memory_space<vmem>>, vector<16xf32>,
    %add3A_1376 = arith.constant 64 : i32
    %add3A_1377 = vector.broadcast %add3A_1376 : i32 to vector<16xi32>
    %add3A_1378 = arith.addi %add3A_1377, %iota3A : vector<16xi32>
    %gather3A_1379 = tpu.vector_load_idx %arg4[%add3A_1378, %broadcast_in_dim3A_1351] : memref<256x128xf32, #tpu.memory_space<vmem>>[vector<16xi32>, vector<16xi32>], vector<16xf32>,
    %swap3A_1380 = arith.constant 2112 : index
    %swap3A_1381 = tpu.vector_load %arg6[%swap3A_1380] {strides = array<i32>} : memref<2560xf32, #tpu.memory_space<vmem>>, vector<16xf32>,
    tpu.vector_store %arg6[%swap3A_1380], %gather3A_1379 {strides = array<i32>} : memref<2560xf32, #tpu.memory_space<vmem>>, vector<16xf32>,
    %add3A_1382 = arith.constant 80 : i32
    %add3A_1383 = vector.broadcast %add3A_1382 : i32 to vector<16xi32>
    %add3A_1384 = arith.addi %add3A_1383, %iota3A : vector<16xi32>
    %gather3A_1385 = tpu.vector_load_idx %arg4[%add3A_1384, %broadcast_in_dim3A_1351] : memref<256x128xf32, #tpu.memory_space<vmem>>[vector<16xi32>, vector<16xi32>], vector<16xf32>,
    %swap3A_1386 = arith.constant 2128 : index
    %swap3A_1387 = tpu.vector_load %arg6[%swap3A_1386] {strides = array<i32>} : memref<2560xf32, #tpu.memory_space<vmem>>, vector<16xf32>,
    tpu.vector_store %arg6[%swap3A_1386], %gather3A_1385 {strides = array<i32>} : memref<2560xf32, #tpu.memory_space<vmem>>, vector<16xf32>,
    %add3A_1388 = arith.constant 96 : i32
    %add3A_1389 = vector.broadcast %add3A_1388 : i32 to vector<16xi32>
    %add3A_1390 = arith.addi %add3A_1389, %iota3A : vector<16xi32>
    %gather3A_1391 = tpu.vector_load_idx %arg4[%add3A_1390, %broadcast_in_dim3A_1351] : memref<256x128xf32, #tpu.memory_space<vmem>>[vector<16xi32>, vector<16xi32>], vector<16xf32>,
    %swap3A_1392 = arith.constant 2144 : index
    %swap3A_1393 = tpu.vector_load %arg6[%swap3A_1392] {strides = array<i32>} : memref<2560xf32, #tpu.memory_space<vmem>>, vector<16xf32>,
    tpu.vector_store %arg6[%swap3A_1392], %gather3A_1391 {strides = array<i32>} : memref<2560xf32, #tpu.memory_space<vmem>>, vector<16xf32>,
    %add3A_1394 = arith.constant 112 : i32
    %add3A_1395 = vector.broadcast %add3A_1394 : i32 to vector<16xi32>
    %add3A_1396 = arith.addi %add3A_1395, %iota3A : vector<16xi32>
    %gather3A_1397 = tpu.vector_load_idx %arg4[%add3A_1396, %broadcast_in_dim3A_1351] : memref<256x128xf32, #tpu.memory_space<vmem>>[vector<16xi32>, vector<16xi32>], vector<16xf32>,
    %swap3A_1398 = arith.constant 2160 : index
    %swap3A_1399 = tpu.vector_load %arg6[%swap3A_1398] {strides = array<i32>} : memref<2560xf32, #tpu.memory_space<vmem>>, vector<16xf32>,
    tpu.vector_store %arg6[%swap3A_1398], %gather3A_1397 {strides = array<i32>} : memref<2560xf32, #tpu.memory_space<vmem>>, vector<16xf32>,
    %add3A_1400 = arith.constant 128 : i32
    %add3A_1401 = vector.broadcast %add3A_1400 : i32 to vector<16xi32>
    %add3A_1402 = arith.addi %add3A_1401, %iota3A : vector<16xi32>
    %gather3A_1403 = tpu.vector_load_idx %arg4[%add3A_1402, %broadcast_in_dim3A_1351] : memref<256x128xf32, #tpu.memory_space<vmem>>[vector<16xi32>, vector<16xi32>], vector<16xf32>,
    %swap3A_1404 = arith.constant 2176 : index
    %swap3A_1405 = tpu.vector_load %arg6[%swap3A_1404] {strides = array<i32>} : memref<2560xf32, #tpu.memory_space<vmem>>, vector<16xf32>,
    tpu.vector_store %arg6[%swap3A_1404], %gather3A_1403 {strides = array<i32>} : memref<2560xf32, #tpu.memory_space<vmem>>, vector<16xf32>,
    %add3A_1406 = arith.constant 144 : i32
    %add3A_1407 = vector.broadcast %add3A_1406 : i32 to vector<16xi32>
    %add3A_1408 = arith.addi %add3A_1407, %iota3A : vector<16xi32>
    %gather3A_1409 = tpu.vector_load_idx %arg4[%add3A_1408, %broadcast_in_dim3A_1351] : memref<256x128xf32, #tpu.memory_space<vmem>>[vector<16xi32>, vector<16xi32>], vector<16xf32>,
    %swap3A_1410 = arith.constant 2192 : index
    %swap3A_1411 = tpu.vector_load %arg6[%swap3A_1410] {strides = array<i32>} : memref<2560xf32, #tpu.memory_space<vmem>>, vector<16xf32>,
    tpu.vector_store %arg6[%swap3A_1410], %gather3A_1409 {strides = array<i32>} : memref<2560xf32, #tpu.memory_space<vmem>>, vector<16xf32>,
    %add3A_1412 = arith.constant 160 : i32
    %add3A_1413 = vector.broadcast %add3A_1412 : i32 to vector<16xi32>
    %add3A_1414 = arith.addi %add3A_1413, %iota3A : vector<16xi32>
    %gather3A_1415 = tpu.vector_load_idx %arg4[%add3A_1414, %broadcast_in_dim3A_1351] : memref<256x128xf32, #tpu.memory_space<vmem>>[vector<16xi32>, vector<16xi32>], vector<16xf32>,
    %swap3A_1416 = arith.constant 2208 : index
    %swap3A_1417 = tpu.vector_load %arg6[%swap3A_1416] {strides = array<i32>} : memref<2560xf32, #tpu.memory_space<vmem>>, vector<16xf32>,
    tpu.vector_store %arg6[%swap3A_1416], %gather3A_1415 {strides = array<i32>} : memref<2560xf32, #tpu.memory_space<vmem>>, vector<16xf32>,
    %add3A_1418 = arith.constant 176 : i32
    %add3A_1419 = vector.broadcast %add3A_1418 : i32 to vector<16xi32>
    %add3A_1420 = arith.addi %add3A_1419, %iota3A : vector<16xi32>
    %gather3A_1421 = tpu.vector_load_idx %arg4[%add3A_1420, %broadcast_in_dim3A_1351] : memref<256x128xf32, #tpu.memory_space<vmem>>[vector<16xi32>, vector<16xi32>], vector<16xf32>,
    %swap3A_1422 = arith.constant 2224 : index
    %swap3A_1423 = tpu.vector_load %arg6[%swap3A_1422] {strides = array<i32>} : memref<2560xf32, #tpu.memory_space<vmem>>, vector<16xf32>,
    tpu.vector_store %arg6[%swap3A_1422], %gather3A_1421 {strides = array<i32>} : memref<2560xf32, #tpu.memory_space<vmem>>, vector<16xf32>,
    %add3A_1424 = arith.constant 192 : i32
    %add3A_1425 = vector.broadcast %add3A_1424 : i32 to vector<16xi32>
    %add3A_1426 = arith.addi %add3A_1425, %iota3A : vector<16xi32>
    %gather3A_1427 = tpu.vector_load_idx %arg4[%add3A_1426, %broadcast_in_dim3A_1351] : memref<256x128xf32, #tpu.memory_space<vmem>>[vector<16xi32>, vector<16xi32>], vector<16xf32>,
    %swap3A_1428 = arith.constant 2240 : index
    %swap3A_1429 = tpu.vector_load %arg6[%swap3A_1428] {strides = array<i32>} : memref<2560xf32, #tpu.memory_space<vmem>>, vector<16xf32>,
    tpu.vector_store %arg6[%swap3A_1428], %gather3A_1427 {strides = array<i32>} : memref<2560xf32, #tpu.memory_space<vmem>>, vector<16xf32>,
    %add3A_1430 = arith.constant 208 : i32
    %add3A_1431 = vector.broadcast %add3A_1430 : i32 to vector<16xi32>
    %add3A_1432 = arith.addi %add3A_1431, %iota3A : vector<16xi32>
    %gather3A_1433 = tpu.vector_load_idx %arg4[%add3A_1432, %broadcast_in_dim3A_1351] : memref<256x128xf32, #tpu.memory_space<vmem>>[vector<16xi32>, vector<16xi32>], vector<16xf32>,
    %swap3A_1434 = arith.constant 2256 : index
    %swap3A_1435 = tpu.vector_load %arg6[%swap3A_1434] {strides = array<i32>} : memref<2560xf32, #tpu.memory_space<vmem>>, vector<16xf32>,
    tpu.vector_store %arg6[%swap3A_1434], %gather3A_1433 {strides = array<i32>} : memref<2560xf32, #tpu.memory_space<vmem>>, vector<16xf32>,
    %add3A_1436 = arith.constant 224 : i32
    %add3A_1437 = vector.broadcast %add3A_1436 : i32 to vector<16xi32>
    %add3A_1438 = arith.addi %add3A_1437, %iota3A : vector<16xi32>
    %gather3A_1439 = tpu.vector_load_idx %arg4[%add3A_1438, %broadcast_in_dim3A_1351] : memref<256x128xf32, #tpu.memory_space<vmem>>[vector<16xi32>, vector<16xi32>], vector<16xf32>,
    %swap3A_1440 = arith.constant 2272 : index
    %swap3A_1441 = tpu.vector_load %arg6[%swap3A_1440] {strides = array<i32>} : memref<2560xf32, #tpu.memory_space<vmem>>, vector<16xf32>,
    tpu.vector_store %arg6[%swap3A_1440], %gather3A_1439 {strides = array<i32>} : memref<2560xf32, #tpu.memory_space<vmem>>, vector<16xf32>,
    %add3A_1442 = arith.constant 240 : i32
    %add3A_1443 = vector.broadcast %add3A_1442 : i32 to vector<16xi32>
    %add3A_1444 = arith.addi %add3A_1443, %iota3A : vector<16xi32>
    %gather3A_1445 = tpu.vector_load_idx %arg4[%add3A_1444, %broadcast_in_dim3A_1351] : memref<256x128xf32, #tpu.memory_space<vmem>>[vector<16xi32>, vector<16xi32>], vector<16xf32>,
    %swap3A_1446 = arith.constant 2288 : index
    %swap3A_1447 = tpu.vector_load %arg6[%swap3A_1446] {strides = array<i32>} : memref<2560xf32, #tpu.memory_space<vmem>>, vector<16xf32>,
    tpu.vector_store %arg6[%swap3A_1446], %gather3A_1445 {strides = array<i32>} : memref<2560xf32, #tpu.memory_space<vmem>>, vector<16xf32>,
    %dma_wait3A_1448 = arith.constant 0 : i32
    %dma_wait3A_1449 = tpu.memref_slice %arg2[%add3A_1326, %dma_wait3A_1448, %multiple_of3A_1324] : memref<512x256x512xf32, #tpu.memory_space<hbm>> -> memref<1x256x128xf32, #tpu.memory_space<hbm>>
    %dma_wait3A_1450 = tpu.memref_squeeze %dma_wait3A_1449 : memref<1x256x128xf32, #tpu.memory_space<hbm>> -> memref<256x128xf32, #tpu.memory_space<hbm>>
    %dma_wait3A_1451 = arith.constant 0 : i32
    %dma_wait3A_1452 = tpu.memref_slice %arg2[%add3A_1326, %dma_wait3A_1451, %multiple_of3A_1324] : memref<512x256x512xf32, #tpu.memory_space<hbm>> -> memref<1x256x128xf32, #tpu.memory_space<hbm>>
    %dma_wait3A_1453 = tpu.memref_squeeze %dma_wait3A_1452 : memref<1x256x128xf32, #tpu.memory_space<hbm>> -> memref<256x128xf32, #tpu.memory_space<hbm>>
    tpu.wait_dma2 semaphore(%arg8 : memref<!tpu.dma_semaphore, #tpu.memory_space<semaphore_mem>>) src(%dma_wait3A_1453 : memref<256x128xf32, #tpu.memory_space<hbm>>) dst(%arg5 : memref<256x128xf32, #tpu.memory_space<vmem>>)
    %add3A_1454 = arith.constant 9 : i32
    %add3A_1455 = arith.addi %add3A_4, %add3A_1454 : i32
    %jit3A_1456 = arith.constant 128 : i32
    %eq3A_1457 = arith.constant 0 : i32
    %eq3A_1458 = arith.cmpi eq, %jit3A_1456, %eq3A_1457 : i32
    %jit3A_1459 = arith.constant 1 : i32
    %select_n3A_1460 = arith.select %eq3A_1458, %jit3A_1459, %jit3A_1456 : i32
    %rem3A_1461 = arith.remsi %add3A_1455, %select_n3A_1460 : i32
    %ne3A_1462 = arith.constant 0 : i32
    %ne3A_1463 = arith.cmpi ne, %rem3A_1461, %ne3A_1462 : i32
    %lt3A_1464 = arith.constant 0 : i32
    %lt3A_1465 = arith.cmpi slt, %rem3A_1461, %lt3A_1464 : i32
    %lt3A_1466 = arith.constant 0 : i32
    %lt3A_1467 = arith.cmpi slt, %select_n3A_1460, %lt3A_1466 : i32
    %ne3A_1468 = arith.xori %lt3A_1465, %lt3A_1467 : i1
    %and3A_1469 = arith.andi %ne3A_1468, %ne3A_1463 : i1
    %add3A_1470 = arith.addi %rem3A_1461, %select_n3A_1460 : i32
    %select_n3A_1471 = arith.select %and3A_1469, %add3A_1470, %rem3A_1461 : i32
    %broadcast_in_dim3A_1472 = vector.broadcast %select_n3A_1471 : i32 to vector<16xi32>
    %add3A_1473 = arith.constant 0 : i32
    %add3A_1474 = vector.broadcast %add3A_1473 : i32 to vector<16xi32>
    %add3A_1475 = arith.addi %add3A_1474, %iota3A : vector<16xi32>
    %gather3A_1476 = tpu.vector_load_idx %arg5[%add3A_1475, %broadcast_in_dim3A_1472] : memref<256x128xf32, #tpu.memory_space<vmem>>[vector<16xi32>, vector<16xi32>], vector<16xf32>,
    %swap3A_1477 = arith.constant 2304 : index
    %swap3A_1478 = tpu.vector_load %arg6[%swap3A_1477] {strides = array<i32>} : memref<2560xf32, #tpu.memory_space<vmem>>, vector<16xf32>,
    tpu.vector_store %arg6[%swap3A_1477], %gather3A_1476 {strides = array<i32>} : memref<2560xf32, #tpu.memory_space<vmem>>, vector<16xf32>,
    %add3A_1479 = arith.constant 16 : i32
    %add3A_1480 = vector.broadcast %add3A_1479 : i32 to vector<16xi32>
    %add3A_1481 = arith.addi %add3A_1480, %iota3A : vector<16xi32>
    %gather3A_1482 = tpu.vector_load_idx %arg5[%add3A_1481, %broadcast_in_dim3A_1472] : memref<256x128xf32, #tpu.memory_space<vmem>>[vector<16xi32>, vector<16xi32>], vector<16xf32>,
    %swap3A_1483 = arith.constant 2320 : index
    %swap3A_1484 = tpu.vector_load %arg6[%swap3A_1483] {strides = array<i32>} : memref<2560xf32, #tpu.memory_space<vmem>>, vector<16xf32>,
    tpu.vector_store %arg6[%swap3A_1483], %gather3A_1482 {strides = array<i32>} : memref<2560xf32, #tpu.memory_space<vmem>>, vector<16xf32>,
    %add3A_1485 = arith.constant 32 : i32
    %add3A_1486 = vector.broadcast %add3A_1485 : i32 to vector<16xi32>
    %add3A_1487 = arith.addi %add3A_1486, %iota3A : vector<16xi32>
    %gather3A_1488 = tpu.vector_load_idx %arg5[%add3A_1487, %broadcast_in_dim3A_1472] : memref<256x128xf32, #tpu.memory_space<vmem>>[vector<16xi32>, vector<16xi32>], vector<16xf32>,
    %swap3A_1489 = arith.constant 2336 : index
    %swap3A_1490 = tpu.vector_load %arg6[%swap3A_1489] {strides = array<i32>} : memref<2560xf32, #tpu.memory_space<vmem>>, vector<16xf32>,
    tpu.vector_store %arg6[%swap3A_1489], %gather3A_1488 {strides = array<i32>} : memref<2560xf32, #tpu.memory_space<vmem>>, vector<16xf32>,
    %add3A_1491 = arith.constant 48 : i32
    %add3A_1492 = vector.broadcast %add3A_1491 : i32 to vector<16xi32>
    %add3A_1493 = arith.addi %add3A_1492, %iota3A : vector<16xi32>
    %gather3A_1494 = tpu.vector_load_idx %arg5[%add3A_1493, %broadcast_in_dim3A_1472] : memref<256x128xf32, #tpu.memory_space<vmem>>[vector<16xi32>, vector<16xi32>], vector<16xf32>,
    %swap3A_1495 = arith.constant 2352 : index
    %swap3A_1496 = tpu.vector_load %arg6[%swap3A_1495] {strides = array<i32>} : memref<2560xf32, #tpu.memory_space<vmem>>, vector<16xf32>,
    tpu.vector_store %arg6[%swap3A_1495], %gather3A_1494 {strides = array<i32>} : memref<2560xf32, #tpu.memory_space<vmem>>, vector<16xf32>,
    %add3A_1497 = arith.constant 64 : i32
    %add3A_1498 = vector.broadcast %add3A_1497 : i32 to vector<16xi32>
    %add3A_1499 = arith.addi %add3A_1498, %iota3A : vector<16xi32>
    %gather3A_1500 = tpu.vector_load_idx %arg5[%add3A_1499, %broadcast_in_dim3A_1472] : memref<256x128xf32, #tpu.memory_space<vmem>>[vector<16xi32>, vector<16xi32>], vector<16xf32>,
    %swap3A_1501 = arith.constant 2368 : index
    %swap3A_1502 = tpu.vector_load %arg6[%swap3A_1501] {strides = array<i32>} : memref<2560xf32, #tpu.memory_space<vmem>>, vector<16xf32>,
    tpu.vector_store %arg6[%swap3A_1501], %gather3A_1500 {strides = array<i32>} : memref<2560xf32, #tpu.memory_space<vmem>>, vector<16xf32>,
    %add3A_1503 = arith.constant 80 : i32
    %add3A_1504 = vector.broadcast %add3A_1503 : i32 to vector<16xi32>
    %add3A_1505 = arith.addi %add3A_1504, %iota3A : vector<16xi32>
    %gather3A_1506 = tpu.vector_load_idx %arg5[%add3A_1505, %broadcast_in_dim3A_1472] : memref<256x128xf32, #tpu.memory_space<vmem>>[vector<16xi32>, vector<16xi32>], vector<16xf32>,
    %swap3A_1507 = arith.constant 2384 : index
    %swap3A_1508 = tpu.vector_load %arg6[%swap3A_1507] {strides = array<i32>} : memref<2560xf32, #tpu.memory_space<vmem>>, vector<16xf32>,
    tpu.vector_store %arg6[%swap3A_1507], %gather3A_1506 {strides = array<i32>} : memref<2560xf32, #tpu.memory_space<vmem>>, vector<16xf32>,
    %add3A_1509 = arith.constant 96 : i32
    %add3A_1510 = vector.broadcast %add3A_1509 : i32 to vector<16xi32>
    %add3A_1511 = arith.addi %add3A_1510, %iota3A : vector<16xi32>
    %gather3A_1512 = tpu.vector_load_idx %arg5[%add3A_1511, %broadcast_in_dim3A_1472] : memref<256x128xf32, #tpu.memory_space<vmem>>[vector<16xi32>, vector<16xi32>], vector<16xf32>,
    %swap3A_1513 = arith.constant 2400 : index
    %swap3A_1514 = tpu.vector_load %arg6[%swap3A_1513] {strides = array<i32>} : memref<2560xf32, #tpu.memory_space<vmem>>, vector<16xf32>,
    tpu.vector_store %arg6[%swap3A_1513], %gather3A_1512 {strides = array<i32>} : memref<2560xf32, #tpu.memory_space<vmem>>, vector<16xf32>,
    %add3A_1515 = arith.constant 112 : i32
    %add3A_1516 = vector.broadcast %add3A_1515 : i32 to vector<16xi32>
    %add3A_1517 = arith.addi %add3A_1516, %iota3A : vector<16xi32>
    %gather3A_1518 = tpu.vector_load_idx %arg5[%add3A_1517, %broadcast_in_dim3A_1472] : memref<256x128xf32, #tpu.memory_space<vmem>>[vector<16xi32>, vector<16xi32>], vector<16xf32>,
    %swap3A_1519 = arith.constant 2416 : index
    %swap3A_1520 = tpu.vector_load %arg6[%swap3A_1519] {strides = array<i32>} : memref<2560xf32, #tpu.memory_space<vmem>>, vector<16xf32>,
    tpu.vector_store %arg6[%swap3A_1519], %gather3A_1518 {strides = array<i32>} : memref<2560xf32, #tpu.memory_space<vmem>>, vector<16xf32>,
    %add3A_1521 = arith.constant 128 : i32
    %add3A_1522 = vector.broadcast %add3A_1521 : i32 to vector<16xi32>
    %add3A_1523 = arith.addi %add3A_1522, %iota3A : vector<16xi32>
    %gather3A_1524 = tpu.vector_load_idx %arg5[%add3A_1523, %broadcast_in_dim3A_1472] : memref<256x128xf32, #tpu.memory_space<vmem>>[vector<16xi32>, vector<16xi32>], vector<16xf32>,
    %swap3A_1525 = arith.constant 2432 : index
    %swap3A_1526 = tpu.vector_load %arg6[%swap3A_1525] {strides = array<i32>} : memref<2560xf32, #tpu.memory_space<vmem>>, vector<16xf32>,
    tpu.vector_store %arg6[%swap3A_1525], %gather3A_1524 {strides = array<i32>} : memref<2560xf32, #tpu.memory_space<vmem>>, vector<16xf32>,
    %add3A_1527 = arith.constant 144 : i32
    %add3A_1528 = vector.broadcast %add3A_1527 : i32 to vector<16xi32>
    %add3A_1529 = arith.addi %add3A_1528, %iota3A : vector<16xi32>
    %gather3A_1530 = tpu.vector_load_idx %arg5[%add3A_1529, %broadcast_in_dim3A_1472] : memref<256x128xf32, #tpu.memory_space<vmem>>[vector<16xi32>, vector<16xi32>], vector<16xf32>,
    %swap3A_1531 = arith.constant 2448 : index
    %swap3A_1532 = tpu.vector_load %arg6[%swap3A_1531] {strides = array<i32>} : memref<2560xf32, #tpu.memory_space<vmem>>, vector<16xf32>,
    tpu.vector_store %arg6[%swap3A_1531], %gather3A_1530 {strides = array<i32>} : memref<2560xf32, #tpu.memory_space<vmem>>, vector<16xf32>,
    %add3A_1533 = arith.constant 160 : i32
    %add3A_1534 = vector.broadcast %add3A_1533 : i32 to vector<16xi32>
    %add3A_1535 = arith.addi %add3A_1534, %iota3A : vector<16xi32>
    %gather3A_1536 = tpu.vector_load_idx %arg5[%add3A_1535, %broadcast_in_dim3A_1472] : memref<256x128xf32, #tpu.memory_space<vmem>>[vector<16xi32>, vector<16xi32>], vector<16xf32>,
    %swap3A_1537 = arith.constant 2464 : index
    %swap3A_1538 = tpu.vector_load %arg6[%swap3A_1537] {strides = array<i32>} : memref<2560xf32, #tpu.memory_space<vmem>>, vector<16xf32>,
    tpu.vector_store %arg6[%swap3A_1537], %gather3A_1536 {strides = array<i32>} : memref<2560xf32, #tpu.memory_space<vmem>>, vector<16xf32>,
    %add3A_1539 = arith.constant 176 : i32
    %add3A_1540 = vector.broadcast %add3A_1539 : i32 to vector<16xi32>
    %add3A_1541 = arith.addi %add3A_1540, %iota3A : vector<16xi32>
    %gather3A_1542 = tpu.vector_load_idx %arg5[%add3A_1541, %broadcast_in_dim3A_1472] : memref<256x128xf32, #tpu.memory_space<vmem>>[vector<16xi32>, vector<16xi32>], vector<16xf32>,
    %swap3A_1543 = arith.constant 2480 : index
    %swap3A_1544 = tpu.vector_load %arg6[%swap3A_1543] {strides = array<i32>} : memref<2560xf32, #tpu.memory_space<vmem>>, vector<16xf32>,
    tpu.vector_store %arg6[%swap3A_1543], %gather3A_1542 {strides = array<i32>} : memref<2560xf32, #tpu.memory_space<vmem>>, vector<16xf32>,
    %add3A_1545 = arith.constant 192 : i32
    %add3A_1546 = vector.broadcast %add3A_1545 : i32 to vector<16xi32>
    %add3A_1547 = arith.addi %add3A_1546, %iota3A : vector<16xi32>
    %gather3A_1548 = tpu.vector_load_idx %arg5[%add3A_1547, %broadcast_in_dim3A_1472] : memref<256x128xf32, #tpu.memory_space<vmem>>[vector<16xi32>, vector<16xi32>], vector<16xf32>,
    %swap3A_1549 = arith.constant 2496 : index
    %swap3A_1550 = tpu.vector_load %arg6[%swap3A_1549] {strides = array<i32>} : memref<2560xf32, #tpu.memory_space<vmem>>, vector<16xf32>,
    tpu.vector_store %arg6[%swap3A_1549], %gather3A_1548 {strides = array<i32>} : memref<2560xf32, #tpu.memory_space<vmem>>, vector<16xf32>,
    %add3A_1551 = arith.constant 208 : i32
    %add3A_1552 = vector.broadcast %add3A_1551 : i32 to vector<16xi32>
    %add3A_1553 = arith.addi %add3A_1552, %iota3A : vector<16xi32>
    %gather3A_1554 = tpu.vector_load_idx %arg5[%add3A_1553, %broadcast_in_dim3A_1472] : memref<256x128xf32, #tpu.memory_space<vmem>>[vector<16xi32>, vector<16xi32>], vector<16xf32>,
    %swap3A_1555 = arith.constant 2512 : index
    %swap3A_1556 = tpu.vector_load %arg6[%swap3A_1555] {strides = array<i32>} : memref<2560xf32, #tpu.memory_space<vmem>>, vector<16xf32>,
    tpu.vector_store %arg6[%swap3A_1555], %gather3A_1554 {strides = array<i32>} : memref<2560xf32, #tpu.memory_space<vmem>>, vector<16xf32>,
    %add3A_1557 = arith.constant 224 : i32
    %add3A_1558 = vector.broadcast %add3A_1557 : i32 to vector<16xi32>
    %add3A_1559 = arith.addi %add3A_1558, %iota3A : vector<16xi32>
    %gather3A_1560 = tpu.vector_load_idx %arg5[%add3A_1559, %broadcast_in_dim3A_1472] : memref<256x128xf32, #tpu.memory_space<vmem>>[vector<16xi32>, vector<16xi32>], vector<16xf32>,
    %swap3A_1561 = arith.constant 2528 : index
    %swap3A_1562 = tpu.vector_load %arg6[%swap3A_1561] {strides = array<i32>} : memref<2560xf32, #tpu.memory_space<vmem>>, vector<16xf32>,
    tpu.vector_store %arg6[%swap3A_1561], %gather3A_1560 {strides = array<i32>} : memref<2560xf32, #tpu.memory_space<vmem>>, vector<16xf32>,
    %add3A_1563 = arith.constant 240 : i32
    %add3A_1564 = vector.broadcast %add3A_1563 : i32 to vector<16xi32>
    %add3A_1565 = arith.addi %add3A_1564, %iota3A : vector<16xi32>
    %gather3A_1566 = tpu.vector_load_idx %arg5[%add3A_1565, %broadcast_in_dim3A_1472] : memref<256x128xf32, #tpu.memory_space<vmem>>[vector<16xi32>, vector<16xi32>], vector<16xf32>,
    %swap3A_1567 = arith.constant 2544 : index
    %swap3A_1568 = tpu.vector_load %arg6[%swap3A_1567] {strides = array<i32>} : memref<2560xf32, #tpu.memory_space<vmem>>, vector<16xf32>,
    tpu.vector_store %arg6[%swap3A_1567], %gather3A_1566 {strides = array<i32>} : memref<2560xf32, #tpu.memory_space<vmem>>, vector<16xf32>,
    %mul3A_1569 = arith.constant 10 : i32
    %mul3A_1570 = arith.muli %add3A, %mul3A_1569 : i32
    %add3A_1571 = arith.constant 0 : i32
    %add3A_1572 = arith.addi %mul3A_1570, %add3A_1571 : i32
    %dma_start3A_1573 = arith.constant 0 : i32
    %dma_start3A_1574 = tpu.memref_slice %arg6[%dma_start3A_1573] : memref<2560xf32, #tpu.memory_space<vmem>> -> memref<256xf32, #tpu.memory_space<vmem>>
    %dma_start3A_1575 = arith.constant 0 : i32
    %dma_start3A_1576 = tpu.memref_slice %arg3[%add3A_1572, %dma_start3A_1575] : memref<320x256xf32, #tpu.memory_space<hbm>> -> memref<1x256xf32, #tpu.memory_space<hbm>>
    %dma_start3A_1577 = tpu.memref_squeeze %dma_start3A_1576 : memref<1x256xf32, #tpu.memory_space<hbm>> -> memref<256xf32, #tpu.memory_space<hbm>>
    %dma_start3A_1578 = arith.constant 0 : i32
    %dma_start3A_1579 = tpu.memref_slice %arg3[%add3A_1572, %dma_start3A_1578] : memref<320x256xf32, #tpu.memory_space<hbm>> -> memref<1x256xf32, #tpu.memory_space<hbm>>
    %dma_start3A_1580 = tpu.memref_squeeze %dma_start3A_1579 : memref<1x256xf32, #tpu.memory_space<hbm>> -> memref<256xf32, #tpu.memory_space<hbm>>
    %dma_start3A_1581 = arith.constant 0 : i32
    %dma_start3A_1582 = tpu.memref_slice %arg6[%dma_start3A_1581] : memref<2560xf32, #tpu.memory_space<vmem>> -> memref<256xf32, #tpu.memory_space<vmem>>
    tpu.enqueue_dma source(%dma_start3A_1582 : memref<256xf32, #tpu.memory_space<vmem>>) target(%dma_start3A_1580 : memref<256xf32, #tpu.memory_space<hbm>>) target_semaphore(%arg9 : memref<!tpu.dma_semaphore, #tpu.memory_space<semaphore_mem>>)
    %mul3A_1583 = arith.constant 10 : i32
    %mul3A_1584 = arith.muli %add3A, %mul3A_1583 : i32
    %add3A_1585 = arith.constant 1 : i32
    %add3A_1586 = arith.addi %mul3A_1584, %add3A_1585 : i32
    %dma_start3A_1587 = arith.constant 256 : i32
    %dma_start3A_1588 = tpu.memref_slice %arg6[%dma_start3A_1587] : memref<2560xf32, #tpu.memory_space<vmem>> -> memref<256xf32, #tpu.memory_space<vmem>>
    %dma_start3A_1589 = arith.constant 0 : i32
    %dma_start3A_1590 = tpu.memref_slice %arg3[%add3A_1586, %dma_start3A_1589] : memref<320x256xf32, #tpu.memory_space<hbm>> -> memref<1x256xf32, #tpu.memory_space<hbm>>
    %dma_start3A_1591 = tpu.memref_squeeze %dma_start3A_1590 : memref<1x256xf32, #tpu.memory_space<hbm>> -> memref<256xf32, #tpu.memory_space<hbm>>
    %dma_start3A_1592 = arith.constant 0 : i32
    %dma_start3A_1593 = tpu.memref_slice %arg3[%add3A_1586, %dma_start3A_1592] : memref<320x256xf32, #tpu.memory_space<hbm>> -> memref<1x256xf32, #tpu.memory_space<hbm>>
    %dma_start3A_1594 = tpu.memref_squeeze %dma_start3A_1593 : memref<1x256xf32, #tpu.memory_space<hbm>> -> memref<256xf32, #tpu.memory_space<hbm>>
    %dma_start3A_1595 = arith.constant 256 : i32
    %dma_start3A_1596 = tpu.memref_slice %arg6[%dma_start3A_1595] : memref<2560xf32, #tpu.memory_space<vmem>> -> memref<256xf32, #tpu.memory_space<vmem>>
    tpu.enqueue_dma source(%dma_start3A_1596 : memref<256xf32, #tpu.memory_space<vmem>>) target(%dma_start3A_1594 : memref<256xf32, #tpu.memory_space<hbm>>) target_semaphore(%arg9 : memref<!tpu.dma_semaphore, #tpu.memory_space<semaphore_mem>>)
    %mul3A_1597 = arith.constant 10 : i32
    %mul3A_1598 = arith.muli %add3A, %mul3A_1597 : i32
    %add3A_1599 = arith.constant 2 : i32
    %add3A_1600 = arith.addi %mul3A_1598, %add3A_1599 : i32
    %dma_start3A_1601 = arith.constant 512 : i32
    %dma_start3A_1602 = tpu.memref_slice %arg6[%dma_start3A_1601] : memref<2560xf32, #tpu.memory_space<vmem>> -> memref<256xf32, #tpu.memory_space<vmem>>
    %dma_start3A_1603 = arith.constant 0 : i32
    %dma_start3A_1604 = tpu.memref_slice %arg3[%add3A_1600, %dma_start3A_1603] : memref<320x256xf32, #tpu.memory_space<hbm>> -> memref<1x256xf32, #tpu.memory_space<hbm>>
    %dma_start3A_1605 = tpu.memref_squeeze %dma_start3A_1604 : memref<1x256xf32, #tpu.memory_space<hbm>> -> memref<256xf32, #tpu.memory_space<hbm>>
    %dma_start3A_1606 = arith.constant 0 : i32
    %dma_start3A_1607 = tpu.memref_slice %arg3[%add3A_1600, %dma_start3A_1606] : memref<320x256xf32, #tpu.memory_space<hbm>> -> memref<1x256xf32, #tpu.memory_space<hbm>>
    %dma_start3A_1608 = tpu.memref_squeeze %dma_start3A_1607 : memref<1x256xf32, #tpu.memory_space<hbm>> -> memref<256xf32, #tpu.memory_space<hbm>>
    %dma_start3A_1609 = arith.constant 512 : i32
    %dma_start3A_1610 = tpu.memref_slice %arg6[%dma_start3A_1609] : memref<2560xf32, #tpu.memory_space<vmem>> -> memref<256xf32, #tpu.memory_space<vmem>>
    tpu.enqueue_dma source(%dma_start3A_1610 : memref<256xf32, #tpu.memory_space<vmem>>) target(%dma_start3A_1608 : memref<256xf32, #tpu.memory_space<hbm>>) target_semaphore(%arg9 : memref<!tpu.dma_semaphore, #tpu.memory_space<semaphore_mem>>)
    %mul3A_1611 = arith.constant 10 : i32
    %mul3A_1612 = arith.muli %add3A, %mul3A_1611 : i32
    %add3A_1613 = arith.constant 3 : i32
    %add3A_1614 = arith.addi %mul3A_1612, %add3A_1613 : i32
    %dma_start3A_1615 = arith.constant 768 : i32
    %dma_start3A_1616 = tpu.memref_slice %arg6[%dma_start3A_1615] : memref<2560xf32, #tpu.memory_space<vmem>> -> memref<256xf32, #tpu.memory_space<vmem>>
    %dma_start3A_1617 = arith.constant 0 : i32
    %dma_start3A_1618 = tpu.memref_slice %arg3[%add3A_1614, %dma_start3A_1617] : memref<320x256xf32, #tpu.memory_space<hbm>> -> memref<1x256xf32, #tpu.memory_space<hbm>>
    %dma_start3A_1619 = tpu.memref_squeeze %dma_start3A_1618 : memref<1x256xf32, #tpu.memory_space<hbm>> -> memref<256xf32, #tpu.memory_space<hbm>>
    %dma_start3A_1620 = arith.constant 0 : i32
    %dma_start3A_1621 = tpu.memref_slice %arg3[%add3A_1614, %dma_start3A_1620] : memref<320x256xf32, #tpu.memory_space<hbm>> -> memref<1x256xf32, #tpu.memory_space<hbm>>
    %dma_start3A_1622 = tpu.memref_squeeze %dma_start3A_1621 : memref<1x256xf32, #tpu.memory_space<hbm>> -> memref<256xf32, #tpu.memory_space<hbm>>
    %dma_start3A_1623 = arith.constant 768 : i32
    %dma_start3A_1624 = tpu.memref_slice %arg6[%dma_start3A_1623] : memref<2560xf32, #tpu.memory_space<vmem>> -> memref<256xf32, #tpu.memory_space<vmem>>
    tpu.enqueue_dma source(%dma_start3A_1624 : memref<256xf32, #tpu.memory_space<vmem>>) target(%dma_start3A_1622 : memref<256xf32, #tpu.memory_space<hbm>>) target_semaphore(%arg9 : memref<!tpu.dma_semaphore, #tpu.memory_space<semaphore_mem>>)
    %mul3A_1625 = arith.constant 10 : i32
    %mul3A_1626 = arith.muli %add3A, %mul3A_1625 : i32
    %add3A_1627 = arith.constant 4 : i32
    %add3A_1628 = arith.addi %mul3A_1626, %add3A_1627 : i32
    %dma_start3A_1629 = arith.constant 1024 : i32
    %dma_start3A_1630 = tpu.memref_slice %arg6[%dma_start3A_1629] : memref<2560xf32, #tpu.memory_space<vmem>> -> memref<256xf32, #tpu.memory_space<vmem>>
    %dma_start3A_1631 = arith.constant 0 : i32
    %dma_start3A_1632 = tpu.memref_slice %arg3[%add3A_1628, %dma_start3A_1631] : memref<320x256xf32, #tpu.memory_space<hbm>> -> memref<1x256xf32, #tpu.memory_space<hbm>>
    %dma_start3A_1633 = tpu.memref_squeeze %dma_start3A_1632 : memref<1x256xf32, #tpu.memory_space<hbm>> -> memref<256xf32, #tpu.memory_space<hbm>>
    %dma_start3A_1634 = arith.constant 0 : i32
    %dma_start3A_1635 = tpu.memref_slice %arg3[%add3A_1628, %dma_start3A_1634] : memref<320x256xf32, #tpu.memory_space<hbm>> -> memref<1x256xf32, #tpu.memory_space<hbm>>
    %dma_start3A_1636 = tpu.memref_squeeze %dma_start3A_1635 : memref<1x256xf32, #tpu.memory_space<hbm>> -> memref<256xf32, #tpu.memory_space<hbm>>
    %dma_start3A_1637 = arith.constant 1024 : i32
    %dma_start3A_1638 = tpu.memref_slice %arg6[%dma_start3A_1637] : memref<2560xf32, #tpu.memory_space<vmem>> -> memref<256xf32, #tpu.memory_space<vmem>>
    tpu.enqueue_dma source(%dma_start3A_1638 : memref<256xf32, #tpu.memory_space<vmem>>) target(%dma_start3A_1636 : memref<256xf32, #tpu.memory_space<hbm>>) target_semaphore(%arg9 : memref<!tpu.dma_semaphore, #tpu.memory_space<semaphore_mem>>)
    %mul3A_1639 = arith.constant 10 : i32
    %mul3A_1640 = arith.muli %add3A, %mul3A_1639 : i32
    %add3A_1641 = arith.constant 5 : i32
    %add3A_1642 = arith.addi %mul3A_1640, %add3A_1641 : i32
    %dma_start3A_1643 = arith.constant 1280 : i32
    %dma_start3A_1644 = tpu.memref_slice %arg6[%dma_start3A_1643] : memref<2560xf32, #tpu.memory_space<vmem>> -> memref<256xf32, #tpu.memory_space<vmem>>
    %dma_start3A_1645 = arith.constant 0 : i32
    %dma_start3A_1646 = tpu.memref_slice %arg3[%add3A_1642, %dma_start3A_1645] : memref<320x256xf32, #tpu.memory_space<hbm>> -> memref<1x256xf32, #tpu.memory_space<hbm>>
    %dma_start3A_1647 = tpu.memref_squeeze %dma_start3A_1646 : memref<1x256xf32, #tpu.memory_space<hbm>> -> memref<256xf32, #tpu.memory_space<hbm>>
    %dma_start3A_1648 = arith.constant 0 : i32
    %dma_start3A_1649 = tpu.memref_slice %arg3[%add3A_1642, %dma_start3A_1648] : memref<320x256xf32, #tpu.memory_space<hbm>> -> memref<1x256xf32, #tpu.memory_space<hbm>>
    %dma_start3A_1650 = tpu.memref_squeeze %dma_start3A_1649 : memref<1x256xf32, #tpu.memory_space<hbm>> -> memref<256xf32, #tpu.memory_space<hbm>>
    %dma_start3A_1651 = arith.constant 1280 : i32
    %dma_start3A_1652 = tpu.memref_slice %arg6[%dma_start3A_1651] : memref<2560xf32, #tpu.memory_space<vmem>> -> memref<256xf32, #tpu.memory_space<vmem>>
    tpu.enqueue_dma source(%dma_start3A_1652 : memref<256xf32, #tpu.memory_space<vmem>>) target(%dma_start3A_1650 : memref<256xf32, #tpu.memory_space<hbm>>) target_semaphore(%arg9 : memref<!tpu.dma_semaphore, #tpu.memory_space<semaphore_mem>>)
    %mul3A_1653 = arith.constant 10 : i32
    %mul3A_1654 = arith.muli %add3A, %mul3A_1653 : i32
    %add3A_1655 = arith.constant 6 : i32
    %add3A_1656 = arith.addi %mul3A_1654, %add3A_1655 : i32
    %dma_start3A_1657 = arith.constant 1536 : i32
    %dma_start3A_1658 = tpu.memref_slice %arg6[%dma_start3A_1657] : memref<2560xf32, #tpu.memory_space<vmem>> -> memref<256xf32, #tpu.memory_space<vmem>>
    %dma_start3A_1659 = arith.constant 0 : i32
    %dma_start3A_1660 = tpu.memref_slice %arg3[%add3A_1656, %dma_start3A_1659] : memref<320x256xf32, #tpu.memory_space<hbm>> -> memref<1x256xf32, #tpu.memory_space<hbm>>
    %dma_start3A_1661 = tpu.memref_squeeze %dma_start3A_1660 : memref<1x256xf32, #tpu.memory_space<hbm>> -> memref<256xf32, #tpu.memory_space<hbm>>
    %dma_start3A_1662 = arith.constant 0 : i32
    %dma_start3A_1663 = tpu.memref_slice %arg3[%add3A_1656, %dma_start3A_1662] : memref<320x256xf32, #tpu.memory_space<hbm>> -> memref<1x256xf32, #tpu.memory_space<hbm>>
    %dma_start3A_1664 = tpu.memref_squeeze %dma_start3A_1663 : memref<1x256xf32, #tpu.memory_space<hbm>> -> memref<256xf32, #tpu.memory_space<hbm>>
    %dma_start3A_1665 = arith.constant 1536 : i32
    %dma_start3A_1666 = tpu.memref_slice %arg6[%dma_start3A_1665] : memref<2560xf32, #tpu.memory_space<vmem>> -> memref<256xf32, #tpu.memory_space<vmem>>
    tpu.enqueue_dma source(%dma_start3A_1666 : memref<256xf32, #tpu.memory_space<vmem>>) target(%dma_start3A_1664 : memref<256xf32, #tpu.memory_space<hbm>>) target_semaphore(%arg9 : memref<!tpu.dma_semaphore, #tpu.memory_space<semaphore_mem>>)
    %mul3A_1667 = arith.constant 10 : i32
    %mul3A_1668 = arith.muli %add3A, %mul3A_1667 : i32
    %add3A_1669 = arith.constant 7 : i32
    %add3A_1670 = arith.addi %mul3A_1668, %add3A_1669 : i32
    %dma_start3A_1671 = arith.constant 1792 : i32
    %dma_start3A_1672 = tpu.memref_slice %arg6[%dma_start3A_1671] : memref<2560xf32, #tpu.memory_space<vmem>> -> memref<256xf32, #tpu.memory_space<vmem>>
    %dma_start3A_1673 = arith.constant 0 : i32
    %dma_start3A_1674 = tpu.memref_slice %arg3[%add3A_1670, %dma_start3A_1673] : memref<320x256xf32, #tpu.memory_space<hbm>> -> memref<1x256xf32, #tpu.memory_space<hbm>>
    %dma_start3A_1675 = tpu.memref_squeeze %dma_start3A_1674 : memref<1x256xf32, #tpu.memory_space<hbm>> -> memref<256xf32, #tpu.memory_space<hbm>>
    %dma_start3A_1676 = arith.constant 0 : i32
    %dma_start3A_1677 = tpu.memref_slice %arg3[%add3A_1670, %dma_start3A_1676] : memref<320x256xf32, #tpu.memory_space<hbm>> -> memref<1x256xf32, #tpu.memory_space<hbm>>
    %dma_start3A_1678 = tpu.memref_squeeze %dma_start3A_1677 : memref<1x256xf32, #tpu.memory_space<hbm>> -> memref<256xf32, #tpu.memory_space<hbm>>
    %dma_start3A_1679 = arith.constant 1792 : i32
    %dma_start3A_1680 = tpu.memref_slice %arg6[%dma_start3A_1679] : memref<2560xf32, #tpu.memory_space<vmem>> -> memref<256xf32, #tpu.memory_space<vmem>>
    tpu.enqueue_dma source(%dma_start3A_1680 : memref<256xf32, #tpu.memory_space<vmem>>) target(%dma_start3A_1678 : memref<256xf32, #tpu.memory_space<hbm>>) target_semaphore(%arg9 : memref<!tpu.dma_semaphore, #tpu.memory_space<semaphore_mem>>)
    %mul3A_1681 = arith.constant 10 : i32
    %mul3A_1682 = arith.muli %add3A, %mul3A_1681 : i32
    %add3A_1683 = arith.constant 8 : i32
    %add3A_1684 = arith.addi %mul3A_1682, %add3A_1683 : i32
    %dma_start3A_1685 = arith.constant 2048 : i32
    %dma_start3A_1686 = tpu.memref_slice %arg6[%dma_start3A_1685] : memref<2560xf32, #tpu.memory_space<vmem>> -> memref<256xf32, #tpu.memory_space<vmem>>
    %dma_start3A_1687 = arith.constant 0 : i32
    %dma_start3A_1688 = tpu.memref_slice %arg3[%add3A_1684, %dma_start3A_1687] : memref<320x256xf32, #tpu.memory_space<hbm>> -> memref<1x256xf32, #tpu.memory_space<hbm>>
    %dma_start3A_1689 = tpu.memref_squeeze %dma_start3A_1688 : memref<1x256xf32, #tpu.memory_space<hbm>> -> memref<256xf32, #tpu.memory_space<hbm>>
    %dma_start3A_1690 = arith.constant 0 : i32
    %dma_start3A_1691 = tpu.memref_slice %arg3[%add3A_1684, %dma_start3A_1690] : memref<320x256xf32, #tpu.memory_space<hbm>> -> memref<1x256xf32, #tpu.memory_space<hbm>>
    %dma_start3A_1692 = tpu.memref_squeeze %dma_start3A_1691 : memref<1x256xf32, #tpu.memory_space<hbm>> -> memref<256xf32, #tpu.memory_space<hbm>>
    %dma_start3A_1693 = arith.constant 2048 : i32
    %dma_start3A_1694 = tpu.memref_slice %arg6[%dma_start3A_1693] : memref<2560xf32, #tpu.memory_space<vmem>> -> memref<256xf32, #tpu.memory_space<vmem>>
    tpu.enqueue_dma source(%dma_start3A_1694 : memref<256xf32, #tpu.memory_space<vmem>>) target(%dma_start3A_1692 : memref<256xf32, #tpu.memory_space<hbm>>) target_semaphore(%arg9 : memref<!tpu.dma_semaphore, #tpu.memory_space<semaphore_mem>>)
    %mul3A_1695 = arith.constant 10 : i32
    %mul3A_1696 = arith.muli %add3A, %mul3A_1695 : i32
    %add3A_1697 = arith.constant 9 : i32
    %add3A_1698 = arith.addi %mul3A_1696, %add3A_1697 : i32
    %dma_start3A_1699 = arith.constant 2304 : i32
    %dma_start3A_1700 = tpu.memref_slice %arg6[%dma_start3A_1699] : memref<2560xf32, #tpu.memory_space<vmem>> -> memref<256xf32, #tpu.memory_space<vmem>>
    %dma_start3A_1701 = arith.constant 0 : i32
    %dma_start3A_1702 = tpu.memref_slice %arg3[%add3A_1698, %dma_start3A_1701] : memref<320x256xf32, #tpu.memory_space<hbm>> -> memref<1x256xf32, #tpu.memory_space<hbm>>
    %dma_start3A_1703 = tpu.memref_squeeze %dma_start3A_1702 : memref<1x256xf32, #tpu.memory_space<hbm>> -> memref<256xf32, #tpu.memory_space<hbm>>
    %dma_start3A_1704 = arith.constant 0 : i32
    %dma_start3A_1705 = tpu.memref_slice %arg3[%add3A_1698, %dma_start3A_1704] : memref<320x256xf32, #tpu.memory_space<hbm>> -> memref<1x256xf32, #tpu.memory_space<hbm>>
    %dma_start3A_1706 = tpu.memref_squeeze %dma_start3A_1705 : memref<1x256xf32, #tpu.memory_space<hbm>> -> memref<256xf32, #tpu.memory_space<hbm>>
    %dma_start3A_1707 = arith.constant 2304 : i32
    %dma_start3A_1708 = tpu.memref_slice %arg6[%dma_start3A_1707] : memref<2560xf32, #tpu.memory_space<vmem>> -> memref<256xf32, #tpu.memory_space<vmem>>
    tpu.enqueue_dma source(%dma_start3A_1708 : memref<256xf32, #tpu.memory_space<vmem>>) target(%dma_start3A_1706 : memref<256xf32, #tpu.memory_space<hbm>>) target_semaphore(%arg9 : memref<!tpu.dma_semaphore, #tpu.memory_space<semaphore_mem>>)
    %dma_wait3A_1709 = arith.constant 0 : i32
    %dma_wait3A_1710 = tpu.memref_slice %arg6[%dma_wait3A_1709] : memref<2560xf32, #tpu.memory_space<vmem>> -> memref<256xf32, #tpu.memory_space<vmem>>
    %dma_wait3A_1711 = arith.constant 0 : i32
    %dma_wait3A_1712 = tpu.memref_slice %arg3[%add3A_1572, %dma_wait3A_1711] : memref<320x256xf32, #tpu.memory_space<hbm>> -> memref<1x256xf32, #tpu.memory_space<hbm>>
    %dma_wait3A_1713 = tpu.memref_squeeze %dma_wait3A_1712 : memref<1x256xf32, #tpu.memory_space<hbm>> -> memref<256xf32, #tpu.memory_space<hbm>>
    %dma_wait3A_1714 = arith.constant 0 : i32
    %dma_wait3A_1715 = tpu.memref_slice %arg3[%add3A_1572, %dma_wait3A_1714] : memref<320x256xf32, #tpu.memory_space<hbm>> -> memref<1x256xf32, #tpu.memory_space<hbm>>
    %dma_wait3A_1716 = tpu.memref_squeeze %dma_wait3A_1715 : memref<1x256xf32, #tpu.memory_space<hbm>> -> memref<256xf32, #tpu.memory_space<hbm>>
    %dma_wait3A_1717 = arith.constant 0 : i32
    %dma_wait3A_1718 = tpu.memref_slice %arg6[%dma_wait3A_1717] : memref<2560xf32, #tpu.memory_space<vmem>> -> memref<256xf32, #tpu.memory_space<vmem>>
    tpu.wait_dma2 semaphore(%arg9 : memref<!tpu.dma_semaphore, #tpu.memory_space<semaphore_mem>>) src(%dma_wait3A_1718 : memref<256xf32, #tpu.memory_space<vmem>>) dst(%dma_wait3A_1716 : memref<256xf32, #tpu.memory_space<hbm>>)
    %dma_wait3A_1719 = arith.constant 256 : i32
    %dma_wait3A_1720 = tpu.memref_slice %arg6[%dma_wait3A_1719] : memref<2560xf32, #tpu.memory_space<vmem>> -> memref<256xf32, #tpu.memory_space<vmem>>
    %dma_wait3A_1721 = arith.constant 0 : i32
    %dma_wait3A_1722 = tpu.memref_slice %arg3[%add3A_1586, %dma_wait3A_1721] : memref<320x256xf32, #tpu.memory_space<hbm>> -> memref<1x256xf32, #tpu.memory_space<hbm>>
    %dma_wait3A_1723 = tpu.memref_squeeze %dma_wait3A_1722 : memref<1x256xf32, #tpu.memory_space<hbm>> -> memref<256xf32, #tpu.memory_space<hbm>>
    %dma_wait3A_1724 = arith.constant 0 : i32
    %dma_wait3A_1725 = tpu.memref_slice %arg3[%add3A_1586, %dma_wait3A_1724] : memref<320x256xf32, #tpu.memory_space<hbm>> -> memref<1x256xf32, #tpu.memory_space<hbm>>
    %dma_wait3A_1726 = tpu.memref_squeeze %dma_wait3A_1725 : memref<1x256xf32, #tpu.memory_space<hbm>> -> memref<256xf32, #tpu.memory_space<hbm>>
    %dma_wait3A_1727 = arith.constant 256 : i32
    %dma_wait3A_1728 = tpu.memref_slice %arg6[%dma_wait3A_1727] : memref<2560xf32, #tpu.memory_space<vmem>> -> memref<256xf32, #tpu.memory_space<vmem>>
    tpu.wait_dma2 semaphore(%arg9 : memref<!tpu.dma_semaphore, #tpu.memory_space<semaphore_mem>>) src(%dma_wait3A_1728 : memref<256xf32, #tpu.memory_space<vmem>>) dst(%dma_wait3A_1726 : memref<256xf32, #tpu.memory_space<hbm>>)
    %dma_wait3A_1729 = arith.constant 512 : i32
    %dma_wait3A_1730 = tpu.memref_slice %arg6[%dma_wait3A_1729] : memref<2560xf32, #tpu.memory_space<vmem>> -> memref<256xf32, #tpu.memory_space<vmem>>
    %dma_wait3A_1731 = arith.constant 0 : i32
    %dma_wait3A_1732 = tpu.memref_slice %arg3[%add3A_1600, %dma_wait3A_1731] : memref<320x256xf32, #tpu.memory_space<hbm>> -> memref<1x256xf32, #tpu.memory_space<hbm>>
    %dma_wait3A_1733 = tpu.memref_squeeze %dma_wait3A_1732 : memref<1x256xf32, #tpu.memory_space<hbm>> -> memref<256xf32, #tpu.memory_space<hbm>>
    %dma_wait3A_1734 = arith.constant 0 : i32
    %dma_wait3A_1735 = tpu.memref_slice %arg3[%add3A_1600, %dma_wait3A_1734] : memref<320x256xf32, #tpu.memory_space<hbm>> -> memref<1x256xf32, #tpu.memory_space<hbm>>
    %dma_wait3A_1736 = tpu.memref_squeeze %dma_wait3A_1735 : memref<1x256xf32, #tpu.memory_space<hbm>> -> memref<256xf32, #tpu.memory_space<hbm>>
    %dma_wait3A_1737 = arith.constant 512 : i32
    %dma_wait3A_1738 = tpu.memref_slice %arg6[%dma_wait3A_1737] : memref<2560xf32, #tpu.memory_space<vmem>> -> memref<256xf32, #tpu.memory_space<vmem>>
    tpu.wait_dma2 semaphore(%arg9 : memref<!tpu.dma_semaphore, #tpu.memory_space<semaphore_mem>>) src(%dma_wait3A_1738 : memref<256xf32, #tpu.memory_space<vmem>>) dst(%dma_wait3A_1736 : memref<256xf32, #tpu.memory_space<hbm>>)
    %dma_wait3A_1739 = arith.constant 768 : i32
    %dma_wait3A_1740 = tpu.memref_slice %arg6[%dma_wait3A_1739] : memref<2560xf32, #tpu.memory_space<vmem>> -> memref<256xf32, #tpu.memory_space<vmem>>
    %dma_wait3A_1741 = arith.constant 0 : i32
    %dma_wait3A_1742 = tpu.memref_slice %arg3[%add3A_1614, %dma_wait3A_1741] : memref<320x256xf32, #tpu.memory_space<hbm>> -> memref<1x256xf32, #tpu.memory_space<hbm>>
    %dma_wait3A_1743 = tpu.memref_squeeze %dma_wait3A_1742 : memref<1x256xf32, #tpu.memory_space<hbm>> -> memref<256xf32, #tpu.memory_space<hbm>>
    %dma_wait3A_1744 = arith.constant 0 : i32
    %dma_wait3A_1745 = tpu.memref_slice %arg3[%add3A_1614, %dma_wait3A_1744] : memref<320x256xf32, #tpu.memory_space<hbm>> -> memref<1x256xf32, #tpu.memory_space<hbm>>
    %dma_wait3A_1746 = tpu.memref_squeeze %dma_wait3A_1745 : memref<1x256xf32, #tpu.memory_space<hbm>> -> memref<256xf32, #tpu.memory_space<hbm>>
    %dma_wait3A_1747 = arith.constant 768 : i32
    %dma_wait3A_1748 = tpu.memref_slice %arg6[%dma_wait3A_1747] : memref<2560xf32, #tpu.memory_space<vmem>> -> memref<256xf32, #tpu.memory_space<vmem>>
    tpu.wait_dma2 semaphore(%arg9 : memref<!tpu.dma_semaphore, #tpu.memory_space<semaphore_mem>>) src(%dma_wait3A_1748 : memref<256xf32, #tpu.memory_space<vmem>>) dst(%dma_wait3A_1746 : memref<256xf32, #tpu.memory_space<hbm>>)
    %dma_wait3A_1749 = arith.constant 1024 : i32
    %dma_wait3A_1750 = tpu.memref_slice %arg6[%dma_wait3A_1749] : memref<2560xf32, #tpu.memory_space<vmem>> -> memref<256xf32, #tpu.memory_space<vmem>>
    %dma_wait3A_1751 = arith.constant 0 : i32
    %dma_wait3A_1752 = tpu.memref_slice %arg3[%add3A_1628, %dma_wait3A_1751] : memref<320x256xf32, #tpu.memory_space<hbm>> -> memref<1x256xf32, #tpu.memory_space<hbm>>
    %dma_wait3A_1753 = tpu.memref_squeeze %dma_wait3A_1752 : memref<1x256xf32, #tpu.memory_space<hbm>> -> memref<256xf32, #tpu.memory_space<hbm>>
    %dma_wait3A_1754 = arith.constant 0 : i32
    %dma_wait3A_1755 = tpu.memref_slice %arg3[%add3A_1628, %dma_wait3A_1754] : memref<320x256xf32, #tpu.memory_space<hbm>> -> memref<1x256xf32, #tpu.memory_space<hbm>>
    %dma_wait3A_1756 = tpu.memref_squeeze %dma_wait3A_1755 : memref<1x256xf32, #tpu.memory_space<hbm>> -> memref<256xf32, #tpu.memory_space<hbm>>
    %dma_wait3A_1757 = arith.constant 1024 : i32
    %dma_wait3A_1758 = tpu.memref_slice %arg6[%dma_wait3A_1757] : memref<2560xf32, #tpu.memory_space<vmem>> -> memref<256xf32, #tpu.memory_space<vmem>>
    tpu.wait_dma2 semaphore(%arg9 : memref<!tpu.dma_semaphore, #tpu.memory_space<semaphore_mem>>) src(%dma_wait3A_1758 : memref<256xf32, #tpu.memory_space<vmem>>) dst(%dma_wait3A_1756 : memref<256xf32, #tpu.memory_space<hbm>>)
    %dma_wait3A_1759 = arith.constant 1280 : i32
    %dma_wait3A_1760 = tpu.memref_slice %arg6[%dma_wait3A_1759] : memref<2560xf32, #tpu.memory_space<vmem>> -> memref<256xf32, #tpu.memory_space<vmem>>
    %dma_wait3A_1761 = arith.constant 0 : i32
    %dma_wait3A_1762 = tpu.memref_slice %arg3[%add3A_1642, %dma_wait3A_1761] : memref<320x256xf32, #tpu.memory_space<hbm>> -> memref<1x256xf32, #tpu.memory_space<hbm>>
    %dma_wait3A_1763 = tpu.memref_squeeze %dma_wait3A_1762 : memref<1x256xf32, #tpu.memory_space<hbm>> -> memref<256xf32, #tpu.memory_space<hbm>>
    %dma_wait3A_1764 = arith.constant 0 : i32
    %dma_wait3A_1765 = tpu.memref_slice %arg3[%add3A_1642, %dma_wait3A_1764] : memref<320x256xf32, #tpu.memory_space<hbm>> -> memref<1x256xf32, #tpu.memory_space<hbm>>
    %dma_wait3A_1766 = tpu.memref_squeeze %dma_wait3A_1765 : memref<1x256xf32, #tpu.memory_space<hbm>> -> memref<256xf32, #tpu.memory_space<hbm>>
    %dma_wait3A_1767 = arith.constant 1280 : i32
    %dma_wait3A_1768 = tpu.memref_slice %arg6[%dma_wait3A_1767] : memref<2560xf32, #tpu.memory_space<vmem>> -> memref<256xf32, #tpu.memory_space<vmem>>
    tpu.wait_dma2 semaphore(%arg9 : memref<!tpu.dma_semaphore, #tpu.memory_space<semaphore_mem>>) src(%dma_wait3A_1768 : memref<256xf32, #tpu.memory_space<vmem>>) dst(%dma_wait3A_1766 : memref<256xf32, #tpu.memory_space<hbm>>)
    %dma_wait3A_1769 = arith.constant 1536 : i32
    %dma_wait3A_1770 = tpu.memref_slice %arg6[%dma_wait3A_1769] : memref<2560xf32, #tpu.memory_space<vmem>> -> memref<256xf32, #tpu.memory_space<vmem>>
    %dma_wait3A_1771 = arith.constant 0 : i32
    %dma_wait3A_1772 = tpu.memref_slice %arg3[%add3A_1656, %dma_wait3A_1771] : memref<320x256xf32, #tpu.memory_space<hbm>> -> memref<1x256xf32, #tpu.memory_space<hbm>>
    %dma_wait3A_1773 = tpu.memref_squeeze %dma_wait3A_1772 : memref<1x256xf32, #tpu.memory_space<hbm>> -> memref<256xf32, #tpu.memory_space<hbm>>
    %dma_wait3A_1774 = arith.constant 0 : i32
    %dma_wait3A_1775 = tpu.memref_slice %arg3[%add3A_1656, %dma_wait3A_1774] : memref<320x256xf32, #tpu.memory_space<hbm>> -> memref<1x256xf32, #tpu.memory_space<hbm>>
    %dma_wait3A_1776 = tpu.memref_squeeze %dma_wait3A_1775 : memref<1x256xf32, #tpu.memory_space<hbm>> -> memref<256xf32, #tpu.memory_space<hbm>>
    %dma_wait3A_1777 = arith.constant 1536 : i32
    %dma_wait3A_1778 = tpu.memref_slice %arg6[%dma_wait3A_1777] : memref<2560xf32, #tpu.memory_space<vmem>> -> memref<256xf32, #tpu.memory_space<vmem>>
    tpu.wait_dma2 semaphore(%arg9 : memref<!tpu.dma_semaphore, #tpu.memory_space<semaphore_mem>>) src(%dma_wait3A_1778 : memref<256xf32, #tpu.memory_space<vmem>>) dst(%dma_wait3A_1776 : memref<256xf32, #tpu.memory_space<hbm>>)
    %dma_wait3A_1779 = arith.constant 1792 : i32
    %dma_wait3A_1780 = tpu.memref_slice %arg6[%dma_wait3A_1779] : memref<2560xf32, #tpu.memory_space<vmem>> -> memref<256xf32, #tpu.memory_space<vmem>>
    %dma_wait3A_1781 = arith.constant 0 : i32
    %dma_wait3A_1782 = tpu.memref_slice %arg3[%add3A_1670, %dma_wait3A_1781] : memref<320x256xf32, #tpu.memory_space<hbm>> -> memref<1x256xf32, #tpu.memory_space<hbm>>
    %dma_wait3A_1783 = tpu.memref_squeeze %dma_wait3A_1782 : memref<1x256xf32, #tpu.memory_space<hbm>> -> memref<256xf32, #tpu.memory_space<hbm>>
    %dma_wait3A_1784 = arith.constant 0 : i32
    %dma_wait3A_1785 = tpu.memref_slice %arg3[%add3A_1670, %dma_wait3A_1784] : memref<320x256xf32, #tpu.memory_space<hbm>> -> memref<1x256xf32, #tpu.memory_space<hbm>>
    %dma_wait3A_1786 = tpu.memref_squeeze %dma_wait3A_1785 : memref<1x256xf32, #tpu.memory_space<hbm>> -> memref<256xf32, #tpu.memory_space<hbm>>
    %dma_wait3A_1787 = arith.constant 1792 : i32
    %dma_wait3A_1788 = tpu.memref_slice %arg6[%dma_wait3A_1787] : memref<2560xf32, #tpu.memory_space<vmem>> -> memref<256xf32, #tpu.memory_space<vmem>>
    tpu.wait_dma2 semaphore(%arg9 : memref<!tpu.dma_semaphore, #tpu.memory_space<semaphore_mem>>) src(%dma_wait3A_1788 : memref<256xf32, #tpu.memory_space<vmem>>) dst(%dma_wait3A_1786 : memref<256xf32, #tpu.memory_space<hbm>>)
    %dma_wait3A_1789 = arith.constant 2048 : i32
    %dma_wait3A_1790 = tpu.memref_slice %arg6[%dma_wait3A_1789] : memref<2560xf32, #tpu.memory_space<vmem>> -> memref<256xf32, #tpu.memory_space<vmem>>
    %dma_wait3A_1791 = arith.constant 0 : i32
    %dma_wait3A_1792 = tpu.memref_slice %arg3[%add3A_1684, %dma_wait3A_1791] : memref<320x256xf32, #tpu.memory_space<hbm>> -> memref<1x256xf32, #tpu.memory_space<hbm>>
    %dma_wait3A_1793 = tpu.memref_squeeze %dma_wait3A_1792 : memref<1x256xf32, #tpu.memory_space<hbm>> -> memref<256xf32, #tpu.memory_space<hbm>>
    %dma_wait3A_1794 = arith.constant 0 : i32
    %dma_wait3A_1795 = tpu.memref_slice %arg3[%add3A_1684, %dma_wait3A_1794] : memref<320x256xf32, #tpu.memory_space<hbm>> -> memref<1x256xf32, #tpu.memory_space<hbm>>
    %dma_wait3A_1796 = tpu.memref_squeeze %dma_wait3A_1795 : memref<1x256xf32, #tpu.memory_space<hbm>> -> memref<256xf32, #tpu.memory_space<hbm>>
    %dma_wait3A_1797 = arith.constant 2048 : i32
    %dma_wait3A_1798 = tpu.memref_slice %arg6[%dma_wait3A_1797] : memref<2560xf32, #tpu.memory_space<vmem>> -> memref<256xf32, #tpu.memory_space<vmem>>
    tpu.wait_dma2 semaphore(%arg9 : memref<!tpu.dma_semaphore, #tpu.memory_space<semaphore_mem>>) src(%dma_wait3A_1798 : memref<256xf32, #tpu.memory_space<vmem>>) dst(%dma_wait3A_1796 : memref<256xf32, #tpu.memory_space<hbm>>)
    %dma_wait3A_1799 = arith.constant 2304 : i32
    %dma_wait3A_1800 = tpu.memref_slice %arg6[%dma_wait3A_1799] : memref<2560xf32, #tpu.memory_space<vmem>> -> memref<256xf32, #tpu.memory_space<vmem>>
    %dma_wait3A_1801 = arith.constant 0 : i32
    %dma_wait3A_1802 = tpu.memref_slice %arg3[%add3A_1698, %dma_wait3A_1801] : memref<320x256xf32, #tpu.memory_space<hbm>> -> memref<1x256xf32, #tpu.memory_space<hbm>>
    %dma_wait3A_1803 = tpu.memref_squeeze %dma_wait3A_1802 : memref<1x256xf32, #tpu.memory_space<hbm>> -> memref<256xf32, #tpu.memory_space<hbm>>
    %dma_wait3A_1804 = arith.constant 0 : i32
    %dma_wait3A_1805 = tpu.memref_slice %arg3[%add3A_1698, %dma_wait3A_1804] : memref<320x256xf32, #tpu.memory_space<hbm>> -> memref<1x256xf32, #tpu.memory_space<hbm>>
    %dma_wait3A_1806 = tpu.memref_squeeze %dma_wait3A_1805 : memref<1x256xf32, #tpu.memory_space<hbm>> -> memref<256xf32, #tpu.memory_space<hbm>>
    %dma_wait3A_1807 = arith.constant 2304 : i32
    %dma_wait3A_1808 = tpu.memref_slice %arg6[%dma_wait3A_1807] : memref<2560xf32, #tpu.memory_space<vmem>> -> memref<256xf32, #tpu.memory_space<vmem>>
    tpu.wait_dma2 semaphore(%arg9 : memref<!tpu.dma_semaphore, #tpu.memory_space<semaphore_mem>>) src(%dma_wait3A_1808 : memref<256xf32, #tpu.memory_space<vmem>>) dst(%dma_wait3A_1806 : memref<256xf32, #tpu.memory_space<hbm>>)
    return
  }
}

#map = affine_map<(d0, d1) -> (0, 0)>
module attributes {stable_mosaic.version = 14 : i64} {
  func.func @_gather_kernel(%arg0: i32, %arg1: i32, %arg2: memref<512x256xf32, #tpu.memory_space<hbm>>, %arg3: memref<128x128xi32, #tpu.memory_space<hbm>>, %arg4: memref<16384x256xf32, #tpu.memory_space<hbm>>, %arg5: memref<4x128xi32, #tpu.memory_space<vmem>>, %arg6: memref<2x128x256xf32, #tpu.memory_space<vmem>>, %arg7: memref<!tpu.dma_semaphore, #tpu.memory_space<semaphore_mem>>, %arg8: memref<!tpu.dma_semaphore, #tpu.memory_space<semaphore_mem>>) attributes {dimension_semantics = [#tpu.dimension_semantics<core_parallel>, #tpu.dimension_semantics<subcore_parallel>], iteration_bounds = array<i64: 2, 16>, scalar_prefetch = 0 : i64, scratch_operands = 4 : i64, tpu.core_type = #tpu.core_type<sc_vector_subcore>, window_params = [{transform_indices = #map}, {transform_indices = #map}, {transform_indices = #map}]} {
    %mul3A = arith.constant 2 : i32
    %mul3A_0 = arith.muli %arg1, %mul3A : i32
    %add3A = arith.addi %mul3A_0, %arg0 : i32
    %mul3A_1 = arith.constant 512 : i32
    %mul3A_2 = arith.muli %add3A, %mul3A_1 : i32
    %mul3A_3 = arith.constant 4 : i32
    %mul3A_4 = arith.muli %add3A, %mul3A_3 : i32
    "tpu.region"() ({
      %run_scoped3A_110 = tpu.sem_alloc : memref<!tpu.dma_semaphore, #tpu.memory_space<semaphore_mem>>
      %dma_start3A_111 = arith.constant 0 : i32
      %dma_start3A_112 = tpu.memref_slice %arg3[%mul3A_4, %dma_start3A_111] : memref<128x128xi32, #tpu.memory_space<hbm>> -> memref<4x128xi32, #tpu.memory_space<hbm>>
      %dma_start3A_113 = arith.constant 0 : i32
      %dma_start3A_114 = tpu.memref_slice %arg3[%mul3A_4, %dma_start3A_113] : memref<128x128xi32, #tpu.memory_space<hbm>> -> memref<4x128xi32, #tpu.memory_space<hbm>>
      tpu.enqueue_dma source(%dma_start3A_114 : memref<4x128xi32, #tpu.memory_space<hbm>>) target(%arg5 : memref<4x128xi32, #tpu.memory_space<vmem>>) target_semaphore(%run_scoped3A_110 : memref<!tpu.dma_semaphore, #tpu.memory_space<semaphore_mem>>)
      %dma_wait3A_115 = arith.constant 0 : i32
      %dma_wait3A_116 = tpu.memref_slice %arg3[%mul3A_4, %dma_wait3A_115] : memref<128x128xi32, #tpu.memory_space<hbm>> -> memref<4x128xi32, #tpu.memory_space<hbm>>
      %dma_wait3A_117 = arith.constant 0 : i32
      %dma_wait3A_118 = tpu.memref_slice %arg3[%mul3A_4, %dma_wait3A_117] : memref<128x128xi32, #tpu.memory_space<hbm>> -> memref<4x128xi32, #tpu.memory_space<hbm>>
      tpu.wait_dma2 semaphore(%run_scoped3A_110 : memref<!tpu.dma_semaphore, #tpu.memory_space<semaphore_mem>>) src(%dma_wait3A_118 : memref<4x128xi32, #tpu.memory_space<hbm>>) dst(%arg5 : memref<4x128xi32, #tpu.memory_space<vmem>>)
      tpu.yield
    }) : () -> ()
    %dma_start3A = arith.constant 0 : i32
    %dma_start3A_5 = arith.constant 0 : i32
    %dma_start3A_6 = arith.constant 0 : i32
    %dma_start3A_7 = arith.constant 0 : i32
    %dma_start3A_8 = tpu.memref_slice %arg6[%dma_start3A_5, %dma_start3A_6, %dma_start3A_7] : memref<2x128x256xf32, #tpu.memory_space<vmem>> -> memref<1x128x256xf32, #tpu.memory_space<vmem>>
    %dma_start3A_9 = tpu.memref_squeeze %dma_start3A_8 : memref<1x128x256xf32, #tpu.memory_space<vmem>> -> memref<128x256xf32, #tpu.memory_space<vmem>>
    %dma_start3A_10 = arith.constant 0 : i32
    %dma_start3A_11 = tpu.memref_slice %arg5[%dma_start3A, %dma_start3A_10] : memref<4x128xi32, #tpu.memory_space<vmem>> -> memref<1x128xi32, #tpu.memory_space<vmem>>
    %dma_start3A_12 = tpu.memref_squeeze %dma_start3A_11 : memref<1x128xi32, #tpu.memory_space<vmem>> -> memref<128xi32, #tpu.memory_space<vmem>>
    %dma_start3A_13 = arith.constant 0 : i32
    %dma_start3A_14 = arith.constant 0 : i32
    %dma_start3A_15 = tpu.memref_slice %arg2[%dma_start3A_13, %dma_start3A_14] : memref<512x256xf32, #tpu.memory_space<hbm>> -> memref<512x256xf32, #tpu.memory_space<hbm>>
    tpu.enqueue_indirect_dma source(%dma_start3A_15 : memref<512x256xf32, #tpu.memory_space<hbm>>) target(%dma_start3A_9 : memref<128x256xf32, #tpu.memory_space<vmem>>) offsets(%dma_start3A_12 : memref<128xi32, #tpu.memory_space<vmem>>) semaphore(%arg7 : memref<!tpu.dma_semaphore, #tpu.memory_space<semaphore_mem>>)
    %dma_wait3A = arith.constant 0 : i32
    %dma_wait3A_16 = arith.constant 0 : i32
    %dma_wait3A_17 = arith.constant 0 : i32
    %dma_wait3A_18 = arith.constant 0 : i32
    %dma_wait3A_19 = tpu.memref_slice %arg6[%dma_wait3A_16, %dma_wait3A_17, %dma_wait3A_18] : memref<2x128x256xf32, #tpu.memory_space<vmem>> -> memref<1x128x256xf32, #tpu.memory_space<vmem>>
    %dma_wait3A_20 = tpu.memref_squeeze %dma_wait3A_19 : memref<1x128x256xf32, #tpu.memory_space<vmem>> -> memref<128x256xf32, #tpu.memory_space<vmem>>
    %dma_wait3A_21 = arith.constant 0 : i32
    %dma_wait3A_22 = tpu.memref_slice %arg5[%dma_wait3A, %dma_wait3A_21] : memref<4x128xi32, #tpu.memory_space<vmem>> -> memref<1x128xi32, #tpu.memory_space<vmem>>
    %dma_wait3A_23 = tpu.memref_squeeze %dma_wait3A_22 : memref<1x128xi32, #tpu.memory_space<vmem>> -> memref<128xi32, #tpu.memory_space<vmem>>
    %dma_wait3A_24 = arith.constant 0 : i32
    %dma_wait3A_25 = arith.constant 0 : i32
    %dma_wait3A_26 = tpu.memref_slice %arg2[%dma_wait3A_24, %dma_wait3A_25] : memref<512x256xf32, #tpu.memory_space<hbm>> -> memref<512x256xf32, #tpu.memory_space<hbm>>
    tpu.wait_indirect_dma semaphore(%arg7 : memref<!tpu.dma_semaphore, #tpu.memory_space<semaphore_mem>>) src(%dma_wait3A_26 : memref<512x256xf32, #tpu.memory_space<hbm>>) dst(%dma_wait3A_20 : memref<128x256xf32, #tpu.memory_space<vmem>>)
    %dma_start3A_27 = arith.constant 1 : i32
    %dma_start3A_28 = arith.constant 1 : i32
    %dma_start3A_29 = arith.constant 0 : i32
    %dma_start3A_30 = arith.constant 0 : i32
    %dma_start3A_31 = tpu.memref_slice %arg6[%dma_start3A_28, %dma_start3A_29, %dma_start3A_30] : memref<2x128x256xf32, #tpu.memory_space<vmem>> -> memref<1x128x256xf32, #tpu.memory_space<vmem>>
    %dma_start3A_32 = tpu.memref_squeeze %dma_start3A_31 : memref<1x128x256xf32, #tpu.memory_space<vmem>> -> memref<128x256xf32, #tpu.memory_space<vmem>>
    %dma_start3A_33 = arith.constant 0 : i32
    %dma_start3A_34 = tpu.memref_slice %arg5[%dma_start3A_27, %dma_start3A_33] : memref<4x128xi32, #tpu.memory_space<vmem>> -> memref<1x128xi32, #tpu.memory_space<vmem>>
    %dma_start3A_35 = tpu.memref_squeeze %dma_start3A_34 : memref<1x128xi32, #tpu.memory_space<vmem>> -> memref<128xi32, #tpu.memory_space<vmem>>
    %dma_start3A_36 = arith.constant 0 : i32
    %dma_start3A_37 = arith.constant 0 : i32
    %dma_start3A_38 = tpu.memref_slice %arg2[%dma_start3A_36, %dma_start3A_37] : memref<512x256xf32, #tpu.memory_space<hbm>> -> memref<512x256xf32, #tpu.memory_space<hbm>>
    tpu.enqueue_indirect_dma source(%dma_start3A_38 : memref<512x256xf32, #tpu.memory_space<hbm>>) target(%dma_start3A_32 : memref<128x256xf32, #tpu.memory_space<vmem>>) offsets(%dma_start3A_35 : memref<128xi32, #tpu.memory_space<vmem>>) semaphore(%arg8 : memref<!tpu.dma_semaphore, #tpu.memory_space<semaphore_mem>>)
    %add3A_39 = arith.constant 0 : i32
    %add3A_40 = arith.addi %mul3A_2, %add3A_39 : i32
    %run_scoped3A = arith.constant 0 : i32
    "tpu.region"() ({
      %run_scoped3A_110 = tpu.sem_alloc : memref<!tpu.dma_semaphore, #tpu.memory_space<semaphore_mem>>
      %dma_start3A_111 = arith.constant 0 : i32
      %dma_start3A_112 = arith.constant 0 : i32
      %dma_start3A_113 = tpu.memref_slice %arg6[%run_scoped3A, %dma_start3A_111, %dma_start3A_112] : memref<2x128x256xf32, #tpu.memory_space<vmem>> -> memref<1x128x256xf32, #tpu.memory_space<vmem>>
      %dma_start3A_114 = tpu.memref_squeeze %dma_start3A_113 : memref<1x128x256xf32, #tpu.memory_space<vmem>> -> memref<128x256xf32, #tpu.memory_space<vmem>>
      %dma_start3A_115 = arith.constant 0 : i32
      %dma_start3A_116 = tpu.memref_slice %arg4[%add3A_40, %dma_start3A_115] : memref<16384x256xf32, #tpu.memory_space<hbm>> -> memref<128x256xf32, #tpu.memory_space<hbm>>
      %dma_start3A_117 = arith.constant 0 : i32
      %dma_start3A_118 = tpu.memref_slice %arg4[%add3A_40, %dma_start3A_117] : memref<16384x256xf32, #tpu.memory_space<hbm>> -> memref<128x256xf32, #tpu.memory_space<hbm>>
      %dma_start3A_119 = arith.constant 0 : i32
      %dma_start3A_120 = arith.constant 0 : i32
      %dma_start3A_121 = tpu.memref_slice %arg6[%run_scoped3A, %dma_start3A_119, %dma_start3A_120] : memref<2x128x256xf32, #tpu.memory_space<vmem>> -> memref<1x128x256xf32, #tpu.memory_space<vmem>>
      %dma_start3A_122 = tpu.memref_squeeze %dma_start3A_121 : memref<1x128x256xf32, #tpu.memory_space<vmem>> -> memref<128x256xf32, #tpu.memory_space<vmem>>
      tpu.enqueue_dma source(%dma_start3A_122 : memref<128x256xf32, #tpu.memory_space<vmem>>) target(%dma_start3A_118 : memref<128x256xf32, #tpu.memory_space<hbm>>) target_semaphore(%run_scoped3A_110 : memref<!tpu.dma_semaphore, #tpu.memory_space<semaphore_mem>>)
      %dma_wait3A_123 = arith.constant 0 : i32
      %dma_wait3A_124 = arith.constant 0 : i32
      %dma_wait3A_125 = tpu.memref_slice %arg6[%run_scoped3A, %dma_wait3A_123, %dma_wait3A_124] : memref<2x128x256xf32, #tpu.memory_space<vmem>> -> memref<1x128x256xf32, #tpu.memory_space<vmem>>
      %dma_wait3A_126 = tpu.memref_squeeze %dma_wait3A_125 : memref<1x128x256xf32, #tpu.memory_space<vmem>> -> memref<128x256xf32, #tpu.memory_space<vmem>>
      %dma_wait3A_127 = arith.constant 0 : i32
      %dma_wait3A_128 = tpu.memref_slice %arg4[%add3A_40, %dma_wait3A_127] : memref<16384x256xf32, #tpu.memory_space<hbm>> -> memref<128x256xf32, #tpu.memory_space<hbm>>
      %dma_wait3A_129 = arith.constant 0 : i32
      %dma_wait3A_130 = tpu.memref_slice %arg4[%add3A_40, %dma_wait3A_129] : memref<16384x256xf32, #tpu.memory_space<hbm>> -> memref<128x256xf32, #tpu.memory_space<hbm>>
      %dma_wait3A_131 = arith.constant 0 : i32
      %dma_wait3A_132 = arith.constant 0 : i32
      %dma_wait3A_133 = tpu.memref_slice %arg6[%run_scoped3A, %dma_wait3A_131, %dma_wait3A_132] : memref<2x128x256xf32, #tpu.memory_space<vmem>> -> memref<1x128x256xf32, #tpu.memory_space<vmem>>
      %dma_wait3A_134 = tpu.memref_squeeze %dma_wait3A_133 : memref<1x128x256xf32, #tpu.memory_space<vmem>> -> memref<128x256xf32, #tpu.memory_space<vmem>>
      tpu.wait_dma2 semaphore(%run_scoped3A_110 : memref<!tpu.dma_semaphore, #tpu.memory_space<semaphore_mem>>) src(%dma_wait3A_134 : memref<128x256xf32, #tpu.memory_space<vmem>>) dst(%dma_wait3A_130 : memref<128x256xf32, #tpu.memory_space<hbm>>)
      tpu.yield
    }) : () -> ()
    %dma_wait3A_41 = arith.constant 1 : i32
    %dma_wait3A_42 = arith.constant 1 : i32
    %dma_wait3A_43 = arith.constant 0 : i32
    %dma_wait3A_44 = arith.constant 0 : i32
    %dma_wait3A_45 = tpu.memref_slice %arg6[%dma_wait3A_42, %dma_wait3A_43, %dma_wait3A_44] : memref<2x128x256xf32, #tpu.memory_space<vmem>> -> memref<1x128x256xf32, #tpu.memory_space<vmem>>
    %dma_wait3A_46 = tpu.memref_squeeze %dma_wait3A_45 : memref<1x128x256xf32, #tpu.memory_space<vmem>> -> memref<128x256xf32, #tpu.memory_space<vmem>>
    %dma_wait3A_47 = arith.constant 0 : i32
    %dma_wait3A_48 = tpu.memref_slice %arg5[%dma_wait3A_41, %dma_wait3A_47] : memref<4x128xi32, #tpu.memory_space<vmem>> -> memref<1x128xi32, #tpu.memory_space<vmem>>
    %dma_wait3A_49 = tpu.memref_squeeze %dma_wait3A_48 : memref<1x128xi32, #tpu.memory_space<vmem>> -> memref<128xi32, #tpu.memory_space<vmem>>
    %dma_wait3A_50 = arith.constant 0 : i32
    %dma_wait3A_51 = arith.constant 0 : i32
    %dma_wait3A_52 = tpu.memref_slice %arg2[%dma_wait3A_50, %dma_wait3A_51] : memref<512x256xf32, #tpu.memory_space<hbm>> -> memref<512x256xf32, #tpu.memory_space<hbm>>
    tpu.wait_indirect_dma semaphore(%arg8 : memref<!tpu.dma_semaphore, #tpu.memory_space<semaphore_mem>>) src(%dma_wait3A_52 : memref<512x256xf32, #tpu.memory_space<hbm>>) dst(%dma_wait3A_46 : memref<128x256xf32, #tpu.memory_space<vmem>>)
    %dma_start3A_53 = arith.constant 2 : i32
    %dma_start3A_54 = arith.constant 0 : i32
    %dma_start3A_55 = arith.constant 0 : i32
    %dma_start3A_56 = arith.constant 0 : i32
    %dma_start3A_57 = tpu.memref_slice %arg6[%dma_start3A_54, %dma_start3A_55, %dma_start3A_56] : memref<2x128x256xf32, #tpu.memory_space<vmem>> -> memref<1x128x256xf32, #tpu.memory_space<vmem>>
    %dma_start3A_58 = tpu.memref_squeeze %dma_start3A_57 : memref<1x128x256xf32, #tpu.memory_space<vmem>> -> memref<128x256xf32, #tpu.memory_space<vmem>>
    %dma_start3A_59 = arith.constant 0 : i32
    %dma_start3A_60 = tpu.memref_slice %arg5[%dma_start3A_53, %dma_start3A_59] : memref<4x128xi32, #tpu.memory_space<vmem>> -> memref<1x128xi32, #tpu.memory_space<vmem>>
    %dma_start3A_61 = tpu.memref_squeeze %dma_start3A_60 : memref<1x128xi32, #tpu.memory_space<vmem>> -> memref<128xi32, #tpu.memory_space<vmem>>
    %dma_start3A_62 = arith.constant 0 : i32
    %dma_start3A_63 = arith.constant 0 : i32
    %dma_start3A_64 = tpu.memref_slice %arg2[%dma_start3A_62, %dma_start3A_63] : memref<512x256xf32, #tpu.memory_space<hbm>> -> memref<512x256xf32, #tpu.memory_space<hbm>>
    tpu.enqueue_indirect_dma source(%dma_start3A_64 : memref<512x256xf32, #tpu.memory_space<hbm>>) target(%dma_start3A_58 : memref<128x256xf32, #tpu.memory_space<vmem>>) offsets(%dma_start3A_61 : memref<128xi32, #tpu.memory_space<vmem>>) semaphore(%arg7 : memref<!tpu.dma_semaphore, #tpu.memory_space<semaphore_mem>>)
    %add3A_65 = arith.constant 128 : i32
    %add3A_66 = arith.addi %mul3A_2, %add3A_65 : i32
    %run_scoped3A_67 = arith.constant 1 : i32
    "tpu.region"() ({
      %run_scoped3A_110 = tpu.sem_alloc : memref<!tpu.dma_semaphore, #tpu.memory_space<semaphore_mem>>
      %dma_start3A_111 = arith.constant 0 : i32
      %dma_start3A_112 = arith.constant 0 : i32
      %dma_start3A_113 = tpu.memref_slice %arg6[%run_scoped3A_67, %dma_start3A_111, %dma_start3A_112] : memref<2x128x256xf32, #tpu.memory_space<vmem>> -> memref<1x128x256xf32, #tpu.memory_space<vmem>>
      %dma_start3A_114 = tpu.memref_squeeze %dma_start3A_113 : memref<1x128x256xf32, #tpu.memory_space<vmem>> -> memref<128x256xf32, #tpu.memory_space<vmem>>
      %dma_start3A_115 = arith.constant 0 : i32
      %dma_start3A_116 = tpu.memref_slice %arg4[%add3A_66, %dma_start3A_115] : memref<16384x256xf32, #tpu.memory_space<hbm>> -> memref<128x256xf32, #tpu.memory_space<hbm>>
      %dma_start3A_117 = arith.constant 0 : i32
      %dma_start3A_118 = tpu.memref_slice %arg4[%add3A_66, %dma_start3A_117] : memref<16384x256xf32, #tpu.memory_space<hbm>> -> memref<128x256xf32, #tpu.memory_space<hbm>>
      %dma_start3A_119 = arith.constant 0 : i32
      %dma_start3A_120 = arith.constant 0 : i32
      %dma_start3A_121 = tpu.memref_slice %arg6[%run_scoped3A_67, %dma_start3A_119, %dma_start3A_120] : memref<2x128x256xf32, #tpu.memory_space<vmem>> -> memref<1x128x256xf32, #tpu.memory_space<vmem>>
      %dma_start3A_122 = tpu.memref_squeeze %dma_start3A_121 : memref<1x128x256xf32, #tpu.memory_space<vmem>> -> memref<128x256xf32, #tpu.memory_space<vmem>>
      tpu.enqueue_dma source(%dma_start3A_122 : memref<128x256xf32, #tpu.memory_space<vmem>>) target(%dma_start3A_118 : memref<128x256xf32, #tpu.memory_space<hbm>>) target_semaphore(%run_scoped3A_110 : memref<!tpu.dma_semaphore, #tpu.memory_space<semaphore_mem>>)
      %dma_wait3A_123 = arith.constant 0 : i32
      %dma_wait3A_124 = arith.constant 0 : i32
      %dma_wait3A_125 = tpu.memref_slice %arg6[%run_scoped3A_67, %dma_wait3A_123, %dma_wait3A_124] : memref<2x128x256xf32, #tpu.memory_space<vmem>> -> memref<1x128x256xf32, #tpu.memory_space<vmem>>
      %dma_wait3A_126 = tpu.memref_squeeze %dma_wait3A_125 : memref<1x128x256xf32, #tpu.memory_space<vmem>> -> memref<128x256xf32, #tpu.memory_space<vmem>>
      %dma_wait3A_127 = arith.constant 0 : i32
      %dma_wait3A_128 = tpu.memref_slice %arg4[%add3A_66, %dma_wait3A_127] : memref<16384x256xf32, #tpu.memory_space<hbm>> -> memref<128x256xf32, #tpu.memory_space<hbm>>
      %dma_wait3A_129 = arith.constant 0 : i32
      %dma_wait3A_130 = tpu.memref_slice %arg4[%add3A_66, %dma_wait3A_129] : memref<16384x256xf32, #tpu.memory_space<hbm>> -> memref<128x256xf32, #tpu.memory_space<hbm>>
      %dma_wait3A_131 = arith.constant 0 : i32
      %dma_wait3A_132 = arith.constant 0 : i32
      %dma_wait3A_133 = tpu.memref_slice %arg6[%run_scoped3A_67, %dma_wait3A_131, %dma_wait3A_132] : memref<2x128x256xf32, #tpu.memory_space<vmem>> -> memref<1x128x256xf32, #tpu.memory_space<vmem>>
      %dma_wait3A_134 = tpu.memref_squeeze %dma_wait3A_133 : memref<1x128x256xf32, #tpu.memory_space<vmem>> -> memref<128x256xf32, #tpu.memory_space<vmem>>
      tpu.wait_dma2 semaphore(%run_scoped3A_110 : memref<!tpu.dma_semaphore, #tpu.memory_space<semaphore_mem>>) src(%dma_wait3A_134 : memref<128x256xf32, #tpu.memory_space<vmem>>) dst(%dma_wait3A_130 : memref<128x256xf32, #tpu.memory_space<hbm>>)
      tpu.yield
    }) : () -> ()
    %dma_wait3A_68 = arith.constant 2 : i32
    %dma_wait3A_69 = arith.constant 0 : i32
    %dma_wait3A_70 = arith.constant 0 : i32
    %dma_wait3A_71 = arith.constant 0 : i32
    %dma_wait3A_72 = tpu.memref_slice %arg6[%dma_wait3A_69, %dma_wait3A_70, %dma_wait3A_71] : memref<2x128x256xf32, #tpu.memory_space<vmem>> -> memref<1x128x256xf32, #tpu.memory_space<vmem>>
    %dma_wait3A_73 = tpu.memref_squeeze %dma_wait3A_72 : memref<1x128x256xf32, #tpu.memory_space<vmem>> -> memref<128x256xf32, #tpu.memory_space<vmem>>
    %dma_wait3A_74 = arith.constant 0 : i32
    %dma_wait3A_75 = tpu.memref_slice %arg5[%dma_wait3A_68, %dma_wait3A_74] : memref<4x128xi32, #tpu.memory_space<vmem>> -> memref<1x128xi32, #tpu.memory_space<vmem>>
    %dma_wait3A_76 = tpu.memref_squeeze %dma_wait3A_75 : memref<1x128xi32, #tpu.memory_space<vmem>> -> memref<128xi32, #tpu.memory_space<vmem>>
    %dma_wait3A_77 = arith.constant 0 : i32
    %dma_wait3A_78 = arith.constant 0 : i32
    %dma_wait3A_79 = tpu.memref_slice %arg2[%dma_wait3A_77, %dma_wait3A_78] : memref<512x256xf32, #tpu.memory_space<hbm>> -> memref<512x256xf32, #tpu.memory_space<hbm>>
    tpu.wait_indirect_dma semaphore(%arg7 : memref<!tpu.dma_semaphore, #tpu.memory_space<semaphore_mem>>) src(%dma_wait3A_79 : memref<512x256xf32, #tpu.memory_space<hbm>>) dst(%dma_wait3A_73 : memref<128x256xf32, #tpu.memory_space<vmem>>)
    %dma_start3A_80 = arith.constant 3 : i32
    %dma_start3A_81 = arith.constant 1 : i32
    %dma_start3A_82 = arith.constant 0 : i32
    %dma_start3A_83 = arith.constant 0 : i32
    %dma_start3A_84 = tpu.memref_slice %arg6[%dma_start3A_81, %dma_start3A_82, %dma_start3A_83] : memref<2x128x256xf32, #tpu.memory_space<vmem>> -> memref<1x128x256xf32, #tpu.memory_space<vmem>>
    %dma_start3A_85 = tpu.memref_squeeze %dma_start3A_84 : memref<1x128x256xf32, #tpu.memory_space<vmem>> -> memref<128x256xf32, #tpu.memory_space<vmem>>
    %dma_start3A_86 = arith.constant 0 : i32
    %dma_start3A_87 = tpu.memref_slice %arg5[%dma_start3A_80, %dma_start3A_86] : memref<4x128xi32, #tpu.memory_space<vmem>> -> memref<1x128xi32, #tpu.memory_space<vmem>>
    %dma_start3A_88 = tpu.memref_squeeze %dma_start3A_87 : memref<1x128xi32, #tpu.memory_space<vmem>> -> memref<128xi32, #tpu.memory_space<vmem>>
    %dma_start3A_89 = arith.constant 0 : i32
    %dma_start3A_90 = arith.constant 0 : i32
    %dma_start3A_91 = tpu.memref_slice %arg2[%dma_start3A_89, %dma_start3A_90] : memref<512x256xf32, #tpu.memory_space<hbm>> -> memref<512x256xf32, #tpu.memory_space<hbm>>
    tpu.enqueue_indirect_dma source(%dma_start3A_91 : memref<512x256xf32, #tpu.memory_space<hbm>>) target(%dma_start3A_85 : memref<128x256xf32, #tpu.memory_space<vmem>>) offsets(%dma_start3A_88 : memref<128xi32, #tpu.memory_space<vmem>>) semaphore(%arg8 : memref<!tpu.dma_semaphore, #tpu.memory_space<semaphore_mem>>)
    %add3A_92 = arith.constant 256 : i32
    %add3A_93 = arith.addi %mul3A_2, %add3A_92 : i32
    %run_scoped3A_94 = arith.constant 0 : i32
    "tpu.region"() ({
      %run_scoped3A_110 = tpu.sem_alloc : memref<!tpu.dma_semaphore, #tpu.memory_space<semaphore_mem>>
      %dma_start3A_111 = arith.constant 0 : i32
      %dma_start3A_112 = arith.constant 0 : i32
      %dma_start3A_113 = tpu.memref_slice %arg6[%run_scoped3A_94, %dma_start3A_111, %dma_start3A_112] : memref<2x128x256xf32, #tpu.memory_space<vmem>> -> memref<1x128x256xf32, #tpu.memory_space<vmem>>
      %dma_start3A_114 = tpu.memref_squeeze %dma_start3A_113 : memref<1x128x256xf32, #tpu.memory_space<vmem>> -> memref<128x256xf32, #tpu.memory_space<vmem>>
      %dma_start3A_115 = arith.constant 0 : i32
      %dma_start3A_116 = tpu.memref_slice %arg4[%add3A_93, %dma_start3A_115] : memref<16384x256xf32, #tpu.memory_space<hbm>> -> memref<128x256xf32, #tpu.memory_space<hbm>>
      %dma_start3A_117 = arith.constant 0 : i32
      %dma_start3A_118 = tpu.memref_slice %arg4[%add3A_93, %dma_start3A_117] : memref<16384x256xf32, #tpu.memory_space<hbm>> -> memref<128x256xf32, #tpu.memory_space<hbm>>
      %dma_start3A_119 = arith.constant 0 : i32
      %dma_start3A_120 = arith.constant 0 : i32
      %dma_start3A_121 = tpu.memref_slice %arg6[%run_scoped3A_94, %dma_start3A_119, %dma_start3A_120] : memref<2x128x256xf32, #tpu.memory_space<vmem>> -> memref<1x128x256xf32, #tpu.memory_space<vmem>>
      %dma_start3A_122 = tpu.memref_squeeze %dma_start3A_121 : memref<1x128x256xf32, #tpu.memory_space<vmem>> -> memref<128x256xf32, #tpu.memory_space<vmem>>
      tpu.enqueue_dma source(%dma_start3A_122 : memref<128x256xf32, #tpu.memory_space<vmem>>) target(%dma_start3A_118 : memref<128x256xf32, #tpu.memory_space<hbm>>) target_semaphore(%run_scoped3A_110 : memref<!tpu.dma_semaphore, #tpu.memory_space<semaphore_mem>>)
      %dma_wait3A_123 = arith.constant 0 : i32
      %dma_wait3A_124 = arith.constant 0 : i32
      %dma_wait3A_125 = tpu.memref_slice %arg6[%run_scoped3A_94, %dma_wait3A_123, %dma_wait3A_124] : memref<2x128x256xf32, #tpu.memory_space<vmem>> -> memref<1x128x256xf32, #tpu.memory_space<vmem>>
      %dma_wait3A_126 = tpu.memref_squeeze %dma_wait3A_125 : memref<1x128x256xf32, #tpu.memory_space<vmem>> -> memref<128x256xf32, #tpu.memory_space<vmem>>
      %dma_wait3A_127 = arith.constant 0 : i32
      %dma_wait3A_128 = tpu.memref_slice %arg4[%add3A_93, %dma_wait3A_127] : memref<16384x256xf32, #tpu.memory_space<hbm>> -> memref<128x256xf32, #tpu.memory_space<hbm>>
      %dma_wait3A_129 = arith.constant 0 : i32
      %dma_wait3A_130 = tpu.memref_slice %arg4[%add3A_93, %dma_wait3A_129] : memref<16384x256xf32, #tpu.memory_space<hbm>> -> memref<128x256xf32, #tpu.memory_space<hbm>>
      %dma_wait3A_131 = arith.constant 0 : i32
      %dma_wait3A_132 = arith.constant 0 : i32
      %dma_wait3A_133 = tpu.memref_slice %arg6[%run_scoped3A_94, %dma_wait3A_131, %dma_wait3A_132] : memref<2x128x256xf32, #tpu.memory_space<vmem>> -> memref<1x128x256xf32, #tpu.memory_space<vmem>>
      %dma_wait3A_134 = tpu.memref_squeeze %dma_wait3A_133 : memref<1x128x256xf32, #tpu.memory_space<vmem>> -> memref<128x256xf32, #tpu.memory_space<vmem>>
      tpu.wait_dma2 semaphore(%run_scoped3A_110 : memref<!tpu.dma_semaphore, #tpu.memory_space<semaphore_mem>>) src(%dma_wait3A_134 : memref<128x256xf32, #tpu.memory_space<vmem>>) dst(%dma_wait3A_130 : memref<128x256xf32, #tpu.memory_space<hbm>>)
      tpu.yield
    }) : () -> ()
    %dma_wait3A_95 = arith.constant 3 : i32
    %dma_wait3A_96 = arith.constant 1 : i32
    %dma_wait3A_97 = arith.constant 0 : i32
    %dma_wait3A_98 = arith.constant 0 : i32
    %dma_wait3A_99 = tpu.memref_slice %arg6[%dma_wait3A_96, %dma_wait3A_97, %dma_wait3A_98] : memref<2x128x256xf32, #tpu.memory_space<vmem>> -> memref<1x128x256xf32, #tpu.memory_space<vmem>>
    %dma_wait3A_100 = tpu.memref_squeeze %dma_wait3A_99 : memref<1x128x256xf32, #tpu.memory_space<vmem>> -> memref<128x256xf32, #tpu.memory_space<vmem>>
    %dma_wait3A_101 = arith.constant 0 : i32
    %dma_wait3A_102 = tpu.memref_slice %arg5[%dma_wait3A_95, %dma_wait3A_101] : memref<4x128xi32, #tpu.memory_space<vmem>> -> memref<1x128xi32, #tpu.memory_space<vmem>>
    %dma_wait3A_103 = tpu.memref_squeeze %dma_wait3A_102 : memref<1x128xi32, #tpu.memory_space<vmem>> -> memref<128xi32, #tpu.memory_space<vmem>>
    %dma_wait3A_104 = arith.constant 0 : i32
    %dma_wait3A_105 = arith.constant 0 : i32
    %dma_wait3A_106 = tpu.memref_slice %arg2[%dma_wait3A_104, %dma_wait3A_105] : memref<512x256xf32, #tpu.memory_space<hbm>> -> memref<512x256xf32, #tpu.memory_space<hbm>>
    tpu.wait_indirect_dma semaphore(%arg8 : memref<!tpu.dma_semaphore, #tpu.memory_space<semaphore_mem>>) src(%dma_wait3A_106 : memref<512x256xf32, #tpu.memory_space<hbm>>) dst(%dma_wait3A_100 : memref<128x256xf32, #tpu.memory_space<vmem>>)
    %add3A_107 = arith.constant 384 : i32
    %add3A_108 = arith.addi %mul3A_2, %add3A_107 : i32
    %run_scoped3A_109 = arith.constant 1 : i32
    "tpu.region"() ({
      %run_scoped3A_110 = tpu.sem_alloc : memref<!tpu.dma_semaphore, #tpu.memory_space<semaphore_mem>>
      %dma_start3A_111 = arith.constant 0 : i32
      %dma_start3A_112 = arith.constant 0 : i32
      %dma_start3A_113 = tpu.memref_slice %arg6[%run_scoped3A_109, %dma_start3A_111, %dma_start3A_112] : memref<2x128x256xf32, #tpu.memory_space<vmem>> -> memref<1x128x256xf32, #tpu.memory_space<vmem>>
      %dma_start3A_114 = tpu.memref_squeeze %dma_start3A_113 : memref<1x128x256xf32, #tpu.memory_space<vmem>> -> memref<128x256xf32, #tpu.memory_space<vmem>>
      %dma_start3A_115 = arith.constant 0 : i32
      %dma_start3A_116 = tpu.memref_slice %arg4[%add3A_108, %dma_start3A_115] : memref<16384x256xf32, #tpu.memory_space<hbm>> -> memref<128x256xf32, #tpu.memory_space<hbm>>
      %dma_start3A_117 = arith.constant 0 : i32
      %dma_start3A_118 = tpu.memref_slice %arg4[%add3A_108, %dma_start3A_117] : memref<16384x256xf32, #tpu.memory_space<hbm>> -> memref<128x256xf32, #tpu.memory_space<hbm>>
      %dma_start3A_119 = arith.constant 0 : i32
      %dma_start3A_120 = arith.constant 0 : i32
      %dma_start3A_121 = tpu.memref_slice %arg6[%run_scoped3A_109, %dma_start3A_119, %dma_start3A_120] : memref<2x128x256xf32, #tpu.memory_space<vmem>> -> memref<1x128x256xf32, #tpu.memory_space<vmem>>
      %dma_start3A_122 = tpu.memref_squeeze %dma_start3A_121 : memref<1x128x256xf32, #tpu.memory_space<vmem>> -> memref<128x256xf32, #tpu.memory_space<vmem>>
      tpu.enqueue_dma source(%dma_start3A_122 : memref<128x256xf32, #tpu.memory_space<vmem>>) target(%dma_start3A_118 : memref<128x256xf32, #tpu.memory_space<hbm>>) target_semaphore(%run_scoped3A_110 : memref<!tpu.dma_semaphore, #tpu.memory_space<semaphore_mem>>)
      %dma_wait3A_123 = arith.constant 0 : i32
      %dma_wait3A_124 = arith.constant 0 : i32
      %dma_wait3A_125 = tpu.memref_slice %arg6[%run_scoped3A_109, %dma_wait3A_123, %dma_wait3A_124] : memref<2x128x256xf32, #tpu.memory_space<vmem>> -> memref<1x128x256xf32, #tpu.memory_space<vmem>>
      %dma_wait3A_126 = tpu.memref_squeeze %dma_wait3A_125 : memref<1x128x256xf32, #tpu.memory_space<vmem>> -> memref<128x256xf32, #tpu.memory_space<vmem>>
      %dma_wait3A_127 = arith.constant 0 : i32
      %dma_wait3A_128 = tpu.memref_slice %arg4[%add3A_108, %dma_wait3A_127] : memref<16384x256xf32, #tpu.memory_space<hbm>> -> memref<128x256xf32, #tpu.memory_space<hbm>>
      %dma_wait3A_129 = arith.constant 0 : i32
      %dma_wait3A_130 = tpu.memref_slice %arg4[%add3A_108, %dma_wait3A_129] : memref<16384x256xf32, #tpu.memory_space<hbm>> -> memref<128x256xf32, #tpu.memory_space<hbm>>
      %dma_wait3A_131 = arith.constant 0 : i32
      %dma_wait3A_132 = arith.constant 0 : i32
      %dma_wait3A_133 = tpu.memref_slice %arg6[%run_scoped3A_109, %dma_wait3A_131, %dma_wait3A_132] : memref<2x128x256xf32, #tpu.memory_space<vmem>> -> memref<1x128x256xf32, #tpu.memory_space<vmem>>
      %dma_wait3A_134 = tpu.memref_squeeze %dma_wait3A_133 : memref<1x128x256xf32, #tpu.memory_space<vmem>> -> memref<128x256xf32, #tpu.memory_space<vmem>>
      tpu.wait_dma2 semaphore(%run_scoped3A_110 : memref<!tpu.dma_semaphore, #tpu.memory_space<semaphore_mem>>) src(%dma_wait3A_134 : memref<128x256xf32, #tpu.memory_space<vmem>>) dst(%dma_wait3A_130 : memref<128x256xf32, #tpu.memory_space<hbm>>)
      tpu.yield
    }) : () -> ()
    return
  }
}

module attributes {stable_mosaic.version = 14 : i64} {
  func.func @_diag_tc_body(%arg0: i32, %arg1: memref<8x256x128xf32, #tpu.memory_space<vmem>>, %arg2: memref<8x256xf32, #tpu.memory_space<vmem>>) attributes {dimension_semantics = [#tpu.dimension_semantics<arbitrary>], iteration_bounds = array<i64: 24>, scalar_prefetch = 0 : i64, scratch_operands = 0 : i64, tpu.core_type = #tpu.core_type<tc>, window_params = [{transform_indices = @transform_0, window_bounds = array<i64: 8, 256, 128>}, {transform_indices = @transform_1, window_bounds = array<i64: 8, 256>}]} {
    %jit3A = arith.constant 16 : i32
    %eq3A = arith.constant 0 : i32
    %eq3A_0 = arith.cmpi eq, %jit3A, %eq3A : i32
    %jit3A_1 = arith.constant 1 : i32
    %select_n3A = arith.select %eq3A_0, %jit3A_1, %jit3A : i32
    %rem3A = arith.remsi %arg0, %select_n3A : i32
    %ne3A = arith.constant 0 : i32
    %ne3A_2 = arith.cmpi ne, %rem3A, %ne3A : i32
    %lt3A = arith.constant 0 : i32
    %lt3A_3 = arith.cmpi slt, %rem3A, %lt3A : i32
    %lt3A_4 = arith.constant 0 : i32
    %lt3A_5 = arith.cmpi slt, %select_n3A, %lt3A_4 : i32
    %ne3A_6 = arith.xori %lt3A_3, %lt3A_5 : i1
    %and3A = arith.andi %ne3A_6, %ne3A_2 : i1
    %add3A = arith.addi %rem3A, %select_n3A : i32
    %select_n3A_7 = arith.select %and3A, %add3A, %rem3A : i32
    %mul3A = arith.constant 8 : i32
    %mul3A_8 = arith.muli %select_n3A_7, %mul3A : i32
    %iota3A = tpu.iota {dimensions = array<i32: 0>} : vector<8x1x128xi32>
    %iota3A_9 = tpu.iota {dimensions = array<i32: 2>} : vector<8x1x128xi32>
    %add3A_10 = vector.broadcast %mul3A_8 : i32 to vector<8x1x128xi32>
    %add3A_11 = arith.addi %add3A_10, %iota3A : vector<8x1x128xi32>
    %eq3A_12 = arith.cmpi eq, %iota3A_9, %add3A_11 : vector<8x1x128xi32>
    %convert_element_type3A = arith.extui %eq3A_12 : vector<8x1x128xi1> to vector<8x1x128xi32>
    %convert_element_type3A_13 = arith.sitofp %convert_element_type3A : vector<8x1x128xi32> to vector<8x1x128xf32>
    %get3A = arith.constant 0 : index
    %get3A_14 = arith.constant 0 : index
    %get3A_15 = arith.constant 0 : index
    %get3A_16 = vector.load %arg1[%get3A, %get3A_14, %get3A_15] : memref<8x256x128xf32, #tpu.memory_space<vmem>>, vector<8x256x128xf32>
    %mul3A_17 = vector.broadcast %convert_element_type3A_13 : vector<8x1x128xf32> to vector<8x256x128xf32>
    %mul3A_18 = arith.mulf %get3A_16, %mul3A_17 : vector<8x256x128xf32>
    %reduce_sum3A = arith.constant dense<0.000000e+00> : vector<8x256xf32>
    %reduce_sum3A_19 = vector.multi_reduction <add>, %mul3A_18, %reduce_sum3A [2] : vector<8x256x128xf32> to vector<8x256xf32>
    %swap3A = arith.constant 0 : index
    %swap3A_20 = arith.constant 0 : index
    %swap3A_21 = vector.load %arg2[%swap3A, %swap3A_20] : memref<8x256xf32, #tpu.memory_space<vmem>>, vector<8x256xf32>
    tpu.vector_store %arg2[%swap3A, %swap3A_20], %reduce_sum3A_19 {strides = array<i32>} : memref<8x256xf32, #tpu.memory_space<vmem>>, vector<8x256xf32>,
    return
  }
  func.func @transform_0(%arg0: i32) -> (i32, i32, i32) {
    %jit3A = arith.constant 16 : i32
    %div3A = arith.divsi %arg0, %jit3A : i32
    %sign3A = arith.constant 0 : i32
    %sign3A_0 = arith.cmpi sgt, %arg0, %sign3A : i32
    %sign3A_1 = arith.extui %sign3A_0 : i1 to i32
    %sign3A_2 = arith.constant 0 : i32
    %sign3A_3 = arith.cmpi slt, %arg0, %sign3A_2 : i32
    %sign3A_4 = arith.extui %sign3A_3 : i1 to i32
    %sign3A_5 = arith.subi %sign3A_1, %sign3A_4 : i32
    %sign3A_6 = arith.constant 0 : i32
    %sign3A_7 = arith.cmpi sgt, %jit3A, %sign3A_6 : i32
    %sign3A_8 = arith.extui %sign3A_7 : i1 to i32
    %sign3A_9 = arith.constant 0 : i32
    %sign3A_10 = arith.cmpi slt, %jit3A, %sign3A_9 : i32
    %sign3A_11 = arith.extui %sign3A_10 : i1 to i32
    %sign3A_12 = arith.subi %sign3A_8, %sign3A_11 : i32
    %ne3A = arith.cmpi ne, %sign3A_5, %sign3A_12 : i32
    %rem3A = arith.remsi %arg0, %jit3A : i32
    %ne3A_13 = arith.constant 0 : i32
    %ne3A_14 = arith.cmpi ne, %rem3A, %ne3A_13 : i32
    %and3A = arith.andi %ne3A, %ne3A_14 : i1
    %sub3A = arith.constant 1 : i32
    %sub3A_15 = arith.subi %div3A, %sub3A : i32
    %select_n3A = arith.select %and3A, %sub3A_15, %div3A : i32
    %c0_i32 = arith.constant 0 : i32
    %c0_i32_16 = arith.constant 0 : i32
    return %arg0, %c0_i32, %select_n3A : i32, i32, i32
  }
  func.func @transform_1(%arg0: i32) -> (i32, i32) {
    %c0_i32 = arith.constant 0 : i32
    %c0_i32_0 = arith.constant 0 : i32
    return %arg0, %c0_i32 : i32, i32
  }
}

module attributes {stable_mosaic.version = 14 : i64} {
  func.func @_merge_body(%arg0: memref<192x256xf32, #tpu.memory_space<vmem>>, %arg1: memref<320x256xf32, #tpu.memory_space<vmem>>, %arg2: memref<512x256xf32, #tpu.memory_space<vmem>>) attributes {dimension_semantics = [], scalar_prefetch = 0 : i64, scratch_operands = 0 : i64, tpu.core_type = #tpu.core_type<tc>} {
    %get3A = arith.constant 0 : index
    %get3A_0 = arith.constant 0 : index
    %get3A_1 = vector.load %arg0[%get3A, %get3A_0] : memref<192x256xf32, #tpu.memory_space<vmem>>, vector<192x256xf32>
    %swap3A = arith.constant 0 : index
    %swap3A_2 = arith.constant 0 : index
    %swap3A_3 = vector.load %arg2[%swap3A, %swap3A_2] : memref<512x256xf32, #tpu.memory_space<vmem>>, vector<192x256xf32>
    tpu.vector_store %arg2[%swap3A, %swap3A_2], %get3A_1 {strides = array<i32>} : memref<512x256xf32, #tpu.memory_space<vmem>>, vector<192x256xf32>,
    %get3A_4 = arith.constant 0 : index
    %get3A_5 = arith.constant 0 : index
    %get3A_6 = vector.load %arg1[%get3A_4, %get3A_5] : memref<320x256xf32, #tpu.memory_space<vmem>>, vector<320x256xf32>
    %swap3A_7 = arith.constant 192 : index
    %swap3A_8 = arith.constant 0 : index
    %swap3A_9 = vector.load %arg2[%swap3A_7, %swap3A_8] : memref<512x256xf32, #tpu.memory_space<vmem>>, vector<320x256xf32>
    tpu.vector_store %arg2[%swap3A_7, %swap3A_8], %get3A_6 {strides = array<i32>} : memref<512x256xf32, #tpu.memory_space<vmem>>, vector<320x256xf32>,
    return
  }
}

</mosaic_0001>

<sc_bundles>
// kernel: kernel.6.cloned.1.call-start
scs
__scs_entry_jumppad:
0x0: {  	(pc) =	sbr.rel $0x88, $3  }
0x1: {  	(tag) =	ssettag $0x0;
	lr =	simm.s32 $0x1  }
0x2: {  	[smem:$0x3F9F] =	sst lr;
	_ =	strace $0xD0000000  }
0x3: {  	_ = 	snop  }
0x4: {  	_ = 	snop  }
0x5: {  	_ = 	snop  }
0x6: {  	_ = 	snop  }
0x7: {  	_ = 	snop  }
__scs_overlays_trampoline_lowered:
0x8: {  	[smem:$0x3FAE] =	sst s0  }
0x9: {  	[smem:$0x3FAF] =	sst s1  }
0xa: {  	[smem:$0x3FB0] =	sst s2  }
0xb: {  	[smem:$0x3FB1] =	sst s3  }
0xc: {  	[smem:$0x3FB2] =	sst s4  }
0xd: {  	[smem:$0x3FB3] =	sst s5  }
0xe: {  	[smem:$0x3FB4] =	sst s6  }
0xf: {  	[smem:$0x3FB5] =	sst s7  }
0x10: {  	[smem:$0x3FB6] =	sst s8  }
0x11: {  	[smem:$0x3FB7] =	sst s9;
	s0 =	simm.s32 @!p0 $0x0  }
0x12: {  	s1 =	sld [smem:$0x3F9D];
	s0 =	simm.s32 @p0 $0x1  }
0x13: {  	[smem:$0x3FB8] =	sst s0;
	s0 =	simm.s32 @!p1 $0x0  }
0x14: {  	s2 =	sld [smem:$0x3F9C];
	s0 =	simm.s32 @p1 $0x1  }
0x15: {  	[smem:$0x3FB9] =	sst s0;
	s0 =	simm.s32 @!p2 $0x0  }
0x16: {  	s3 =	sld [smem:$0x3FDB];
	s0 =	simm.s32 @p2 $0x1  }
0x17: {  	s4 =	simm.s32 $0x1BF5;
	[smem:$0x3FBB] =	sst s0  }
0x18: {  	s0 =	sld [smem:$0x3F9E];
	_ =	swait.ge [sflag:s4], $0x0  }
0x19: {  	s7 =	sld [smem:$0x3F9F]  }
0x1a: {  	s8 =	sadd.s32 $0xFFFFE003, lr  }
0x1b: {  	s9 =	sadd.s32 $0xFFFFFEF7, lr;
	s5 =	simm.s32 $0xFFFFFFFF;
	p2 =	slt.u32 s8, $0xFFFFF086  }
0x1c: {  	p1 =	slt.u32 s9, $0xF7A;
	s5 =	simm.s32 @!p2 $0x0  }
0x1d: {  	s5 =	simm.s32 @p1 $0x1;
	p0 =	seq.s32 s7, s2  }
0x1e: {  	s7 =	smul.u32 @!p0 $0xF7A, s2;
	p2 =	seq.s32 @!p0 s5, $0x0  }
0x1f: {  	s9 =	smul.u32 $0xF7A, s1;
	s8 =	simm.s32 @!p0 $0x1BF5;
	p2 =	por !p2, p0  }
0x20: {  	[sflag:s8] =	ssyncset.s32 @!p0 $0xFFFFF086;
	s6 =	sadd.s32 @!p0 s3, s7;
	s7 =	simm.s32 @!p0 $0x108  }
0x21: {  	s3 =	sadd.s32 s3, s9;
	s6 =	sadd.s32 @!p0 $0x88, s6;
	s7 =	simm.s32 @p2 $0x1082  }
0x22: {  	[simem:s7], [sflag:s8] =	dma.local @!p0 [hbm:s6], $0xF7A  }
0x23: {  	s9 =	sor.u32 $0xD0000000, s2;
	s6 =	simm.s32 $0x108;
	_ =	swait.ge @!p0 [sflag:s8], $0x0  }
0x24: {  	s3 =	sadd.s32 $0x88, s3;
	s6 =	simm.s32 @!p1 $0x1082;
	[sflag:s4] =	ssyncset.s32 $0xFFFFF086  }
0x25: {  	[simem:s6], [sflag:s4] =	dma.local [hbm:s3], $0xF7A  }
0x26: {  	[smem:$0x3F9F] =	sst s1;
	(tag) =	ssettag s2;
	_ =	strace s9  }
0x27: {  	s1 =	sld [smem:$0x3FAF]  }
0x28: {  	s2 =	sld [smem:$0x3FB0]  }
0x29: {  	s4 =	sld [smem:$0x3FB2]  }
0x2a: {  	p0 =	seq.s32 s5, $0x0;
	s5 =	sld [smem:$0x3FB3]  }
0x2b: {  	s6 =	sld [smem:$0x3FB4]  }
0x2c: {  	s7 =	sld [smem:$0x3FB5]  }
0x2d: {  	s3 =	simm.s32 $0x108;
	s8 =	sld [smem:$0x3FB6]  }
0x2e: {  	s3 =	simm.s32 @!p0 $0x1082;
	s9 =	sld [smem:$0x3FB7]  }
0x2f: {  	lr =	sadd.s32 s0, s3;
	s0 =	sld [smem:$0x3FAE]  }
0x30: {  	s3 =	sld [smem:$0x3FB1]  }
0x31: {  	[smem:$0x3FBA] =	sst s10  }
0x32: {  	s10 =	sld [smem:$0x3FB8];
	_ =	sdelay $0x3  }
0x33: {  	p0 =	seq.s32 s10, $0x1;
	s10 =	sld [smem:$0x3FBA];
	_ =	sdelay $0x3  }
0x34: {  	[smem:$0x3FBA] =	sst s10  }
0x35: {  	s10 =	sld [smem:$0x3FB9];
	_ =	sdelay $0x3  }
0x36: {  	p1 =	seq.s32 s10, $0x1;
	s10 =	sld [smem:$0x3FBA];
	_ =	sdelay $0x3  }
0x37: {  	[smem:$0x3FBA] =	sst s10  }
0x38: {  	s10 =	sld [smem:$0x3FBB]  }
0x39: {  	_ = 	snop;
	(pc) =	sbr.ind lr, $3  }
0x3a: {  	_ = 	snop  }
0x3b: {  	_ = 	snop  }
0x3c: {  	p2 =	seq.s32 s10, $0x1;
	s10 =	sld [smem:$0x3FBA]  }
0x3d: {  	_ =	shalt  }
0x3e: {  	_ =	shalt  }
0x3f: {  	_ =	shalt  }
0x40: {  	_ =	shalt  }
0x41: {  	_ =	shalt  }
0x42: {  	_ =	shalt  }
0x43: {  	_ =	shalt  }
0x44: {  	_ =	shalt  }
0x45: {  	_ =	shalt  }
0x46: {  	_ =	shalt  }
0x47: {  	_ =	shalt  }
0x48: {  	_ =	shalt  }
0x49: {  	_ =	shalt  }
0x4a: {  	_ =	shalt  }
0x4b: {  	_ =	shalt  }
0x4c: {  	_ =	shalt  }
0x4d: {  	_ =	shalt  }
0x4e: {  	_ =	shalt  }
0x4f: {  	_ =	shalt  }
0x50: {  	_ =	shalt  }
0x51: {  	_ =	shalt  }
0x52: {  	_ =	shalt  }
0x53: {  	_ =	shalt  }
0x54: {  	_ =	shalt  }
0x55: {  	_ =	shalt  }
0x56: {  	_ =	shalt  }
0x57: {  	_ =	shalt  }
0x58: {  	_ =	shalt  }
0x59: {  	_ =	shalt  }
0x5a: {  	_ =	shalt  }
0x5b: {  	_ =	shalt  }
0x5c: {  	_ =	shalt  }
0x5d: {  	_ =	shalt  }
0x5e: {  	_ =	shalt  }
0x5f: {  	_ =	shalt  }
0x60: {  	_ =	shalt  }
0x61: {  	_ =	shalt  }
0x62: {  	_ =	shalt  }
0x63: {  	_ =	shalt  }
0x64: {  	_ =	shalt  }
0x65: {  	_ =	shalt  }
0x66: {  	_ =	shalt  }
0x67: {  	_ =	shalt  }
0x68: {  	_ =	shalt  }
0x69: {  	_ =	shalt  }
0x6a: {  	_ =	shalt  }
0x6b: {  	_ =	shalt  }
0x6c: {  	_ =	shalt  }
0x6d: {  	_ =	shalt  }
0x6e: {  	_ =	shalt  }
0x6f: {  	_ =	shalt  }
0x70: {  	_ =	shalt  }
0x71: {  	_ =	shalt  }
0x72: {  	_ =	shalt  }
0x73: {  	_ =	shalt  }
0x74: {  	_ =	shalt  }
0x75: {  	_ =	shalt  }
0x76: {  	_ =	shalt  }
0x77: {  	_ =	shalt  }
0x78: {  	_ =	shalt  }
0x79: {  	_ =	shalt  }
0x7a: {  	_ =	shalt  }
0x7b: {  	_ =	shalt  }
0x7c: {  	_ =	shalt  }
0x7d: {  	_ =	shalt  }
0x7e: {  	_ =	shalt  }
0x7f: {  	_ =	shalt  }
0x80: {  	_ =	shalt  }
0x81: {  	_ =	shalt  }
0x82: {  	_ =	shalt  }
0x83: {  	_ =	shalt  }
0x84: {  	_ =	shalt  }
0x85: {  	_ =	shalt  }
0x86: {  	_ =	shalt  }
0x87: {  	_ =	shalt  }
.Lfunc_end0:
.L_simem_size_0:
called_computation_lowered:
.L_overlay_start_0:
0x88: {  	s2 =	sld [smem:$0x3FD9]  }
0x89: {  	s3 =	sld [smem:$0x3FFE];
	_ =	sdelay $0x1  }
0x8a: {  	s1 =	srdreg.scid  }
0x8b: {  	s0 =	sand.u32 $0x1, s1  }
0x8c: {  	s18 =	sshll.u32 s0, $0xA;
	s2 =	sadd.s32 s3, s2  }
0x8d: {  	s2 =	sadd.s32 s2, s18  }
0x8e: {  	[smem:$0x3FC6] =	sst s2  }
0x8f: {  	_ = 	snop  }
0x90: {  	s2 =	sld [smem:$0x3FC9]  }
0x91: {  	s19 =	sld [smem:$0x3FD0];
	(tm) =	ssettm $0x1  }
0x92: {  	s4 =	sld [smem:$0x3FFB];
	_ =	sdelay $0x3  }
0x93: {  	_ =	strace s4  }
0x94: {  	s4 =	sld [smem:$0x3FFC];
	_ =	sdelay $0x3  }
0x95: {  	_ =	strace s4  }
0x96: {  	s4 =	sld [smem:$0x3FFD];
	_ =	sdelay $0x3  }
0x97: {  	_ =	strace s4  }
0x98: {  	_ =	strace $0x8FFFFFFF  }
0x99: {  	s20 =	sld [smem:$0x3FDB];
	_ =	sdelay $0x1  }
0x9a: {  	s5 =	simm.s32 $_scs_section_size  }
0x9b: {  	s6 =	simm.s32 $_size__tile_overlayer_lowered;
	s7 =	simm.s32 $_tile_overlayer_lowered  }
0x9c: {  	s23 =	simm.s32 $0x1BFF;
	s22 =	sshll.u32 s7, $0x1;
	s4 =	sadd.s32 s5, s20  }
0x9d: {  	s8 =	simm.s32 $0x0;
	s21 =	sshll.u32 s6, $0x1;
	s6 =	sadd.s32 s22, s4  }
0x9e: {  	[timem:s8], [sflag:s23] =	dma.local [hbm:s6], s21  }
0x9f: {  	_ =	swait.ge [sflag:s23], s21  }
0xa0: {  	s5 =	ssub.s32 $0x0, s21;
	[sflag:s23] =	ssyncset.done $0x0  }
0xa1: {  	[sflag:s23] =	ssyncadd.s32 s5;
	_ =	sdelay $0x1  }
0xa2: {  	s24 =	simm.s32 $0x1B8B  }
0xa3: {  	_ =	swait.ge [sflag:s24], $0x1  }
0xa4: {  	[sflag:s24] =	ssyncset.done $0x0  }
0xa5: {  	s25 =	simm.s32 $0x1B8E;
	[sflag:s24] =	ssyncadd.s32 $0xFFFFFFFF  }
0xa6: {  	s26 =	simm.s32 $execute0_lowered;
	[smem:$0x3FD2] =	sst s25  }
0xa7: {  	s5 =	sshll.u32 s26, $0x1;
	_ =	strace $0x80000046;
	[dreg:$0x1] =	wrdreg $0xFFFFFFFF  }
0xa8: {  	s28 =	simm.s32 $_size_execute0_lowered;
	s4 =	sadd.s32 s4, s5;
	[dreg:$0x0] =	wrdreg $0x0  }
0xa9: {  	s5 =	sshll.u32 s28, $0x1;
	[dreg:$0x2] =	wrdreg s4  }
0xaa: {  	[dreg:$0x3] =	wrdreg s5  }
0xab: {  	[dreg:$0x4] =	wrdreg $0xC0  }
0xac: {  	_ =	task [dreg:s8], $0x5FFFF  }
0xad: {  	[dreg:$0x1] =	wrdreg $0xFFFFFFFF  }
0xae: {  	[dreg:$0x0] =	wrdreg $0x60  }
0xaf: {  	[dreg:$0x2] =	wrdreg s2  }
0xb0: {  	[dreg:$0x3] =	wrdreg s19  }
0xb1: {  	[dreg:$0x4] =	wrdreg $0x9  }
0xb2: {  	_ =	task.clear_ibuf [dreg:s8], $0x5FFFF;
	_ =	strace $0x90000046  }
0xb3: {  	s29 =	simm.s32 $0x9;
	_ =	strace $0x80000048  }
0xb4: {  	_ =	swait.ge [sflag:s29], $0x1  }
0xb5: {  	[sflag:s29] =	ssyncadd.s32 $0xFFFFFFFF  }
0xb6: {  	_ =	strace $0x90000048  }
0xb7: {  	_ =	sfence  }
0xb8: {  	s30 =	sld [smem:$0x0];
	_ =	sdelay $0x2  }
0xb9: {  	s31 =	sshll.u32 s1, $0xD;
	s1 =	sshrl.u32 s1, $0x2  }
0xba: {  	s3 =	sand.u32 $0x4000, s31;
	s1 =	sadd.s32 s1, s30  }
0xbb: {  	s0 =	sor.u32 s3, s0;
	s1 =	sshll.u32 s1, $0x11  }
0xbc: {  	s0 =	sor.u32 s1, s0  }
0xbd: {  	s0 =	sadd.s32 $0x8F2B, s0  }
0xbe: {  	[sflag:s0] =	ssyncadd.remote.s32 $0x1  }
0xbf: {  	_ =	sfence.sel $0xFFFF  }
0xc0: {  	[dreg:$0x0] =	wrdreg $0xFFFFFFFF;
	(pc) =	sbr.abs _section_cstart, $3  }
0xc1: {  	[dreg:$0x1] =	wrdreg $0xFFFFFFFF  }
0xc2: {  	_ =	task.clear_ibuf [dreg:s8], $0x2FFFF;
	_ =	strace $0x9FFFFFFF  }
0xc3: {  	(tm) =	ssettm $0x7FFFFFFF  }
tec
execute0_lowered:
.L_overlay_start_1:
0x0: {  	(tag) =	ssettag $0x1  }
0x1: {  	s1 =	srdreg.scid;
	s0 =	stileid.u32  }
0x2: {  	s5 =	sand.u32 $0x1, s1;
	s24 =	sshll.u32 s0, $0x1  }
0x3: {  	s3 =	sor.u32 s5, s24  }
0x4: {  	s1 =	smul.u32 $0xA, s3  }
0x5: {  	v0 =	vlaneseq.u32  }
0x6: {  	v4 =	vmul.u32 $0x80, v0;
	s6 =	sadd.s32 $0xC0, s1  }
0x7: {  	s14 =	sadd.s32 $0xC1, s1;
	s7 =	sand.u32 $0x7E, s6  }
0x8: {  	s15 =	sand.u32 $0x7F, s14;
	v0 =	vor.u32 s7, v4  }
0x9: {  	v5 =	vor.u32 $0x800, v4;
	v10 =	vor.u32 s15, v4;
	[tilespmem:$0x1F9F0] =	vst v0  }
0xa: {  	v0 =	vor.u32 s7, v5;
	[tilespmem:$0x1FA50] =	vst v10  }
0xb: {  	v6 =	vor.u32 $0x1000, v4;
	v10 =	vor.u32 s15, v5;
	[tilespmem:$0x1FA00] =	vst v0  }
0xc: {  	v0 =	vor.u32 s7, v6;
	[tilespmem:$0x1FA60] =	vst v10  }
0xd: {  	v7 =	vor.u32 $0x1800, v4;
	v10 =	vor.u32 s15, v6;
	[tilespmem:$0x1FA10] =	vst v0  }
0xe: {  	v0 =	vor.u32 s7, v7;
	[tilespmem:$0x1FA70] =	vst v10  }
0xf: {  	v8 =	vor.u32 $0x2000, v4;
	v10 =	vor.u32 s15, v7;
	[tilespmem:$0x1FA20] =	vst v0  }
0x10: {  	v0 =	vor.u32 s7, v8;
	[tilespmem:$0x1FA80] =	vst v10  }
0x11: {  	v9 =	vor.u32 $0x2800, v4;
	v10 =	vor.u32 s15, v8;
	[tilespmem:$0x1FA30] =	vst v0  }
0x12: {  	s18 =	sadd.s32 $0xC2, s1;
	v0 =	vor.u32 s7, v9;
	[tilespmem:$0x1FA90] =	vst v10  }
0x13: {  	s9 =	sand.u32 $0x7E, s18;
	v10 =	vor.u32 s15, v9;
	[tilespmem:$0x1FA40] =	vst v0  }
0x14: {  	[tilespmem:$0x1FAA0] =	vst v10;
	v10 =	vor.u32 s9, v4  }
0x15: {  	[tilespmem:$0x1FAB0] =	vst v10;
	v10 =	vor.u32 s9, v5  }
0x16: {  	[tilespmem:$0x1FAC0] =	vst v10;
	v10 =	vor.u32 s9, v6  }
0x17: {  	[tilespmem:$0x1FAD0] =	vst v10;
	v10 =	vor.u32 s9, v7  }
0x18: {  	s21 =	sadd.s32 $0xC3, s1;
	[tilespmem:$0x1FAE0] =	vst v10;
	v10 =	vor.u32 s9, v8  }
0x19: {  	s10 =	sand.u32 $0x7F, s21;
	[tilespmem:$0x1FAF0] =	vst v10;
	v10 =	vor.u32 s9, v9  }
0x1a: {  	s4 =	rddreg [dreg:$0x0];
	s2 =	simm.s32 $0x0;
	[tilespmem:$0x1FB00] =	vst v10;
	v10 =	vor.u32 s10, v4  }
0x1b: {  	[smem:$0x7FF] =	sst s2;
	[tilespmem:$0x1FB10] =	vst v10;
	v10 =	vor.u32 s10, v5  }
0x1c: {  	s12 =	rddreg [dreg:$0x1];
	_ =	strace $0x80000047;
	[tilespmem:$0x1FB20] =	vst v10;
	v10 =	vor.u32 s10, v6  }
0x1d: {  	s16 =	sadd.s32 $0xC4, s1;
	[tilespmem:$0x1FB30] =	vst v10;
	v10 =	vor.u32 s10, v7  }
0x1e: {  	s11 =	sand.u32 $0x7E, s16;
	[tilespmem:$0x1FB40] =	vst v10;
	v10 =	vor.u32 s10, v8  }
0x1f: {  	[tilespmem:$0x1FB50] =	vst v10;
	v10 =	vor.u32 s11, v4  }
0x20: {  	[tilespmem:$0x1FB60] =	vst v10;
	v10 =	vor.u32 s11, v5  }
0x21: {  	[tilespmem:$0x1FB70] =	vst v10;
	v10 =	vor.u32 s11, v6  }
0x22: {  	s19 =	sadd.s32 $0xC5, s1;
	[tilespmem:$0x1FB80] =	vst v10;
	v10 =	vor.u32 s11, v7  }
0x23: {  	s13 =	sand.u32 $0x7F, s19;
	[tilespmem:$0x1FB90] =	vst v10;
	v10 =	vor.u32 s11, v8  }
0x24: {  	[tilespmem:$0x1FBA0] =	vst v10;
	v10 =	vor.u32 s13, v4  }
0x25: {  	s8 =	sand.u32 $0x380, s6;
	[tilespmem:$0x1FBB0] =	vst v10;
	v10 =	vor.u32 s13, v5  }
0x26: {  	s6 =	sshll.u32 s6, $0xE;
	s8 =	sadd.s32 s4, s8;
	[tilespmem:$0x1FBC0] =	vst v10;
	v10 =	vor.u32 s13, v6  }
0x27: {  	s6 =	sadd.s32 s6, s8;
	s8 =	sadd.s32 $0xC6, s1;
	[tilespmem:$0x1FBD0] =	vst v10;
	v10 =	vor.u32 s13, v7  }
0x28: {  	s25 =	sand.u32 $0x380, s14;
	s17 =	sshll.u32 s14, $0xE;
	s14 =	sand.u32 $0x7E, s8;
	[tilespmem:$0x1FBE0] =	vst v10;
	v10 =	vor.u32 s13, v8  }
0x29: {  	[tilespmem:$0x1FBF0] =	vst v10;
	v10 =	vor.u32 s14, v4  }
0x2a: {  	[tilespmem:$0x1FC00] =	vst v10;
	v10 =	vor.u32 s14, v5  }
0x2b: {  	[dreg:$0x3] =	wrdreg s6;
	s6 =	sadd.s32 s4, s25;
	[tilespmem:$0x1FC10] =	vst v10;
	v10 =	vor.u32 s14, v6  }
0x2c: {  	s20 =	sand.u32 $0x380, s18;
	s6 =	sadd.s32 s17, s6;
	s17 =	sadd.s32 $0xC7, s1;
	[tilespmem:$0x1FC20] =	vst v10;
	v10 =	vor.u32 s14, v7  }
0x2d: {  	s22 =	sadd.s32 s4, s20;
	s20 =	sand.u32 $0x7F, s17;
	[tilespmem:$0x1FC30] =	vst v10;
	v10 =	vor.u32 s14, v8  }
0x2e: {  	[tilespmem:$0x1FC40] =	vst v10;
	v10 =	vor.u32 s20, v4  }
0x2f: {  	[tilespmem:$0x1FC50] =	vst v10;
	v10 =	vor.u32 s20, v5  }
0x30: {  	v3 =	vor.u32 $0x3000, v4;
	v2 =	vor.u32 $0x3800, v4;
	s18 =	sshll.u32 s18, $0xE;
	[tilespmem:$0x1FC60] =	vst v10;
	v10 =	vor.u32 s20, v6  }
0x31: {  	v1 =	vor.u32 $0x4000, v4;
	v26 =	vor.u32 $0x5000, v4;
	s22 =	sadd.s32 s18, s22;
	s18 =	sadd.s32 $0xC8, s1;
	[tilespmem:$0x1FC70] =	vst v10;
	v10 =	vor.u32 s20, v7  }
0x32: {  	v27 =	vor.u32 $0x5800, v4;
	v28 =	vor.u32 $0x6000, v4;
	s24 =	sand.u32 $0x7E, s18;
	[dreg:$0x4] =	wrdreg s6;
	s6 =	sadd.s32 $0xC9, s1;
	[tilespmem:$0x1FC80] =	vst v10;
	v10 =	vor.u32 s20, v8  }
0x33: {  	v29 =	vor.u32 $0x6800, v4;
	v30 =	vor.u32 $0x7000, v4;
	s30 =	sand.u32 $0x7F, s6;
	[tilespmem:$0x1FC90] =	vst v10;
	v10 =	vor.u32 s24, v4  }
0x34: {  	v31 =	vor.u32 $0x7800, v4;
	v0 =	vor.u32 $0x4800, v4;
	v4 =	vor.u32 s30, v4;
	[tilespmem:$0x1FCA0] =	vst v10  }
0x35: {  	v10 =	vor.u32 s24, v5;
	[tilespmem:$0x1FCF0] =	vst v4  }
0x36: {  	v4 =	vor.u32 s30, v5;
	[tilespmem:$0x1FCB0] =	vst v10  }
0x37: {  	v10 =	vor.u32 s24, v6;
	[tilespmem:$0x1FD00] =	vst v4  }
0x38: {  	v4 =	vor.u32 s30, v6;
	[tilespmem:$0x1FCC0] =	vst v10  }
0x39: {  	v10 =	vor.u32 s24, v7;
	[tilespmem:$0x1FD10] =	vst v4  }
0x3a: {  	v4 =	vor.u32 s30, v7;
	[tilespmem:$0x1FCD0] =	vst v10  }
0x3b: {  	[tilespmem:$0x1FD20] =	vst v4;
	v4 =	vor.u32 s30, v8  }
0x3c: {  	[tilespmem:$0x1FD30] =	vst v4;
	v4 =	vor.u32 s10, v9  }
0x3d: {  	[tilespmem:$0x1FD40] =	vst v4;
	v4 =	vor.u32 s11, v9  }
0x3e: {  	[tilespmem:$0x1FD50] =	vst v4;
	v4 =	vor.u32 s13, v9  }
0x3f: {  	[tilespmem:$0x1FD60] =	vst v4;
	v4 =	vor.u32 s14, v9  }
0x40: {  	[tilespmem:$0x1FD70] =	vst v4;
	v4 =	vor.u32 s20, v9  }
0x41: {  	[tilespmem:$0x1FD80] =	vst v4;
	v4 =	vor.u32 s24, v9  }
0x42: {  	[tilespmem:$0x1FD90] =	vst v4;
	v4 =	vor.u32 s30, v9  }
0x43: {  	[tilespmem:$0x1FDA0] =	vst v4;
	v4 =	vor.u32 s7, v3  }
0x44: {  	s28 =	simm.s32 $0x10600;
	s29 =	simm.s32 $0x10700;
	[tilespmem:$0x1FDB0] =	vst v4;
	v4 =	vor.u32 s15, v3  }
0x45: {  	s31 =	simm.s32 $0x10900;
	s5 =	ssub.s32 $0x2, s5;
	s23 =	sand.u32 $0x380, s21;
	[tilespmem:$0x1FDC0] =	vst v4;
	v4 =	vor.u32 s9, v3  }
0x46: {  	s21 =	sshll.u32 s21, $0xE;
	s26 =	sand.u32 $0x380, s16;
	s16 =	sshll.u32 s16, $0xE;
	[tilespmem:$0x1FDD0] =	vst v4;
	v4 =	vor.u32 s10, v3  }
0x47: {  	s0 =	sand.u32 $0x380, s19;
	s19 =	sshll.u32 s19, $0xE;
	s23 =	sadd.s32 s4, s23;
	[tilespmem:$0x1FDE0] =	vst v4;
	v4 =	vor.u32 s11, v3  }
0x48: {  	s21 =	sadd.s32 s21, s23;
	s23 =	sadd.s32 s4, s0;
	[dreg:$0x5] =	wrdreg s22;
	[tilespmem:$0x1FDF0] =	vst v4;
	v4 =	vor.u32 s13, v3  }
0x49: {  	s19 =	sadd.s32 s19, s23;
	[dreg:$0x6] =	wrdreg s21;
	s21 =	sadd.s32 s4, s26;
	[tilespmem:$0x1FE00] =	vst v4;
	v4 =	vor.u32 s14, v3  }
0x4a: {  	s25 =	sshrl.u32 s5, $0x1;
	[dreg:$0x8] =	wrdreg s19;
	s16 =	sadd.s32 s16, s21;
	[tilespmem:$0x1FE10] =	vst v4;
	v4 =	vor.u32 s20, v3  }
0x4b: {  	s26 =	sand.u32 $0x380, s8;
	s8 =	sshll.u32 s8, $0xE;
	[dreg:$0x7] =	wrdreg s16;
	[tilespmem:$0x1FE20] =	vst v4;
	v4 =	vor.u32 s24, v3;
	v3 =	vor.u32 s30, v3  }
0x4c: {  	s16 =	ssub.s32 s5, s25;
	s5 =	sadd.s32 s4, s26;
	s0 =	sand.u32 $0x380, s17;
	[tilespmem:$0x1FE40] =	vst v3;
	v3 =	vor.u32 s7, v2  }
0x4d: {  	v36 =	vor.u32 s7, v26;
	v37 =	vor.u32 s7, v27;
	s21 =	sshll.u32 s17, $0xE;
	s25 =	sand.u32 $0x380, s18;
	s26 =	sshll.u32 s18, $0xE;
	[tilespmem:$0x1FE50] =	vst v3;
	v3 =	vor.u32 s15, v2  }
0x4e: {  	v38 =	vor.u32 s7, v28;
	v39 =	vor.u32 s7, v29;
	s5 =	sadd.s32 s8, s5;
	s22 =	sadd.s32 s4, s0;
	s8 =	sadd.s32 s4, s25;
	[tilespmem:$0x1FE60] =	vst v3;
	v3 =	vor.u32 s9, v2  }
0x4f: {  	v40 =	vor.u32 s7, v30;
	v41 =	vor.u32 s7, v31;
	s0 =	smul.u32 $0xA00, s3;
	s3 =	sshll.u32 s3, $0x8;
	s25 =	sadd.s32 $0x2, s1;
	[tilespmem:$0x1FE70] =	vst v3;
	v3 =	vor.u32 s10, v2  }
0x50: {  	v42 =	vor.u32 s15, v26;
	v43 =	vor.u32 s15, v27;
	[dreg:$0x9] =	wrdreg s5;
	s23 =	sadd.s32 s21, s22;
	s17 =	sadd.s32 s26, s8;
	[tilespmem:$0x1FE80] =	vst v3;
	v3 =	vor.u32 s11, v2  }
0x51: {  	v44 =	vor.u32 s15, v28;
	v45 =	vor.u32 s15, v29;
	s3 =	sand.u32 $0x300, s3;
	s21 =	sshll.u32 s6, $0xE;
	[dreg:$0xa] =	wrdreg s23;
	[tilespmem:$0x1FE90] =	vst v3;
	v3 =	vor.u32 s13, v2  }
0x52: {  	v46 =	vor.u32 s15, v30;
	v47 =	vor.u32 s15, v31;
	s6 =	sand.u32 $0x380, s6;
	s26 =	sshll.u32 s25, $0x4;
	[dreg:$0xb] =	wrdreg s17;
	[tilespmem:$0x1FEA0] =	vst v3;
	v3 =	vor.u32 s14, v2  }
0x53: {  	v48 =	vor.u32 s9, v26;
	v49 =	vor.u32 s9, v27;
	s19 =	sand.u32 $0x1F800, s0;
	s22 =	sadd.s32 s4, s6;
	s6 =	sshll.u32 s25, $0x5;
	[tilespmem:$0x1FEB0] =	vst v3;
	v3 =	vor.u32 s20, v2  }
0x54: {  	v50 =	vor.u32 s9, v28;
	s8 =	sand.u32 $0x60, s26;
	s0 =	sadd.s32 $0x3, s1;
	s17 =	sor.u32 s3, s19;
	[tilespmem:$0x1FEC0] =	vst v3;
	v3 =	vor.u32 s24, v2;
	v2 =	vor.u32 s30, v2  }
0x55: {  	v51 =	vor.u32 s9, v29;
	v52 =	vor.u32 s9, v30;
	s3 =	sadd.s32 s21, s22;
	s6 =	sand.u32 $0x7F00, s6;
	s8 =	sadd.s32 s12, s8;
	[tilespmem:$0x1FEE0] =	vst v2;
	v2 =	vor.u32 s7, v1  }
0x56: {  	v53 =	vor.u32 s9, v31;
	v54 =	vor.u32 s10, v26;
	s19 =	sshll.u32 s0, $0x5;
	s21 =	sadd.s32 $0x4, s1;
	s18 =	sshll.u32 s0, $0x4;
	[tilespmem:$0x1FEF0] =	vst v2;
	v2 =	vor.u32 s15, v1  }
0x57: {  	v20 =	vor.u32 s24, v26;
	v21 =	vor.u32 s24, v27;
	s0 =	sadd.s32 $0x5, s1;
	s23 =	sshrl.u32 s17, $0x3;
	s6 =	sadd.s32 s6, s8;
	[tilespmem:$0x1FF00] =	vst v2;
	v2 =	vor.u32 s9, v1  }
0x58: {  	v22 =	vor.u32 s24, v28;
	v23 =	vor.u32 s24, v29;
	s8 =	sand.u32 $0x7F00, s19;
	s22 =	sshll.u32 s21, $0x4;
	s18 =	sand.u32 $0x70, s18;
	[tilespmem:$0x1FF10] =	vst v2;
	v2 =	vor.u32 s10, v1  }
0x59: {  	v24 =	vor.u32 s24, v30;
	v25 =	vor.u32 s24, v31;
	s19 =	sshll.u32 s21, $0x5;
	s17 =	sadd.s32 $0x800, s17;
	s4 =	sadd.s32 s12, s23;
	[tilespmem:$0x1FF20] =	vst v2;
	v2 =	vor.u32 s11, v1  }
0x5a: {  	v34 =	vor.u32 s24, v0;
	v33 =	vor.u32 s20, v0;
	s21 =	sand.u32 $0x60, s22;
	s23 =	sadd.s32 s12, s18;
	s25 =	sand.u32 $0x7F00, s19;
	[tilespmem:$0x1FF30] =	vst v2;
	v2 =	vor.u32 s13, v1  }
0x5b: {  	v14 =	vor.u32 s20, v26;
	v15 =	vor.u32 s20, v27;
	s19 =	sshll.u32 s0, $0x5;
	s18 =	sshll.u32 s0, $0x4;
	s0 =	sadd.s32 $0x7, s1;
	[tilespmem:$0x1FF40] =	vst v2;
	v2 =	vor.u32 s14, v1  }
0x5c: {  	v16 =	vor.u32 s20, v28;
	v17 =	vor.u32 s20, v29;
	s5 =	sadd.s32 $0x10, s4;
	s26 =	sadd.s32 s12, s21;
	s21 =	sadd.s32 $0x6, s1;
	[tilespmem:$0x1FF50] =	vst v2;
	v2 =	vor.u32 s20, v1  }
0x5d: {  	v18 =	vor.u32 s20, v30;
	s18 =	sand.u32 $0x70, s18;
	s1 =	sadd.s32 $0x9, s1;
	s22 =	sshll.u32 s21, $0x4;
	[tilespmem:$0x1FF60] =	vst v2;
	v2 =	vor.u32 s24, v1;
	v1 =	vor.u32 s30, v1  }
0x5e: {  	v19 =	vor.u32 s20, v31;
	v10 =	vor.u32 s24, v8;
	s20 =	simm.s32 $0x80;
	s24 =	simm.s32 $0x10300;
	[tilespmem:$0x1FF80] =	vst v1;
	v1 =	vor.u32 s7, v0;
	s7 =	sadd.s32 s8, s23  }
0x5f: {  	v55 =	vor.u32 s10, v27;
	v56 =	vor.u32 s10, v28;
	v57 =	vor.u32 s10, v29;
	[tilespmem:$0x1FCE0] =	vst v10;
	s8 =	sadd.s32 s25, s26;
	s23 =	sadd.s32 s12, s18;
	s25 =	sshll.u32 s21, $0x5  }
0x60: {  	v58 =	vor.u32 s10, v30;
	v59 =	vor.u32 s10, v31;
	s26 =	sand.u32 $0x60, s22;
	s21 =	sshll.u32 s0, $0x5;
	[tilespmem:$0x1FF90] =	vst v1;
	v1 =	vor.u32 s15, v0;
	s15 =	sand.u32 $0x7F00, s19  }
0x61: {  	v60 =	vor.u32 s11, v26;
	v61 =	vor.u32 s11, v27;
	v62 =	vor.u32 s11, v28;
	[tilespmem:$0x1FE30] =	vst v4;
	s18 =	sand.u32 $0x7F00, s25;
	s19 =	sadd.s32 s12, s26;
	s22 =	sand.u32 $0x7F00, s21  }
0x62: {  	v63 =	vor.u32 s11, v29;
	v11 =	vor.u32 s14, v29;
	v12 =	vor.u32 s14, v30;
	[tilespmem:$0x1FED0] =	vst v3;
	s25 =	sshrl.u32 s17, $0x3;
	s17 =	simm.s32 $0x1;
	s21 =	simm.s32 $0x10000  }
0x63: {  	v13 =	vor.u32 s14, v31;
	v35 =	vor.u32 s30, v0;
	[tilespmem:$0x1FFA0] =	vst v1;
	v1 =	vor.u32 s9, v0;
	s9 =	sadd.s32 s15, s23;
	s23 =	sshll.u32 s1, $0x4;
	s1 =	sshll.u32 s1, $0x5  }
0x64: {  	v5 =	vor.u32 s13, v29;
	v29 =	vor.u32 s30, v29;
	[tilespmem:$0x1FFB0] =	vst v1;
	v1 =	vor.u32 s10, v0;
	s10 =	sadd.s32 s18, s19;
	s19 =	sshll.u32 s0, $0x4;
	s18 =	sand.u32 $0x70, s23  }
0x65: {  	v6 =	vor.u32 s13, v30;
	v7 =	vor.u32 s13, v31;
	v8 =	vor.u32 s14, v26;
	[tilespmem:$0x1FF70] =	vst v2;
	s1 =	sand.u32 $0x7F00, s1;
	s23 =	simm.s32 $0x10200;
	s15 =	sand.u32 $0x70, s19  }
0x66: {  	v10 =	vor.u32 s14, v28;
	v4 =	vor.u32 s13, v28;
	[tilespmem:$0x1FFC0] =	vst v1;
	v1 =	vor.u32 s11, v0;
	s26 =	sadd.s32 s12, s18;
	s18 =	simm.s32 $0x8000;
	s19 =	simm.s32 $0x2  }
0x67: {  	v3 =	vor.u32 s13, v27;
	v2 =	vor.u32 s13, v26;
	[tilespmem:$0x1FFD0] =	vst v1;
	v1 =	vor.u32 s13, v0;
	s15 =	sadd.s32 s12, s15;
	s12 =	sadd.s32 s12, s25;
	s13 =	sadd.s32 s1, s26  }
0x68: {  	v9 =	vor.u32 s14, v27;
	v28 =	vor.u32 s30, v28;
	s25 =	simm.s32 $0x10400;
	s26 =	simm.s32 $0x10500;
	s1 =	simm.s32 $0x3;
	[tilespmem:$0x1FFE0] =	vst v1;
	v1 =	vor.u32 s14, v0  }
0x69: {  	v27 =	vor.u32 s30, v27;
	v0 =	vor.u32 s11, v30;
	s14 =	smax.u32 s16, $0x1;
	s16 =	simm.s32 $0x1000;
	[tilespmem:$0x1FFF0] =	vst v1;
	v1 =	vor.u32 s11, v31;
	s11 =	sadd.s32 s22, s15  }
0x6a: {  	v26 =	vor.u32 s30, v26;
	v30 =	vor.u32 s30, v30;
	s15 =	simm.s32 $0x400;
	s22 =	simm.s32 $0x10100;
	v31 =	vor.u32 s30, v31;
	s30 =	simm.s32 $0x10800  }
.LBB2_1:
0x6b: {  	s0 =	rddreg [dreg:$0x3]  }
0x6c: {  	[tilespmem:s2], [sflag:$0x1] =	stream.strided.gather [hbm4b:s0+s15], $0x8000, s16, s15, $0x38;
	[tilespmem:$0x10A00] =	vst v63  }
0x6d: {  	_ =	swait.ge [sflag:s17], $0x8000  }
0x6e: {  	v32 =	vld [tilespmem:$0x1F9F0];
	_ =	sdelay $0x4  }
0x6f: {  	[sflag:s17] =	ssyncset.done $0x0  }
0x70: {  	s0 =	rddreg [dreg:$0x4];
	[sflag:s17] =	ssyncadd.s32 $0xFFFF8000  }
0x71: {  	[tilespmem:s18], [sflag:$0x2] =	stream.strided.gather [hbm4b:s0+s15], $0x8000, s16, s15, $0x38;
	[tilespmem:$0x10A00] =	vst v63  }
0x72: {  	v32 =	vld.idx.msk [tilespmem:v32+s2+$0x0], $0xffff;
	_ =	sdelay $0x4  }
0x73: {  	[tilespmem:$0x10000] =	vst v32;
	v32 =	vld [tilespmem:$0x1FA00];
	_ =	sdelay $0x7  }
0x74: {  	v32 =	vld.idx.msk [tilespmem:v32+s2+$0x0], $0xffff;
	_ =	sdelay $0x4  }
0x75: {  	[tilespmem:$0x10010] =	vst v32;
	v32 =	vld [tilespmem:$0x1FA10];
	_ =	sdelay $0x7  }
0x76: {  	v32 =	vld.idx.msk [tilespmem:v32+s2+$0x0], $0xffff;
	_ =	sdelay $0x4  }
0x77: {  	[tilespmem:$0x10020] =	vst v32;
	v32 =	vld [tilespmem:$0x1FA20];
	_ =	sdelay $0x7  }
0x78: {  	v32 =	vld.idx.msk [tilespmem:v32+s2+$0x0], $0xffff;
	_ =	sdelay $0x4  }
0x79: {  	[tilespmem:$0x10030] =	vst v32;
	v32 =	vld [tilespmem:$0x1FA30];
	_ =	sdelay $0x7  }
0x7a: {  	v32 =	vld.idx.msk [tilespmem:v32+s2+$0x0], $0xffff;
	_ =	sdelay $0x4  }
0x7b: {  	[tilespmem:$0x10040] =	vst v32;
	v32 =	vld [tilespmem:$0x1FA40];
	_ =	sdelay $0x7  }
0x7c: {  	v32 =	vld.idx.msk [tilespmem:v32+s2+$0x0], $0xffff;
	_ =	sdelay $0x4  }
0x7d: {  	[tilespmem:$0x10050] =	vst v32;
	v32 =	vld [tilespmem:$0x1FDB0];
	_ =	sdelay $0x7  }
0x7e: {  	v32 =	vld.idx.msk [tilespmem:v32+s2+$0x0], $0xffff;
	_ =	sdelay $0x4  }
0x7f: {  	[tilespmem:$0x10060] =	vst v32;
	v32 =	vld [tilespmem:$0x1FE50];
	_ =	sdelay $0x7  }
0x80: {  	v32 =	vld.idx.msk [tilespmem:v32+s2+$0x0], $0xffff;
	_ =	sdelay $0x4  }
0x81: {  	[tilespmem:$0x10070] =	vst v32;
	v32 =	vld [tilespmem:$0x1FEF0];
	_ =	sdelay $0x7  }
0x82: {  	v32 =	vld.idx.msk [tilespmem:v32+s2+$0x0], $0xffff;
	_ =	sdelay $0x4  }
0x83: {  	[tilespmem:$0x10080] =	vst v32;
	v32 =	vld [tilespmem:$0x1FF90];
	_ =	sdelay $0x7  }
0x84: {  	v32 =	vld.idx.msk [tilespmem:v32+s2+$0x0], $0xffff;
	_ =	sdelay $0x4  }
0x85: {  	[tilespmem:$0x10090] =	vst v32  }
0x86: {  	v32 =	vld.idx.msk [tilespmem:v36+s2+$0x0], $0xffff;
	_ =	sdelay $0x4  }
0x87: {  	[tilespmem:$0x100A0] =	vst v32  }
0x88: {  	v32 =	vld.idx.msk [tilespmem:v37+s2+$0x0], $0xffff;
	_ =	sdelay $0x4  }
0x89: {  	[tilespmem:$0x100B0] =	vst v32  }
0x8a: {  	v32 =	vld.idx.msk [tilespmem:v38+s2+$0x0], $0xffff;
	_ =	sdelay $0x4  }
0x8b: {  	[tilespmem:$0x100C0] =	vst v32  }
0x8c: {  	v32 =	vld.idx.msk [tilespmem:v39+s2+$0x0], $0xffff;
	_ =	sdelay $0x4  }
0x8d: {  	[tilespmem:$0x100D0] =	vst v32  }
0x8e: {  	v32 =	vld.idx.msk [tilespmem:v40+s2+$0x0], $0xffff;
	_ =	sdelay $0x4  }
0x8f: {  	[tilespmem:$0x100E0] =	vst v32  }
0x90: {  	v32 =	vld.idx.msk [tilespmem:v41+s2+$0x0], $0xffff;
	_ =	sdelay $0x4  }
0x91: {  	[tilespmem:$0x100F0] =	vst v32  }
0x92: {  	_ =	swait.ge [sflag:s19], $0x8000  }
0x93: {  	v32 =	vld [tilespmem:$0x1FA50];
	_ =	sdelay $0x4  }
0x94: {  	[sflag:s19] =	ssyncset.done $0x0  }
0x95: {  	s0 =	rddreg [dreg:$0x5];
	[sflag:s19] =	ssyncadd.s32 $0xFFFF8000  }
0x96: {  	[tilespmem:s2], [sflag:$0x1] =	stream.strided.gather [hbm4b:s0+s15], $0x8000, s16, s15, $0x38;
	[tilespmem:$0x10A00] =	vst v63  }
0x97: {  	v32 =	vld.idx.msk [tilespmem:v32+s18+$0x0], $0xffff;
	_ =	sdelay $0x4  }
0x98: {  	[tilespmem:$0x10100] =	vst v32;
	v32 =	vld [tilespmem:$0x1FA60];
	_ =	sdelay $0x7  }
0x99: {  	v32 =	vld.idx.msk [tilespmem:v32+s18+$0x0], $0xffff;
	_ =	sdelay $0x4  }
0x9a: {  	[tilespmem:$0x10110] =	vst v32;
	v32 =	vld [tilespmem:$0x1FA70];
	_ =	sdelay $0x7  }
0x9b: {  	v32 =	vld.idx.msk [tilespmem:v32+s18+$0x0], $0xffff;
	_ =	sdelay $0x4  }
0x9c: {  	[tilespmem:$0x10120] =	vst v32;
	v32 =	vld [tilespmem:$0x1FA80];
	_ =	sdelay $0x7  }
0x9d: {  	v32 =	vld.idx.msk [tilespmem:v32+s18+$0x0], $0xffff;
	_ =	sdelay $0x4  }
0x9e: {  	[tilespmem:$0x10130] =	vst v32;
	v32 =	vld [tilespmem:$0x1FA90];
	_ =	sdelay $0x7  }
0x9f: {  	v32 =	vld.idx.msk [tilespmem:v32+s18+$0x0], $0xffff;
	_ =	sdelay $0x4  }
0xa0: {  	[tilespmem:$0x10140] =	vst v32;
	v32 =	vld [tilespmem:$0x1FAA0];
	_ =	sdelay $0x7  }
0xa1: {  	v32 =	vld.idx.msk [tilespmem:v32+s18+$0x0], $0xffff;
	_ =	sdelay $0x4  }
0xa2: {  	[tilespmem:$0x10150] =	vst v32;
	v32 =	vld [tilespmem:$0x1FDC0];
	_ =	sdelay $0x7  }
0xa3: {  	v32 =	vld.idx.msk [tilespmem:v32+s18+$0x0], $0xffff;
	_ =	sdelay $0x4  }
0xa4: {  	[tilespmem:$0x10160] =	vst v32;
	v32 =	vld [tilespmem:$0x1FE60];
	_ =	sdelay $0x7  }
0xa5: {  	v32 =	vld.idx.msk [tilespmem:v32+s18+$0x0], $0xffff;
	_ =	sdelay $0x4  }
0xa6: {  	[tilespmem:$0x10170] =	vst v32;
	v32 =	vld [tilespmem:$0x1FF00];
	_ =	sdelay $0x7  }
0xa7: {  	v32 =	vld.idx.msk [tilespmem:v32+s18+$0x0], $0xffff;
	_ =	sdelay $0x4  }
0xa8: {  	[tilespmem:$0x10180] =	vst v32;
	v32 =	vld [tilespmem:$0x1FFA0];
	_ =	sdelay $0x7  }
0xa9: {  	v32 =	vld.idx.msk [tilespmem:v32+s18+$0x0], $0xffff;
	_ =	sdelay $0x4  }
0xaa: {  	[tilespmem:$0x10190] =	vst v32  }
0xab: {  	v32 =	vld.idx.msk [tilespmem:v42+s18+$0x0], $0xffff;
	_ =	sdelay $0x4  }
0xac: {  	[tilespmem:$0x101A0] =	vst v32  }
0xad: {  	v32 =	vld.idx.msk [tilespmem:v43+s18+$0x0], $0xffff;
	_ =	sdelay $0x4  }
0xae: {  	[tilespmem:$0x101B0] =	vst v32  }
0xaf: {  	v32 =	vld.idx.msk [tilespmem:v44+s18+$0x0], $0xffff;
	_ =	sdelay $0x4  }
0xb0: {  	[tilespmem:$0x101C0] =	vst v32  }
0xb1: {  	v32 =	vld.idx.msk [tilespmem:v45+s18+$0x0], $0xffff;
	_ =	sdelay $0x4  }
0xb2: {  	[tilespmem:$0x101D0] =	vst v32  }
0xb3: {  	v32 =	vld.idx.msk [tilespmem:v46+s18+$0x0], $0xffff;
	_ =	sdelay $0x4  }
0xb4: {  	[tilespmem:$0x101E0] =	vst v32  }
0xb5: {  	v32 =	vld.idx.msk [tilespmem:v47+s18+$0x0], $0xffff;
	_ =	sdelay $0x4  }
0xb6: {  	[tilespmem:$0x101F0] =	vst v32  }
0xb7: {  	_ =	swait.ge [sflag:s17], $0x8000  }
0xb8: {  	v32 =	vld [tilespmem:$0x1FAB0];
	_ =	sdelay $0x4  }
0xb9: {  	[sflag:s17] =	ssyncset.done $0x0  }
0xba: {  	s0 =	rddreg [dreg:$0x6];
	[sflag:s17] =	ssyncadd.s32 $0xFFFF8000  }
0xbb: {  	[tilespmem:s18], [sflag:$0x2] =	stream.strided.gather [hbm4b:s0+s15], $0x8000, s16, s15, $0x38;
	[tilespmem:$0x10A00] =	vst v63  }
0xbc: {  	v32 =	vld.idx.msk [tilespmem:v32+s2+$0x0], $0xffff;
	_ =	sdelay $0x4  }
0xbd: {  	[tilespmem:$0x10200] =	vst v32;
	v32 =	vld [tilespmem:$0x1FAC0];
	_ =	sdelay $0x7  }
0xbe: {  	v32 =	vld.idx.msk [tilespmem:v32+s2+$0x0], $0xffff;
	_ =	sdelay $0x4  }
0xbf: {  	[tilespmem:$0x10210] =	vst v32;
	v32 =	vld [tilespmem:$0x1FAD0];
	_ =	sdelay $0x7  }
0xc0: {  	v32 =	vld.idx.msk [tilespmem:v32+s2+$0x0], $0xffff;
	_ =	sdelay $0x4  }
0xc1: {  	[tilespmem:$0x10220] =	vst v32;
	v32 =	vld [tilespmem:$0x1FAE0];
	_ =	sdelay $0x7  }
0xc2: {  	v32 =	vld.idx.msk [tilespmem:v32+s2+$0x0], $0xffff;
	_ =	sdelay $0x4  }
0xc3: {  	[tilespmem:$0x10230] =	vst v32;
	v32 =	vld [tilespmem:$0x1FAF0];
	_ =	sdelay $0x7  }
0xc4: {  	v32 =	vld.idx.msk [tilespmem:v32+s2+$0x0], $0xffff;
	_ =	sdelay $0x4  }
0xc5: {  	[tilespmem:$0x10240] =	vst v32;
	v32 =	vld [tilespmem:$0x1FB00];
	_ =	sdelay $0x7  }
0xc6: {  	v32 =	vld.idx.msk [tilespmem:v32+s2+$0x0], $0xffff;
	_ =	sdelay $0x4  }
0xc7: {  	[tilespmem:$0x10250] =	vst v32;
	v32 =	vld [tilespmem:$0x1FDD0];
	_ =	sdelay $0x7  }
0xc8: {  	v32 =	vld.idx.msk [tilespmem:v32+s2+$0x0], $0xffff;
	_ =	sdelay $0x4  }
0xc9: {  	[tilespmem:$0x10260] =	vst v32;
	v32 =	vld [tilespmem:$0x1FE70];
	_ =	sdelay $0x7  }
0xca: {  	v32 =	vld.idx.msk [tilespmem:v32+s2+$0x0], $0xffff;
	_ =	sdelay $0x4  }
0xcb: {  	[tilespmem:$0x10270] =	vst v32;
	v32 =	vld [tilespmem:$0x1FF10];
	_ =	sdelay $0x7  }
0xcc: {  	v32 =	vld.idx.msk [tilespmem:v32+s2+$0x0], $0xffff;
	_ =	sdelay $0x4  }
0xcd: {  	[tilespmem:$0x10280] =	vst v32;
	v32 =	vld [tilespmem:$0x1FFB0];
	_ =	sdelay $0x7  }
0xce: {  	v32 =	vld.idx.msk [tilespmem:v32+s2+$0x0], $0xffff;
	_ =	sdelay $0x4  }
0xcf: {  	[tilespmem:$0x10290] =	vst v32  }
0xd0: {  	v32 =	vld.idx.msk [tilespmem:v48+s2+$0x0], $0xffff;
	_ =	sdelay $0x4  }
0xd1: {  	[tilespmem:$0x102A0] =	vst v32  }
0xd2: {  	v32 =	vld.idx.msk [tilespmem:v49+s2+$0x0], $0xffff;
	_ =	sdelay $0x4  }
0xd3: {  	[tilespmem:$0x102B0] =	vst v32  }
0xd4: {  	v32 =	vld.idx.msk [tilespmem:v50+s2+$0x0], $0xffff;
	_ =	sdelay $0x4  }
0xd5: {  	[tilespmem:$0x102C0] =	vst v32  }
0xd6: {  	v32 =	vld.idx.msk [tilespmem:v51+s2+$0x0], $0xffff;
	_ =	sdelay $0x4  }
0xd7: {  	[tilespmem:$0x102D0] =	vst v32  }
0xd8: {  	v32 =	vld.idx.msk [tilespmem:v52+s2+$0x0], $0xffff;
	_ =	sdelay $0x4  }
0xd9: {  	[tilespmem:$0x102E0] =	vst v32  }
0xda: {  	v32 =	vld.idx.msk [tilespmem:v53+s2+$0x0], $0xffff;
	_ =	sdelay $0x4  }
0xdb: {  	[tilespmem:$0x102F0] =	vst v32  }
0xdc: {  	_ =	swait.ge [sflag:s19], $0x8000  }
0xdd: {  	v32 =	vld [tilespmem:$0x1FB10];
	_ =	sdelay $0x4  }
0xde: {  	[sflag:s19] =	ssyncset.done $0x0  }
0xdf: {  	s0 =	rddreg [dreg:$0x7];
	[sflag:s19] =	ssyncadd.s32 $0xFFFF8000  }
0xe0: {  	[tilespmem:s2], [sflag:$0x1] =	stream.strided.gather [hbm4b:s0+s15], $0x8000, s16, s15, $0x38;
	[tilespmem:$0x10A00] =	vst v63  }
0xe1: {  	v32 =	vld.idx.msk [tilespmem:v32+s18+$0x0], $0xffff;
	_ =	sdelay $0x4  }
0xe2: {  	[tilespmem:$0x10300] =	vst v32;
	v32 =	vld [tilespmem:$0x1FB20];
	_ =	sdelay $0x7  }
0xe3: {  	v32 =	vld.idx.msk [tilespmem:v32+s18+$0x0], $0xffff;
	_ =	sdelay $0x4  }
0xe4: {  	[tilespmem:$0x10310] =	vst v32;
	v32 =	vld [tilespmem:$0x1FB30];
	_ =	sdelay $0x7  }
0xe5: {  	v32 =	vld.idx.msk [tilespmem:v32+s18+$0x0], $0xffff;
	_ =	sdelay $0x4  }
0xe6: {  	[tilespmem:$0x10320] =	vst v32;
	v32 =	vld [tilespmem:$0x1FB40];
	_ =	sdelay $0x7  }
0xe7: {  	v32 =	vld.idx.msk [tilespmem:v32+s18+$0x0], $0xffff;
	_ =	sdelay $0x4  }
0xe8: {  	[tilespmem:$0x10330] =	vst v32;
	v32 =	vld [tilespmem:$0x1FB50];
	_ =	sdelay $0x7  }
0xe9: {  	v32 =	vld.idx.msk [tilespmem:v32+s18+$0x0], $0xffff;
	_ =	sdelay $0x4  }
0xea: {  	[tilespmem:$0x10340] =	vst v32;
	v32 =	vld [tilespmem:$0x1FD40];
	_ =	sdelay $0x7  }
0xeb: {  	v32 =	vld.idx.msk [tilespmem:v32+s18+$0x0], $0xffff;
	_ =	sdelay $0x4  }
0xec: {  	[tilespmem:$0x10350] =	vst v32;
	v32 =	vld [tilespmem:$0x1FDE0];
	_ =	sdelay $0x7  }
0xed: {  	v32 =	vld.idx.msk [tilespmem:v32+s18+$0x0], $0xffff;
	_ =	sdelay $0x4  }
0xee: {  	[tilespmem:$0x10360] =	vst v32;
	v32 =	vld [tilespmem:$0x1FE80];
	_ =	sdelay $0x7  }
0xef: {  	v32 =	vld.idx.msk [tilespmem:v32+s18+$0x0], $0xffff;
	_ =	sdelay $0x4  }
0xf0: {  	[tilespmem:$0x10370] =	vst v32;
	v32 =	vld [tilespmem:$0x1FF20];
	_ =	sdelay $0x7  }
0xf1: {  	v32 =	vld.idx.msk [tilespmem:v32+s18+$0x0], $0xffff;
	_ =	sdelay $0x4  }
0xf2: {  	[tilespmem:$0x10380] =	vst v32;
	v32 =	vld [tilespmem:$0x1FFC0];
	_ =	sdelay $0x7  }
0xf3: {  	v32 =	vld.idx.msk [tilespmem:v32+s18+$0x0], $0xffff;
	_ =	sdelay $0x4  }
0xf4: {  	[tilespmem:$0x10390] =	vst v32  }
0xf5: {  	v32 =	vld.idx.msk [tilespmem:v54+s18+$0x0], $0xffff;
	_ =	sdelay $0x4  }
0xf6: {  	[tilespmem:$0x103A0] =	vst v32  }
0xf7: {  	v32 =	vld.idx.msk [tilespmem:v55+s18+$0x0], $0xffff;
	_ =	sdelay $0x4  }
0xf8: {  	[tilespmem:$0x103B0] =	vst v32  }
0xf9: {  	v32 =	vld.idx.msk [tilespmem:v56+s18+$0x0], $0xffff;
	_ =	sdelay $0x4  }
0xfa: {  	[tilespmem:$0x103C0] =	vst v32  }
0xfb: {  	v32 =	vld.idx.msk [tilespmem:v57+s18+$0x0], $0xffff;
	_ =	sdelay $0x4  }
0xfc: {  	[tilespmem:$0x103D0] =	vst v32  }
0xfd: {  	v32 =	vld.idx.msk [tilespmem:v58+s18+$0x0], $0xffff;
	_ =	sdelay $0x4  }
0xfe: {  	[tilespmem:$0x103E0] =	vst v32  }
0xff: {  	v32 =	vld.idx.msk [tilespmem:v59+s18+$0x0], $0xffff;
	_ =	sdelay $0x4  }
0x100: {  	[tilespmem:$0x103F0] =	vst v32  }
0x101: {  	_ =	swait.ge [sflag:s17], $0x8000  }
0x102: {  	v32 =	vld [tilespmem:$0x1FB60];
	_ =	sdelay $0x4  }
0x103: {  	[sflag:s17] =	ssyncset.done $0x0  }
0x104: {  	s0 =	rddreg [dreg:$0x8];
	[sflag:s17] =	ssyncadd.s32 $0xFFFF8000  }
0x105: {  	[tilespmem:s18], [sflag:$0x2] =	stream.strided.gather [hbm4b:s0+s15], $0x8000, s16, s15, $0x38;
	[tilespmem:$0x10A00] =	vst v63  }
0x106: {  	v32 =	vld.idx.msk [tilespmem:v32+s2+$0x0], $0xffff;
	_ =	sdelay $0x4  }
0x107: {  	[tilespmem:$0x10400] =	vst v32;
	v32 =	vld [tilespmem:$0x1FB70];
	_ =	sdelay $0x7  }
0x108: {  	v32 =	vld.idx.msk [tilespmem:v32+s2+$0x0], $0xffff;
	_ =	sdelay $0x4  }
0x109: {  	[tilespmem:$0x10410] =	vst v32;
	v32 =	vld [tilespmem:$0x1FB80];
	_ =	sdelay $0x7  }
0x10a: {  	v32 =	vld.idx.msk [tilespmem:v32+s2+$0x0], $0xffff;
	_ =	sdelay $0x4  }
0x10b: {  	[tilespmem:$0x10420] =	vst v32;
	v32 =	vld [tilespmem:$0x1FB90];
	_ =	sdelay $0x7  }
0x10c: {  	v32 =	vld.idx.msk [tilespmem:v32+s2+$0x0], $0xffff;
	_ =	sdelay $0x4  }
0x10d: {  	[tilespmem:$0x10430] =	vst v32;
	v32 =	vld [tilespmem:$0x1FBA0];
	_ =	sdelay $0x7  }
0x10e: {  	v32 =	vld.idx.msk [tilespmem:v32+s2+$0x0], $0xffff;
	_ =	sdelay $0x4  }
0x10f: {  	[tilespmem:$0x10440] =	vst v32;
	v32 =	vld [tilespmem:$0x1FD50];
	_ =	sdelay $0x7  }
0x110: {  	v32 =	vld.idx.msk [tilespmem:v32+s2+$0x0], $0xffff;
	_ =	sdelay $0x4  }
0x111: {  	[tilespmem:$0x10450] =	vst v32;
	v32 =	vld [tilespmem:$0x1FDF0];
	_ =	sdelay $0x7  }
0x112: {  	v32 =	vld.idx.msk [tilespmem:v32+s2+$0x0], $0xffff;
	_ =	sdelay $0x4  }
0x113: {  	[tilespmem:$0x10460] =	vst v32;
	v32 =	vld [tilespmem:$0x1FE90];
	_ =	sdelay $0x7  }
0x114: {  	v32 =	vld.idx.msk [tilespmem:v32+s2+$0x0], $0xffff;
	_ =	sdelay $0x4  }
0x115: {  	[tilespmem:$0x10470] =	vst v32;
	v32 =	vld [tilespmem:$0x1FF30];
	_ =	sdelay $0x7  }
0x116: {  	v32 =	vld.idx.msk [tilespmem:v32+s2+$0x0], $0xffff;
	_ =	sdelay $0x4  }
0x117: {  	[tilespmem:$0x10480] =	vst v32;
	v32 =	vld [tilespmem:$0x1FFD0];
	_ =	sdelay $0x7  }
0x118: {  	v32 =	vld.idx.msk [tilespmem:v32+s2+$0x0], $0xffff;
	_ =	sdelay $0x4  }
0x119: {  	[tilespmem:$0x10490] =	vst v32  }
0x11a: {  	v32 =	vld.idx.msk [tilespmem:v60+s2+$0x0], $0xffff;
	_ =	sdelay $0x4  }
0x11b: {  	[tilespmem:$0x104A0] =	vst v32  }
0x11c: {  	v32 =	vld.idx.msk [tilespmem:v61+s2+$0x0], $0xffff;
	_ =	sdelay $0x4  }
0x11d: {  	[tilespmem:$0x104B0] =	vst v32  }
0x11e: {  	v32 =	vld.idx.msk [tilespmem:v62+s2+$0x0], $0xffff;
	_ =	sdelay $0x4  }
0x11f: {  	[tilespmem:$0x104C0] =	vst v32  }
0x120: {  	v32 =	vld.idx.msk [tilespmem:v63+s2+$0x0], $0xffff;
	_ =	sdelay $0x4  }
0x121: {  	[tilespmem:$0x104D0] =	vst v32  }
0x122: {  	v32 =	vld.idx.msk [tilespmem:v0+s2+$0x0], $0xffff;
	_ =	sdelay $0x4  }
0x123: {  	[tilespmem:$0x104E0] =	vst v32  }
0x124: {  	v32 =	vld.idx.msk [tilespmem:v1+s2+$0x0], $0xffff;
	_ =	sdelay $0x4  }
0x125: {  	[tilespmem:$0x104F0] =	vst v32  }
0x126: {  	_ =	swait.ge [sflag:s19], $0x8000  }
0x127: {  	v32 =	vld [tilespmem:$0x1FBB0];
	_ =	sdelay $0x4  }
0x128: {  	[sflag:s19] =	ssyncset.done $0x0  }
0x129: {  	s0 =	rddreg [dreg:$0x9];
	[sflag:s19] =	ssyncadd.s32 $0xFFFF8000  }
0x12a: {  	[tilespmem:s2], [sflag:$0x1] =	stream.strided.gather [hbm4b:s0+s15], $0x8000, s16, s15, $0x38;
	[tilespmem:$0x10A00] =	vst v63  }
0x12b: {  	v32 =	vld.idx.msk [tilespmem:v32+s18+$0x0], $0xffff;
	_ =	sdelay $0x4  }
0x12c: {  	[tilespmem:$0x10500] =	vst v32;
	v32 =	vld [tilespmem:$0x1FBC0];
	_ =	sdelay $0x7  }
0x12d: {  	v32 =	vld.idx.msk [tilespmem:v32+s18+$0x0], $0xffff;
	_ =	sdelay $0x4  }
0x12e: {  	[tilespmem:$0x10510] =	vst v32;
	v32 =	vld [tilespmem:$0x1FBD0];
	_ =	sdelay $0x7  }
0x12f: {  	v32 =	vld.idx.msk [tilespmem:v32+s18+$0x0], $0xffff;
	_ =	sdelay $0x4  }
0x130: {  	[tilespmem:$0x10520] =	vst v32;
	v32 =	vld [tilespmem:$0x1FBE0];
	_ =	sdelay $0x7  }
0x131: {  	v32 =	vld.idx.msk [tilespmem:v32+s18+$0x0], $0xffff;
	_ =	sdelay $0x4  }
0x132: {  	[tilespmem:$0x10530] =	vst v32;
	v32 =	vld [tilespmem:$0x1FBF0];
	_ =	sdelay $0x7  }
0x133: {  	v32 =	vld.idx.msk [tilespmem:v32+s18+$0x0], $0xffff;
	_ =	sdelay $0x4  }
0x134: {  	[tilespmem:$0x10540] =	vst v32;
	v32 =	vld [tilespmem:$0x1FD60];
	_ =	sdelay $0x7  }
0x135: {  	v32 =	vld.idx.msk [tilespmem:v32+s18+$0x0], $0xffff;
	_ =	sdelay $0x4  }
0x136: {  	[tilespmem:$0x10550] =	vst v32;
	v32 =	vld [tilespmem:$0x1FE00];
	_ =	sdelay $0x7  }
0x137: {  	v32 =	vld.idx.msk [tilespmem:v32+s18+$0x0], $0xffff;
	_ =	sdelay $0x4  }
0x138: {  	[tilespmem:$0x10560] =	vst v32;
	v32 =	vld [tilespmem:$0x1FEA0];
	_ =	sdelay $0x7  }
0x139: {  	v32 =	vld.idx.msk [tilespmem:v32+s18+$0x0], $0xffff;
	_ =	sdelay $0x4  }
0x13a: {  	[tilespmem:$0x10570] =	vst v32;
	v32 =	vld [tilespmem:$0x1FF40];
	_ =	sdelay $0x7  }
0x13b: {  	v32 =	vld.idx.msk [tilespmem:v32+s18+$0x0], $0xffff;
	_ =	sdelay $0x4  }
0x13c: {  	[tilespmem:$0x10580] =	vst v32;
	v32 =	vld [tilespmem:$0x1FFE0];
	_ =	sdelay $0x7  }
0x13d: {  	v32 =	vld.idx.msk [tilespmem:v32+s18+$0x0], $0xffff;
	_ =	sdelay $0x4  }
0x13e: {  	[tilespmem:$0x10590] =	vst v32  }
0x13f: {  	v32 =	vld.idx.msk [tilespmem:v2+s18+$0x0], $0xffff;
	_ =	sdelay $0x4  }
0x140: {  	[tilespmem:$0x105A0] =	vst v32  }
0x141: {  	v32 =	vld.idx.msk [tilespmem:v3+s18+$0x0], $0xffff;
	_ =	sdelay $0x4  }
0x142: {  	[tilespmem:$0x105B0] =	vst v32  }
0x143: {  	v32 =	vld.idx.msk [tilespmem:v4+s18+$0x0], $0xffff;
	_ =	sdelay $0x4  }
0x144: {  	[tilespmem:$0x105C0] =	vst v32  }
0x145: {  	v32 =	vld.idx.msk [tilespmem:v5+s18+$0x0], $0xffff;
	_ =	sdelay $0x4  }
0x146: {  	[tilespmem:$0x105D0] =	vst v32  }
0x147: {  	v32 =	vld.idx.msk [tilespmem:v6+s18+$0x0], $0xffff;
	_ =	sdelay $0x4  }
0x148: {  	[tilespmem:$0x105E0] =	vst v32  }
0x149: {  	v32 =	vld.idx.msk [tilespmem:v7+s18+$0x0], $0xffff;
	_ =	sdelay $0x4  }
0x14a: {  	[tilespmem:$0x105F0] =	vst v32  }
0x14b: {  	_ =	swait.ge [sflag:s17], $0x8000  }
0x14c: {  	v32 =	vld [tilespmem:$0x1FC00];
	_ =	sdelay $0x4  }
0x14d: {  	[sflag:s17] =	ssyncset.done $0x0  }
0x14e: {  	s0 =	rddreg [dreg:$0xa];
	[sflag:s17] =	ssyncadd.s32 $0xFFFF8000  }
0x14f: {  	[tilespmem:s18], [sflag:$0x2] =	stream.strided.gather [hbm4b:s0+s15], $0x8000, s16, s15, $0x38;
	[tilespmem:$0x10A00] =	vst v63  }
0x150: {  	v32 =	vld.idx.msk [tilespmem:v32+s2+$0x0], $0xffff;
	_ =	sdelay $0x4  }
0x151: {  	[tilespmem:$0x10600] =	vst v32;
	v32 =	vld [tilespmem:$0x1FC10];
	_ =	sdelay $0x7  }
0x152: {  	v32 =	vld.idx.msk [tilespmem:v32+s2+$0x0], $0xffff;
	_ =	sdelay $0x4  }
0x153: {  	[tilespmem:$0x10610] =	vst v32;
	v32 =	vld [tilespmem:$0x1FC20];
	_ =	sdelay $0x7  }
0x154: {  	v32 =	vld.idx.msk [tilespmem:v32+s2+$0x0], $0xffff;
	_ =	sdelay $0x4  }
0x155: {  	[tilespmem:$0x10620] =	vst v32;
	v32 =	vld [tilespmem:$0x1FC30];
	_ =	sdelay $0x7  }
0x156: {  	v32 =	vld.idx.msk [tilespmem:v32+s2+$0x0], $0xffff;
	_ =	sdelay $0x4  }
0x157: {  	[tilespmem:$0x10630] =	vst v32;
	v32 =	vld [tilespmem:$0x1FC40];
	_ =	sdelay $0x7  }
0x158: {  	v32 =	vld.idx.msk [tilespmem:v32+s2+$0x0], $0xffff;
	_ =	sdelay $0x4  }
0x159: {  	[tilespmem:$0x10640] =	vst v32;
	v32 =	vld [tilespmem:$0x1FD70];
	_ =	sdelay $0x7  }
0x15a: {  	v32 =	vld.idx.msk [tilespmem:v32+s2+$0x0], $0xffff;
	_ =	sdelay $0x4  }
0x15b: {  	[tilespmem:$0x10650] =	vst v32;
	v32 =	vld [tilespmem:$0x1FE10];
	_ =	sdelay $0x7  }
0x15c: {  	v32 =	vld.idx.msk [tilespmem:v32+s2+$0x0], $0xffff;
	_ =	sdelay $0x4  }
0x15d: {  	[tilespmem:$0x10660] =	vst v32;
	v32 =	vld [tilespmem:$0x1FEB0];
	_ =	sdelay $0x7  }
0x15e: {  	v32 =	vld.idx.msk [tilespmem:v32+s2+$0x0], $0xffff;
	_ =	sdelay $0x4  }
0x15f: {  	[tilespmem:$0x10670] =	vst v32;
	v32 =	vld [tilespmem:$0x1FF50];
	_ =	sdelay $0x7  }
0x160: {  	v32 =	vld.idx.msk [tilespmem:v32+s2+$0x0], $0xffff;
	_ =	sdelay $0x4  }
0x161: {  	[tilespmem:$0x10680] =	vst v32;
	v32 =	vld [tilespmem:$0x1FFF0];
	_ =	sdelay $0x7  }
0x162: {  	v32 =	vld.idx.msk [tilespmem:v32+s2+$0x0], $0xffff;
	_ =	sdelay $0x4  }
0x163: {  	[tilespmem:$0x10690] =	vst v32  }
0x164: {  	v32 =	vld.idx.msk [tilespmem:v8+s2+$0x0], $0xffff;
	_ =	sdelay $0x4  }
0x165: {  	[tilespmem:$0x106A0] =	vst v32  }
0x166: {  	v32 =	vld.idx.msk [tilespmem:v9+s2+$0x0], $0xffff;
	_ =	sdelay $0x4  }
0x167: {  	[tilespmem:$0x106B0] =	vst v32  }
0x168: {  	v32 =	vld.idx.msk [tilespmem:v10+s2+$0x0], $0xffff;
	_ =	sdelay $0x4  }
0x169: {  	[tilespmem:$0x106C0] =	vst v32  }
0x16a: {  	v32 =	vld.idx.msk [tilespmem:v11+s2+$0x0], $0xffff;
	_ =	sdelay $0x4  }
0x16b: {  	[tilespmem:$0x106D0] =	vst v32  }
0x16c: {  	v32 =	vld.idx.msk [tilespmem:v12+s2+$0x0], $0xffff;
	_ =	sdelay $0x4  }
0x16d: {  	[tilespmem:$0x106E0] =	vst v32  }
0x16e: {  	v32 =	vld.idx.msk [tilespmem:v13+s2+$0x0], $0xffff;
	_ =	sdelay $0x4  }
0x16f: {  	[tilespmem:$0x106F0] =	vst v32  }
0x170: {  	_ =	swait.ge [sflag:s19], $0x8000  }
0x171: {  	v32 =	vld [tilespmem:$0x1FC50];
	_ =	sdelay $0x4  }
0x172: {  	[sflag:s19] =	ssyncset.done $0x0  }
0x173: {  	s0 =	rddreg [dreg:$0xb];
	[sflag:s19] =	ssyncadd.s32 $0xFFFF8000  }
0x174: {  	[tilespmem:s2], [sflag:$0x1] =	stream.strided.gather [hbm4b:s0+s15], $0x8000, s16, s15, $0x38;
	[tilespmem:$0x10A00] =	vst v63  }
0x175: {  	v32 =	vld.idx.msk [tilespmem:v32+s18+$0x0], $0xffff;
	_ =	sdelay $0x4  }
0x176: {  	[tilespmem:$0x10700] =	vst v32;
	v32 =	vld [tilespmem:$0x1FC60];
	_ =	sdelay $0x7  }
0x177: {  	v32 =	vld.idx.msk [tilespmem:v32+s18+$0x0], $0xffff;
	_ =	sdelay $0x4  }
0x178: {  	[tilespmem:$0x10710] =	vst v32;
	v32 =	vld [tilespmem:$0x1FC70];
	_ =	sdelay $0x7  }
0x179: {  	v32 =	vld.idx.msk [tilespmem:v32+s18+$0x0], $0xffff;
	_ =	sdelay $0x4  }
0x17a: {  	[tilespmem:$0x10720] =	vst v32;
	v32 =	vld [tilespmem:$0x1FC80];
	_ =	sdelay $0x7  }
0x17b: {  	v32 =	vld.idx.msk [tilespmem:v32+s18+$0x0], $0xffff;
	_ =	sdelay $0x4  }
0x17c: {  	[tilespmem:$0x10730] =	vst v32;
	v32 =	vld [tilespmem:$0x1FC90];
	_ =	sdelay $0x7  }
0x17d: {  	v32 =	vld.idx.msk [tilespmem:v32+s18+$0x0], $0xffff;
	_ =	sdelay $0x4  }
0x17e: {  	[tilespmem:$0x10740] =	vst v32;
	v32 =	vld [tilespmem:$0x1FD80];
	_ =	sdelay $0x7  }
0x17f: {  	v32 =	vld.idx.msk [tilespmem:v32+s18+$0x0], $0xffff;
	_ =	sdelay $0x4  }
0x180: {  	[tilespmem:$0x10750] =	vst v32;
	v32 =	vld [tilespmem:$0x1FE20];
	_ =	sdelay $0x7  }
0x181: {  	v32 =	vld.idx.msk [tilespmem:v32+s18+$0x0], $0xffff;
	_ =	sdelay $0x4  }
0x182: {  	[tilespmem:$0x10760] =	vst v32;
	v32 =	vld [tilespmem:$0x1FEC0];
	_ =	sdelay $0x7  }
0x183: {  	v32 =	vld.idx.msk [tilespmem:v32+s18+$0x0], $0xffff;
	_ =	sdelay $0x4  }
0x184: {  	[tilespmem:$0x10770] =	vst v32;
	v32 =	vld [tilespmem:$0x1FF60];
	_ =	sdelay $0x7  }
0x185: {  	v32 =	vld.idx.msk [tilespmem:v32+s18+$0x0], $0xffff;
	_ =	sdelay $0x4  }
0x186: {  	[tilespmem:$0x10780] =	vst v32  }
0x187: {  	v32 =	vld.idx.msk [tilespmem:v33+s18+$0x0], $0xffff;
	_ =	sdelay $0x4  }
0x188: {  	[tilespmem:$0x10790] =	vst v32  }
0x189: {  	v32 =	vld.idx.msk [tilespmem:v14+s18+$0x0], $0xffff;
	_ =	sdelay $0x4  }
0x18a: {  	[tilespmem:$0x107A0] =	vst v32  }
0x18b: {  	v32 =	vld.idx.msk [tilespmem:v15+s18+$0x0], $0xffff;
	_ =	sdelay $0x4  }
0x18c: {  	[tilespmem:$0x107B0] =	vst v32  }
0x18d: {  	v32 =	vld.idx.msk [tilespmem:v16+s18+$0x0], $0xffff;
	_ =	sdelay $0x4  }
0x18e: {  	[tilespmem:$0x107C0] =	vst v32  }
0x18f: {  	v32 =	vld.idx.msk [tilespmem:v17+s18+$0x0], $0xffff;
	_ =	sdelay $0x4  }
0x190: {  	[tilespmem:$0x107D0] =	vst v32  }
0x191: {  	v32 =	vld.idx.msk [tilespmem:v18+s18+$0x0], $0xffff;
	_ =	sdelay $0x4  }
0x192: {  	[tilespmem:$0x107E0] =	vst v32  }
0x193: {  	v32 =	vld.idx.msk [tilespmem:v19+s18+$0x0], $0xffff;
	_ =	sdelay $0x4  }
0x194: {  	[tilespmem:$0x107F0] =	vst v32  }
0x195: {  	_ =	swait.ge [sflag:s17], $0x8000  }
0x196: {  	v32 =	vld [tilespmem:$0x1FCA0];
	_ =	sdelay $0x4  }
0x197: {  	[sflag:s17] =	ssyncset.done $0x0  }
0x198: {  	[sflag:s17] =	ssyncadd.s32 $0xFFFF8000  }
0x199: {  	[tilespmem:s18], [sflag:$0x2] =	stream.strided.gather [hbm4b:s3+s15], $0x8000, s16, s15, $0x38;
	[tilespmem:$0x10A00] =	vst v63  }
0x19a: {  	v32 =	vld.idx.msk [tilespmem:v32+s2+$0x0], $0xffff;
	_ =	sdelay $0x4  }
0x19b: {  	[tilespmem:$0x10800] =	vst v32;
	v32 =	vld [tilespmem:$0x1FCB0];
	_ =	sdelay $0x7  }
0x19c: {  	v32 =	vld.idx.msk [tilespmem:v32+s2+$0x0], $0xffff;
	_ =	sdelay $0x4  }
0x19d: {  	[tilespmem:$0x10810] =	vst v32;
	v32 =	vld [tilespmem:$0x1FCC0];
	_ =	sdelay $0x7  }
0x19e: {  	v32 =	vld.idx.msk [tilespmem:v32+s2+$0x0], $0xffff;
	_ =	sdelay $0x4  }
0x19f: {  	[tilespmem:$0x10820] =	vst v32;
	v32 =	vld [tilespmem:$0x1FCD0];
	_ =	sdelay $0x7  }
0x1a0: {  	v32 =	vld.idx.msk [tilespmem:v32+s2+$0x0], $0xffff;
	_ =	sdelay $0x4  }
0x1a1: {  	[tilespmem:$0x10830] =	vst v32;
	v32 =	vld [tilespmem:$0x1FCE0];
	_ =	sdelay $0x7  }
0x1a2: {  	v32 =	vld.idx.msk [tilespmem:v32+s2+$0x0], $0xffff;
	_ =	sdelay $0x4  }
0x1a3: {  	[tilespmem:$0x10840] =	vst v32;
	v32 =	vld [tilespmem:$0x1FD90];
	_ =	sdelay $0x7  }
0x1a4: {  	v32 =	vld.idx.msk [tilespmem:v32+s2+$0x0], $0xffff;
	_ =	sdelay $0x4  }
0x1a5: {  	[tilespmem:$0x10850] =	vst v32;
	v32 =	vld [tilespmem:$0x1FE30];
	_ =	sdelay $0x7  }
0x1a6: {  	v32 =	vld.idx.msk [tilespmem:v32+s2+$0x0], $0xffff;
	_ =	sdelay $0x4  }
0x1a7: {  	[tilespmem:$0x10860] =	vst v32;
	v32 =	vld [tilespmem:$0x1FED0];
	_ =	sdelay $0x7  }
0x1a8: {  	v32 =	vld.idx.msk [tilespmem:v32+s2+$0x0], $0xffff;
	_ =	sdelay $0x4  }
0x1a9: {  	[tilespmem:$0x10870] =	vst v32;
	v32 =	vld [tilespmem:$0x1FF70];
	_ =	sdelay $0x7  }
0x1aa: {  	v32 =	vld.idx.msk [tilespmem:v32+s2+$0x0], $0xffff;
	_ =	sdelay $0x4  }
0x1ab: {  	[tilespmem:$0x10880] =	vst v32  }
0x1ac: {  	v32 =	vld.idx.msk [tilespmem:v34+s2+$0x0], $0xffff;
	_ =	sdelay $0x4  }
0x1ad: {  	[tilespmem:$0x10890] =	vst v32  }
0x1ae: {  	v32 =	vld.idx.msk [tilespmem:v20+s2+$0x0], $0xffff;
	_ =	sdelay $0x4  }
0x1af: {  	[tilespmem:$0x108A0] =	vst v32  }
0x1b0: {  	v32 =	vld.idx.msk [tilespmem:v21+s2+$0x0], $0xffff;
	_ =	sdelay $0x4  }
0x1b1: {  	[tilespmem:$0x108B0] =	vst v32  }
0x1b2: {  	v32 =	vld.idx.msk [tilespmem:v22+s2+$0x0], $0xffff;
	_ =	sdelay $0x4  }
0x1b3: {  	[tilespmem:$0x108C0] =	vst v32  }
0x1b4: {  	v32 =	vld.idx.msk [tilespmem:v23+s2+$0x0], $0xffff;
	_ =	sdelay $0x4  }
0x1b5: {  	[tilespmem:$0x108D0] =	vst v32  }
0x1b6: {  	v32 =	vld.idx.msk [tilespmem:v24+s2+$0x0], $0xffff;
	_ =	sdelay $0x4  }
0x1b7: {  	[tilespmem:$0x108E0] =	vst v32  }
0x1b8: {  	v32 =	vld.idx.msk [tilespmem:v25+s2+$0x0], $0xffff;
	_ =	sdelay $0x4  }
0x1b9: {  	[tilespmem:$0x108F0] =	vst v32  }
0x1ba: {  	_ =	swait.ge [sflag:s19], $0x8000  }
0x1bb: {  	v32 =	vld [tilespmem:$0x1FCF0];
	_ =	sdelay $0x5  }
0x1bc: {  	[sflag:s19] =	ssyncset.done $0x0  }
0x1bd: {  	[sflag:s19] =	ssyncadd.s32 $0xFFFF8000  }
0x1be: {  	v32 =	vld.idx.msk [tilespmem:v32+s18+$0x0], $0xffff;
	_ =	sdelay $0x4  }
0x1bf: {  	[tilespmem:$0x10900] =	vst v32;
	v32 =	vld [tilespmem:$0x1FD00];
	_ =	sdelay $0x7  }
0x1c0: {  	v32 =	vld.idx.msk [tilespmem:v32+s18+$0x0], $0xffff;
	_ =	sdelay $0x4  }
0x1c1: {  	[tilespmem:$0x10910] =	vst v32;
	v32 =	vld [tilespmem:$0x1FD10];
	_ =	sdelay $0x7  }
0x1c2: {  	v32 =	vld.idx.msk [tilespmem:v32+s18+$0x0], $0xffff;
	_ =	sdelay $0x4  }
0x1c3: {  	[tilespmem:$0x10920] =	vst v32;
	v32 =	vld [tilespmem:$0x1FD20];
	_ =	sdelay $0x7  }
0x1c4: {  	v32 =	vld.idx.msk [tilespmem:v32+s18+$0x0], $0xffff;
	_ =	sdelay $0x4  }
0x1c5: {  	[tilespmem:$0x10930] =	vst v32;
	v32 =	vld [tilespmem:$0x1FD30];
	_ =	sdelay $0x7  }
0x1c6: {  	v32 =	vld.idx.msk [tilespmem:v32+s18+$0x0], $0xffff;
	_ =	sdelay $0x4  }
0x1c7: {  	[tilespmem:$0x10940] =	vst v32;
	v32 =	vld [tilespmem:$0x1FDA0];
	_ =	sdelay $0x7  }
0x1c8: {  	v32 =	vld.idx.msk [tilespmem:v32+s18+$0x0], $0xffff;
	_ =	sdelay $0x4  }
0x1c9: {  	[tilespmem:$0x10950] =	vst v32;
	v32 =	vld [tilespmem:$0x1FE40];
	_ =	sdelay $0x7  }
0x1ca: {  	v32 =	vld.idx.msk [tilespmem:v32+s18+$0x0], $0xffff;
	_ =	sdelay $0x4  }
0x1cb: {  	[tilespmem:$0x10960] =	vst v32;
	v32 =	vld [tilespmem:$0x1FEE0];
	_ =	sdelay $0x7  }
0x1cc: {  	v32 =	vld.idx.msk [tilespmem:v32+s18+$0x0], $0xffff;
	_ =	sdelay $0x4  }
0x1cd: {  	[tilespmem:$0x10970] =	vst v32;
	v32 =	vld [tilespmem:$0x1FF80];
	_ =	sdelay $0x7  }
0x1ce: {  	v32 =	vld.idx.msk [tilespmem:v32+s18+$0x0], $0xffff;
	_ =	sdelay $0x4  }
0x1cf: {  	[tilespmem:$0x10980] =	vst v32  }
0x1d0: {  	v32 =	vld.idx.msk [tilespmem:v35+s18+$0x0], $0xffff;
	_ =	sdelay $0x4  }
0x1d1: {  	[tilespmem:$0x10990] =	vst v32  }
0x1d2: {  	v32 =	vld.idx.msk [tilespmem:v26+s18+$0x0], $0xffff;
	_ =	sdelay $0x4  }
0x1d3: {  	[tilespmem:$0x109A0] =	vst v32  }
0x1d4: {  	v32 =	vld.idx.msk [tilespmem:v27+s18+$0x0], $0xffff;
	_ =	sdelay $0x4  }
0x1d5: {  	[tilespmem:$0x109B0] =	vst v32  }
0x1d6: {  	v32 =	vld.idx.msk [tilespmem:v28+s18+$0x0], $0xffff;
	_ =	sdelay $0x4  }
0x1d7: {  	[tilespmem:$0x109C0] =	vst v32  }
0x1d8: {  	v32 =	vld.idx.msk [tilespmem:v29+s18+$0x0], $0xffff;
	_ =	sdelay $0x4  }
0x1d9: {  	[tilespmem:$0x109D0] =	vst v32  }
0x1da: {  	v32 =	vld.idx.msk [tilespmem:v30+s18+$0x0], $0xffff;
	_ =	sdelay $0x4  }
0x1db: {  	[tilespmem:$0x109E0] =	vst v32  }
0x1dc: {  	v32 =	vld.idx.msk [tilespmem:v31+s18+$0x0], $0xffff;
	_ =	sdelay $0x4  }
0x1dd: {  	[tilespmem:$0x109F0] =	vst v32  }
0x1de: {  	[hbm4b:s4+s20] =	stream.strided.scatter [tilespmem:s21], [sflag:$0x3], $0x100, s15, s20, $0x38;
	[tilespmem:$0x10A00] =	vst v63  }
0x1df: {  	_ = 	snop  }
0x1e0: {  	[hbm4b:s5+s20] =	stream.strided.scatter [tilespmem:s22], [sflag:$0x3], $0x100, s15, s20, $0x38;
	[tilespmem:$0x10A00] =	vst v63  }
0x1e1: {  	_ = 	snop  }
0x1e2: {  	[hbm4b:s6+s20] =	stream.strided.scatter [tilespmem:s23], [sflag:$0x3], $0x100, s15, s20, $0x38;
	[tilespmem:$0x10A00] =	vst v63  }
0x1e3: {  	_ = 	snop  }
0x1e4: {  	[hbm4b:s7+s20] =	stream.strided.scatter [tilespmem:s24], [sflag:$0x3], $0x100, s15, s20, $0x38;
	[tilespmem:$0x10A00] =	vst v63  }
0x1e5: {  	_ = 	snop  }
0x1e6: {  	[hbm4b:s8+s20] =	stream.strided.scatter [tilespmem:s25], [sflag:$0x3], $0x100, s15, s20, $0x38;
	[tilespmem:$0x10A00] =	vst v63  }
0x1e7: {  	_ = 	snop  }
0x1e8: {  	[hbm4b:s9+s20] =	stream.strided.scatter [tilespmem:s26], [sflag:$0x3], $0x100, s15, s20, $0x38;
	[tilespmem:$0x10A00] =	vst v63  }
0x1e9: {  	_ = 	snop  }
0x1ea: {  	[hbm4b:s10+s20] =	stream.strided.scatter [tilespmem:s28], [sflag:$0x3], $0x100, s15, s20, $0x38;
	[tilespmem:$0x10A00] =	vst v63  }
0x1eb: {  	_ = 	snop  }
0x1ec: {  	[hbm4b:s11+s20] =	stream.strided.scatter [tilespmem:s29], [sflag:$0x3], $0x100, s15, s20, $0x38;
	[tilespmem:$0x10A00] =	vst v63  }
0x1ed: {  	_ = 	snop  }
0x1ee: {  	[hbm4b:s12+s20] =	stream.strided.scatter [tilespmem:s30], [sflag:$0x3], $0x100, s15, s20, $0x38;
	[tilespmem:$0x10A00] =	vst v63  }
0x1ef: {  	_ = 	snop  }
0x1f0: {  	[hbm4b:s13+s20] =	stream.strided.scatter [tilespmem:s31], [sflag:$0x3], $0x100, s15, s20, $0x38;
	[tilespmem:$0x10A00] =	vst v63  }
0x1f1: {  	_ =	swait.ge [sflag:s1], $0x100  }
0x1f2: {  	[sflag:s1] =	ssyncset.done $0x0  }
0x1f3: {  	[sflag:s1] =	ssyncadd.s32 $0xFFFFFF00  }
0x1f4: {  	_ =	swait.ge [sflag:s1], $0x100  }
0x1f5: {  	[sflag:s1] =	ssyncset.done $0x0  }
0x1f6: {  	[sflag:s1] =	ssyncadd.s32 $0xFFFFFF00  }
0x1f7: {  	_ =	swait.ge [sflag:s1], $0x100  }
0x1f8: {  	[sflag:s1] =	ssyncset.done $0x0  }
0x1f9: {  	[sflag:s1] =	ssyncadd.s32 $0xFFFFFF00  }
0x1fa: {  	_ =	swait.ge [sflag:s1], $0x100  }
0x1fb: {  	[sflag:s1] =	ssyncset.done $0x0  }
0x1fc: {  	[sflag:s1] =	ssyncadd.s32 $0xFFFFFF00  }
0x1fd: {  	_ =	swait.ge [sflag:s1], $0x100  }
0x1fe: {  	[sflag:s1] =	ssyncset.done $0x0  }
0x1ff: {  	[sflag:s1] =	ssyncadd.s32 $0xFFFFFF00  }
0x200: {  	_ =	swait.ge [sflag:s1], $0x100  }
0x201: {  	[sflag:s1] =	ssyncset.done $0x0  }
0x202: {  	[sflag:s1] =	ssyncadd.s32 $0xFFFFFF00  }
0x203: {  	_ =	swait.ge [sflag:s1], $0x100  }
0x204: {  	[sflag:s1] =	ssyncset.done $0x0  }
0x205: {  	[sflag:s1] =	ssyncadd.s32 $0xFFFFFF00  }
0x206: {  	_ =	swait.ge [sflag:s1], $0x100  }
0x207: {  	[sflag:s1] =	ssyncset.done $0x0  }
0x208: {  	[sflag:s1] =	ssyncadd.s32 $0xFFFFFF00  }
0x209: {  	p0 =	sne.s32 s14, $0x1;
	_ =	swait.ge [sflag:s1], $0x100  }
.Ltmp0:
0x20a: {  	[sflag:s1] =	ssyncset.done $0x0;
	(pc) =	sbr.rel @p0 .LBB2_1-.Ltmp0, $4  }
0x20b: {  	[sflag:s1] =	ssyncadd.s32 $0xFFFFFF00  }
0x20c: {  	_ =	swait.ge [sflag:s1], $0x100  }
0x20d: {  	[sflag:s1] =	ssyncset.done $0x0  }
0x20e: {  	s14 =	sadd.s32 $0xFFFFFFFF, s14;
	[sflag:s1] =	ssyncadd.s32 $0xFFFFFF00  }
0x20f: {  	_ =	sfence.sel $0x180000  }
0x210: {  	[bflag:$0x0] =	sbarrier.arrive $0xFFFF  }
0x211: {  	_ =	strace $0x90000047  }
0x212: {  	s0 =	stileid.u32;
	[bflag:$0x2] =	sbarrier.arrive $0xFFFF  }
0x213: {  	p0 =	sne.s32 s0, $0x0;
	s0 =	rddreg [dreg:$0x2]  }
0x214: {  	s0 =	sadd.s32 @!p0 $0x100000, s0  }
0x215: {  	[sflag:s0] =	ssyncadd.tile.s32 @!p0 $0x1;
	_ =	shalt  }
.Lfunc_end2:
_tile_overlayer_lowered:
.L_overlay_start_2:
0x216: {  	(tag) =	ssettag $0x2  }
0x217: {  	s0 =	rddreg [dreg:$0x0];
	s2 =	stileid.u32  }
0x218: {  	s1 =	rddreg [dreg:$0x1];
	p0 =	sne.s32 s2, $0x0  }
0x219: {  	s3 =	rddreg [dreg:$0x2];
	[bflag:$0x3] =	sbarrier.arrive $0xFFFF;
	s2 =	simm.s32 @!p0 $0x1C04  }
0x21a: {  	[timem:s3], [sflag:s2] =	dma.local @!p0 [hbm:s0], s1  }
0x21b: {  	s0 =	simm.s32 @!p0 $0x4  }
0x21c: {  	_ =	swait.ge @!p0 [sflag:s0], s1  }
0x21d: {  	s1 =	ssub.s32 @!p0 $0x0, s1;
	[sflag:s0] =	ssyncset.done @!p0 $0x0  }
0x21e: {  	[sflag:s0] =	ssyncadd.s32 @!p0 s1  }
0x21f: {  	[bflag:$0x3] =	sbarrier.arrive $0xFFFF  }
0x220: {  	_ =	shalt  }

// kernel: kernel.9.cloned.1.call-start
scs
__scs_entry_jumppad:
0x0: {  	(pc) =	sbr.rel $0x88, $3  }
0x1: {  	(tag) =	ssettag $0x0;
	lr =	simm.s32 $0x1  }
0x2: {  	[smem:$0x3F9F] =	sst lr;
	_ =	strace $0xD0000000  }
0x3: {  	_ = 	snop  }
0x4: {  	_ = 	snop  }
0x5: {  	_ = 	snop  }
0x6: {  	_ = 	snop  }
0x7: {  	_ = 	snop  }
__scs_overlays_trampoline_lowered:
0x8: {  	[smem:$0x3FAE] =	sst s0  }
0x9: {  	[smem:$0x3FAF] =	sst s1  }
0xa: {  	[smem:$0x3FB0] =	sst s2  }
0xb: {  	[smem:$0x3FB1] =	sst s3  }
0xc: {  	[smem:$0x3FB2] =	sst s4  }
0xd: {  	[smem:$0x3FB3] =	sst s5  }
0xe: {  	[smem:$0x3FB4] =	sst s6  }
0xf: {  	[smem:$0x3FB5] =	sst s7  }
0x10: {  	[smem:$0x3FB6] =	sst s8  }
0x11: {  	[smem:$0x3FB7] =	sst s9;
	s0 =	simm.s32 @!p0 $0x0  }
0x12: {  	s1 =	sld [smem:$0x3F9D];
	s0 =	simm.s32 @p0 $0x1  }
0x13: {  	[smem:$0x3FB8] =	sst s0;
	s0 =	simm.s32 @!p1 $0x0  }
0x14: {  	s2 =	sld [smem:$0x3F9C];
	s0 =	simm.s32 @p1 $0x1  }
0x15: {  	[smem:$0x3FB9] =	sst s0;
	s0 =	simm.s32 @!p2 $0x0  }
0x16: {  	s3 =	sld [smem:$0x3FDB];
	s0 =	simm.s32 @p2 $0x1  }
0x17: {  	s4 =	simm.s32 $0x1BF5;
	[smem:$0x3FBB] =	sst s0  }
0x18: {  	s0 =	sld [smem:$0x3F9E];
	_ =	swait.ge [sflag:s4], $0x0  }
0x19: {  	s7 =	sld [smem:$0x3F9F]  }
0x1a: {  	s8 =	sadd.s32 $0xFFFFE003, lr  }
0x1b: {  	s9 =	sadd.s32 $0xFFFFFEF7, lr;
	s5 =	simm.s32 $0xFFFFFFFF;
	p2 =	slt.u32 s8, $0xFFFFF086  }
0x1c: {  	p1 =	slt.u32 s9, $0xF7A;
	s5 =	simm.s32 @!p2 $0x0  }
0x1d: {  	s5 =	simm.s32 @p1 $0x1;
	p0 =	seq.s32 s7, s2  }
0x1e: {  	s7 =	smul.u32 @!p0 $0xF7A, s2;
	p2 =	seq.s32 @!p0 s5, $0x0  }
0x1f: {  	s9 =	smul.u32 $0xF7A, s1;
	s8 =	simm.s32 @!p0 $0x1BF5;
	p2 =	por !p2, p0  }
0x20: {  	[sflag:s8] =	ssyncset.s32 @!p0 $0xFFFFF086;
	s6 =	sadd.s32 @!p0 s3, s7;
	s7 =	simm.s32 @!p0 $0x108  }
0x21: {  	s3 =	sadd.s32 s3, s9;
	s6 =	sadd.s32 @!p0 $0x88, s6;
	s7 =	simm.s32 @p2 $0x1082  }
0x22: {  	[simem:s7], [sflag:s8] =	dma.local @!p0 [hbm:s6], $0xF7A  }
0x23: {  	s9 =	sor.u32 $0xD0000000, s2;
	s6 =	simm.s32 $0x108;
	_ =	swait.ge @!p0 [sflag:s8], $0x0  }
0x24: {  	s3 =	sadd.s32 $0x88, s3;
	s6 =	simm.s32 @!p1 $0x1082;
	[sflag:s4] =	ssyncset.s32 $0xFFFFF086  }
0x25: {  	[simem:s6], [sflag:s4] =	dma.local [hbm:s3], $0xF7A  }
0x26: {  	[smem:$0x3F9F] =	sst s1;
	(tag) =	ssettag s2;
	_ =	strace s9  }
0x27: {  	s1 =	sld [smem:$0x3FAF]  }
0x28: {  	s2 =	sld [smem:$0x3FB0]  }
0x29: {  	s4 =	sld [smem:$0x3FB2]  }
0x2a: {  	p0 =	seq.s32 s5, $0x0;
	s5 =	sld [smem:$0x3FB3]  }
0x2b: {  	s6 =	sld [smem:$0x3FB4]  }
0x2c: {  	s7 =	sld [smem:$0x3FB5]  }
0x2d: {  	s3 =	simm.s32 $0x108;
	s8 =	sld [smem:$0x3FB6]  }
0x2e: {  	s3 =	simm.s32 @!p0 $0x1082;
	s9 =	sld [smem:$0x3FB7]  }
0x2f: {  	lr =	sadd.s32 s0, s3;
	s0 =	sld [smem:$0x3FAE]  }
0x30: {  	s3 =	sld [smem:$0x3FB1]  }
0x31: {  	[smem:$0x3FBA] =	sst s10  }
0x32: {  	s10 =	sld [smem:$0x3FB8];
	_ =	sdelay $0x3  }
0x33: {  	p0 =	seq.s32 s10, $0x1;
	s10 =	sld [smem:$0x3FBA];
	_ =	sdelay $0x3  }
0x34: {  	[smem:$0x3FBA] =	sst s10  }
0x35: {  	s10 =	sld [smem:$0x3FB9];
	_ =	sdelay $0x3  }
0x36: {  	p1 =	seq.s32 s10, $0x1;
	s10 =	sld [smem:$0x3FBA];
	_ =	sdelay $0x3  }
0x37: {  	[smem:$0x3FBA] =	sst s10  }
0x38: {  	s10 =	sld [smem:$0x3FBB]  }
0x39: {  	_ = 	snop;
	(pc) =	sbr.ind lr, $3  }
0x3a: {  	_ = 	snop  }
0x3b: {  	_ = 	snop  }
0x3c: {  	p2 =	seq.s32 s10, $0x1;
	s10 =	sld [smem:$0x3FBA]  }
0x3d: {  	_ =	shalt  }
0x3e: {  	_ =	shalt  }
0x3f: {  	_ =	shalt  }
0x40: {  	_ =	shalt  }
0x41: {  	_ =	shalt  }
0x42: {  	_ =	shalt  }
0x43: {  	_ =	shalt  }
0x44: {  	_ =	shalt  }
0x45: {  	_ =	shalt  }
0x46: {  	_ =	shalt  }
0x47: {  	_ =	shalt  }
0x48: {  	_ =	shalt  }
0x49: {  	_ =	shalt  }
0x4a: {  	_ =	shalt  }
0x4b: {  	_ =	shalt  }
0x4c: {  	_ =	shalt  }
0x4d: {  	_ =	shalt  }
0x4e: {  	_ =	shalt  }
0x4f: {  	_ =	shalt  }
0x50: {  	_ =	shalt  }
0x51: {  	_ =	shalt  }
0x52: {  	_ =	shalt  }
0x53: {  	_ =	shalt  }
0x54: {  	_ =	shalt  }
0x55: {  	_ =	shalt  }
0x56: {  	_ =	shalt  }
0x57: {  	_ =	shalt  }
0x58: {  	_ =	shalt  }
0x59: {  	_ =	shalt  }
0x5a: {  	_ =	shalt  }
0x5b: {  	_ =	shalt  }
0x5c: {  	_ =	shalt  }
0x5d: {  	_ =	shalt  }
0x5e: {  	_ =	shalt  }
0x5f: {  	_ =	shalt  }
0x60: {  	_ =	shalt  }
0x61: {  	_ =	shalt  }
0x62: {  	_ =	shalt  }
0x63: {  	_ =	shalt  }
0x64: {  	_ =	shalt  }
0x65: {  	_ =	shalt  }
0x66: {  	_ =	shalt  }
0x67: {  	_ =	shalt  }
0x68: {  	_ =	shalt  }
0x69: {  	_ =	shalt  }
0x6a: {  	_ =	shalt  }
0x6b: {  	_ =	shalt  }
0x6c: {  	_ =	shalt  }
0x6d: {  	_ =	shalt  }
0x6e: {  	_ =	shalt  }
0x6f: {  	_ =	shalt  }
0x70: {  	_ =	shalt  }
0x71: {  	_ =	shalt  }
0x72: {  	_ =	shalt  }
0x73: {  	_ =	shalt  }
0x74: {  	_ =	shalt  }
0x75: {  	_ =	shalt  }
0x76: {  	_ =	shalt  }
0x77: {  	_ =	shalt  }
0x78: {  	_ =	shalt  }
0x79: {  	_ =	shalt  }
0x7a: {  	_ =	shalt  }
0x7b: {  	_ =	shalt  }
0x7c: {  	_ =	shalt  }
0x7d: {  	_ =	shalt  }
0x7e: {  	_ =	shalt  }
0x7f: {  	_ =	shalt  }
0x80: {  	_ =	shalt  }
0x81: {  	_ =	shalt  }
0x82: {  	_ =	shalt  }
0x83: {  	_ =	shalt  }
0x84: {  	_ =	shalt  }
0x85: {  	_ =	shalt  }
0x86: {  	_ =	shalt  }
0x87: {  	_ =	shalt  }
.Lfunc_end0:
.L_simem_size_0:
called_computation.1_lowered:
.L_overlay_start_0:
0x88: {  	s2 =	sld [smem:$0x3FD9]  }
0x89: {  	s3 =	sld [smem:$0x3FFE];
	_ =	sdelay $0x1  }
0x8a: {  	s1 =	srdreg.scid  }
0x8b: {  	s0 =	sand.u32 $0x1, s1  }
0x8c: {  	s17 =	sshll.u32 s0, $0xA;
	s2 =	sadd.s32 s3, s2  }
0x8d: {  	s2 =	sadd.s32 s2, s17  }
0x8e: {  	[smem:$0x3FC6] =	sst s2  }
0x8f: {  	_ = 	snop  }
0x90: {  	s2 =	sld [smem:$0x3FC8]  }
0x91: {  	s18 =	sld [smem:$0x3FD0];
	(tm) =	ssettm $0x1  }
0x92: {  	s4 =	sld [smem:$0x3FFB];
	_ =	sdelay $0x3  }
0x93: {  	_ =	strace s4  }
0x94: {  	s4 =	sld [smem:$0x3FFC];
	_ =	sdelay $0x3  }
0x95: {  	_ =	strace s4  }
0x96: {  	s4 =	sld [smem:$0x3FFD];
	_ =	sdelay $0x3  }
0x97: {  	_ =	strace s4  }
0x98: {  	_ =	strace $0x8FFFFFFF  }
0x99: {  	s19 =	sld [smem:$0x3FDB];
	_ =	sdelay $0x1  }
0x9a: {  	s5 =	simm.s32 $_scs_section_size  }
0x9b: {  	s6 =	simm.s32 $_size__tile_overlayer_lowered;
	s7 =	simm.s32 $_tile_overlayer_lowered  }
0x9c: {  	s22 =	simm.s32 $0x1BFF;
	s21 =	sshll.u32 s7, $0x1;
	s4 =	sadd.s32 s5, s19  }
0x9d: {  	s8 =	simm.s32 $0x0;
	s20 =	sshll.u32 s6, $0x1;
	s6 =	sadd.s32 s21, s4  }
0x9e: {  	[timem:s8], [sflag:s22] =	dma.local [hbm:s6], s20  }
0x9f: {  	_ =	swait.ge [sflag:s22], s20  }
0xa0: {  	s5 =	ssub.s32 $0x0, s20;
	[sflag:s22] =	ssyncset.done $0x0  }
0xa1: {  	[sflag:s22] =	ssyncadd.s32 s5;
	_ =	sdelay $0x1  }
0xa2: {  	s23 =	simm.s32 $0x1B8B  }
0xa3: {  	_ =	swait.ge [sflag:s23], $0x1  }
0xa4: {  	[sflag:s23] =	ssyncset.done $0x0  }
0xa5: {  	s25 =	simm.s32 $0x1B8E;
	s24 =	sld [smem:$0x3FFE];
	[sflag:s23] =	ssyncadd.s32 $0xFFFFFFFF  }
0xa6: {  	s26 =	simm.s32 $execute0_lowered;
	[smem:$0x3FD2] =	sst s25  }
0xa7: {  	s6 =	sshll.u32 s26, $0x1;
	_ =	strace $0x80000049;
	[dreg:$0x1] =	wrdreg $0xFFFFFFFF  }
0xa8: {  	s28 =	simm.s32 $_size_execute0_lowered;
	s4 =	sadd.s32 s4, s6;
	[dreg:$0x0] =	wrdreg $0x0  }
0xa9: {  	s6 =	sshll.u32 s28, $0x1;
	[dreg:$0x2] =	wrdreg s4  }
0xaa: {  	[dreg:$0x3] =	wrdreg s6  }
0xab: {  	[dreg:$0x4] =	wrdreg $0xC0  }
0xac: {  	_ =	task [dreg:s8], $0x5FFFF  }
0xad: {  	[dreg:$0x1] =	wrdreg $0xFFFFFFFF  }
0xae: {  	[dreg:$0x0] =	wrdreg $0x60  }
0xaf: {  	[dreg:$0x2] =	wrdreg s24  }
0xb0: {  	[dreg:$0x3] =	wrdreg s2  }
0xb1: {  	[dreg:$0x4] =	wrdreg s18  }
0xb2: {  	[dreg:$0x5] =	wrdreg $0x9  }
0xb3: {  	_ =	task.clear_ibuf [dreg:s8], $0x6FFFF;
	_ =	strace $0x90000049  }
0xb4: {  	s29 =	simm.s32 $0x9;
	_ =	strace $0x8000004B  }
0xb5: {  	_ =	swait.ge [sflag:s29], $0x1  }
0xb6: {  	[sflag:s29] =	ssyncadd.s32 $0xFFFFFFFF  }
0xb7: {  	_ =	strace $0x9000004B  }
0xb8: {  	_ =	sfence  }
0xb9: {  	s30 =	sld [smem:$0x0];
	_ =	sdelay $0x2  }
0xba: {  	s31 =	sshll.u32 s1, $0xD;
	s1 =	sshrl.u32 s1, $0x2  }
0xbb: {  	s3 =	sand.u32 $0x4000, s31;
	s1 =	sadd.s32 s1, s30  }
0xbc: {  	s0 =	sor.u32 s3, s0;
	s1 =	sshll.u32 s1, $0x11  }
0xbd: {  	s0 =	sor.u32 s1, s0  }
0xbe: {  	s0 =	sadd.s32 $0x8F2B, s0  }
0xbf: {  	[sflag:s0] =	ssyncadd.remote.s32 $0x1  }
0xc0: {  	_ =	sfence.sel $0xFFFF  }
0xc1: {  	[dreg:$0x0] =	wrdreg $0xFFFFFFFF;
	(pc) =	sbr.abs _section_cstart, $3  }
0xc2: {  	[dreg:$0x1] =	wrdreg $0xFFFFFFFF  }
0xc3: {  	_ =	task.clear_ibuf [dreg:s8], $0x2FFFF;
	_ =	strace $0x9FFFFFFF  }
0xc4: {  	(tm) =	ssettm $0x7FFFFFFF  }
0xc5: {  	_ =	shalt  }
tec
execute0_lowered:
.L_overlay_start_1:
0x0: {  	(tag) =	ssettag $0x1  }
0x1: {  	s0 =	rddreg [dreg:$0x0]  }
0x2: {  	s1 =	rddreg [dreg:$0x1]  }
0x3: {  	s3 =	rddreg [dreg:$0x2];
	s2 =	simm.s32 $0x0  }
0x4: {  	s4 =	srdreg.scid;
	s8 =	stileid.u32;
	s17 =	simm.s32 $0x1200  }
0x5: {  	s18 =	simm.s32 $0x1A00;
	s19 =	simm.s32 $0x2200;
	s28 =	simm.s32 $0x5200  }
0x6: {  	s29 =	simm.s32 $0x5A00;
	s30 =	simm.s32 $0x6200;
	s31 =	simm.s32 $0x6A00  }
0x7: {  	s9 =	simm.s32 $0x9200;
	s10 =	simm.s32 $0x9A00;
	s12 =	simm.s32 $0xAA00  }
0x8: {  	s13 =	simm.s32 $0xB200;
	s14 =	simm.s32 $0xBA00;
	s15 =	simm.s32 $0x200  }
0x9: {  	[smem:$0x7FF] =	sst s2;
	s4 =	sand.u32 $0x1, s4;
	s6 =	sshll.u32 s8, $0xF  }
0xa: {  	s8 =	sshll.u32 s8, $0x7;
	s5 =	sshll.u32 s4, $0x6;
	s7 =	sshll.u32 s4, $0xE  }
0xb: {  	_ =	strace $0x8000004A;
	s22 =	ssub.s32 $0x2, s4;
	s4 =	sadd.s32 $0xC00, s0  }
0xc: {  	s1 =	sadd.s32 s1, s5;
	s20 =	sor.u32 s7, s6;
	s24 =	sshrl.u32 s22, $0x1  }
0xd: {  	s6 =	simm.s32 $0x3;
	s7 =	simm.s32 $0x2;
	s1 =	sadd.s32 s8, s1  }
0xe: {  	s3 =	sadd.s32 s3, s20;
	s26 =	ssub.s32 s22, s24;
	s20 =	simm.s32 $0x2A00  }
0xf: {  	s22 =	simm.s32 $0x3A00;
	s8 =	simm.s32 $0x8A00;
	[dreg:$0x4] =	wrdreg s1  }
0x10: {  	s24 =	simm.s32 $0xCA00;
	s21 =	sadd.s32 $0x1000, s3;
	[dreg:$0x8] =	wrdreg s3  }
0x11: {  	s23 =	sadd.s32 $0x2000, s3;
	s25 =	sadd.s32 $0x3000, s3;
	[dreg:$0x5] =	wrdreg s21  }
0x12: {  	v2 =	vlaneseq.u32;
	s5 =	smax.u32 s26, $0x1;
	s26 =	simm.s32 $0x4A00;
	[dreg:$0x6] =	wrdreg s23  }
0x13: {  	vm0 =	vmmov $0xffff;
	v1 =	vshrl.u32 v2, $0x3;
	s1 =	simm.s32 $0x7200;
	s3 =	simm.s32 $0x7A00;
	[dreg:$0x7] =	wrdreg s25  }
0x14: {  	v0 =	vand.u32 $0x7, v2;
	v2 =	vor.u32 $0x8, v2;
	v1 =	vmul.u32 $0x8, v1;
	s21 =	simm.s32 $0x3200;
	s25 =	simm.s32 $0x4200;
	s23 =	simm.s32 $0x8200  }
.LBB2_1:
0x15: {  	s16 =	rddreg [dreg:$0x4]  }
0x16: {  	[tilespmem:s2], [sflag:$0x3] =	stream.linear.gather [hbm4b:s16+s2], $0x200, $0x38;
	[tilespmem:$0x10200] =	vst v63  }
0x17: {  	_ =	swait.ge [sflag:s6], $0x200  }
0x18: {  	[sflag:s6] =	ssyncset.done $0x0  }
0x19: {  	[sflag:s6] =	ssyncadd.s32 $0xFFFFFE00  }
0x1a: {  	v3 =	vld [tilespmem:$0x0];
	_ =	sdelay $0x4  }
0x1b: {  	v4 =	vshll.u32 v3, $0x1  }
0x1c: {  	v3 =	vand.u32 $0x7, v3;
	v4 =	vand.u32 $0xFFFFFFF0, v4  }
0x1d: {  	v3 =	vor.u32 v3, v4  }
0x1e: {  	v4 =	vperm.xlane v3, v0;
	_ =	sdelay $0x1  }
0x1f: {  	v3 =	vperm.xlane v3, v2;
	v4 =	vadd.s32 v1, v4;
	_ =	sdelay $0x1  }
0x20: {  	v3 =	vadd.s32 v1, v3;
	_ =	sdelay $0x1  }
0x21: {  	s0 =	simm.s32 $0x200  }
0x22: {  	[tilespmem:s0], [sflag:$0x1] =	stream.indirect_vreg.gather [hbm4b:s4+s2], $0x80, v4, vm0, $0xb8;
	[tilespmem:$0x10200] =	vst v63  }
0x23: {  	s16 =	simm.s32 $0xA00  }
0x24: {  	[tilespmem:s16], [sflag:$0x1] =	stream.indirect_vreg.gather [hbm4b:s4+s2], $0x80, v3, vm0, $0xb8;
	[tilespmem:$0x10200] =	vst v63  }
0x25: {  	v3 =	vld [tilespmem:$0x10];
	_ =	sdelay $0x4  }
0x26: {  	v33 =	vshll.u32 v3, $0x1  }
0x27: {  	v3 =	vand.u32 $0x7, v3;
	v4 =	vand.u32 $0xFFFFFFF0, v33  }
0x28: {  	v3 =	vor.u32 v3, v4  }
0x29: {  	v4 =	vperm.xlane v3, v0;
	_ =	sdelay $0x1  }
0x2a: {  	v3 =	vperm.xlane v3, v2;
	v4 =	vadd.s32 v1, v4;
	_ =	sdelay $0x1  }
0x2b: {  	v3 =	vadd.s32 v1, v3;
	_ =	sdelay $0x2  }
0x2c: {  	[tilespmem:s17], [sflag:$0x1] =	stream.indirect_vreg.gather [hbm4b:s4+s2], $0x80, v4, vm0, $0xb8;
	[tilespmem:$0x10200] =	vst v63  }
0x2d: {  	_ = 	snop  }
0x2e: {  	[tilespmem:s18], [sflag:$0x1] =	stream.indirect_vreg.gather [hbm4b:s4+s2], $0x80, v3, vm0, $0xb8;
	[tilespmem:$0x10200] =	vst v63  }
0x2f: {  	v3 =	vld [tilespmem:$0x20];
	_ =	sdelay $0x4  }
0x30: {  	v34 =	vshll.u32 v3, $0x1  }
0x31: {  	v3 =	vand.u32 $0x7, v3;
	v4 =	vand.u32 $0xFFFFFFF0, v34  }
0x32: {  	v3 =	vor.u32 v3, v4  }
0x33: {  	v4 =	vperm.xlane v3, v0;
	_ =	sdelay $0x1  }
0x34: {  	v3 =	vperm.xlane v3, v2;
	v4 =	vadd.s32 v1, v4;
	_ =	sdelay $0x1  }
0x35: {  	v3 =	vadd.s32 v1, v3;
	_ =	sdelay $0x2  }
0x36: {  	[tilespmem:s19], [sflag:$0x1] =	stream.indirect_vreg.gather [hbm4b:s4+s2], $0x80, v4, vm0, $0xb8;
	[tilespmem:$0x10200] =	vst v63  }
0x37: {  	_ = 	snop  }
0x38: {  	[tilespmem:s20], [sflag:$0x1] =	stream.indirect_vreg.gather [hbm4b:s4+s2], $0x80, v3, vm0, $0xb8;
	[tilespmem:$0x10200] =	vst v63  }
0x39: {  	v3 =	vld [tilespmem:$0x30];
	_ =	sdelay $0x4  }
0x3a: {  	v35 =	vshll.u32 v3, $0x1  }
0x3b: {  	v3 =	vand.u32 $0x7, v3;
	v4 =	vand.u32 $0xFFFFFFF0, v35  }
0x3c: {  	v3 =	vor.u32 v3, v4  }
0x3d: {  	v4 =	vperm.xlane v3, v0;
	_ =	sdelay $0x1  }
0x3e: {  	v3 =	vperm.xlane v3, v2;
	v4 =	vadd.s32 v1, v4;
	_ =	sdelay $0x1  }
0x3f: {  	v3 =	vadd.s32 v1, v3;
	_ =	sdelay $0x2  }
0x40: {  	[tilespmem:s21], [sflag:$0x1] =	stream.indirect_vreg.gather [hbm4b:s4+s2], $0x80, v4, vm0, $0xb8;
	[tilespmem:$0x10200] =	vst v63  }
0x41: {  	_ = 	snop  }
0x42: {  	[tilespmem:s22], [sflag:$0x1] =	stream.indirect_vreg.gather [hbm4b:s4+s2], $0x80, v3, vm0, $0xb8;
	[tilespmem:$0x10200] =	vst v63  }
0x43: {  	v3 =	vld [tilespmem:$0x40];
	_ =	sdelay $0x4  }
0x44: {  	v36 =	vshll.u32 v3, $0x1  }
0x45: {  	v3 =	vand.u32 $0x7, v3;
	v4 =	vand.u32 $0xFFFFFFF0, v36  }
0x46: {  	v3 =	vor.u32 v3, v4  }
0x47: {  	v4 =	vperm.xlane v3, v0;
	_ =	sdelay $0x1  }
0x48: {  	v3 =	vperm.xlane v3, v2;
	v4 =	vadd.s32 v1, v4;
	_ =	sdelay $0x1  }
0x49: {  	v3 =	vadd.s32 v1, v3;
	_ =	sdelay $0x2  }
0x4a: {  	[tilespmem:s25], [sflag:$0x1] =	stream.indirect_vreg.gather [hbm4b:s4+s2], $0x80, v4, vm0, $0xb8;
	[tilespmem:$0x10200] =	vst v63  }
0x4b: {  	_ = 	snop  }
0x4c: {  	[tilespmem:s26], [sflag:$0x1] =	stream.indirect_vreg.gather [hbm4b:s4+s2], $0x80, v3, vm0, $0xb8;
	[tilespmem:$0x10200] =	vst v63  }
0x4d: {  	v3 =	vld [tilespmem:$0x50];
	_ =	sdelay $0x4  }
0x4e: {  	v37 =	vshll.u32 v3, $0x1  }
0x4f: {  	v3 =	vand.u32 $0x7, v3;
	v4 =	vand.u32 $0xFFFFFFF0, v37  }
0x50: {  	v3 =	vor.u32 v3, v4  }
0x51: {  	v4 =	vperm.xlane v3, v0;
	_ =	sdelay $0x1  }
0x52: {  	v3 =	vperm.xlane v3, v2;
	v4 =	vadd.s32 v1, v4;
	_ =	sdelay $0x1  }
0x53: {  	v3 =	vadd.s32 v1, v3;
	_ =	sdelay $0x2  }
0x54: {  	[tilespmem:s28], [sflag:$0x1] =	stream.indirect_vreg.gather [hbm4b:s4+s2], $0x80, v4, vm0, $0xb8;
	[tilespmem:$0x10200] =	vst v63  }
0x55: {  	_ = 	snop  }
0x56: {  	[tilespmem:s29], [sflag:$0x1] =	stream.indirect_vreg.gather [hbm4b:s4+s2], $0x80, v3, vm0, $0xb8;
	[tilespmem:$0x10200] =	vst v63  }
0x57: {  	v3 =	vld [tilespmem:$0x60];
	_ =	sdelay $0x4  }
0x58: {  	v38 =	vshll.u32 v3, $0x1  }
0x59: {  	v3 =	vand.u32 $0x7, v3;
	v4 =	vand.u32 $0xFFFFFFF0, v38  }
0x5a: {  	v3 =	vor.u32 v3, v4  }
0x5b: {  	v4 =	vperm.xlane v3, v0;
	_ =	sdelay $0x1  }
0x5c: {  	v3 =	vperm.xlane v3, v2;
	v4 =	vadd.s32 v1, v4;
	_ =	sdelay $0x1  }
0x5d: {  	v3 =	vadd.s32 v1, v3;
	_ =	sdelay $0x2  }
0x5e: {  	[tilespmem:s30], [sflag:$0x1] =	stream.indirect_vreg.gather [hbm4b:s4+s2], $0x80, v4, vm0, $0xb8;
	[tilespmem:$0x10200] =	vst v63  }
0x5f: {  	_ = 	snop  }
0x60: {  	[tilespmem:s31], [sflag:$0x1] =	stream.indirect_vreg.gather [hbm4b:s4+s2], $0x80, v3, vm0, $0xb8;
	[tilespmem:$0x10200] =	vst v63  }
0x61: {  	v3 =	vld [tilespmem:$0x70];
	_ =	sdelay $0x4  }
0x62: {  	v39 =	vshll.u32 v3, $0x1  }
0x63: {  	v3 =	vand.u32 $0x7, v3;
	v4 =	vand.u32 $0xFFFFFFF0, v39  }
0x64: {  	v3 =	vor.u32 v3, v4  }
0x65: {  	v4 =	vperm.xlane v3, v0;
	_ =	sdelay $0x1  }
0x66: {  	v3 =	vperm.xlane v3, v2;
	v4 =	vadd.s32 v1, v4;
	_ =	sdelay $0x1  }
0x67: {  	v3 =	vadd.s32 v1, v3;
	_ =	sdelay $0x2  }
0x68: {  	[tilespmem:s1], [sflag:$0x1] =	stream.indirect_vreg.gather [hbm4b:s4+s2], $0x80, v4, vm0, $0xb8;
	[tilespmem:$0x10200] =	vst v63  }
0x69: {  	s0 =	simm.s32 $0x1  }
0x6a: {  	[tilespmem:s3], [sflag:$0x1] =	stream.indirect_vreg.gather [hbm4b:s4+s2], $0x80, v3, vm0, $0xb8;
	[tilespmem:$0x10200] =	vst v63  }
0x6b: {  	_ =	swait.ge [sflag:s0], $0x8000  }
0x6c: {  	[sflag:s0] =	ssyncset.done $0x0  }
0x6d: {  	[sflag:s0] =	ssyncadd.s32 $0xFFFF8000  }
0x6e: {  	v3 =	vld [tilespmem:$0x80];
	_ =	sdelay $0x4  }
0x6f: {  	v40 =	vshll.u32 v3, $0x1  }
0x70: {  	v3 =	vand.u32 $0x7, v3;
	v4 =	vand.u32 $0xFFFFFFF0, v40  }
0x71: {  	v3 =	vor.u32 v3, v4  }
0x72: {  	v4 =	vperm.xlane v3, v0;
	_ =	sdelay $0x1  }
0x73: {  	v3 =	vperm.xlane v3, v2;
	v4 =	vadd.s32 v1, v4;
	_ =	sdelay $0x1  }
0x74: {  	v3 =	vadd.s32 v1, v3;
	_ =	sdelay $0x2  }
0x75: {  	[tilespmem:s23], [sflag:$0x2] =	stream.indirect_vreg.gather [hbm4b:s4+s2], $0x80, v4, vm0, $0xb8;
	[tilespmem:$0x10200] =	vst v63  }
0x76: {  	_ = 	snop  }
0x77: {  	[tilespmem:s8], [sflag:$0x2] =	stream.indirect_vreg.gather [hbm4b:s4+s2], $0x80, v3, vm0, $0xb8;
	[tilespmem:$0x10200] =	vst v63  }
0x78: {  	v3 =	vld [tilespmem:$0x90];
	_ =	sdelay $0x4  }
0x79: {  	v41 =	vshll.u32 v3, $0x1  }
0x7a: {  	v3 =	vand.u32 $0x7, v3;
	v4 =	vand.u32 $0xFFFFFFF0, v41  }
0x7b: {  	v3 =	vor.u32 v3, v4  }
0x7c: {  	v4 =	vperm.xlane v3, v0;
	_ =	sdelay $0x1  }
0x7d: {  	v3 =	vperm.xlane v3, v2;
	v4 =	vadd.s32 v1, v4;
	_ =	sdelay $0x1  }
0x7e: {  	v3 =	vadd.s32 v1, v3;
	_ =	sdelay $0x2  }
0x7f: {  	[tilespmem:s9], [sflag:$0x2] =	stream.indirect_vreg.gather [hbm4b:s4+s2], $0x80, v4, vm0, $0xb8;
	[tilespmem:$0x10200] =	vst v63  }
0x80: {  	_ = 	snop  }
0x81: {  	[tilespmem:s10], [sflag:$0x2] =	stream.indirect_vreg.gather [hbm4b:s4+s2], $0x80, v3, vm0, $0xb8;
	[tilespmem:$0x10200] =	vst v63  }
0x82: {  	v3 =	vld [tilespmem:$0xA0];
	_ =	sdelay $0x4  }
0x83: {  	v42 =	vshll.u32 v3, $0x1  }
0x84: {  	v3 =	vand.u32 $0x7, v3;
	v4 =	vand.u32 $0xFFFFFFF0, v42  }
0x85: {  	v3 =	vor.u32 v3, v4  }
0x86: {  	v4 =	vperm.xlane v3, v0;
	_ =	sdelay $0x1  }
0x87: {  	v3 =	vperm.xlane v3, v2;
	v4 =	vadd.s32 v1, v4;
	_ =	sdelay $0x1  }
0x88: {  	v3 =	vadd.s32 v1, v3;
	_ =	sdelay $0x1  }
0x89: {  	s11 =	simm.s32 $0xA200  }
0x8a: {  	[tilespmem:s11], [sflag:$0x2] =	stream.indirect_vreg.gather [hbm4b:s4+s2], $0x80, v4, vm0, $0xb8;
	[tilespmem:$0x10200] =	vst v63  }
0x8b: {  	_ = 	snop  }
0x8c: {  	[tilespmem:s12], [sflag:$0x2] =	stream.indirect_vreg.gather [hbm4b:s4+s2], $0x80, v3, vm0, $0xb8;
	[tilespmem:$0x10200] =	vst v63  }
0x8d: {  	v3 =	vld [tilespmem:$0xB0];
	_ =	sdelay $0x4  }
0x8e: {  	v43 =	vshll.u32 v3, $0x1  }
0x8f: {  	v3 =	vand.u32 $0x7, v3;
	v4 =	vand.u32 $0xFFFFFFF0, v43  }
0x90: {  	v3 =	vor.u32 v3, v4  }
0x91: {  	v4 =	vperm.xlane v3, v0;
	_ =	sdelay $0x1  }
0x92: {  	v3 =	vperm.xlane v3, v2;
	v4 =	vadd.s32 v1, v4;
	_ =	sdelay $0x1  }
0x93: {  	v3 =	vadd.s32 v1, v3;
	_ =	sdelay $0x2  }
0x94: {  	[tilespmem:s13], [sflag:$0x2] =	stream.indirect_vreg.gather [hbm4b:s4+s2], $0x80, v4, vm0, $0xb8;
	[tilespmem:$0x10200] =	vst v63  }
0x95: {  	_ = 	snop  }
0x96: {  	[tilespmem:s14], [sflag:$0x2] =	stream.indirect_vreg.gather [hbm4b:s4+s2], $0x80, v3, vm0, $0xb8;
	[tilespmem:$0x10200] =	vst v63  }
0x97: {  	v3 =	vld [tilespmem:$0xC0];
	_ =	sdelay $0x4  }
0x98: {  	v44 =	vshll.u32 v3, $0x1  }
0x99: {  	v3 =	vand.u32 $0x7, v3;
	v4 =	vand.u32 $0xFFFFFFF0, v44  }
0x9a: {  	v3 =	vor.u32 v3, v4  }
0x9b: {  	v4 =	vperm.xlane v3, v0;
	_ =	sdelay $0x1  }
0x9c: {  	v3 =	vperm.xlane v3, v2;
	v4 =	vadd.s32 v1, v4;
	_ =	sdelay $0x1  }
0x9d: {  	v3 =	vadd.s32 v1, v3;
	_ =	sdelay $0x1  }
0x9e: {  	s11 =	simm.s32 $0xC200  }
0x9f: {  	[tilespmem:s11], [sflag:$0x2] =	stream.indirect_vreg.gather [hbm4b:s4+s2], $0x80, v4, vm0, $0xb8;
	[tilespmem:$0x10200] =	vst v63  }
0xa0: {  	_ = 	snop  }
0xa1: {  	[tilespmem:s24], [sflag:$0x2] =	stream.indirect_vreg.gather [hbm4b:s4+s2], $0x80, v3, vm0, $0xb8;
	[tilespmem:$0x10200] =	vst v63  }
0xa2: {  	v3 =	vld [tilespmem:$0xD0];
	_ =	sdelay $0x4  }
0xa3: {  	v45 =	vshll.u32 v3, $0x1  }
0xa4: {  	v3 =	vand.u32 $0x7, v3;
	v4 =	vand.u32 $0xFFFFFFF0, v45  }
0xa5: {  	v3 =	vor.u32 v3, v4  }
0xa6: {  	v4 =	vperm.xlane v3, v0;
	_ =	sdelay $0x1  }
0xa7: {  	v3 =	vperm.xlane v3, v2;
	v4 =	vadd.s32 v1, v4;
	_ =	sdelay $0x1  }
0xa8: {  	v3 =	vadd.s32 v1, v3;
	_ =	sdelay $0x1  }
0xa9: {  	s11 =	simm.s32 $0xD200  }
0xaa: {  	[tilespmem:s11], [sflag:$0x2] =	stream.indirect_vreg.gather [hbm4b:s4+s2], $0x80, v4, vm0, $0xb8;
	[tilespmem:$0x10200] =	vst v63  }
0xab: {  	s11 =	simm.s32 $0xDA00  }
0xac: {  	[tilespmem:s11], [sflag:$0x2] =	stream.indirect_vreg.gather [hbm4b:s4+s2], $0x80, v3, vm0, $0xb8;
	[tilespmem:$0x10200] =	vst v63  }
0xad: {  	v3 =	vld [tilespmem:$0xE0];
	_ =	sdelay $0x4  }
0xae: {  	v46 =	vshll.u32 v3, $0x1  }
0xaf: {  	v3 =	vand.u32 $0x7, v3;
	v4 =	vand.u32 $0xFFFFFFF0, v46  }
0xb0: {  	v3 =	vor.u32 v3, v4  }
0xb1: {  	v4 =	vperm.xlane v3, v0;
	_ =	sdelay $0x1  }
0xb2: {  	v3 =	vperm.xlane v3, v2;
	v4 =	vadd.s32 v1, v4;
	_ =	sdelay $0x1  }
0xb3: {  	v3 =	vadd.s32 v1, v3;
	_ =	sdelay $0x1  }
0xb4: {  	s11 =	simm.s32 $0xE200  }
0xb5: {  	[tilespmem:s11], [sflag:$0x2] =	stream.indirect_vreg.gather [hbm4b:s4+s2], $0x80, v4, vm0, $0xb8;
	[tilespmem:$0x10200] =	vst v63  }
0xb6: {  	s11 =	simm.s32 $0xEA00  }
0xb7: {  	[tilespmem:s11], [sflag:$0x2] =	stream.indirect_vreg.gather [hbm4b:s4+s2], $0x80, v3, vm0, $0xb8;
	[tilespmem:$0x10200] =	vst v63  }
0xb8: {  	v3 =	vld [tilespmem:$0xF0];
	_ =	sdelay $0x4  }
0xb9: {  	v47 =	vshll.u32 v3, $0x1  }
0xba: {  	v3 =	vand.u32 $0x7, v3;
	v4 =	vand.u32 $0xFFFFFFF0, v47  }
0xbb: {  	v3 =	vor.u32 v3, v4  }
0xbc: {  	v4 =	vperm.xlane v3, v0;
	_ =	sdelay $0x1  }
0xbd: {  	v3 =	vperm.xlane v3, v2;
	v4 =	vadd.s32 v1, v4;
	_ =	sdelay $0x1  }
0xbe: {  	v3 =	vadd.s32 v1, v3;
	_ =	sdelay $0x1  }
0xbf: {  	s11 =	simm.s32 $0xF200  }
0xc0: {  	[tilespmem:s11], [sflag:$0x2] =	stream.indirect_vreg.gather [hbm4b:s4+s2], $0x80, v4, vm0, $0xb8;
	[tilespmem:$0x10200] =	vst v63  }
0xc1: {  	s11 =	simm.s32 $0xFA00  }
0xc2: {  	[tilespmem:s11], [sflag:$0x2] =	stream.indirect_vreg.gather [hbm4b:s4+s2], $0x80, v3, vm0, $0xb8;
	[tilespmem:$0x10200] =	vst v63  }
0xc3: {  	s11 =	rddreg [dreg:$0x8]  }
0xc4: {  	[hbm4b:s11+s2] =	stream.linear.scatter [tilespmem:s15], [sflag:$0x3], $0x8000, $0x38;
	[tilespmem:$0x10200] =	vst v63  }
0xc5: {  	_ =	swait.ge [sflag:s6], $0x8000  }
0xc6: {  	[sflag:s6] =	ssyncset.done $0x0  }
0xc7: {  	[sflag:s6] =	ssyncadd.s32 $0xFFFF8000  }
0xc8: {  	_ =	swait.ge [sflag:s7], $0x8000  }
0xc9: {  	[sflag:s7] =	ssyncset.done $0x0  }
0xca: {  	[sflag:s7] =	ssyncadd.s32 $0xFFFF8000  }
0xcb: {  	v3 =	vld [tilespmem:$0x100];
	_ =	sdelay $0x4  }
0xcc: {  	v48 =	vshll.u32 v3, $0x1  }
0xcd: {  	v3 =	vand.u32 $0x7, v3;
	v4 =	vand.u32 $0xFFFFFFF0, v48  }
0xce: {  	v3 =	vor.u32 v3, v4  }
0xcf: {  	v4 =	vperm.xlane v3, v0;
	_ =	sdelay $0x1  }
0xd0: {  	v3 =	vperm.xlane v3, v2;
	v4 =	vadd.s32 v1, v4;
	_ =	sdelay $0x1  }
0xd1: {  	v3 =	vadd.s32 v1, v3;
	_ =	sdelay $0x2  }
0xd2: {  	[tilespmem:s15], [sflag:$0x1] =	stream.indirect_vreg.gather [hbm4b:s4+s2], $0x80, v4, vm0, $0xb8;
	[tilespmem:$0x10200] =	vst v63  }
0xd3: {  	_ = 	snop  }
0xd4: {  	[tilespmem:s16], [sflag:$0x1] =	stream.indirect_vreg.gather [hbm4b:s4+s2], $0x80, v3, vm0, $0xb8;
	[tilespmem:$0x10200] =	vst v63  }
0xd5: {  	v3 =	vld [tilespmem:$0x110];
	_ =	sdelay $0x4  }
0xd6: {  	v49 =	vshll.u32 v3, $0x1  }
0xd7: {  	v3 =	vand.u32 $0x7, v3;
	v4 =	vand.u32 $0xFFFFFFF0, v49  }
0xd8: {  	v3 =	vor.u32 v3, v4  }
0xd9: {  	v4 =	vperm.xlane v3, v0;
	_ =	sdelay $0x1  }
0xda: {  	v3 =	vperm.xlane v3, v2;
	v4 =	vadd.s32 v1, v4;
	_ =	sdelay $0x1  }
0xdb: {  	v3 =	vadd.s32 v1, v3;
	_ =	sdelay $0x2  }
0xdc: {  	[tilespmem:s17], [sflag:$0x1] =	stream.indirect_vreg.gather [hbm4b:s4+s2], $0x80, v4, vm0, $0xb8;
	[tilespmem:$0x10200] =	vst v63  }
0xdd: {  	_ = 	snop  }
0xde: {  	[tilespmem:s18], [sflag:$0x1] =	stream.indirect_vreg.gather [hbm4b:s4+s2], $0x80, v3, vm0, $0xb8;
	[tilespmem:$0x10200] =	vst v63  }
0xdf: {  	v3 =	vld [tilespmem:$0x120];
	_ =	sdelay $0x4  }
0xe0: {  	v50 =	vshll.u32 v3, $0x1  }
0xe1: {  	v3 =	vand.u32 $0x7, v3;
	v4 =	vand.u32 $0xFFFFFFF0, v50  }
0xe2: {  	v3 =	vor.u32 v3, v4  }
0xe3: {  	v4 =	vperm.xlane v3, v0;
	_ =	sdelay $0x1  }
0xe4: {  	v3 =	vperm.xlane v3, v2;
	v4 =	vadd.s32 v1, v4;
	_ =	sdelay $0x1  }
0xe5: {  	v3 =	vadd.s32 v1, v3;
	_ =	sdelay $0x2  }
0xe6: {  	[tilespmem:s19], [sflag:$0x1] =	stream.indirect_vreg.gather [hbm4b:s4+s2], $0x80, v4, vm0, $0xb8;
	[tilespmem:$0x10200] =	vst v63  }
0xe7: {  	_ = 	snop  }
0xe8: {  	[tilespmem:s20], [sflag:$0x1] =	stream.indirect_vreg.gather [hbm4b:s4+s2], $0x80, v3, vm0, $0xb8;
	[tilespmem:$0x10200] =	vst v63  }
0xe9: {  	v3 =	vld [tilespmem:$0x130];
	_ =	sdelay $0x4  }
0xea: {  	v51 =	vshll.u32 v3, $0x1  }
0xeb: {  	v3 =	vand.u32 $0x7, v3;
	v4 =	vand.u32 $0xFFFFFFF0, v51  }
0xec: {  	v3 =	vor.u32 v3, v4  }
0xed: {  	v4 =	vperm.xlane v3, v0;
	_ =	sdelay $0x1  }
0xee: {  	v3 =	vperm.xlane v3, v2;
	v4 =	vadd.s32 v1, v4;
	_ =	sdelay $0x1  }
0xef: {  	v3 =	vadd.s32 v1, v3;
	_ =	sdelay $0x2  }
0xf0: {  	[tilespmem:s21], [sflag:$0x1] =	stream.indirect_vreg.gather [hbm4b:s4+s2], $0x80, v4, vm0, $0xb8;
	[tilespmem:$0x10200] =	vst v63  }
0xf1: {  	_ = 	snop  }
0xf2: {  	[tilespmem:s22], [sflag:$0x1] =	stream.indirect_vreg.gather [hbm4b:s4+s2], $0x80, v3, vm0, $0xb8;
	[tilespmem:$0x10200] =	vst v63  }
0xf3: {  	v3 =	vld [tilespmem:$0x140];
	_ =	sdelay $0x4  }
0xf4: {  	v52 =	vshll.u32 v3, $0x1  }
0xf5: {  	v3 =	vand.u32 $0x7, v3;
	v4 =	vand.u32 $0xFFFFFFF0, v52  }
0xf6: {  	v3 =	vor.u32 v3, v4  }
0xf7: {  	v4 =	vperm.xlane v3, v0;
	_ =	sdelay $0x1  }
0xf8: {  	v3 =	vperm.xlane v3, v2;
	v4 =	vadd.s32 v1, v4;
	_ =	sdelay $0x1  }
0xf9: {  	v3 =	vadd.s32 v1, v3;
	_ =	sdelay $0x2  }
0xfa: {  	[tilespmem:s25], [sflag:$0x1] =	stream.indirect_vreg.gather [hbm4b:s4+s2], $0x80, v4, vm0, $0xb8;
	[tilespmem:$0x10200] =	vst v63  }
0xfb: {  	_ = 	snop  }
0xfc: {  	[tilespmem:s26], [sflag:$0x1] =	stream.indirect_vreg.gather [hbm4b:s4+s2], $0x80, v3, vm0, $0xb8;
	[tilespmem:$0x10200] =	vst v63  }
0xfd: {  	v3 =	vld [tilespmem:$0x150];
	_ =	sdelay $0x4  }
0xfe: {  	v53 =	vshll.u32 v3, $0x1  }
0xff: {  	v3 =	vand.u32 $0x7, v3;
	v4 =	vand.u32 $0xFFFFFFF0, v53  }
0x100: {  	v3 =	vor.u32 v3, v4  }
0x101: {  	v4 =	vperm.xlane v3, v0;
	_ =	sdelay $0x1  }
0x102: {  	v3 =	vperm.xlane v3, v2;
	v4 =	vadd.s32 v1, v4;
	_ =	sdelay $0x1  }
0x103: {  	v3 =	vadd.s32 v1, v3;
	_ =	sdelay $0x2  }
0x104: {  	[tilespmem:s28], [sflag:$0x1] =	stream.indirect_vreg.gather [hbm4b:s4+s2], $0x80, v4, vm0, $0xb8;
	[tilespmem:$0x10200] =	vst v63  }
0x105: {  	_ = 	snop  }
0x106: {  	[tilespmem:s29], [sflag:$0x1] =	stream.indirect_vreg.gather [hbm4b:s4+s2], $0x80, v3, vm0, $0xb8;
	[tilespmem:$0x10200] =	vst v63  }
0x107: {  	v3 =	vld [tilespmem:$0x160];
	_ =	sdelay $0x4  }
0x108: {  	v54 =	vshll.u32 v3, $0x1  }
0x109: {  	v3 =	vand.u32 $0x7, v3;
	v4 =	vand.u32 $0xFFFFFFF0, v54  }
0x10a: {  	v3 =	vor.u32 v3, v4  }
0x10b: {  	v4 =	vperm.xlane v3, v0;
	_ =	sdelay $0x1  }
0x10c: {  	v3 =	vperm.xlane v3, v2;
	v4 =	vadd.s32 v1, v4;
	_ =	sdelay $0x1  }
0x10d: {  	v3 =	vadd.s32 v1, v3;
	_ =	sdelay $0x2  }
0x10e: {  	[tilespmem:s30], [sflag:$0x1] =	stream.indirect_vreg.gather [hbm4b:s4+s2], $0x80, v4, vm0, $0xb8;
	[tilespmem:$0x10200] =	vst v63  }
0x10f: {  	_ = 	snop  }
0x110: {  	[tilespmem:s31], [sflag:$0x1] =	stream.indirect_vreg.gather [hbm4b:s4+s2], $0x80, v3, vm0, $0xb8;
	[tilespmem:$0x10200] =	vst v63  }
0x111: {  	v3 =	vld [tilespmem:$0x170];
	_ =	sdelay $0x4  }
0x112: {  	v55 =	vshll.u32 v3, $0x1  }
0x113: {  	v3 =	vand.u32 $0x7, v3;
	v4 =	vand.u32 $0xFFFFFFF0, v55  }
0x114: {  	v3 =	vor.u32 v3, v4  }
0x115: {  	v4 =	vperm.xlane v3, v0;
	_ =	sdelay $0x1  }
0x116: {  	v3 =	vperm.xlane v3, v2;
	v4 =	vadd.s32 v1, v4;
	_ =	sdelay $0x1  }
0x117: {  	v3 =	vadd.s32 v1, v3;
	_ =	sdelay $0x2  }
0x118: {  	[tilespmem:s1], [sflag:$0x1] =	stream.indirect_vreg.gather [hbm4b:s4+s2], $0x80, v4, vm0, $0xb8;
	[tilespmem:$0x10200] =	vst v63  }
0x119: {  	_ = 	snop  }
0x11a: {  	[tilespmem:s3], [sflag:$0x1] =	stream.indirect_vreg.gather [hbm4b:s4+s2], $0x80, v3, vm0, $0xb8;
	[tilespmem:$0x10200] =	vst v63  }
0x11b: {  	s16 =	rddreg [dreg:$0x5]  }
0x11c: {  	[hbm4b:s16+s2] =	stream.linear.scatter [tilespmem:s23], [sflag:$0x3], $0x8000, $0x38;
	[tilespmem:$0x10200] =	vst v63  }
0x11d: {  	_ =	swait.ge [sflag:s6], $0x8000  }
0x11e: {  	[sflag:s6] =	ssyncset.done $0x0  }
0x11f: {  	[sflag:s6] =	ssyncadd.s32 $0xFFFF8000  }
0x120: {  	_ =	swait.ge [sflag:s0], $0x8000  }
0x121: {  	[sflag:s0] =	ssyncset.done $0x0  }
0x122: {  	[sflag:s0] =	ssyncadd.s32 $0xFFFF8000  }
0x123: {  	v3 =	vld [tilespmem:$0x180];
	_ =	sdelay $0x4  }
0x124: {  	v56 =	vshll.u32 v3, $0x1  }
0x125: {  	v3 =	vand.u32 $0x7, v3;
	v4 =	vand.u32 $0xFFFFFFF0, v56  }
0x126: {  	v3 =	vor.u32 v3, v4  }
0x127: {  	v4 =	vperm.xlane v3, v0;
	_ =	sdelay $0x1  }
0x128: {  	v3 =	vperm.xlane v3, v2;
	v4 =	vadd.s32 v1, v4;
	_ =	sdelay $0x1  }
0x129: {  	v3 =	vadd.s32 v1, v3;
	_ =	sdelay $0x2  }
0x12a: {  	[tilespmem:s23], [sflag:$0x2] =	stream.indirect_vreg.gather [hbm4b:s4+s2], $0x80, v4, vm0, $0xb8;
	[tilespmem:$0x10200] =	vst v63  }
0x12b: {  	_ = 	snop  }
0x12c: {  	[tilespmem:s8], [sflag:$0x2] =	stream.indirect_vreg.gather [hbm4b:s4+s2], $0x80, v3, vm0, $0xb8;
	[tilespmem:$0x10200] =	vst v63  }
0x12d: {  	v3 =	vld [tilespmem:$0x190];
	_ =	sdelay $0x4  }
0x12e: {  	v57 =	vshll.u32 v3, $0x1  }
0x12f: {  	v3 =	vand.u32 $0x7, v3;
	v4 =	vand.u32 $0xFFFFFFF0, v57  }
0x130: {  	v3 =	vor.u32 v3, v4  }
0x131: {  	v4 =	vperm.xlane v3, v0;
	_ =	sdelay $0x1  }
0x132: {  	v3 =	vperm.xlane v3, v2;
	v4 =	vadd.s32 v1, v4;
	_ =	sdelay $0x1  }
0x133: {  	v3 =	vadd.s32 v1, v3;
	_ =	sdelay $0x2  }
0x134: {  	[tilespmem:s9], [sflag:$0x2] =	stream.indirect_vreg.gather [hbm4b:s4+s2], $0x80, v4, vm0, $0xb8;
	[tilespmem:$0x10200] =	vst v63  }
0x135: {  	_ = 	snop  }
0x136: {  	[tilespmem:s10], [sflag:$0x2] =	stream.indirect_vreg.gather [hbm4b:s4+s2], $0x80, v3, vm0, $0xb8;
	[tilespmem:$0x10200] =	vst v63  }
0x137: {  	v3 =	vld [tilespmem:$0x1A0];
	_ =	sdelay $0x4  }
0x138: {  	v58 =	vshll.u32 v3, $0x1  }
0x139: {  	v3 =	vand.u32 $0x7, v3;
	v4 =	vand.u32 $0xFFFFFFF0, v58  }
0x13a: {  	v3 =	vor.u32 v3, v4  }
0x13b: {  	v4 =	vperm.xlane v3, v0;
	_ =	sdelay $0x1  }
0x13c: {  	v3 =	vperm.xlane v3, v2;
	v4 =	vadd.s32 v1, v4;
	_ =	sdelay $0x1  }
0x13d: {  	v3 =	vadd.s32 v1, v3;
	_ =	sdelay $0x1  }
0x13e: {  	s16 =	simm.s32 $0xA200  }
0x13f: {  	[tilespmem:s16], [sflag:$0x2] =	stream.indirect_vreg.gather [hbm4b:s4+s2], $0x80, v4, vm0, $0xb8;
	[tilespmem:$0x10200] =	vst v63  }
0x140: {  	_ = 	snop  }
0x141: {  	[tilespmem:s12], [sflag:$0x2] =	stream.indirect_vreg.gather [hbm4b:s4+s2], $0x80, v3, vm0, $0xb8;
	[tilespmem:$0x10200] =	vst v63  }
0x142: {  	v3 =	vld [tilespmem:$0x1B0];
	_ =	sdelay $0x4  }
0x143: {  	v59 =	vshll.u32 v3, $0x1  }
0x144: {  	v3 =	vand.u32 $0x7, v3;
	v4 =	vand.u32 $0xFFFFFFF0, v59  }
0x145: {  	v3 =	vor.u32 v3, v4  }
0x146: {  	v4 =	vperm.xlane v3, v0;
	_ =	sdelay $0x1  }
0x147: {  	v3 =	vperm.xlane v3, v2;
	v4 =	vadd.s32 v1, v4;
	_ =	sdelay $0x1  }
0x148: {  	v3 =	vadd.s32 v1, v3;
	_ =	sdelay $0x2  }
0x149: {  	[tilespmem:s13], [sflag:$0x2] =	stream.indirect_vreg.gather [hbm4b:s4+s2], $0x80, v4, vm0, $0xb8;
	[tilespmem:$0x10200] =	vst v63  }
0x14a: {  	_ = 	snop  }
0x14b: {  	[tilespmem:s14], [sflag:$0x2] =	stream.indirect_vreg.gather [hbm4b:s4+s2], $0x80, v3, vm0, $0xb8;
	[tilespmem:$0x10200] =	vst v63  }
0x14c: {  	v3 =	vld [tilespmem:$0x1C0];
	_ =	sdelay $0x4  }
0x14d: {  	v60 =	vshll.u32 v3, $0x1  }
0x14e: {  	v3 =	vand.u32 $0x7, v3;
	v4 =	vand.u32 $0xFFFFFFF0, v60  }
0x14f: {  	v3 =	vor.u32 v3, v4  }
0x150: {  	v4 =	vperm.xlane v3, v0;
	_ =	sdelay $0x1  }
0x151: {  	v3 =	vperm.xlane v3, v2;
	v4 =	vadd.s32 v1, v4;
	_ =	sdelay $0x1  }
0x152: {  	v3 =	vadd.s32 v1, v3;
	_ =	sdelay $0x1  }
0x153: {  	s16 =	simm.s32 $0xC200  }
0x154: {  	[tilespmem:s16], [sflag:$0x2] =	stream.indirect_vreg.gather [hbm4b:s4+s2], $0x80, v4, vm0, $0xb8;
	[tilespmem:$0x10200] =	vst v63  }
0x155: {  	_ = 	snop  }
0x156: {  	[tilespmem:s24], [sflag:$0x2] =	stream.indirect_vreg.gather [hbm4b:s4+s2], $0x80, v3, vm0, $0xb8;
	[tilespmem:$0x10200] =	vst v63  }
0x157: {  	v3 =	vld [tilespmem:$0x1D0];
	_ =	sdelay $0x4  }
0x158: {  	v61 =	vshll.u32 v3, $0x1  }
0x159: {  	v3 =	vand.u32 $0x7, v3;
	v4 =	vand.u32 $0xFFFFFFF0, v61  }
0x15a: {  	v3 =	vor.u32 v3, v4  }
0x15b: {  	v4 =	vperm.xlane v3, v0;
	_ =	sdelay $0x1  }
0x15c: {  	v3 =	vperm.xlane v3, v2;
	v4 =	vadd.s32 v1, v4;
	_ =	sdelay $0x1  }
0x15d: {  	v3 =	vadd.s32 v1, v3;
	_ =	sdelay $0x1  }
0x15e: {  	s16 =	simm.s32 $0xD200  }
0x15f: {  	[tilespmem:s16], [sflag:$0x2] =	stream.indirect_vreg.gather [hbm4b:s4+s2], $0x80, v4, vm0, $0xb8;
	[tilespmem:$0x10200] =	vst v63  }
0x160: {  	s16 =	simm.s32 $0xDA00  }
0x161: {  	[tilespmem:s16], [sflag:$0x2] =	stream.indirect_vreg.gather [hbm4b:s4+s2], $0x80, v3, vm0, $0xb8;
	[tilespmem:$0x10200] =	vst v63  }
0x162: {  	v3 =	vld [tilespmem:$0x1E0];
	_ =	sdelay $0x4  }
0x163: {  	v62 =	vshll.u32 v3, $0x1  }
0x164: {  	v3 =	vand.u32 $0x7, v3;
	v4 =	vand.u32 $0xFFFFFFF0, v62  }
0x165: {  	v3 =	vor.u32 v3, v4  }
0x166: {  	v4 =	vperm.xlane v3, v0;
	_ =	sdelay $0x1  }
0x167: {  	v3 =	vperm.xlane v3, v2;
	v4 =	vadd.s32 v1, v4;
	_ =	sdelay $0x1  }
0x168: {  	v3 =	vadd.s32 v1, v3;
	_ =	sdelay $0x1  }
0x169: {  	s16 =	simm.s32 $0xE200  }
0x16a: {  	[tilespmem:s16], [sflag:$0x2] =	stream.indirect_vreg.gather [hbm4b:s4+s2], $0x80, v4, vm0, $0xb8;
	[tilespmem:$0x10200] =	vst v63  }
0x16b: {  	s16 =	simm.s32 $0xEA00  }
0x16c: {  	[tilespmem:s16], [sflag:$0x2] =	stream.indirect_vreg.gather [hbm4b:s4+s2], $0x80, v3, vm0, $0xb8;
	[tilespmem:$0x10200] =	vst v63  }
0x16d: {  	v3 =	vld [tilespmem:$0x1F0];
	_ =	sdelay $0x4  }
0x16e: {  	v63 =	vshll.u32 v3, $0x1  }
0x16f: {  	v3 =	vand.u32 $0x7, v3;
	v4 =	vand.u32 $0xFFFFFFF0, v63  }
0x170: {  	v3 =	vor.u32 v3, v4  }
0x171: {  	v4 =	vperm.xlane v3, v0;
	_ =	sdelay $0x1  }
0x172: {  	v3 =	vperm.xlane v3, v2;
	v4 =	vadd.s32 v1, v4;
	_ =	sdelay $0x1  }
0x173: {  	v3 =	vadd.s32 v1, v3;
	_ =	sdelay $0x1  }
0x174: {  	s16 =	simm.s32 $0xF200  }
0x175: {  	[tilespmem:s16], [sflag:$0x2] =	stream.indirect_vreg.gather [hbm4b:s4+s2], $0x80, v4, vm0, $0xb8;
	[tilespmem:$0x10200] =	vst v63  }
0x176: {  	s0 =	simm.s32 $0xFA00  }
0x177: {  	[tilespmem:s0], [sflag:$0x2] =	stream.indirect_vreg.gather [hbm4b:s4+s2], $0x80, v3, vm0, $0xb8;
	[tilespmem:$0x10200] =	vst v63  }
0x178: {  	s11 =	simm.s32 $0x200;
	s16 =	rddreg [dreg:$0x6]  }
0x179: {  	[hbm4b:s16+s2] =	stream.linear.scatter [tilespmem:s11], [sflag:$0x3], $0x8000, $0x38;
	[tilespmem:$0x10200] =	vst v63  }
0x17a: {  	_ =	swait.ge [sflag:s6], $0x8000  }
0x17b: {  	[sflag:s6] =	ssyncset.done $0x0  }
0x17c: {  	[sflag:s6] =	ssyncadd.s32 $0xFFFF8000  }
0x17d: {  	_ =	swait.ge [sflag:s7], $0x8000  }
0x17e: {  	p0 =	sne.s32 s5, $0x1;
	[sflag:s7] =	ssyncset.done $0x0  }
.Ltmp0:
0x17f: {  	s11 =	rddreg [dreg:$0x7];
	[sflag:s7] =	ssyncadd.s32 $0xFFFF8000;
	(pc) =	sbr.rel @p0 .LBB2_1-.Ltmp0, $4  }
0x180: {  	[hbm4b:s11+s2] =	stream.linear.scatter [tilespmem:s23], [sflag:$0x3], $0x8000, $0x38;
	[tilespmem:$0x10200] =	vst v63  }
0x181: {  	_ =	swait.ge [sflag:s6], $0x8000  }
0x182: {  	[sflag:s6] =	ssyncset.done $0x0  }
0x183: {  	s5 =	sadd.s32 $0xFFFFFFFF, s5;
	[sflag:s6] =	ssyncadd.s32 $0xFFFF8000  }
0x184: {  	_ =	sfence.sel $0x180000  }
0x185: {  	[bflag:$0x0] =	sbarrier.arrive $0xFFFF  }
0x186: {  	_ =	strace $0x9000004A  }
0x187: {  	s0 =	stileid.u32;
	[bflag:$0x2] =	sbarrier.arrive $0xFFFF  }
0x188: {  	p0 =	sne.s32 s0, $0x0;
	s0 =	rddreg [dreg:$0x3]  }
0x189: {  	s0 =	sadd.s32 @!p0 $0x100000, s0  }
0x18a: {  	[sflag:s0] =	ssyncadd.tile.s32 @!p0 $0x1;
	_ =	shalt  }
.Lfunc_end2:
_tile_overlayer_lowered:
.L_overlay_start_2:
0x18b: {  	(tag) =	ssettag $0x2  }
0x18c: {  	s0 =	rddreg [dreg:$0x0];
	s2 =	stileid.u32  }
0x18d: {  	s1 =	rddreg [dreg:$0x1];
	p0 =	sne.s32 s2, $0x0  }
0x18e: {  	s3 =	rddreg [dreg:$0x2];
	[bflag:$0x3] =	sbarrier.arrive $0xFFFF;
	s2 =	simm.s32 @!p0 $0x1C03  }
0x18f: {  	[timem:s3], [sflag:s2] =	dma.local @!p0 [hbm:s0], s1  }
0x190: {  	s0 =	simm.s32 @!p0 $0x3  }
0x191: {  	_ =	swait.ge @!p0 [sflag:s0], s1  }
0x192: {  	s1 =	ssub.s32 @!p0 $0x0, s1;
	[sflag:s0] =	ssyncset.done @!p0 $0x0  }
0x193: {  	[sflag:s0] =	ssyncadd.s32 @!p0 s1  }
0x194: {  	[bflag:$0x3] =	sbarrier.arrive $0xFFFF  }
0x195: {  	_ =	shalt  }

</sc_bundles>
